<compile_context>
chip_gen: v7x
topology: tpu7x:2x2x1
jax: 0.10.2.dev20260603
libtpu: 0.0.44.dev20260713+nightly
codegen_flags: <defaults>
</compile_context>

<pallas_src>
import functools

import jax
import jax.numpy as jnp
import numpy as np
from jax import lax
from jax.experimental import pallas as pl
from jax.experimental.pallas import tpu as pltpu
from jax.experimental.pallas import tpu_sc as plsc

H = 1024
NH = 4
HD = H // NH
E = 8
I_QG = 5632
I_CR = 2816
I_GN = 2816
THETA = 10000.0
S = 2048
BLK = 256
NB_A, NB_B, NB_C = 16, 16, 20
NB = NB_A + NB_B + NB_C
P = NB * BLK
KC = 11
KA, KB = 512, 256

_NC, _NS = 2, 16
_NW = _NC * _NS


def _rope_perm():
    p = np.arange(H).reshape(NH, HD)
    out = np.concatenate([p[:, 0::2], p[:, 1::2]], axis=1).reshape(-1)
    return out


def _rope_perm_k():
    p = np.arange(HD)
    return np.concatenate([p[0::2], p[1::2]])


def _s1_body(x_ref, qw_ref, kw_ref, vw_ref, g_ref, b_ref, cos_ref, sin_ref,
             q_ref, k_ref, v_ref):
    x = x_ref[...]
    mu = jnp.mean(x, axis=1, keepdims=True)
    var = jnp.mean((x - mu) ** 2, axis=1, keepdims=True)
    hn = (x - mu) * lax.rsqrt(var + 1e-5) * g_ref[...] + b_ref[...]
    q = jnp.dot(hn, qw_ref[...], preferred_element_type=jnp.float32)
    k = jnp.dot(hn, kw_ref[...], preferred_element_type=jnp.float32)
    v = jnp.dot(hn, vw_ref[...], preferred_element_type=jnp.float32)
    c = cos_ref[...]
    s = sin_ref[...]
    qo = []
    for h in range(NH):
        q1 = q[:, h * HD:h * HD + HD // 2]
        q2 = q[:, h * HD + HD // 2:(h + 1) * HD]
        qo.append(q1 * c - q2 * s)
        qo.append(q2 * c + q1 * s)
    q_ref[...] = jnp.concatenate(qo, axis=1)
    k1 = k[:, :HD // 2]
    k2 = k[:, HD // 2:]
    k_ref[...] = jnp.concatenate([k1 * c - k2 * s, k2 * c + k1 * s], axis=1)
    v_ref[...] = v


def _stage1(x, qwp, kwp, vw, g, b, cos, sin):
    n = S // BLK
    return pl.pallas_call(
        _s1_body,
        grid=(n,),
        in_specs=[
            pl.BlockSpec((BLK, H), lambda i: (i, 0)),
            pl.BlockSpec((H, H), lambda i: (0, 0)),
            pl.BlockSpec((H, HD), lambda i: (0, 0)),
            pl.BlockSpec((H, HD), lambda i: (0, 0)),
            pl.BlockSpec((1, H), lambda i: (0, 0)),
            pl.BlockSpec((1, H), lambda i: (0, 0)),
            pl.BlockSpec((BLK, HD // 2), lambda i: (i, 0)),
            pl.BlockSpec((BLK, HD // 2), lambda i: (i, 0)),
        ],
        out_specs=[
            pl.BlockSpec((BLK, H), lambda i: (i, 0)),
            pl.BlockSpec((BLK, HD), lambda i: (i, 0)),
            pl.BlockSpec((BLK, HD), lambda i: (i, 0)),
        ],
        out_shape=[
            jax.ShapeDtypeStruct((S, H), jnp.float32),
            jax.ShapeDtypeStruct((S, HD), jnp.float32),
            jax.ShapeDtypeStruct((S, HD), jnp.float32),
        ],
    )(x, qwp, kwp, vw, g, b, cos, sin)


def _attn_body(q_ref, k_ref, v_ref, o_ref):
    q = q_ref[...]
    k = k_ref[...]
    s = lax.dot_general(q, k, (((1,), (1,)), ((), ())),
                        preferred_element_type=jnp.float32) * (HD ** -0.5)
    m = jnp.max(s, axis=1, keepdims=True)
    p = jnp.exp(s - m)
    l = jnp.sum(p, axis=1, keepdims=True)
    o = jnp.dot(p, v_ref[...], preferred_element_type=jnp.float32)
    o_ref[...] = o / l


def _attn(q, k, v):
    n = S // BLK
    return pl.pallas_call(
        _attn_body,
        grid=(NH, n),
        in_specs=[
            pl.BlockSpec((BLK, HD), lambda h, i: (i, h)),
            pl.BlockSpec((S, HD), lambda h, i: (0, 0)),
            pl.BlockSpec((S, HD), lambda h, i: (0, 0)),
        ],
        out_specs=pl.BlockSpec((BLK, HD), lambda h, i: (i, h)),
        out_shape=jax.ShapeDtypeStruct((S, H), jnp.float32),
    )(q, k, v)


def _s3_body(a_ref, ow_ref, r_ref, g_ref, b_ref, rw_ref,
             h2_ref, hn_ref, w_ref):
    ao = jnp.dot(a_ref[...], ow_ref[...], preferred_element_type=jnp.float32)
    h2 = r_ref[...] + ao
    h2_ref[...] = h2
    mu = jnp.mean(h2, axis=1, keepdims=True)
    var = jnp.mean((h2 - mu) ** 2, axis=1, keepdims=True)
    hn = (h2 - mu) * lax.rsqrt(var + 1e-5) * g_ref[...] + b_ref[...]
    hn_ref[...] = hn
    logits = jnp.dot(hn, rw_ref[...], preferred_element_type=jnp.float32)
    lane = lax.broadcasted_iota(jnp.int32, logits.shape, 1)
    valid = lane < E
    logits = jnp.where(valid, logits, -1e30)
    m = jnp.max(logits, axis=1, keepdims=True)
    ex = jnp.where(valid, jnp.exp(logits - m), 0.0)
    probs = ex / jnp.sum(ex, axis=1, keepdims=True)
    m1 = jnp.max(probs, axis=1, keepdims=True)
    i1 = jnp.min(jnp.where(probs == m1, lane, 128), axis=1, keepdims=True)
    p2 = jnp.where(lane == i1, -1.0, probs)
    m2 = jnp.max(p2, axis=1, keepdims=True)
    i2 = jnp.min(jnp.where(p2 == m2, lane, 128), axis=1, keepdims=True)
    tot = m1 + m2
    w1 = m1 / tot
    w2 = m2 / tot
    w_ref[...] = jnp.where(lane == i1, w1, 0.0) + jnp.where(lane == i2, w2, 0.0)


def _stage3(attn_out, ow, resid, g, b, rwp):
    n = S // BLK
    return pl.pallas_call(
        _s3_body,
        grid=(n,),
        in_specs=[
            pl.BlockSpec((BLK, H), lambda i: (i, 0)),
            pl.BlockSpec((H, H), lambda i: (0, 0)),
            pl.BlockSpec((BLK, H), lambda i: (i, 0)),
            pl.BlockSpec((1, H), lambda i: (0, 0)),
            pl.BlockSpec((1, H), lambda i: (0, 0)),
            pl.BlockSpec((H, 128), lambda i: (0, 0)),
        ],
        out_specs=[
            pl.BlockSpec((BLK, H), lambda i: (i, 0)),
            pl.BlockSpec((BLK, H), lambda i: (i, 0)),
            pl.BlockSpec((BLK, 128), lambda i: (i, 0)),
        ],
        out_shape=[
            jax.ShapeDtypeStruct((S, H), jnp.float32),
            jax.ShapeDtypeStruct((S, H), jnp.float32),
            jax.ShapeDtypeStruct((S, 128), jnp.float32),
        ],
    )(attn_out, ow, resid, g, b, rwp)


_CH = 32
_RPW = P // _NW
_NCH = _RPW // _CH


def _sc_gather(src, chunk_act, table):
    mesh = plsc.VectorSubcoreMesh(core_axis_name="c", subcore_axis_name="s")

    @functools.partial(
        pl.kernel, mesh=mesh,
        out_type=jax.ShapeDtypeStruct((P, H), jnp.float32),
        scratch_types=[
            pltpu.VMEM((_RPW,), jnp.int32),
            pltpu.VMEM((16,), jnp.int32),
            pltpu.VMEM((_CH, H), jnp.float32),
            pltpu.VMEM((_CH, H), jnp.float32),
            pltpu.SemaphoreType.DMA,
            pltpu.SemaphoreType.DMA,
        ],
    )
    def k(src_hbm, ca_hbm, table_hbm, out_hbm, idx_v, ca_v, b0, b1, gsem, wsem):
        wid = lax.axis_index("s") * _NC + lax.axis_index("c")
        base = wid * _RPW
        pltpu.sync_copy(src_hbm.at[pl.ds(base, _RPW)], idx_v)
        pltpu.sync_copy(ca_hbm.at[pl.ds(wid * 16, 16)], ca_v)
        cav = ca_v[...]
        flags = [cav[c] for c in range(_NCH)]
        bufs = [b0, b1]

        def g_cp(c):
            return pltpu.make_async_copy(
                table_hbm.at[idx_v.at[pl.ds(c * _CH, _CH)]], bufs[c % 2], gsem)

        def w_cp(c):
            return pltpu.make_async_copy(
                bufs[c % 2], out_hbm.at[pl.ds(base + c * _CH, _CH)], wsem)

        @pl.when(flags[0] == 1)
        def _():
            g_cp(0).start()

        for c in range(_NCH):
            @pl.when(flags[c] == 1)
            def _(c=c):
                g_cp(c).wait()
            if c >= 1:
                @pl.when(flags[c - 1] == 1)
                def _(c=c):
                    w_cp(c - 1).wait()
            if c + 1 < _NCH:
                @pl.when(flags[c + 1] == 1)
                def _(c=c):
                    g_cp(c + 1).start()

            @pl.when(flags[c] == 1)
            def _(c=c):
                w_cp(c).start()

        @pl.when(flags[_NCH - 1] == 1)
        def _():
            w_cp(_NCH - 1).wait()

    return k(src, chunk_act, table)


def _sc_combine(y, resid2, pos2):
    toks_pw = S // _NW
    mesh = plsc.VectorSubcoreMesh(core_axis_name="c", subcore_axis_name="s")

    @functools.partial(
        pl.kernel, mesh=mesh,
        out_type=jax.ShapeDtypeStruct((S, H), jnp.float32),
        scratch_types=[
            pltpu.VMEM((32,), jnp.int32),
            pltpu.VMEM((32, H), jnp.float32),
            pltpu.VMEM((16, H), jnp.float32),
            pltpu.SemaphoreType.DMA,
        ],
    )
    def k(y_hbm, r_hbm, pos_hbm, out_hbm, idx_v, rows_v, acc_v, sem):
        wid = lax.axis_index("s") * _NC + lax.axis_index("c")
        for c in range(toks_pw // 16):
            t0 = wid * toks_pw + c * 16
            pltpu.sync_copy(pos_hbm.at[pl.ds(t0 * 2, 32)], idx_v)
            pltpu.async_copy(y_hbm.at[idx_v], rows_v, sem).wait()
            pltpu.sync_copy(r_hbm.at[pl.ds(t0, 16)], acc_v)

            def tok_body(i, _):
                def d_body(d, _):
                    sl = pl.ds(d * 16, 16)
                    acc_v[i, sl] = (acc_v[i, sl] + rows_v[2 * i, sl]
                                    + rows_v[2 * i + 1, sl])
                    return 0
                lax.fori_loop(0, H // 16, d_body, 0)
                return 0

            lax.fori_loop(0, 16, tok_body, 0)
            pltpu.sync_copy(acc_v, out_hbm.at[pl.ds(t0, 16)])

    return k(y, resid2, pos2)


def _moe_body(act_ref, beA_ref, jA_ref, beB_ref, jB_ref, beC_ref, jC_ref,
              x_ref, w_ref,
              ga_ref, ua_ref, da_ref,
              gb_ref, ub_ref, db_ref, cr_ref,
              gc_ref, uc_ref, dc_ref,
              y_ref, acc_ref):
    i = pl.program_id(0)
    j = pl.program_id(1)
    act = act_ref[i]

    @pl.when(act == 1)
    def _():
        x = x_ref[...]

        def fam(g_r, u_r, d_r, scale, extra):
            g = jnp.dot(x, g_r[0], preferred_element_type=jnp.float32)
            u = jnp.dot(x, u_r[0], preferred_element_type=jnp.float32)
            t = g * lax.logistic(g) * u * scale
            part = jnp.dot(t, d_r[0], preferred_element_type=jnp.float32)
            if extra is not None:
                part = part + extra

            @pl.when(j == 0)
            def _():
                acc_ref[...] = part

            @pl.when(j > 0)
            def _():
                acc_ref[...] = acc_ref[...] + part

        @pl.when(i < NB_A)
        def _():
            fam(ga_ref, ua_ref, da_ref, 1.1, None)

        @pl.when((i >= NB_A) & (i < NB_A + NB_B))
        def _():
            cre = jnp.where(
                j == 0,
                jnp.tanh(jnp.dot(x, cr_ref[0],
                                 preferred_element_type=jnp.float32)) * 0.2,
                0.0)
            fam(gb_ref, ub_ref, db_ref, 1.0, cre)

        @pl.when(i >= NB_A + NB_B)
        def _():
            fam(gc_ref, uc_ref, dc_ref, 1.0, None)

        @pl.when(j == KC - 1)
        def _():
            y_ref[...] = acc_ref[...] * w_ref[:, :1]


def _moe(xg, w2d, meta, qg_gate, qg_up, qg_down, cr_gate, cr_up, cr_down,
         cr_creative, gn_gate, gn_up, gn_down):
    act, beA, jA, beB, jB, beC, jC = meta
    grid_spec = pltpu.PrefetchScalarGridSpec(
        num_scalar_prefetch=7,
        grid=(NB, KC),
        in_specs=[
            pl.BlockSpec((BLK, H), lambda i, j, a, *p: (i * a[i], 0)),
            pl.BlockSpec((BLK, 128), lambda i, j, a, *p: (i * a[i], 0)),
            pl.BlockSpec((1, H, KA), lambda i, j, a, bA, jA, bB, jB, bC, jC: (bA[i], 0, j * jA[i])),
            pl.BlockSpec((1, H, KA), lambda i, j, a, bA, jA, bB, jB, bC, jC: (bA[i], 0, j * jA[i])),
            pl.BlockSpec((1, KA, H), lambda i, j, a, bA, jA, bB, jB, bC, jC: (bA[i], j * jA[i], 0)),
            pl.BlockSpec((1, H, KB), lambda i, j, a, bA, jA, bB, jB, bC, jC: (bB[i], 0, j * jB[i])),
            pl.BlockSpec((1, H, KB), lambda i, j, a, bA, jA, bB, jB, bC, jC: (bB[i], 0, j * jB[i])),
            pl.BlockSpec((1, KB, H), lambda i, j, a, bA, jA, bB, jB, bC, jC: (bB[i], j * jB[i], 0)),
            pl.BlockSpec((1, H, H), lambda i, j, a, bA, jA, bB, jB, bC, jC: (bB[i], 0, 0)),
            pl.BlockSpec((1, H, KB), lambda i, j, a, bA, jA, bB, jB, bC, jC: (bC[i], 0, j * jC[i])),
            pl.BlockSpec((1, H, KB), lambda i, j, a, bA, jA, bB, jB, bC, jC: (bC[i], 0, j * jC[i])),
            pl.BlockSpec((1, KB, H), lambda i, j, a, bA, jA, bB, jB, bC, jC: (bC[i], j * jC[i], 0)),
        ],
        out_specs=pl.BlockSpec((BLK, H), lambda i, j, *p: (i, 0)),
        scratch_shapes=[pltpu.VMEM((BLK, H), jnp.float32)],
    )
    return pl.pallas_call(
        _moe_body,
        grid_spec=grid_spec,
        out_shape=jax.ShapeDtypeStruct((P, H), jnp.float32),
    )(act, beA, jA, beB, jB, beC, jC,
      xg, w2d, qg_gate, qg_up, qg_down, cr_gate, cr_up, cr_down, cr_creative,
      gn_gate, gn_up, gn_down)


def _routing(w_full):
    wf = w_full[:, :E]
    sel = wf > 0.0
    seli = sel.astype(jnp.int32)
    counts = jnp.sum(seli, axis=0)
    blocks = (counts + BLK - 1) // BLK
    base = jnp.array([0, 0, NB_A, NB_A, NB_A + NB_B, 0, 0, 0], jnp.int32)
    off_blk = jnp.stack([
        base[0], blocks[0],
        base[2], base[2] + blocks[2],
        base[4], base[4] + blocks[4],
        base[4] + blocks[4] + blocks[5],
        base[4] + blocks[4] + blocks[5] + blocks[6],
    ])
    padded_off = off_blk * BLK
    rank = jnp.cumsum(seli, axis=0) - seli
    pos_te = padded_off[None, :] + rank
    tok = jnp.broadcast_to(jnp.arange(S, dtype=jnp.int32)[:, None], (S, E))
    ps = jnp.where(sel, pos_te, P).astype(jnp.int32).ravel()
    src = jnp.zeros((P + 1,), jnp.int32).at[ps].set(tok.ravel())[:P]
    w_pad = jnp.zeros((P + 1,), jnp.float32).at[ps].set(wf.ravel())[:P]
    w2d = jnp.broadcast_to(w_pad[:, None], (P, 128))
    e0 = jnp.argmax(seli, axis=1)
    e1 = (E - 1) - jnp.argmax(seli[:, ::-1], axis=1)
    pos2 = jnp.stack([
        jnp.take_along_axis(pos_te, e0[:, None], axis=1)[:, 0],
        jnp.take_along_axis(pos_te, e1[:, None], axis=1)[:, 0],
    ], axis=1).astype(jnp.int32).ravel()

    bi = jnp.arange(NB, dtype=jnp.int32)
    nA = blocks[0] + blocks[1]
    actA = (bi < nA).astype(jnp.int32)
    beA = jnp.where((bi >= blocks[0]) & (bi < nA), 1, 0).astype(jnp.int32)
    bl = bi - NB_A
    nBf = blocks[2] + blocks[3]
    actB = ((bi >= NB_A) & (bl < nBf)).astype(jnp.int32)
    beB = jnp.where(actB * (bl >= blocks[2]) == 1, 1, 0).astype(jnp.int32)
    cl = bi - NB_A - NB_B
    c4, c5, c6, c7 = blocks[4], blocks[5], blocks[6], blocks[7]
    nC = c4 + c5 + c6 + c7
    actC = ((bi >= NB_A + NB_B) & (cl < nC)).astype(jnp.int32)
    beC = ((cl >= c4).astype(jnp.int32) + (cl >= c4 + c5).astype(jnp.int32)
           + (cl >= c4 + c5 + c6).astype(jnp.int32)) * actC
    act = actA + actB + actC
    jA = actA
    jB = actB
    jC = actC

    nA_r, nB_r, nC_r = nA * BLK, nBf * BLK, nC * BLK
    offs = (jnp.arange(_NW, dtype=jnp.int32)[:, None] * _RPW
            + jnp.arange(16, dtype=jnp.int32)[None, :] * _CH)
    rA, rB, rC = NB_A * BLK, (NB_A + NB_B) * BLK, NB * BLK
    ca = jnp.where(offs < rA, offs < nA_r,
                   jnp.where(offs < rB, offs - rA < nB_r, offs - rB < nC_r))
    ca = (ca & (jnp.arange(16)[None, :] < _NCH)).astype(jnp.int32).ravel()
    return src, w2d, pos2, ca, (act, beA, jA, beB, jB, beC, jC)


def kernel(hidden_states, q_w, k_w, v_w, o_w, ln1_g, ln1_b, ln2_g, ln2_b,
           router_w, qg_gate, qg_up, qg_down, cr_gate, cr_up, cr_down,
           cr_creative, gn_gate, gn_up, gn_down):
    x = hidden_states.reshape(S, H)
    qwp = q_w[:, _rope_perm()]
    kwp = k_w[:, _rope_perm_k()]
    freqs = 1.0 / THETA ** (jnp.arange(0, HD, 2, dtype=jnp.float32) / HD)
    t = jnp.arange(S, dtype=jnp.float32)
    ang = jnp.outer(t, freqs)
    cos = jnp.cos(ang)
    sin = jnp.sin(ang)
    rwp = jnp.pad(router_w, ((0, 0), (0, 128 - E)))

    q, k, v = _stage1(x, qwp, kwp, v_w, ln1_g[None, :], ln1_b[None, :], cos, sin)
    attn_out = _attn(q, k, v)
    h2, hn2, w_full = _stage3(attn_out, o_w, x, ln2_g[None, :], ln2_b[None, :], rwp)
    src, w2d, pos2, ca, meta = _routing(w_full)
    xg = _sc_gather(src, ca, hn2)
    y = _moe(xg, w2d, meta, qg_gate, qg_up, qg_down, cr_gate, cr_up, cr_down,
             cr_creative, gn_gate, gn_up, gn_down)
    out = _sc_combine(y, h2, pos2)
    return out.reshape(1, S, H)

# --- scband reference (transcript-rebuilt; emitter-appended) ---
"""Pipeline reference for scband-aetherium-transformer-block-81844896792617 (READ-ONLY COPY).

The authoritative reference and input builder live on the scoring server;
editing this copy changes nothing except your own understanding.
"""

import jax, jax.numpy as jnp
import numpy as np

H = 1024
I = 2816
NH = 4
NKV = 1
E = 8
TOPK = 2
THETA = 10000.0
B = 1
S = 2048


def _w(k, shape):
    return jax.random.normal(k, shape, dtype=jnp.float32) * 0.02


def setup_inputs(seed: int = 0) -> dict:
    key = jax.random.key(seed)
    ks = jax.random.split(key, 20)
    inp = {
        "hidden_states": jax.random.normal(ks[0], (B, S, H), dtype=jnp.float32),
        "q_w": _w(ks[1], (H, H)),
        "k_w": _w(ks[2], (H, H // 4)),
        "v_w": _w(ks[3], (H, H // 4)),
        "o_w": _w(ks[4], (H, H)),
        "ln1_g": jnp.ones((H,), jnp.float32),
        "ln1_b": jnp.zeros((H,), jnp.float32),
        "ln2_g": jnp.ones((H,), jnp.float32),
        "ln2_b": jnp.zeros((H,), jnp.float32),
        "router_w": _w(ks[5], (H, E)),
        "qg_gate": _w(ks[6], (2, H, 2 * I)),
        "qg_up": _w(ks[7], (2, H, 2 * I)),
        "qg_down": _w(ks[8], (2, 2 * I, H)),
        "cr_gate": _w(ks[9], (2, H, I)),
        "cr_up": _w(ks[10], (2, H, I)),
        "cr_down": _w(ks[11], (2, I, H)),
        "cr_creative": _w(ks[12], (2, H, H)),
        "gn_gate": _w(ks[13], (4, H, I)),
        "gn_up": _w(ks[14], (4, H, I)),
        "gn_down": _w(ks[15], (4, I, H)),
    }
    return inp


def _ln(x, g, b, eps=1e-5):
    mu = x.mean(axis=-1, keepdims=True)
    var = ((x - mu) ** 2).mean(axis=-1, keepdims=True)
    return (x - mu) / jnp.sqrt(var + eps) * g + b


def _rope(x, seq_len):
    dim = x.shape[-1]
    freqs = 1.0 / THETA ** (jnp.arange(0, dim, 2, dtype=jnp.float32) / dim)
    t = jnp.arange(seq_len, dtype=jnp.float32)
    ang = jnp.outer(t, freqs)
    cos = jnp.repeat(jnp.cos(ang), 2, axis=-1)
    sin = jnp.repeat(jnp.sin(ang), 2, axis=-1)
    x1 = x[..., ::2]
    x2 = x[..., 1::2]
    rotated = jnp.stack([-x2, x1], axis=-1).reshape(x.shape)
    return x * cos + rotated * sin


def _block(hidden_states, q_w, k_w, v_w, o_w, ln1_g, ln1_b, ln2_g, ln2_b,
           router_w, qg_gate, qg_up, qg_down, cr_gate, cr_up, cr_down,
           cr_creative, gn_gate, gn_up, gn_down):
    b, s, h = hidden_states.shape
    head_dim = h // NH
    # attention sub-block with pre-norm residual
    resid = hidden_states
    hn = _ln(hidden_states, ln1_g, ln1_b)
    q = hn @ q_w
    k = hn @ k_w
    v = hn @ v_w
    q = q.reshape(b, s, NH, head_dim).transpose(0, 2, 1, 3)
    k = k.reshape(b, s, NKV, -1).transpose(0, 2, 1, 3)
    v = v.reshape(b, s, NKV, -1).transpose(0, 2, 1, 3)
    q = _rope(q, s)
    k = _rope(k, s)
    scale = head_dim ** -0.5
    attn_scores = jnp.matmul(q, jnp.swapaxes(k, -2, -1)) * scale
    attn_probs = jax.nn.softmax(attn_scores, axis=-1)
    attn_out = jnp.matmul(attn_probs, v)
    attn_out = attn_out.transpose(0, 2, 1, 3).reshape(b, s, -1)
    attn_out = attn_out @ o_w
    hidden = resid + attn_out
    # MoE sub-block with pre-norm residual
    resid2 = hidden
    hn2 = _ln(hidden, ln2_g, ln2_b)
    flat = hn2.reshape(-1, h)
    logits = flat @ router_w
    probs = jax.nn.softmax(logits, axis=-1)
    topv, topi = jax.lax.top_k(probs, TOPK)
    topv = topv / topv.sum(axis=-1, keepdims=True)
    out = jnp.zeros_like(flat)
    for e in range(E):
        w_e = ((topi == e).astype(flat.dtype) * topv).sum(axis=-1)
        if e < 2:
            eo = (jax.nn.silu(flat @ qg_gate[e]) * (flat @ qg_up[e]) * 1.1) @ qg_down[e]
        elif e < 4:
            j = e - 2
            eo = (jax.nn.silu(flat @ cr_gate[j]) * (flat @ cr_up[j])) @ cr_down[j] \
                 + jnp.tanh(flat @ cr_creative[j]) * 0.2
        else:
            j = e - 4
            eo = (jax.nn.silu(flat @ gn_gate[j]) * (flat @ gn_up[j])) @ gn_down[j]
        out = out + w_e[:, None] * eo
    moe_out = out.reshape(b, s, h)
    return resid2 + moe_out


def reference(hidden_states, q_w, k_w, v_w, o_w, ln1_g, ln1_b, ln2_g, ln2_b,
              router_w, qg_gate, qg_up, qg_down, cr_gate, cr_up, cr_down,
              cr_creative, gn_gate, gn_up, gn_down):
    return _block(hidden_states, q_w, k_w, v_w, o_w, ln1_g, ln1_b, ln2_g, ln2_b,
                  router_w, qg_gate, qg_up, qg_down, cr_gate, cr_up, cr_down,
                  cr_creative, gn_gate, gn_up, gn_down)

if __name__ == "__main__":
    import jax
    _d = setup_inputs()
    print(jax.jit(kernel)(*tuple(_d.values())))

</pallas_src>

<mosaic_0001>
#map = affine_map<(d0, d1) -> (0)>
#map1 = affine_map<(d0, d1) -> (0, 0)>
module attributes {stable_mosaic.version = 14 : i64} {
  func.func @k(%arg0: i32, %arg1: i32, %arg2: memref<13312xi32, #tpu.memory_space<hbm>>, %arg3: memref<512xi32, #tpu.memory_space<hbm>>, %arg4: memref<2048x1024xf32, #tpu.memory_space<hbm>>, %arg5: memref<13312x1024xf32, #tpu.memory_space<hbm>>, %arg6: memref<416xi32, #tpu.memory_space<vmem>>, %arg7: memref<16xi32, #tpu.memory_space<vmem>>, %arg8: memref<32x1024xf32, #tpu.memory_space<vmem>>, %arg9: memref<32x1024xf32, #tpu.memory_space<vmem>>, %arg10: memref<!tpu.dma_semaphore, #tpu.memory_space<semaphore_mem>>, %arg11: memref<!tpu.dma_semaphore, #tpu.memory_space<semaphore_mem>>) attributes {dimension_semantics = [#tpu.dimension_semantics<core_parallel>, #tpu.dimension_semantics<subcore_parallel>], iteration_bounds = array<i64: 2, 16>, scalar_prefetch = 0 : i64, scratch_operands = 6 : i64, tpu.core_type = #tpu.core_type<sc_vector_subcore>, window_params = [{transform_indices = #map}, {transform_indices = #map}, {transform_indices = #map1}, {transform_indices = #map1}]} {
    %mul3A = arith.constant 2 : i32
    %mul3A_0 = arith.muli %arg1, %mul3A : i32
    %add3A = arith.addi %mul3A_0, %arg0 : i32
    %mul3A_1 = arith.constant 416 : i32
    %mul3A_2 = arith.muli %add3A, %mul3A_1 : i32
    "tpu.region"() ({
      %run_scoped3A = tpu.sem_alloc : memref<!tpu.dma_semaphore, #tpu.memory_space<semaphore_mem>>
      %dma_start3A = tpu.memref_slice %arg2[%mul3A_2] : memref<13312xi32, #tpu.memory_space<hbm>> -> memref<416xi32, #tpu.memory_space<hbm>>
      %dma_start3A_288 = tpu.memref_slice %arg2[%mul3A_2] : memref<13312xi32, #tpu.memory_space<hbm>> -> memref<416xi32, #tpu.memory_space<hbm>>
      tpu.enqueue_dma source(%dma_start3A_288 : memref<416xi32, #tpu.memory_space<hbm>>) target(%arg6 : memref<416xi32, #tpu.memory_space<vmem>>) target_semaphore(%run_scoped3A : memref<!tpu.dma_semaphore, #tpu.memory_space<semaphore_mem>>)
      %dma_wait3A = tpu.memref_slice %arg2[%mul3A_2] : memref<13312xi32, #tpu.memory_space<hbm>> -> memref<416xi32, #tpu.memory_space<hbm>>
      %dma_wait3A_289 = tpu.memref_slice %arg2[%mul3A_2] : memref<13312xi32, #tpu.memory_space<hbm>> -> memref<416xi32, #tpu.memory_space<hbm>>
      tpu.wait_dma2 semaphore(%run_scoped3A : memref<!tpu.dma_semaphore, #tpu.memory_space<semaphore_mem>>) src(%dma_wait3A_289 : memref<416xi32, #tpu.memory_space<hbm>>) dst(%arg6 : memref<416xi32, #tpu.memory_space<vmem>>)
      tpu.yield
    }) : () -> ()
    %mul3A_3 = arith.constant 16 : i32
    %mul3A_4 = arith.muli %add3A, %mul3A_3 : i32
    "tpu.region"() ({
      %run_scoped3A = tpu.sem_alloc : memref<!tpu.dma_semaphore, #tpu.memory_space<semaphore_mem>>
      %dma_start3A = tpu.memref_slice %arg3[%mul3A_4] : memref<512xi32, #tpu.memory_space<hbm>> -> memref<16xi32, #tpu.memory_space<hbm>>
      %dma_start3A_288 = tpu.memref_slice %arg3[%mul3A_4] : memref<512xi32, #tpu.memory_space<hbm>> -> memref<16xi32, #tpu.memory_space<hbm>>
      tpu.enqueue_dma source(%dma_start3A_288 : memref<16xi32, #tpu.memory_space<hbm>>) target(%arg7 : memref<16xi32, #tpu.memory_space<vmem>>) target_semaphore(%run_scoped3A : memref<!tpu.dma_semaphore, #tpu.memory_space<semaphore_mem>>)
      %dma_wait3A = tpu.memref_slice %arg3[%mul3A_4] : memref<512xi32, #tpu.memory_space<hbm>> -> memref<16xi32, #tpu.memory_space<hbm>>
      %dma_wait3A_289 = tpu.memref_slice %arg3[%mul3A_4] : memref<512xi32, #tpu.memory_space<hbm>> -> memref<16xi32, #tpu.memory_space<hbm>>
      tpu.wait_dma2 semaphore(%run_scoped3A : memref<!tpu.dma_semaphore, #tpu.memory_space<semaphore_mem>>) src(%dma_wait3A_289 : memref<16xi32, #tpu.memory_space<hbm>>) dst(%arg7 : memref<16xi32, #tpu.memory_space<vmem>>)
      tpu.yield
    }) : () -> ()
    %get3A = arith.constant 0 : index
    %get3A_5 = tpu.vector_load %arg7[%get3A] {strides = array<i32>} : memref<16xi32, #tpu.memory_space<vmem>>, vector<16xi32>,
    %get3A_6 = vector.shape_cast %get3A_5 : vector<16xi32> to vector<16xi32>
    %slice3A = vector.extract_strided_slice %get3A_6 {offsets = [0], sizes = [1], strides = [1]} : vector<16xi32> to vector<1xi32>
    %squeeze3A = vector.extract %slice3A[0] : i32 from vector<1xi32>
    %slice3A_7 = vector.extract_strided_slice %get3A_6 {offsets = [1], sizes = [1], strides = [1]} : vector<16xi32> to vector<1xi32>
    %squeeze3A_8 = vector.extract %slice3A_7[0] : i32 from vector<1xi32>
    %slice3A_9 = vector.extract_strided_slice %get3A_6 {offsets = [2], sizes = [1], strides = [1]} : vector<16xi32> to vector<1xi32>
    %squeeze3A_10 = vector.extract %slice3A_9[0] : i32 from vector<1xi32>
    %slice3A_11 = vector.extract_strided_slice %get3A_6 {offsets = [3], sizes = [1], strides = [1]} : vector<16xi32> to vector<1xi32>
    %squeeze3A_12 = vector.extract %slice3A_11[0] : i32 from vector<1xi32>
    %slice3A_13 = vector.extract_strided_slice %get3A_6 {offsets = [4], sizes = [1], strides = [1]} : vector<16xi32> to vector<1xi32>
    %squeeze3A_14 = vector.extract %slice3A_13[0] : i32 from vector<1xi32>
    %slice3A_15 = vector.extract_strided_slice %get3A_6 {offsets = [5], sizes = [1], strides = [1]} : vector<16xi32> to vector<1xi32>
    %squeeze3A_16 = vector.extract %slice3A_15[0] : i32 from vector<1xi32>
    %slice3A_17 = vector.extract_strided_slice %get3A_6 {offsets = [6], sizes = [1], strides = [1]} : vector<16xi32> to vector<1xi32>
    %squeeze3A_18 = vector.extract %slice3A_17[0] : i32 from vector<1xi32>
    %slice3A_19 = vector.extract_strided_slice %get3A_6 {offsets = [7], sizes = [1], strides = [1]} : vector<16xi32> to vector<1xi32>
    %squeeze3A_20 = vector.extract %slice3A_19[0] : i32 from vector<1xi32>
    %slice3A_21 = vector.extract_strided_slice %get3A_6 {offsets = [8], sizes = [1], strides = [1]} : vector<16xi32> to vector<1xi32>
    %squeeze3A_22 = vector.extract %slice3A_21[0] : i32 from vector<1xi32>
    %slice3A_23 = vector.extract_strided_slice %get3A_6 {offsets = [9], sizes = [1], strides = [1]} : vector<16xi32> to vector<1xi32>
    %squeeze3A_24 = vector.extract %slice3A_23[0] : i32 from vector<1xi32>
    %slice3A_25 = vector.extract_strided_slice %get3A_6 {offsets = [10], sizes = [1], strides = [1]} : vector<16xi32> to vector<1xi32>
    %squeeze3A_26 = vector.extract %slice3A_25[0] : i32 from vector<1xi32>
    %slice3A_27 = vector.extract_strided_slice %get3A_6 {offsets = [11], sizes = [1], strides = [1]} : vector<16xi32> to vector<1xi32>
    %squeeze3A_28 = vector.extract %slice3A_27[0] : i32 from vector<1xi32>
    %slice3A_29 = vector.extract_strided_slice %get3A_6 {offsets = [12], sizes = [1], strides = [1]} : vector<16xi32> to vector<1xi32>
    %squeeze3A_30 = vector.extract %slice3A_29[0] : i32 from vector<1xi32>
    %eq3A = arith.constant 1 : i32
    %eq3A_31 = arith.cmpi eq, %squeeze3A, %eq3A : i32
    %convert_element_type3A = arith.extui %eq3A_31 : i1 to i32
    %cond3A = arith.constant 0 : i32
    %cond3A_32 = arith.cmpi ne, %convert_element_type3A, %cond3A : i32
    scf.if %cond3A_32 {
      %dma_start3A = arith.constant 0 : i32
      %dma_start3A_288 = tpu.memref_slice %arg6[%dma_start3A] : memref<416xi32, #tpu.memory_space<vmem>> -> memref<32xi32, #tpu.memory_space<vmem>>
      %dma_start3A_289 = arith.constant 0 : i32
      %dma_start3A_290 = arith.constant 0 : i32
      %dma_start3A_291 = tpu.memref_slice %arg4[%dma_start3A_289, %dma_start3A_290] : memref<2048x1024xf32, #tpu.memory_space<hbm>> -> memref<2048x1024xf32, #tpu.memory_space<hbm>>
      tpu.enqueue_indirect_dma source(%dma_start3A_291 : memref<2048x1024xf32, #tpu.memory_space<hbm>>) target(%arg8 : memref<32x1024xf32, #tpu.memory_space<vmem>>) offsets(%dma_start3A_288 : memref<32xi32, #tpu.memory_space<vmem>>) semaphore(%arg10 : memref<!tpu.dma_semaphore, #tpu.memory_space<semaphore_mem>>)
    } else {
    }
    %eq3A_33 = arith.constant 1 : i32
    %eq3A_34 = arith.cmpi eq, %squeeze3A, %eq3A_33 : i32
    %convert_element_type3A_35 = arith.extui %eq3A_34 : i1 to i32
    %cond3A_36 = arith.constant 0 : i32
    %cond3A_37 = arith.cmpi ne, %convert_element_type3A_35, %cond3A_36 : i32
    scf.if %cond3A_37 {
      %dma_wait3A = arith.constant 0 : i32
      %dma_wait3A_288 = tpu.memref_slice %arg6[%dma_wait3A] : memref<416xi32, #tpu.memory_space<vmem>> -> memref<32xi32, #tpu.memory_space<vmem>>
      %dma_wait3A_289 = arith.constant 0 : i32
      %dma_wait3A_290 = arith.constant 0 : i32
      %dma_wait3A_291 = tpu.memref_slice %arg4[%dma_wait3A_289, %dma_wait3A_290] : memref<2048x1024xf32, #tpu.memory_space<hbm>> -> memref<2048x1024xf32, #tpu.memory_space<hbm>>
      tpu.wait_indirect_dma semaphore(%arg10 : memref<!tpu.dma_semaphore, #tpu.memory_space<semaphore_mem>>) src(%dma_wait3A_291 : memref<2048x1024xf32, #tpu.memory_space<hbm>>) dst(%arg8 : memref<32x1024xf32, #tpu.memory_space<vmem>>)
    } else {
    }
    %eq3A_38 = arith.constant 1 : i32
    %eq3A_39 = arith.cmpi eq, %squeeze3A_8, %eq3A_38 : i32
    %convert_element_type3A_40 = arith.extui %eq3A_39 : i1 to i32
    %cond3A_41 = arith.constant 0 : i32
    %cond3A_42 = arith.cmpi ne, %convert_element_type3A_40, %cond3A_41 : i32
    scf.if %cond3A_42 {
      %dma_start3A = arith.constant 32 : i32
      %dma_start3A_288 = tpu.memref_slice %arg6[%dma_start3A] : memref<416xi32, #tpu.memory_space<vmem>> -> memref<32xi32, #tpu.memory_space<vmem>>
      %dma_start3A_289 = arith.constant 0 : i32
      %dma_start3A_290 = arith.constant 0 : i32
      %dma_start3A_291 = tpu.memref_slice %arg4[%dma_start3A_289, %dma_start3A_290] : memref<2048x1024xf32, #tpu.memory_space<hbm>> -> memref<2048x1024xf32, #tpu.memory_space<hbm>>
      tpu.enqueue_indirect_dma source(%dma_start3A_291 : memref<2048x1024xf32, #tpu.memory_space<hbm>>) target(%arg9 : memref<32x1024xf32, #tpu.memory_space<vmem>>) offsets(%dma_start3A_288 : memref<32xi32, #tpu.memory_space<vmem>>) semaphore(%arg10 : memref<!tpu.dma_semaphore, #tpu.memory_space<semaphore_mem>>)
    } else {
    }
    %eq3A_43 = arith.constant 1 : i32
    %eq3A_44 = arith.cmpi eq, %squeeze3A, %eq3A_43 : i32
    %convert_element_type3A_45 = arith.extui %eq3A_44 : i1 to i32
    %cond3A_46 = arith.constant 0 : i32
    %cond3A_47 = arith.cmpi ne, %convert_element_type3A_45, %cond3A_46 : i32
    scf.if %cond3A_47 {
      %add3A_288 = arith.constant 0 : i32
      %add3A_289 = arith.addi %mul3A_2, %add3A_288 : i32
      %dma_start3A = arith.constant 0 : i32
      %dma_start3A_290 = tpu.memref_slice %arg5[%add3A_289, %dma_start3A] : memref<13312x1024xf32, #tpu.memory_space<hbm>> -> memref<32x1024xf32, #tpu.memory_space<hbm>>
      %dma_start3A_291 = arith.constant 0 : i32
      %dma_start3A_292 = tpu.memref_slice %arg5[%add3A_289, %dma_start3A_291] : memref<13312x1024xf32, #tpu.memory_space<hbm>> -> memref<32x1024xf32, #tpu.memory_space<hbm>>
      tpu.enqueue_dma source(%arg8 : memref<32x1024xf32, #tpu.memory_space<vmem>>) target(%dma_start3A_292 : memref<32x1024xf32, #tpu.memory_space<hbm>>) target_semaphore(%arg11 : memref<!tpu.dma_semaphore, #tpu.memory_space<semaphore_mem>>)
    } else {
    }
    %eq3A_48 = arith.constant 1 : i32
    %eq3A_49 = arith.cmpi eq, %squeeze3A_8, %eq3A_48 : i32
    %convert_element_type3A_50 = arith.extui %eq3A_49 : i1 to i32
    %cond3A_51 = arith.constant 0 : i32
    %cond3A_52 = arith.cmpi ne, %convert_element_type3A_50, %cond3A_51 : i32
    scf.if %cond3A_52 {
      %dma_wait3A = arith.constant 32 : i32
      %dma_wait3A_288 = tpu.memref_slice %arg6[%dma_wait3A] : memref<416xi32, #tpu.memory_space<vmem>> -> memref<32xi32, #tpu.memory_space<vmem>>
      %dma_wait3A_289 = arith.constant 0 : i32
      %dma_wait3A_290 = arith.constant 0 : i32
      %dma_wait3A_291 = tpu.memref_slice %arg4[%dma_wait3A_289, %dma_wait3A_290] : memref<2048x1024xf32, #tpu.memory_space<hbm>> -> memref<2048x1024xf32, #tpu.memory_space<hbm>>
      tpu.wait_indirect_dma semaphore(%arg10 : memref<!tpu.dma_semaphore, #tpu.memory_space<semaphore_mem>>) src(%dma_wait3A_291 : memref<2048x1024xf32, #tpu.memory_space<hbm>>) dst(%arg9 : memref<32x1024xf32, #tpu.memory_space<vmem>>)
    } else {
    }
    %eq3A_53 = arith.constant 1 : i32
    %eq3A_54 = arith.cmpi eq, %squeeze3A, %eq3A_53 : i32
    %convert_element_type3A_55 = arith.extui %eq3A_54 : i1 to i32
    %cond3A_56 = arith.constant 0 : i32
    %cond3A_57 = arith.cmpi ne, %convert_element_type3A_55, %cond3A_56 : i32
    scf.if %cond3A_57 {
      %add3A_288 = arith.constant 0 : i32
      %add3A_289 = arith.addi %mul3A_2, %add3A_288 : i32
      %dma_wait3A = arith.constant 0 : i32
      %dma_wait3A_290 = tpu.memref_slice %arg5[%add3A_289, %dma_wait3A] : memref<13312x1024xf32, #tpu.memory_space<hbm>> -> memref<32x1024xf32, #tpu.memory_space<hbm>>
      %dma_wait3A_291 = arith.constant 0 : i32
      %dma_wait3A_292 = tpu.memref_slice %arg5[%add3A_289, %dma_wait3A_291] : memref<13312x1024xf32, #tpu.memory_space<hbm>> -> memref<32x1024xf32, #tpu.memory_space<hbm>>
      tpu.wait_dma2 semaphore(%arg11 : memref<!tpu.dma_semaphore, #tpu.memory_space<semaphore_mem>>) src(%arg8 : memref<32x1024xf32, #tpu.memory_space<vmem>>) dst(%dma_wait3A_292 : memref<32x1024xf32, #tpu.memory_space<hbm>>)
    } else {
    }
    %eq3A_58 = arith.constant 1 : i32
    %eq3A_59 = arith.cmpi eq, %squeeze3A_10, %eq3A_58 : i32
    %convert_element_type3A_60 = arith.extui %eq3A_59 : i1 to i32
    %cond3A_61 = arith.constant 0 : i32
    %cond3A_62 = arith.cmpi ne, %convert_element_type3A_60, %cond3A_61 : i32
    scf.if %cond3A_62 {
      %dma_start3A = arith.constant 64 : i32
      %dma_start3A_288 = tpu.memref_slice %arg6[%dma_start3A] : memref<416xi32, #tpu.memory_space<vmem>> -> memref<32xi32, #tpu.memory_space<vmem>>
      %dma_start3A_289 = arith.constant 0 : i32
      %dma_start3A_290 = arith.constant 0 : i32
      %dma_start3A_291 = tpu.memref_slice %arg4[%dma_start3A_289, %dma_start3A_290] : memref<2048x1024xf32, #tpu.memory_space<hbm>> -> memref<2048x1024xf32, #tpu.memory_space<hbm>>
      tpu.enqueue_indirect_dma source(%dma_start3A_291 : memref<2048x1024xf32, #tpu.memory_space<hbm>>) target(%arg8 : memref<32x1024xf32, #tpu.memory_space<vmem>>) offsets(%dma_start3A_288 : memref<32xi32, #tpu.memory_space<vmem>>) semaphore(%arg10 : memref<!tpu.dma_semaphore, #tpu.memory_space<semaphore_mem>>)
    } else {
    }
    %eq3A_63 = arith.constant 1 : i32
    %eq3A_64 = arith.cmpi eq, %squeeze3A_8, %eq3A_63 : i32
    %convert_element_type3A_65 = arith.extui %eq3A_64 : i1 to i32
    %cond3A_66 = arith.constant 0 : i32
    %cond3A_67 = arith.cmpi ne, %convert_element_type3A_65, %cond3A_66 : i32
    scf.if %cond3A_67 {
      %add3A_288 = arith.constant 32 : i32
      %add3A_289 = arith.addi %mul3A_2, %add3A_288 : i32
      %dma_start3A = arith.constant 0 : i32
      %dma_start3A_290 = tpu.memref_slice %arg5[%add3A_289, %dma_start3A] : memref<13312x1024xf32, #tpu.memory_space<hbm>> -> memref<32x1024xf32, #tpu.memory_space<hbm>>
      %dma_start3A_291 = arith.constant 0 : i32
      %dma_start3A_292 = tpu.memref_slice %arg5[%add3A_289, %dma_start3A_291] : memref<13312x1024xf32, #tpu.memory_space<hbm>> -> memref<32x1024xf32, #tpu.memory_space<hbm>>
      tpu.enqueue_dma source(%arg9 : memref<32x1024xf32, #tpu.memory_space<vmem>>) target(%dma_start3A_292 : memref<32x1024xf32, #tpu.memory_space<hbm>>) target_semaphore(%arg11 : memref<!tpu.dma_semaphore, #tpu.memory_space<semaphore_mem>>)
    } else {
    }
    %eq3A_68 = arith.constant 1 : i32
    %eq3A_69 = arith.cmpi eq, %squeeze3A_10, %eq3A_68 : i32
    %convert_element_type3A_70 = arith.extui %eq3A_69 : i1 to i32
    %cond3A_71 = arith.constant 0 : i32
    %cond3A_72 = arith.cmpi ne, %convert_element_type3A_70, %cond3A_71 : i32
    scf.if %cond3A_72 {
      %dma_wait3A = arith.constant 64 : i32
      %dma_wait3A_288 = tpu.memref_slice %arg6[%dma_wait3A] : memref<416xi32, #tpu.memory_space<vmem>> -> memref<32xi32, #tpu.memory_space<vmem>>
      %dma_wait3A_289 = arith.constant 0 : i32
      %dma_wait3A_290 = arith.constant 0 : i32
      %dma_wait3A_291 = tpu.memref_slice %arg4[%dma_wait3A_289, %dma_wait3A_290] : memref<2048x1024xf32, #tpu.memory_space<hbm>> -> memref<2048x1024xf32, #tpu.memory_space<hbm>>
      tpu.wait_indirect_dma semaphore(%arg10 : memref<!tpu.dma_semaphore, #tpu.memory_space<semaphore_mem>>) src(%dma_wait3A_291 : memref<2048x1024xf32, #tpu.memory_space<hbm>>) dst(%arg8 : memref<32x1024xf32, #tpu.memory_space<vmem>>)
    } else {
    }
    %eq3A_73 = arith.constant 1 : i32
    %eq3A_74 = arith.cmpi eq, %squeeze3A_8, %eq3A_73 : i32
    %convert_element_type3A_75 = arith.extui %eq3A_74 : i1 to i32
    %cond3A_76 = arith.constant 0 : i32
    %cond3A_77 = arith.cmpi ne, %convert_element_type3A_75, %cond3A_76 : i32
    scf.if %cond3A_77 {
      %add3A_288 = arith.constant 32 : i32
      %add3A_289 = arith.addi %mul3A_2, %add3A_288 : i32
      %dma_wait3A = arith.constant 0 : i32
      %dma_wait3A_290 = tpu.memref_slice %arg5[%add3A_289, %dma_wait3A] : memref<13312x1024xf32, #tpu.memory_space<hbm>> -> memref<32x1024xf32, #tpu.memory_space<hbm>>
      %dma_wait3A_291 = arith.constant 0 : i32
      %dma_wait3A_292 = tpu.memref_slice %arg5[%add3A_289, %dma_wait3A_291] : memref<13312x1024xf32, #tpu.memory_space<hbm>> -> memref<32x1024xf32, #tpu.memory_space<hbm>>
      tpu.wait_dma2 semaphore(%arg11 : memref<!tpu.dma_semaphore, #tpu.memory_space<semaphore_mem>>) src(%arg9 : memref<32x1024xf32, #tpu.memory_space<vmem>>) dst(%dma_wait3A_292 : memref<32x1024xf32, #tpu.memory_space<hbm>>)
    } else {
    }
    %eq3A_78 = arith.constant 1 : i32
    %eq3A_79 = arith.cmpi eq, %squeeze3A_12, %eq3A_78 : i32
    %convert_element_type3A_80 = arith.extui %eq3A_79 : i1 to i32
    %cond3A_81 = arith.constant 0 : i32
    %cond3A_82 = arith.cmpi ne, %convert_element_type3A_80, %cond3A_81 : i32
    scf.if %cond3A_82 {
      %dma_start3A = arith.constant 96 : i32
      %dma_start3A_288 = tpu.memref_slice %arg6[%dma_start3A] : memref<416xi32, #tpu.memory_space<vmem>> -> memref<32xi32, #tpu.memory_space<vmem>>
      %dma_start3A_289 = arith.constant 0 : i32
      %dma_start3A_290 = arith.constant 0 : i32
      %dma_start3A_291 = tpu.memref_slice %arg4[%dma_start3A_289, %dma_start3A_290] : memref<2048x1024xf32, #tpu.memory_space<hbm>> -> memref<2048x1024xf32, #tpu.memory_space<hbm>>
      tpu.enqueue_indirect_dma source(%dma_start3A_291 : memref<2048x1024xf32, #tpu.memory_space<hbm>>) target(%arg9 : memref<32x1024xf32, #tpu.memory_space<vmem>>) offsets(%dma_start3A_288 : memref<32xi32, #tpu.memory_space<vmem>>) semaphore(%arg10 : memref<!tpu.dma_semaphore, #tpu.memory_space<semaphore_mem>>)
    } else {
    }
    %eq3A_83 = arith.constant 1 : i32
    %eq3A_84 = arith.cmpi eq, %squeeze3A_10, %eq3A_83 : i32
    %convert_element_type3A_85 = arith.extui %eq3A_84 : i1 to i32
    %cond3A_86 = arith.constant 0 : i32
    %cond3A_87 = arith.cmpi ne, %convert_element_type3A_85, %cond3A_86 : i32
    scf.if %cond3A_87 {
      %add3A_288 = arith.constant 64 : i32
      %add3A_289 = arith.addi %mul3A_2, %add3A_288 : i32
      %dma_start3A = arith.constant 0 : i32
      %dma_start3A_290 = tpu.memref_slice %arg5[%add3A_289, %dma_start3A] : memref<13312x1024xf32, #tpu.memory_space<hbm>> -> memref<32x1024xf32, #tpu.memory_space<hbm>>
      %dma_start3A_291 = arith.constant 0 : i32
      %dma_start3A_292 = tpu.memref_slice %arg5[%add3A_289, %dma_start3A_291] : memref<13312x1024xf32, #tpu.memory_space<hbm>> -> memref<32x1024xf32, #tpu.memory_space<hbm>>
      tpu.enqueue_dma source(%arg8 : memref<32x1024xf32, #tpu.memory_space<vmem>>) target(%dma_start3A_292 : memref<32x1024xf32, #tpu.memory_space<hbm>>) target_semaphore(%arg11 : memref<!tpu.dma_semaphore, #tpu.memory_space<semaphore_mem>>)
    } else {
    }
    %eq3A_88 = arith.constant 1 : i32
    %eq3A_89 = arith.cmpi eq, %squeeze3A_12, %eq3A_88 : i32
    %convert_element_type3A_90 = arith.extui %eq3A_89 : i1 to i32
    %cond3A_91 = arith.constant 0 : i32
    %cond3A_92 = arith.cmpi ne, %convert_element_type3A_90, %cond3A_91 : i32
    scf.if %cond3A_92 {
      %dma_wait3A = arith.constant 96 : i32
      %dma_wait3A_288 = tpu.memref_slice %arg6[%dma_wait3A] : memref<416xi32, #tpu.memory_space<vmem>> -> memref<32xi32, #tpu.memory_space<vmem>>
      %dma_wait3A_289 = arith.constant 0 : i32
      %dma_wait3A_290 = arith.constant 0 : i32
      %dma_wait3A_291 = tpu.memref_slice %arg4[%dma_wait3A_289, %dma_wait3A_290] : memref<2048x1024xf32, #tpu.memory_space<hbm>> -> memref<2048x1024xf32, #tpu.memory_space<hbm>>
      tpu.wait_indirect_dma semaphore(%arg10 : memref<!tpu.dma_semaphore, #tpu.memory_space<semaphore_mem>>) src(%dma_wait3A_291 : memref<2048x1024xf32, #tpu.memory_space<hbm>>) dst(%arg9 : memref<32x1024xf32, #tpu.memory_space<vmem>>)
    } else {
    }
    %eq3A_93 = arith.constant 1 : i32
    %eq3A_94 = arith.cmpi eq, %squeeze3A_10, %eq3A_93 : i32
    %convert_element_type3A_95 = arith.extui %eq3A_94 : i1 to i32
    %cond3A_96 = arith.constant 0 : i32
    %cond3A_97 = arith.cmpi ne, %convert_element_type3A_95, %cond3A_96 : i32
    scf.if %cond3A_97 {
      %add3A_288 = arith.constant 64 : i32
      %add3A_289 = arith.addi %mul3A_2, %add3A_288 : i32
      %dma_wait3A = arith.constant 0 : i32
      %dma_wait3A_290 = tpu.memref_slice %arg5[%add3A_289, %dma_wait3A] : memref<13312x1024xf32, #tpu.memory_space<hbm>> -> memref<32x1024xf32, #tpu.memory_space<hbm>>
      %dma_wait3A_291 = arith.constant 0 : i32
      %dma_wait3A_292 = tpu.memref_slice %arg5[%add3A_289, %dma_wait3A_291] : memref<13312x1024xf32, #tpu.memory_space<hbm>> -> memref<32x1024xf32, #tpu.memory_space<hbm>>
      tpu.wait_dma2 semaphore(%arg11 : memref<!tpu.dma_semaphore, #tpu.memory_space<semaphore_mem>>) src(%arg8 : memref<32x1024xf32, #tpu.memory_space<vmem>>) dst(%dma_wait3A_292 : memref<32x1024xf32, #tpu.memory_space<hbm>>)
    } else {
    }
    %eq3A_98 = arith.constant 1 : i32
    %eq3A_99 = arith.cmpi eq, %squeeze3A_14, %eq3A_98 : i32
    %convert_element_type3A_100 = arith.extui %eq3A_99 : i1 to i32
    %cond3A_101 = arith.constant 0 : i32
    %cond3A_102 = arith.cmpi ne, %convert_element_type3A_100, %cond3A_101 : i32
    scf.if %cond3A_102 {
      %dma_start3A = arith.constant 128 : i32
      %dma_start3A_288 = tpu.memref_slice %arg6[%dma_start3A] : memref<416xi32, #tpu.memory_space<vmem>> -> memref<32xi32, #tpu.memory_space<vmem>>
      %dma_start3A_289 = arith.constant 0 : i32
      %dma_start3A_290 = arith.constant 0 : i32
      %dma_start3A_291 = tpu.memref_slice %arg4[%dma_start3A_289, %dma_start3A_290] : memref<2048x1024xf32, #tpu.memory_space<hbm>> -> memref<2048x1024xf32, #tpu.memory_space<hbm>>
      tpu.enqueue_indirect_dma source(%dma_start3A_291 : memref<2048x1024xf32, #tpu.memory_space<hbm>>) target(%arg8 : memref<32x1024xf32, #tpu.memory_space<vmem>>) offsets(%dma_start3A_288 : memref<32xi32, #tpu.memory_space<vmem>>) semaphore(%arg10 : memref<!tpu.dma_semaphore, #tpu.memory_space<semaphore_mem>>)
    } else {
    }
    %eq3A_103 = arith.constant 1 : i32
    %eq3A_104 = arith.cmpi eq, %squeeze3A_12, %eq3A_103 : i32
    %convert_element_type3A_105 = arith.extui %eq3A_104 : i1 to i32
    %cond3A_106 = arith.constant 0 : i32
    %cond3A_107 = arith.cmpi ne, %convert_element_type3A_105, %cond3A_106 : i32
    scf.if %cond3A_107 {
      %add3A_288 = arith.constant 96 : i32
      %add3A_289 = arith.addi %mul3A_2, %add3A_288 : i32
      %dma_start3A = arith.constant 0 : i32
      %dma_start3A_290 = tpu.memref_slice %arg5[%add3A_289, %dma_start3A] : memref<13312x1024xf32, #tpu.memory_space<hbm>> -> memref<32x1024xf32, #tpu.memory_space<hbm>>
      %dma_start3A_291 = arith.constant 0 : i32
      %dma_start3A_292 = tpu.memref_slice %arg5[%add3A_289, %dma_start3A_291] : memref<13312x1024xf32, #tpu.memory_space<hbm>> -> memref<32x1024xf32, #tpu.memory_space<hbm>>
      tpu.enqueue_dma source(%arg9 : memref<32x1024xf32, #tpu.memory_space<vmem>>) target(%dma_start3A_292 : memref<32x1024xf32, #tpu.memory_space<hbm>>) target_semaphore(%arg11 : memref<!tpu.dma_semaphore, #tpu.memory_space<semaphore_mem>>)
    } else {
    }
    %eq3A_108 = arith.constant 1 : i32
    %eq3A_109 = arith.cmpi eq, %squeeze3A_14, %eq3A_108 : i32
    %convert_element_type3A_110 = arith.extui %eq3A_109 : i1 to i32
    %cond3A_111 = arith.constant 0 : i32
    %cond3A_112 = arith.cmpi ne, %convert_element_type3A_110, %cond3A_111 : i32
    scf.if %cond3A_112 {
      %dma_wait3A = arith.constant 128 : i32
      %dma_wait3A_288 = tpu.memref_slice %arg6[%dma_wait3A] : memref<416xi32, #tpu.memory_space<vmem>> -> memref<32xi32, #tpu.memory_space<vmem>>
      %dma_wait3A_289 = arith.constant 0 : i32
      %dma_wait3A_290 = arith.constant 0 : i32
      %dma_wait3A_291 = tpu.memref_slice %arg4[%dma_wait3A_289, %dma_wait3A_290] : memref<2048x1024xf32, #tpu.memory_space<hbm>> -> memref<2048x1024xf32, #tpu.memory_space<hbm>>
      tpu.wait_indirect_dma semaphore(%arg10 : memref<!tpu.dma_semaphore, #tpu.memory_space<semaphore_mem>>) src(%dma_wait3A_291 : memref<2048x1024xf32, #tpu.memory_space<hbm>>) dst(%arg8 : memref<32x1024xf32, #tpu.memory_space<vmem>>)
    } else {
    }
    %eq3A_113 = arith.constant 1 : i32
    %eq3A_114 = arith.cmpi eq, %squeeze3A_12, %eq3A_113 : i32
    %convert_element_type3A_115 = arith.extui %eq3A_114 : i1 to i32
    %cond3A_116 = arith.constant 0 : i32
    %cond3A_117 = arith.cmpi ne, %convert_element_type3A_115, %cond3A_116 : i32
    scf.if %cond3A_117 {
      %add3A_288 = arith.constant 96 : i32
      %add3A_289 = arith.addi %mul3A_2, %add3A_288 : i32
      %dma_wait3A = arith.constant 0 : i32
      %dma_wait3A_290 = tpu.memref_slice %arg5[%add3A_289, %dma_wait3A] : memref<13312x1024xf32, #tpu.memory_space<hbm>> -> memref<32x1024xf32, #tpu.memory_space<hbm>>
      %dma_wait3A_291 = arith.constant 0 : i32
      %dma_wait3A_292 = tpu.memref_slice %arg5[%add3A_289, %dma_wait3A_291] : memref<13312x1024xf32, #tpu.memory_space<hbm>> -> memref<32x1024xf32, #tpu.memory_space<hbm>>
      tpu.wait_dma2 semaphore(%arg11 : memref<!tpu.dma_semaphore, #tpu.memory_space<semaphore_mem>>) src(%arg9 : memref<32x1024xf32, #tpu.memory_space<vmem>>) dst(%dma_wait3A_292 : memref<32x1024xf32, #tpu.memory_space<hbm>>)
    } else {
    }
    %eq3A_118 = arith.constant 1 : i32
    %eq3A_119 = arith.cmpi eq, %squeeze3A_16, %eq3A_118 : i32
    %convert_element_type3A_120 = arith.extui %eq3A_119 : i1 to i32
    %cond3A_121 = arith.constant 0 : i32
    %cond3A_122 = arith.cmpi ne, %convert_element_type3A_120, %cond3A_121 : i32
    scf.if %cond3A_122 {
      %dma_start3A = arith.constant 160 : i32
      %dma_start3A_288 = tpu.memref_slice %arg6[%dma_start3A] : memref<416xi32, #tpu.memory_space<vmem>> -> memref<32xi32, #tpu.memory_space<vmem>>
      %dma_start3A_289 = arith.constant 0 : i32
      %dma_start3A_290 = arith.constant 0 : i32
      %dma_start3A_291 = tpu.memref_slice %arg4[%dma_start3A_289, %dma_start3A_290] : memref<2048x1024xf32, #tpu.memory_space<hbm>> -> memref<2048x1024xf32, #tpu.memory_space<hbm>>
      tpu.enqueue_indirect_dma source(%dma_start3A_291 : memref<2048x1024xf32, #tpu.memory_space<hbm>>) target(%arg9 : memref<32x1024xf32, #tpu.memory_space<vmem>>) offsets(%dma_start3A_288 : memref<32xi32, #tpu.memory_space<vmem>>) semaphore(%arg10 : memref<!tpu.dma_semaphore, #tpu.memory_space<semaphore_mem>>)
    } else {
    }
    %eq3A_123 = arith.constant 1 : i32
    %eq3A_124 = arith.cmpi eq, %squeeze3A_14, %eq3A_123 : i32
    %convert_element_type3A_125 = arith.extui %eq3A_124 : i1 to i32
    %cond3A_126 = arith.constant 0 : i32
    %cond3A_127 = arith.cmpi ne, %convert_element_type3A_125, %cond3A_126 : i32
    scf.if %cond3A_127 {
      %add3A_288 = arith.constant 128 : i32
      %add3A_289 = arith.addi %mul3A_2, %add3A_288 : i32
      %dma_start3A = arith.constant 0 : i32
      %dma_start3A_290 = tpu.memref_slice %arg5[%add3A_289, %dma_start3A] : memref<13312x1024xf32, #tpu.memory_space<hbm>> -> memref<32x1024xf32, #tpu.memory_space<hbm>>
      %dma_start3A_291 = arith.constant 0 : i32
      %dma_start3A_292 = tpu.memref_slice %arg5[%add3A_289, %dma_start3A_291] : memref<13312x1024xf32, #tpu.memory_space<hbm>> -> memref<32x1024xf32, #tpu.memory_space<hbm>>
      tpu.enqueue_dma source(%arg8 : memref<32x1024xf32, #tpu.memory_space<vmem>>) target(%dma_start3A_292 : memref<32x1024xf32, #tpu.memory_space<hbm>>) target_semaphore(%arg11 : memref<!tpu.dma_semaphore, #tpu.memory_space<semaphore_mem>>)
    } else {
    }
    %eq3A_128 = arith.constant 1 : i32
    %eq3A_129 = arith.cmpi eq, %squeeze3A_16, %eq3A_128 : i32
    %convert_element_type3A_130 = arith.extui %eq3A_129 : i1 to i32
    %cond3A_131 = arith.constant 0 : i32
    %cond3A_132 = arith.cmpi ne, %convert_element_type3A_130, %cond3A_131 : i32
    scf.if %cond3A_132 {
      %dma_wait3A = arith.constant 160 : i32
      %dma_wait3A_288 = tpu.memref_slice %arg6[%dma_wait3A] : memref<416xi32, #tpu.memory_space<vmem>> -> memref<32xi32, #tpu.memory_space<vmem>>
      %dma_wait3A_289 = arith.constant 0 : i32
      %dma_wait3A_290 = arith.constant 0 : i32
      %dma_wait3A_291 = tpu.memref_slice %arg4[%dma_wait3A_289, %dma_wait3A_290] : memref<2048x1024xf32, #tpu.memory_space<hbm>> -> memref<2048x1024xf32, #tpu.memory_space<hbm>>
      tpu.wait_indirect_dma semaphore(%arg10 : memref<!tpu.dma_semaphore, #tpu.memory_space<semaphore_mem>>) src(%dma_wait3A_291 : memref<2048x1024xf32, #tpu.memory_space<hbm>>) dst(%arg9 : memref<32x1024xf32, #tpu.memory_space<vmem>>)
    } else {
    }
    %eq3A_133 = arith.constant 1 : i32
    %eq3A_134 = arith.cmpi eq, %squeeze3A_14, %eq3A_133 : i32
    %convert_element_type3A_135 = arith.extui %eq3A_134 : i1 to i32
    %cond3A_136 = arith.constant 0 : i32
    %cond3A_137 = arith.cmpi ne, %convert_element_type3A_135, %cond3A_136 : i32
    scf.if %cond3A_137 {
      %add3A_288 = arith.constant 128 : i32
      %add3A_289 = arith.addi %mul3A_2, %add3A_288 : i32
      %dma_wait3A = arith.constant 0 : i32
      %dma_wait3A_290 = tpu.memref_slice %arg5[%add3A_289, %dma_wait3A] : memref<13312x1024xf32, #tpu.memory_space<hbm>> -> memref<32x1024xf32, #tpu.memory_space<hbm>>
      %dma_wait3A_291 = arith.constant 0 : i32
      %dma_wait3A_292 = tpu.memref_slice %arg5[%add3A_289, %dma_wait3A_291] : memref<13312x1024xf32, #tpu.memory_space<hbm>> -> memref<32x1024xf32, #tpu.memory_space<hbm>>
      tpu.wait_dma2 semaphore(%arg11 : memref<!tpu.dma_semaphore, #tpu.memory_space<semaphore_mem>>) src(%arg8 : memref<32x1024xf32, #tpu.memory_space<vmem>>) dst(%dma_wait3A_292 : memref<32x1024xf32, #tpu.memory_space<hbm>>)
    } else {
    }
    %eq3A_138 = arith.constant 1 : i32
    %eq3A_139 = arith.cmpi eq, %squeeze3A_18, %eq3A_138 : i32
    %convert_element_type3A_140 = arith.extui %eq3A_139 : i1 to i32
    %cond3A_141 = arith.constant 0 : i32
    %cond3A_142 = arith.cmpi ne, %convert_element_type3A_140, %cond3A_141 : i32
    scf.if %cond3A_142 {
      %dma_start3A = arith.constant 192 : i32
      %dma_start3A_288 = tpu.memref_slice %arg6[%dma_start3A] : memref<416xi32, #tpu.memory_space<vmem>> -> memref<32xi32, #tpu.memory_space<vmem>>
      %dma_start3A_289 = arith.constant 0 : i32
      %dma_start3A_290 = arith.constant 0 : i32
      %dma_start3A_291 = tpu.memref_slice %arg4[%dma_start3A_289, %dma_start3A_290] : memref<2048x1024xf32, #tpu.memory_space<hbm>> -> memref<2048x1024xf32, #tpu.memory_space<hbm>>
      tpu.enqueue_indirect_dma source(%dma_start3A_291 : memref<2048x1024xf32, #tpu.memory_space<hbm>>) target(%arg8 : memref<32x1024xf32, #tpu.memory_space<vmem>>) offsets(%dma_start3A_288 : memref<32xi32, #tpu.memory_space<vmem>>) semaphore(%arg10 : memref<!tpu.dma_semaphore, #tpu.memory_space<semaphore_mem>>)
    } else {
    }
    %eq3A_143 = arith.constant 1 : i32
    %eq3A_144 = arith.cmpi eq, %squeeze3A_16, %eq3A_143 : i32
    %convert_element_type3A_145 = arith.extui %eq3A_144 : i1 to i32
    %cond3A_146 = arith.constant 0 : i32
    %cond3A_147 = arith.cmpi ne, %convert_element_type3A_145, %cond3A_146 : i32
    scf.if %cond3A_147 {
      %add3A_288 = arith.constant 160 : i32
      %add3A_289 = arith.addi %mul3A_2, %add3A_288 : i32
      %dma_start3A = arith.constant 0 : i32
      %dma_start3A_290 = tpu.memref_slice %arg5[%add3A_289, %dma_start3A] : memref<13312x1024xf32, #tpu.memory_space<hbm>> -> memref<32x1024xf32, #tpu.memory_space<hbm>>
      %dma_start3A_291 = arith.constant 0 : i32
      %dma_start3A_292 = tpu.memref_slice %arg5[%add3A_289, %dma_start3A_291] : memref<13312x1024xf32, #tpu.memory_space<hbm>> -> memref<32x1024xf32, #tpu.memory_space<hbm>>
      tpu.enqueue_dma source(%arg9 : memref<32x1024xf32, #tpu.memory_space<vmem>>) target(%dma_start3A_292 : memref<32x1024xf32, #tpu.memory_space<hbm>>) target_semaphore(%arg11 : memref<!tpu.dma_semaphore, #tpu.memory_space<semaphore_mem>>)
    } else {
    }
    %eq3A_148 = arith.constant 1 : i32
    %eq3A_149 = arith.cmpi eq, %squeeze3A_18, %eq3A_148 : i32
    %convert_element_type3A_150 = arith.extui %eq3A_149 : i1 to i32
    %cond3A_151 = arith.constant 0 : i32
    %cond3A_152 = arith.cmpi ne, %convert_element_type3A_150, %cond3A_151 : i32
    scf.if %cond3A_152 {
      %dma_wait3A = arith.constant 192 : i32
      %dma_wait3A_288 = tpu.memref_slice %arg6[%dma_wait3A] : memref<416xi32, #tpu.memory_space<vmem>> -> memref<32xi32, #tpu.memory_space<vmem>>
      %dma_wait3A_289 = arith.constant 0 : i32
      %dma_wait3A_290 = arith.constant 0 : i32
      %dma_wait3A_291 = tpu.memref_slice %arg4[%dma_wait3A_289, %dma_wait3A_290] : memref<2048x1024xf32, #tpu.memory_space<hbm>> -> memref<2048x1024xf32, #tpu.memory_space<hbm>>
      tpu.wait_indirect_dma semaphore(%arg10 : memref<!tpu.dma_semaphore, #tpu.memory_space<semaphore_mem>>) src(%dma_wait3A_291 : memref<2048x1024xf32, #tpu.memory_space<hbm>>) dst(%arg8 : memref<32x1024xf32, #tpu.memory_space<vmem>>)
    } else {
    }
    %eq3A_153 = arith.constant 1 : i32
    %eq3A_154 = arith.cmpi eq, %squeeze3A_16, %eq3A_153 : i32
    %convert_element_type3A_155 = arith.extui %eq3A_154 : i1 to i32
    %cond3A_156 = arith.constant 0 : i32
    %cond3A_157 = arith.cmpi ne, %convert_element_type3A_155, %cond3A_156 : i32
    scf.if %cond3A_157 {
      %add3A_288 = arith.constant 160 : i32
      %add3A_289 = arith.addi %mul3A_2, %add3A_288 : i32
      %dma_wait3A = arith.constant 0 : i32
      %dma_wait3A_290 = tpu.memref_slice %arg5[%add3A_289, %dma_wait3A] : memref<13312x1024xf32, #tpu.memory_space<hbm>> -> memref<32x1024xf32, #tpu.memory_space<hbm>>
      %dma_wait3A_291 = arith.constant 0 : i32
      %dma_wait3A_292 = tpu.memref_slice %arg5[%add3A_289, %dma_wait3A_291] : memref<13312x1024xf32, #tpu.memory_space<hbm>> -> memref<32x1024xf32, #tpu.memory_space<hbm>>
      tpu.wait_dma2 semaphore(%arg11 : memref<!tpu.dma_semaphore, #tpu.memory_space<semaphore_mem>>) src(%arg9 : memref<32x1024xf32, #tpu.memory_space<vmem>>) dst(%dma_wait3A_292 : memref<32x1024xf32, #tpu.memory_space<hbm>>)
    } else {
    }
    %eq3A_158 = arith.constant 1 : i32
    %eq3A_159 = arith.cmpi eq, %squeeze3A_20, %eq3A_158 : i32
    %convert_element_type3A_160 = arith.extui %eq3A_159 : i1 to i32
    %cond3A_161 = arith.constant 0 : i32
    %cond3A_162 = arith.cmpi ne, %convert_element_type3A_160, %cond3A_161 : i32
    scf.if %cond3A_162 {
      %dma_start3A = arith.constant 224 : i32
      %dma_start3A_288 = tpu.memref_slice %arg6[%dma_start3A] : memref<416xi32, #tpu.memory_space<vmem>> -> memref<32xi32, #tpu.memory_space<vmem>>
      %dma_start3A_289 = arith.constant 0 : i32
      %dma_start3A_290 = arith.constant 0 : i32
      %dma_start3A_291 = tpu.memref_slice %arg4[%dma_start3A_289, %dma_start3A_290] : memref<2048x1024xf32, #tpu.memory_space<hbm>> -> memref<2048x1024xf32, #tpu.memory_space<hbm>>
      tpu.enqueue_indirect_dma source(%dma_start3A_291 : memref<2048x1024xf32, #tpu.memory_space<hbm>>) target(%arg9 : memref<32x1024xf32, #tpu.memory_space<vmem>>) offsets(%dma_start3A_288 : memref<32xi32, #tpu.memory_space<vmem>>) semaphore(%arg10 : memref<!tpu.dma_semaphore, #tpu.memory_space<semaphore_mem>>)
    } else {
    }
    %eq3A_163 = arith.constant 1 : i32
    %eq3A_164 = arith.cmpi eq, %squeeze3A_18, %eq3A_163 : i32
    %convert_element_type3A_165 = arith.extui %eq3A_164 : i1 to i32
    %cond3A_166 = arith.constant 0 : i32
    %cond3A_167 = arith.cmpi ne, %convert_element_type3A_165, %cond3A_166 : i32
    scf.if %cond3A_167 {
      %add3A_288 = arith.constant 192 : i32
      %add3A_289 = arith.addi %mul3A_2, %add3A_288 : i32
      %dma_start3A = arith.constant 0 : i32
      %dma_start3A_290 = tpu.memref_slice %arg5[%add3A_289, %dma_start3A] : memref<13312x1024xf32, #tpu.memory_space<hbm>> -> memref<32x1024xf32, #tpu.memory_space<hbm>>
      %dma_start3A_291 = arith.constant 0 : i32
      %dma_start3A_292 = tpu.memref_slice %arg5[%add3A_289, %dma_start3A_291] : memref<13312x1024xf32, #tpu.memory_space<hbm>> -> memref<32x1024xf32, #tpu.memory_space<hbm>>
      tpu.enqueue_dma source(%arg8 : memref<32x1024xf32, #tpu.memory_space<vmem>>) target(%dma_start3A_292 : memref<32x1024xf32, #tpu.memory_space<hbm>>) target_semaphore(%arg11 : memref<!tpu.dma_semaphore, #tpu.memory_space<semaphore_mem>>)
    } else {
    }
    %eq3A_168 = arith.constant 1 : i32
    %eq3A_169 = arith.cmpi eq, %squeeze3A_20, %eq3A_168 : i32
    %convert_element_type3A_170 = arith.extui %eq3A_169 : i1 to i32
    %cond3A_171 = arith.constant 0 : i32
    %cond3A_172 = arith.cmpi ne, %convert_element_type3A_170, %cond3A_171 : i32
    scf.if %cond3A_172 {
      %dma_wait3A = arith.constant 224 : i32
      %dma_wait3A_288 = tpu.memref_slice %arg6[%dma_wait3A] : memref<416xi32, #tpu.memory_space<vmem>> -> memref<32xi32, #tpu.memory_space<vmem>>
      %dma_wait3A_289 = arith.constant 0 : i32
      %dma_wait3A_290 = arith.constant 0 : i32
      %dma_wait3A_291 = tpu.memref_slice %arg4[%dma_wait3A_289, %dma_wait3A_290] : memref<2048x1024xf32, #tpu.memory_space<hbm>> -> memref<2048x1024xf32, #tpu.memory_space<hbm>>
      tpu.wait_indirect_dma semaphore(%arg10 : memref<!tpu.dma_semaphore, #tpu.memory_space<semaphore_mem>>) src(%dma_wait3A_291 : memref<2048x1024xf32, #tpu.memory_space<hbm>>) dst(%arg9 : memref<32x1024xf32, #tpu.memory_space<vmem>>)
    } else {
    }
    %eq3A_173 = arith.constant 1 : i32
    %eq3A_174 = arith.cmpi eq, %squeeze3A_18, %eq3A_173 : i32
    %convert_element_type3A_175 = arith.extui %eq3A_174 : i1 to i32
    %cond3A_176 = arith.constant 0 : i32
    %cond3A_177 = arith.cmpi ne, %convert_element_type3A_175, %cond3A_176 : i32
    scf.if %cond3A_177 {
      %add3A_288 = arith.constant 192 : i32
      %add3A_289 = arith.addi %mul3A_2, %add3A_288 : i32
      %dma_wait3A = arith.constant 0 : i32
      %dma_wait3A_290 = tpu.memref_slice %arg5[%add3A_289, %dma_wait3A] : memref<13312x1024xf32, #tpu.memory_space<hbm>> -> memref<32x1024xf32, #tpu.memory_space<hbm>>
      %dma_wait3A_291 = arith.constant 0 : i32
      %dma_wait3A_292 = tpu.memref_slice %arg5[%add3A_289, %dma_wait3A_291] : memref<13312x1024xf32, #tpu.memory_space<hbm>> -> memref<32x1024xf32, #tpu.memory_space<hbm>>
      tpu.wait_dma2 semaphore(%arg11 : memref<!tpu.dma_semaphore, #tpu.memory_space<semaphore_mem>>) src(%arg8 : memref<32x1024xf32, #tpu.memory_space<vmem>>) dst(%dma_wait3A_292 : memref<32x1024xf32, #tpu.memory_space<hbm>>)
    } else {
    }
    %eq3A_178 = arith.constant 1 : i32
    %eq3A_179 = arith.cmpi eq, %squeeze3A_22, %eq3A_178 : i32
    %convert_element_type3A_180 = arith.extui %eq3A_179 : i1 to i32
    %cond3A_181 = arith.constant 0 : i32
    %cond3A_182 = arith.cmpi ne, %convert_element_type3A_180, %cond3A_181 : i32
    scf.if %cond3A_182 {
      %dma_start3A = arith.constant 256 : i32
      %dma_start3A_288 = tpu.memref_slice %arg6[%dma_start3A] : memref<416xi32, #tpu.memory_space<vmem>> -> memref<32xi32, #tpu.memory_space<vmem>>
      %dma_start3A_289 = arith.constant 0 : i32
      %dma_start3A_290 = arith.constant 0 : i32
      %dma_start3A_291 = tpu.memref_slice %arg4[%dma_start3A_289, %dma_start3A_290] : memref<2048x1024xf32, #tpu.memory_space<hbm>> -> memref<2048x1024xf32, #tpu.memory_space<hbm>>
      tpu.enqueue_indirect_dma source(%dma_start3A_291 : memref<2048x1024xf32, #tpu.memory_space<hbm>>) target(%arg8 : memref<32x1024xf32, #tpu.memory_space<vmem>>) offsets(%dma_start3A_288 : memref<32xi32, #tpu.memory_space<vmem>>) semaphore(%arg10 : memref<!tpu.dma_semaphore, #tpu.memory_space<semaphore_mem>>)
    } else {
    }
    %eq3A_183 = arith.constant 1 : i32
    %eq3A_184 = arith.cmpi eq, %squeeze3A_20, %eq3A_183 : i32
    %convert_element_type3A_185 = arith.extui %eq3A_184 : i1 to i32
    %cond3A_186 = arith.constant 0 : i32
    %cond3A_187 = arith.cmpi ne, %convert_element_type3A_185, %cond3A_186 : i32
    scf.if %cond3A_187 {
      %add3A_288 = arith.constant 224 : i32
      %add3A_289 = arith.addi %mul3A_2, %add3A_288 : i32
      %dma_start3A = arith.constant 0 : i32
      %dma_start3A_290 = tpu.memref_slice %arg5[%add3A_289, %dma_start3A] : memref<13312x1024xf32, #tpu.memory_space<hbm>> -> memref<32x1024xf32, #tpu.memory_space<hbm>>
      %dma_start3A_291 = arith.constant 0 : i32
      %dma_start3A_292 = tpu.memref_slice %arg5[%add3A_289, %dma_start3A_291] : memref<13312x1024xf32, #tpu.memory_space<hbm>> -> memref<32x1024xf32, #tpu.memory_space<hbm>>
      tpu.enqueue_dma source(%arg9 : memref<32x1024xf32, #tpu.memory_space<vmem>>) target(%dma_start3A_292 : memref<32x1024xf32, #tpu.memory_space<hbm>>) target_semaphore(%arg11 : memref<!tpu.dma_semaphore, #tpu.memory_space<semaphore_mem>>)
    } else {
    }
    %eq3A_188 = arith.constant 1 : i32
    %eq3A_189 = arith.cmpi eq, %squeeze3A_22, %eq3A_188 : i32
    %convert_element_type3A_190 = arith.extui %eq3A_189 : i1 to i32
    %cond3A_191 = arith.constant 0 : i32
    %cond3A_192 = arith.cmpi ne, %convert_element_type3A_190, %cond3A_191 : i32
    scf.if %cond3A_192 {
      %dma_wait3A = arith.constant 256 : i32
      %dma_wait3A_288 = tpu.memref_slice %arg6[%dma_wait3A] : memref<416xi32, #tpu.memory_space<vmem>> -> memref<32xi32, #tpu.memory_space<vmem>>
      %dma_wait3A_289 = arith.constant 0 : i32
      %dma_wait3A_290 = arith.constant 0 : i32
      %dma_wait3A_291 = tpu.memref_slice %arg4[%dma_wait3A_289, %dma_wait3A_290] : memref<2048x1024xf32, #tpu.memory_space<hbm>> -> memref<2048x1024xf32, #tpu.memory_space<hbm>>
      tpu.wait_indirect_dma semaphore(%arg10 : memref<!tpu.dma_semaphore, #tpu.memory_space<semaphore_mem>>) src(%dma_wait3A_291 : memref<2048x1024xf32, #tpu.memory_space<hbm>>) dst(%arg8 : memref<32x1024xf32, #tpu.memory_space<vmem>>)
    } else {
    }
    %eq3A_193 = arith.constant 1 : i32
    %eq3A_194 = arith.cmpi eq, %squeeze3A_20, %eq3A_193 : i32
    %convert_element_type3A_195 = arith.extui %eq3A_194 : i1 to i32
    %cond3A_196 = arith.constant 0 : i32
    %cond3A_197 = arith.cmpi ne, %convert_element_type3A_195, %cond3A_196 : i32
    scf.if %cond3A_197 {
      %add3A_288 = arith.constant 224 : i32
      %add3A_289 = arith.addi %mul3A_2, %add3A_288 : i32
      %dma_wait3A = arith.constant 0 : i32
      %dma_wait3A_290 = tpu.memref_slice %arg5[%add3A_289, %dma_wait3A] : memref<13312x1024xf32, #tpu.memory_space<hbm>> -> memref<32x1024xf32, #tpu.memory_space<hbm>>
      %dma_wait3A_291 = arith.constant 0 : i32
      %dma_wait3A_292 = tpu.memref_slice %arg5[%add3A_289, %dma_wait3A_291] : memref<13312x1024xf32, #tpu.memory_space<hbm>> -> memref<32x1024xf32, #tpu.memory_space<hbm>>
      tpu.wait_dma2 semaphore(%arg11 : memref<!tpu.dma_semaphore, #tpu.memory_space<semaphore_mem>>) src(%arg9 : memref<32x1024xf32, #tpu.memory_space<vmem>>) dst(%dma_wait3A_292 : memref<32x1024xf32, #tpu.memory_space<hbm>>)
    } else {
    }
    %eq3A_198 = arith.constant 1 : i32
    %eq3A_199 = arith.cmpi eq, %squeeze3A_24, %eq3A_198 : i32
    %convert_element_type3A_200 = arith.extui %eq3A_199 : i1 to i32
    %cond3A_201 = arith.constant 0 : i32
    %cond3A_202 = arith.cmpi ne, %convert_element_type3A_200, %cond3A_201 : i32
    scf.if %cond3A_202 {
      %dma_start3A = arith.constant 288 : i32
      %dma_start3A_288 = tpu.memref_slice %arg6[%dma_start3A] : memref<416xi32, #tpu.memory_space<vmem>> -> memref<32xi32, #tpu.memory_space<vmem>>
      %dma_start3A_289 = arith.constant 0 : i32
      %dma_start3A_290 = arith.constant 0 : i32
      %dma_start3A_291 = tpu.memref_slice %arg4[%dma_start3A_289, %dma_start3A_290] : memref<2048x1024xf32, #tpu.memory_space<hbm>> -> memref<2048x1024xf32, #tpu.memory_space<hbm>>
      tpu.enqueue_indirect_dma source(%dma_start3A_291 : memref<2048x1024xf32, #tpu.memory_space<hbm>>) target(%arg9 : memref<32x1024xf32, #tpu.memory_space<vmem>>) offsets(%dma_start3A_288 : memref<32xi32, #tpu.memory_space<vmem>>) semaphore(%arg10 : memref<!tpu.dma_semaphore, #tpu.memory_space<semaphore_mem>>)
    } else {
    }
    %eq3A_203 = arith.constant 1 : i32
    %eq3A_204 = arith.cmpi eq, %squeeze3A_22, %eq3A_203 : i32
    %convert_element_type3A_205 = arith.extui %eq3A_204 : i1 to i32
    %cond3A_206 = arith.constant 0 : i32
    %cond3A_207 = arith.cmpi ne, %convert_element_type3A_205, %cond3A_206 : i32
    scf.if %cond3A_207 {
      %add3A_288 = arith.constant 256 : i32
      %add3A_289 = arith.addi %mul3A_2, %add3A_288 : i32
      %dma_start3A = arith.constant 0 : i32
      %dma_start3A_290 = tpu.memref_slice %arg5[%add3A_289, %dma_start3A] : memref<13312x1024xf32, #tpu.memory_space<hbm>> -> memref<32x1024xf32, #tpu.memory_space<hbm>>
      %dma_start3A_291 = arith.constant 0 : i32
      %dma_start3A_292 = tpu.memref_slice %arg5[%add3A_289, %dma_start3A_291] : memref<13312x1024xf32, #tpu.memory_space<hbm>> -> memref<32x1024xf32, #tpu.memory_space<hbm>>
      tpu.enqueue_dma source(%arg8 : memref<32x1024xf32, #tpu.memory_space<vmem>>) target(%dma_start3A_292 : memref<32x1024xf32, #tpu.memory_space<hbm>>) target_semaphore(%arg11 : memref<!tpu.dma_semaphore, #tpu.memory_space<semaphore_mem>>)
    } else {
    }
    %eq3A_208 = arith.constant 1 : i32
    %eq3A_209 = arith.cmpi eq, %squeeze3A_24, %eq3A_208 : i32
    %convert_element_type3A_210 = arith.extui %eq3A_209 : i1 to i32
    %cond3A_211 = arith.constant 0 : i32
    %cond3A_212 = arith.cmpi ne, %convert_element_type3A_210, %cond3A_211 : i32
    scf.if %cond3A_212 {
      %dma_wait3A = arith.constant 288 : i32
      %dma_wait3A_288 = tpu.memref_slice %arg6[%dma_wait3A] : memref<416xi32, #tpu.memory_space<vmem>> -> memref<32xi32, #tpu.memory_space<vmem>>
      %dma_wait3A_289 = arith.constant 0 : i32
      %dma_wait3A_290 = arith.constant 0 : i32
      %dma_wait3A_291 = tpu.memref_slice %arg4[%dma_wait3A_289, %dma_wait3A_290] : memref<2048x1024xf32, #tpu.memory_space<hbm>> -> memref<2048x1024xf32, #tpu.memory_space<hbm>>
      tpu.wait_indirect_dma semaphore(%arg10 : memref<!tpu.dma_semaphore, #tpu.memory_space<semaphore_mem>>) src(%dma_wait3A_291 : memref<2048x1024xf32, #tpu.memory_space<hbm>>) dst(%arg9 : memref<32x1024xf32, #tpu.memory_space<vmem>>)
    } else {
    }
    %eq3A_213 = arith.constant 1 : i32
    %eq3A_214 = arith.cmpi eq, %squeeze3A_22, %eq3A_213 : i32
    %convert_element_type3A_215 = arith.extui %eq3A_214 : i1 to i32
    %cond3A_216 = arith.constant 0 : i32
    %cond3A_217 = arith.cmpi ne, %convert_element_type3A_215, %cond3A_216 : i32
    scf.if %cond3A_217 {
      %add3A_288 = arith.constant 256 : i32
      %add3A_289 = arith.addi %mul3A_2, %add3A_288 : i32
      %dma_wait3A = arith.constant 0 : i32
      %dma_wait3A_290 = tpu.memref_slice %arg5[%add3A_289, %dma_wait3A] : memref<13312x1024xf32, #tpu.memory_space<hbm>> -> memref<32x1024xf32, #tpu.memory_space<hbm>>
      %dma_wait3A_291 = arith.constant 0 : i32
      %dma_wait3A_292 = tpu.memref_slice %arg5[%add3A_289, %dma_wait3A_291] : memref<13312x1024xf32, #tpu.memory_space<hbm>> -> memref<32x1024xf32, #tpu.memory_space<hbm>>
      tpu.wait_dma2 semaphore(%arg11 : memref<!tpu.dma_semaphore, #tpu.memory_space<semaphore_mem>>) src(%arg8 : memref<32x1024xf32, #tpu.memory_space<vmem>>) dst(%dma_wait3A_292 : memref<32x1024xf32, #tpu.memory_space<hbm>>)
    } else {
    }
    %eq3A_218 = arith.constant 1 : i32
    %eq3A_219 = arith.cmpi eq, %squeeze3A_26, %eq3A_218 : i32
    %convert_element_type3A_220 = arith.extui %eq3A_219 : i1 to i32
    %cond3A_221 = arith.constant 0 : i32
    %cond3A_222 = arith.cmpi ne, %convert_element_type3A_220, %cond3A_221 : i32
    scf.if %cond3A_222 {
      %dma_start3A = arith.constant 320 : i32
      %dma_start3A_288 = tpu.memref_slice %arg6[%dma_start3A] : memref<416xi32, #tpu.memory_space<vmem>> -> memref<32xi32, #tpu.memory_space<vmem>>
      %dma_start3A_289 = arith.constant 0 : i32
      %dma_start3A_290 = arith.constant 0 : i32
      %dma_start3A_291 = tpu.memref_slice %arg4[%dma_start3A_289, %dma_start3A_290] : memref<2048x1024xf32, #tpu.memory_space<hbm>> -> memref<2048x1024xf32, #tpu.memory_space<hbm>>
      tpu.enqueue_indirect_dma source(%dma_start3A_291 : memref<2048x1024xf32, #tpu.memory_space<hbm>>) target(%arg8 : memref<32x1024xf32, #tpu.memory_space<vmem>>) offsets(%dma_start3A_288 : memref<32xi32, #tpu.memory_space<vmem>>) semaphore(%arg10 : memref<!tpu.dma_semaphore, #tpu.memory_space<semaphore_mem>>)
    } else {
    }
    %eq3A_223 = arith.constant 1 : i32
    %eq3A_224 = arith.cmpi eq, %squeeze3A_24, %eq3A_223 : i32
    %convert_element_type3A_225 = arith.extui %eq3A_224 : i1 to i32
    %cond3A_226 = arith.constant 0 : i32
    %cond3A_227 = arith.cmpi ne, %convert_element_type3A_225, %cond3A_226 : i32
    scf.if %cond3A_227 {
      %add3A_288 = arith.constant 288 : i32
      %add3A_289 = arith.addi %mul3A_2, %add3A_288 : i32
      %dma_start3A = arith.constant 0 : i32
      %dma_start3A_290 = tpu.memref_slice %arg5[%add3A_289, %dma_start3A] : memref<13312x1024xf32, #tpu.memory_space<hbm>> -> memref<32x1024xf32, #tpu.memory_space<hbm>>
      %dma_start3A_291 = arith.constant 0 : i32
      %dma_start3A_292 = tpu.memref_slice %arg5[%add3A_289, %dma_start3A_291] : memref<13312x1024xf32, #tpu.memory_space<hbm>> -> memref<32x1024xf32, #tpu.memory_space<hbm>>
      tpu.enqueue_dma source(%arg9 : memref<32x1024xf32, #tpu.memory_space<vmem>>) target(%dma_start3A_292 : memref<32x1024xf32, #tpu.memory_space<hbm>>) target_semaphore(%arg11 : memref<!tpu.dma_semaphore, #tpu.memory_space<semaphore_mem>>)
    } else {
    }
    %eq3A_228 = arith.constant 1 : i32
    %eq3A_229 = arith.cmpi eq, %squeeze3A_26, %eq3A_228 : i32
    %convert_element_type3A_230 = arith.extui %eq3A_229 : i1 to i32
    %cond3A_231 = arith.constant 0 : i32
    %cond3A_232 = arith.cmpi ne, %convert_element_type3A_230, %cond3A_231 : i32
    scf.if %cond3A_232 {
      %dma_wait3A = arith.constant 320 : i32
      %dma_wait3A_288 = tpu.memref_slice %arg6[%dma_wait3A] : memref<416xi32, #tpu.memory_space<vmem>> -> memref<32xi32, #tpu.memory_space<vmem>>
      %dma_wait3A_289 = arith.constant 0 : i32
      %dma_wait3A_290 = arith.constant 0 : i32
      %dma_wait3A_291 = tpu.memref_slice %arg4[%dma_wait3A_289, %dma_wait3A_290] : memref<2048x1024xf32, #tpu.memory_space<hbm>> -> memref<2048x1024xf32, #tpu.memory_space<hbm>>
      tpu.wait_indirect_dma semaphore(%arg10 : memref<!tpu.dma_semaphore, #tpu.memory_space<semaphore_mem>>) src(%dma_wait3A_291 : memref<2048x1024xf32, #tpu.memory_space<hbm>>) dst(%arg8 : memref<32x1024xf32, #tpu.memory_space<vmem>>)
    } else {
    }
    %eq3A_233 = arith.constant 1 : i32
    %eq3A_234 = arith.cmpi eq, %squeeze3A_24, %eq3A_233 : i32
    %convert_element_type3A_235 = arith.extui %eq3A_234 : i1 to i32
    %cond3A_236 = arith.constant 0 : i32
    %cond3A_237 = arith.cmpi ne, %convert_element_type3A_235, %cond3A_236 : i32
    scf.if %cond3A_237 {
      %add3A_288 = arith.constant 288 : i32
      %add3A_289 = arith.addi %mul3A_2, %add3A_288 : i32
      %dma_wait3A = arith.constant 0 : i32
      %dma_wait3A_290 = tpu.memref_slice %arg5[%add3A_289, %dma_wait3A] : memref<13312x1024xf32, #tpu.memory_space<hbm>> -> memref<32x1024xf32, #tpu.memory_space<hbm>>
      %dma_wait3A_291 = arith.constant 0 : i32
      %dma_wait3A_292 = tpu.memref_slice %arg5[%add3A_289, %dma_wait3A_291] : memref<13312x1024xf32, #tpu.memory_space<hbm>> -> memref<32x1024xf32, #tpu.memory_space<hbm>>
      tpu.wait_dma2 semaphore(%arg11 : memref<!tpu.dma_semaphore, #tpu.memory_space<semaphore_mem>>) src(%arg9 : memref<32x1024xf32, #tpu.memory_space<vmem>>) dst(%dma_wait3A_292 : memref<32x1024xf32, #tpu.memory_space<hbm>>)
    } else {
    }
    %eq3A_238 = arith.constant 1 : i32
    %eq3A_239 = arith.cmpi eq, %squeeze3A_28, %eq3A_238 : i32
    %convert_element_type3A_240 = arith.extui %eq3A_239 : i1 to i32
    %cond3A_241 = arith.constant 0 : i32
    %cond3A_242 = arith.cmpi ne, %convert_element_type3A_240, %cond3A_241 : i32
    scf.if %cond3A_242 {
      %dma_start3A = arith.constant 352 : i32
      %dma_start3A_288 = tpu.memref_slice %arg6[%dma_start3A] : memref<416xi32, #tpu.memory_space<vmem>> -> memref<32xi32, #tpu.memory_space<vmem>>
      %dma_start3A_289 = arith.constant 0 : i32
      %dma_start3A_290 = arith.constant 0 : i32
      %dma_start3A_291 = tpu.memref_slice %arg4[%dma_start3A_289, %dma_start3A_290] : memref<2048x1024xf32, #tpu.memory_space<hbm>> -> memref<2048x1024xf32, #tpu.memory_space<hbm>>
      tpu.enqueue_indirect_dma source(%dma_start3A_291 : memref<2048x1024xf32, #tpu.memory_space<hbm>>) target(%arg9 : memref<32x1024xf32, #tpu.memory_space<vmem>>) offsets(%dma_start3A_288 : memref<32xi32, #tpu.memory_space<vmem>>) semaphore(%arg10 : memref<!tpu.dma_semaphore, #tpu.memory_space<semaphore_mem>>)
    } else {
    }
    %eq3A_243 = arith.constant 1 : i32
    %eq3A_244 = arith.cmpi eq, %squeeze3A_26, %eq3A_243 : i32
    %convert_element_type3A_245 = arith.extui %eq3A_244 : i1 to i32
    %cond3A_246 = arith.constant 0 : i32
    %cond3A_247 = arith.cmpi ne, %convert_element_type3A_245, %cond3A_246 : i32
    scf.if %cond3A_247 {
      %add3A_288 = arith.constant 320 : i32
      %add3A_289 = arith.addi %mul3A_2, %add3A_288 : i32
      %dma_start3A = arith.constant 0 : i32
      %dma_start3A_290 = tpu.memref_slice %arg5[%add3A_289, %dma_start3A] : memref<13312x1024xf32, #tpu.memory_space<hbm>> -> memref<32x1024xf32, #tpu.memory_space<hbm>>
      %dma_start3A_291 = arith.constant 0 : i32
      %dma_start3A_292 = tpu.memref_slice %arg5[%add3A_289, %dma_start3A_291] : memref<13312x1024xf32, #tpu.memory_space<hbm>> -> memref<32x1024xf32, #tpu.memory_space<hbm>>
      tpu.enqueue_dma source(%arg8 : memref<32x1024xf32, #tpu.memory_space<vmem>>) target(%dma_start3A_292 : memref<32x1024xf32, #tpu.memory_space<hbm>>) target_semaphore(%arg11 : memref<!tpu.dma_semaphore, #tpu.memory_space<semaphore_mem>>)
    } else {
    }
    %eq3A_248 = arith.constant 1 : i32
    %eq3A_249 = arith.cmpi eq, %squeeze3A_28, %eq3A_248 : i32
    %convert_element_type3A_250 = arith.extui %eq3A_249 : i1 to i32
    %cond3A_251 = arith.constant 0 : i32
    %cond3A_252 = arith.cmpi ne, %convert_element_type3A_250, %cond3A_251 : i32
    scf.if %cond3A_252 {
      %dma_wait3A = arith.constant 352 : i32
      %dma_wait3A_288 = tpu.memref_slice %arg6[%dma_wait3A] : memref<416xi32, #tpu.memory_space<vmem>> -> memref<32xi32, #tpu.memory_space<vmem>>
      %dma_wait3A_289 = arith.constant 0 : i32
      %dma_wait3A_290 = arith.constant 0 : i32
      %dma_wait3A_291 = tpu.memref_slice %arg4[%dma_wait3A_289, %dma_wait3A_290] : memref<2048x1024xf32, #tpu.memory_space<hbm>> -> memref<2048x1024xf32, #tpu.memory_space<hbm>>
      tpu.wait_indirect_dma semaphore(%arg10 : memref<!tpu.dma_semaphore, #tpu.memory_space<semaphore_mem>>) src(%dma_wait3A_291 : memref<2048x1024xf32, #tpu.memory_space<hbm>>) dst(%arg9 : memref<32x1024xf32, #tpu.memory_space<vmem>>)
    } else {
    }
    %eq3A_253 = arith.constant 1 : i32
    %eq3A_254 = arith.cmpi eq, %squeeze3A_26, %eq3A_253 : i32
    %convert_element_type3A_255 = arith.extui %eq3A_254 : i1 to i32
    %cond3A_256 = arith.constant 0 : i32
    %cond3A_257 = arith.cmpi ne, %convert_element_type3A_255, %cond3A_256 : i32
    scf.if %cond3A_257 {
      %add3A_288 = arith.constant 320 : i32
      %add3A_289 = arith.addi %mul3A_2, %add3A_288 : i32
      %dma_wait3A = arith.constant 0 : i32
      %dma_wait3A_290 = tpu.memref_slice %arg5[%add3A_289, %dma_wait3A] : memref<13312x1024xf32, #tpu.memory_space<hbm>> -> memref<32x1024xf32, #tpu.memory_space<hbm>>
      %dma_wait3A_291 = arith.constant 0 : i32
      %dma_wait3A_292 = tpu.memref_slice %arg5[%add3A_289, %dma_wait3A_291] : memref<13312x1024xf32, #tpu.memory_space<hbm>> -> memref<32x1024xf32, #tpu.memory_space<hbm>>
      tpu.wait_dma2 semaphore(%arg11 : memref<!tpu.dma_semaphore, #tpu.memory_space<semaphore_mem>>) src(%arg8 : memref<32x1024xf32, #tpu.memory_space<vmem>>) dst(%dma_wait3A_292 : memref<32x1024xf32, #tpu.memory_space<hbm>>)
    } else {
    }
    %eq3A_258 = arith.constant 1 : i32
    %eq3A_259 = arith.cmpi eq, %squeeze3A_30, %eq3A_258 : i32
    %convert_element_type3A_260 = arith.extui %eq3A_259 : i1 to i32
    %cond3A_261 = arith.constant 0 : i32
    %cond3A_262 = arith.cmpi ne, %convert_element_type3A_260, %cond3A_261 : i32
    scf.if %cond3A_262 {
      %dma_start3A = arith.constant 384 : i32
      %dma_start3A_288 = tpu.memref_slice %arg6[%dma_start3A] : memref<416xi32, #tpu.memory_space<vmem>> -> memref<32xi32, #tpu.memory_space<vmem>>
      %dma_start3A_289 = arith.constant 0 : i32
      %dma_start3A_290 = arith.constant 0 : i32
      %dma_start3A_291 = tpu.memref_slice %arg4[%dma_start3A_289, %dma_start3A_290] : memref<2048x1024xf32, #tpu.memory_space<hbm>> -> memref<2048x1024xf32, #tpu.memory_space<hbm>>
      tpu.enqueue_indirect_dma source(%dma_start3A_291 : memref<2048x1024xf32, #tpu.memory_space<hbm>>) target(%arg8 : memref<32x1024xf32, #tpu.memory_space<vmem>>) offsets(%dma_start3A_288 : memref<32xi32, #tpu.memory_space<vmem>>) semaphore(%arg10 : memref<!tpu.dma_semaphore, #tpu.memory_space<semaphore_mem>>)
    } else {
    }
    %eq3A_263 = arith.constant 1 : i32
    %eq3A_264 = arith.cmpi eq, %squeeze3A_28, %eq3A_263 : i32
    %convert_element_type3A_265 = arith.extui %eq3A_264 : i1 to i32
    %cond3A_266 = arith.constant 0 : i32
    %cond3A_267 = arith.cmpi ne, %convert_element_type3A_265, %cond3A_266 : i32
    scf.if %cond3A_267 {
      %add3A_288 = arith.constant 352 : i32
      %add3A_289 = arith.addi %mul3A_2, %add3A_288 : i32
      %dma_start3A = arith.constant 0 : i32
      %dma_start3A_290 = tpu.memref_slice %arg5[%add3A_289, %dma_start3A] : memref<13312x1024xf32, #tpu.memory_space<hbm>> -> memref<32x1024xf32, #tpu.memory_space<hbm>>
      %dma_start3A_291 = arith.constant 0 : i32
      %dma_start3A_292 = tpu.memref_slice %arg5[%add3A_289, %dma_start3A_291] : memref<13312x1024xf32, #tpu.memory_space<hbm>> -> memref<32x1024xf32, #tpu.memory_space<hbm>>
      tpu.enqueue_dma source(%arg9 : memref<32x1024xf32, #tpu.memory_space<vmem>>) target(%dma_start3A_292 : memref<32x1024xf32, #tpu.memory_space<hbm>>) target_semaphore(%arg11 : memref<!tpu.dma_semaphore, #tpu.memory_space<semaphore_mem>>)
    } else {
    }
    %eq3A_268 = arith.constant 1 : i32
    %eq3A_269 = arith.cmpi eq, %squeeze3A_30, %eq3A_268 : i32
    %convert_element_type3A_270 = arith.extui %eq3A_269 : i1 to i32
    %cond3A_271 = arith.constant 0 : i32
    %cond3A_272 = arith.cmpi ne, %convert_element_type3A_270, %cond3A_271 : i32
    scf.if %cond3A_272 {
      %dma_wait3A = arith.constant 384 : i32
      %dma_wait3A_288 = tpu.memref_slice %arg6[%dma_wait3A] : memref<416xi32, #tpu.memory_space<vmem>> -> memref<32xi32, #tpu.memory_space<vmem>>
      %dma_wait3A_289 = arith.constant 0 : i32
      %dma_wait3A_290 = arith.constant 0 : i32
      %dma_wait3A_291 = tpu.memref_slice %arg4[%dma_wait3A_289, %dma_wait3A_290] : memref<2048x1024xf32, #tpu.memory_space<hbm>> -> memref<2048x1024xf32, #tpu.memory_space<hbm>>
      tpu.wait_indirect_dma semaphore(%arg10 : memref<!tpu.dma_semaphore, #tpu.memory_space<semaphore_mem>>) src(%dma_wait3A_291 : memref<2048x1024xf32, #tpu.memory_space<hbm>>) dst(%arg8 : memref<32x1024xf32, #tpu.memory_space<vmem>>)
    } else {
    }
    %eq3A_273 = arith.constant 1 : i32
    %eq3A_274 = arith.cmpi eq, %squeeze3A_28, %eq3A_273 : i32
    %convert_element_type3A_275 = arith.extui %eq3A_274 : i1 to i32
    %cond3A_276 = arith.constant 0 : i32
    %cond3A_277 = arith.cmpi ne, %convert_element_type3A_275, %cond3A_276 : i32
    scf.if %cond3A_277 {
      %add3A_288 = arith.constant 352 : i32
      %add3A_289 = arith.addi %mul3A_2, %add3A_288 : i32
      %dma_wait3A = arith.constant 0 : i32
      %dma_wait3A_290 = tpu.memref_slice %arg5[%add3A_289, %dma_wait3A] : memref<13312x1024xf32, #tpu.memory_space<hbm>> -> memref<32x1024xf32, #tpu.memory_space<hbm>>
      %dma_wait3A_291 = arith.constant 0 : i32
      %dma_wait3A_292 = tpu.memref_slice %arg5[%add3A_289, %dma_wait3A_291] : memref<13312x1024xf32, #tpu.memory_space<hbm>> -> memref<32x1024xf32, #tpu.memory_space<hbm>>
      tpu.wait_dma2 semaphore(%arg11 : memref<!tpu.dma_semaphore, #tpu.memory_space<semaphore_mem>>) src(%arg9 : memref<32x1024xf32, #tpu.memory_space<vmem>>) dst(%dma_wait3A_292 : memref<32x1024xf32, #tpu.memory_space<hbm>>)
    } else {
    }
    %eq3A_278 = arith.constant 1 : i32
    %eq3A_279 = arith.cmpi eq, %squeeze3A_30, %eq3A_278 : i32
    %convert_element_type3A_280 = arith.extui %eq3A_279 : i1 to i32
    %cond3A_281 = arith.constant 0 : i32
    %cond3A_282 = arith.cmpi ne, %convert_element_type3A_280, %cond3A_281 : i32
    scf.if %cond3A_282 {
      %add3A_288 = arith.constant 384 : i32
      %add3A_289 = arith.addi %mul3A_2, %add3A_288 : i32
      %dma_start3A = arith.constant 0 : i32
      %dma_start3A_290 = tpu.memref_slice %arg5[%add3A_289, %dma_start3A] : memref<13312x1024xf32, #tpu.memory_space<hbm>> -> memref<32x1024xf32, #tpu.memory_space<hbm>>
      %dma_start3A_291 = arith.constant 0 : i32
      %dma_start3A_292 = tpu.memref_slice %arg5[%add3A_289, %dma_start3A_291] : memref<13312x1024xf32, #tpu.memory_space<hbm>> -> memref<32x1024xf32, #tpu.memory_space<hbm>>
      tpu.enqueue_dma source(%arg8 : memref<32x1024xf32, #tpu.memory_space<vmem>>) target(%dma_start3A_292 : memref<32x1024xf32, #tpu.memory_space<hbm>>) target_semaphore(%arg11 : memref<!tpu.dma_semaphore, #tpu.memory_space<semaphore_mem>>)
    } else {
    }
    %eq3A_283 = arith.constant 1 : i32
    %eq3A_284 = arith.cmpi eq, %squeeze3A_30, %eq3A_283 : i32
    %convert_element_type3A_285 = arith.extui %eq3A_284 : i1 to i32
    %cond3A_286 = arith.constant 0 : i32
    %cond3A_287 = arith.cmpi ne, %convert_element_type3A_285, %cond3A_286 : i32
    scf.if %cond3A_287 {
      %add3A_288 = arith.constant 384 : i32
      %add3A_289 = arith.addi %mul3A_2, %add3A_288 : i32
      %dma_wait3A = arith.constant 0 : i32
      %dma_wait3A_290 = tpu.memref_slice %arg5[%add3A_289, %dma_wait3A] : memref<13312x1024xf32, #tpu.memory_space<hbm>> -> memref<32x1024xf32, #tpu.memory_space<hbm>>
      %dma_wait3A_291 = arith.constant 0 : i32
      %dma_wait3A_292 = tpu.memref_slice %arg5[%add3A_289, %dma_wait3A_291] : memref<13312x1024xf32, #tpu.memory_space<hbm>> -> memref<32x1024xf32, #tpu.memory_space<hbm>>
      tpu.wait_dma2 semaphore(%arg11 : memref<!tpu.dma_semaphore, #tpu.memory_space<semaphore_mem>>) src(%arg8 : memref<32x1024xf32, #tpu.memory_space<vmem>>) dst(%dma_wait3A_292 : memref<32x1024xf32, #tpu.memory_space<hbm>>)
    } else {
    }
    return
  }
}

#map = affine_map<(d0, d1) -> (0, 0)>
#map1 = affine_map<(d0, d1) -> (0)>
module attributes {stable_mosaic.version = 14 : i64} {
  func.func @k(%arg0: i32, %arg1: i32, %arg2: memref<13312x1024xf32, #tpu.memory_space<hbm>>, %arg3: memref<2048x1024xf32, #tpu.memory_space<hbm>>, %arg4: memref<4096xi32, #tpu.memory_space<hbm>>, %arg5: memref<2048x1024xf32, #tpu.memory_space<hbm>>, %arg6: memref<32xi32, #tpu.memory_space<vmem>>, %arg7: memref<32x1024xf32, #tpu.memory_space<vmem>>, %arg8: memref<16x1024xf32, #tpu.memory_space<vmem>>, %arg9: memref<!tpu.dma_semaphore, #tpu.memory_space<semaphore_mem>>) attributes {dimension_semantics = [#tpu.dimension_semantics<core_parallel>, #tpu.dimension_semantics<subcore_parallel>], iteration_bounds = array<i64: 2, 16>, scalar_prefetch = 0 : i64, scratch_operands = 4 : i64, tpu.core_type = #tpu.core_type<sc_vector_subcore>, window_params = [{transform_indices = #map}, {transform_indices = #map}, {transform_indices = #map1}, {transform_indices = #map}]} {
    %mul3A = arith.constant 2 : i32
    %mul3A_0 = arith.muli %arg1, %mul3A : i32
    %add3A = arith.addi %mul3A_0, %arg0 : i32
    %mul3A_1 = arith.constant 64 : i32
    %mul3A_2 = arith.muli %add3A, %mul3A_1 : i32
    %add3A_3 = arith.constant 0 : i32
    %add3A_4 = arith.addi %mul3A_2, %add3A_3 : i32
    %mul3A_5 = arith.constant 2 : i32
    %mul3A_6 = arith.muli %add3A_4, %mul3A_5 : i32
    "tpu.region"() ({
      %run_scoped3A = tpu.sem_alloc : memref<!tpu.dma_semaphore, #tpu.memory_space<semaphore_mem>>
      %dma_start3A_74 = tpu.memref_slice %arg4[%mul3A_6] : memref<4096xi32, #tpu.memory_space<hbm>> -> memref<32xi32, #tpu.memory_space<hbm>>
      %dma_start3A_75 = tpu.memref_slice %arg4[%mul3A_6] : memref<4096xi32, #tpu.memory_space<hbm>> -> memref<32xi32, #tpu.memory_space<hbm>>
      tpu.enqueue_dma source(%dma_start3A_75 : memref<32xi32, #tpu.memory_space<hbm>>) target(%arg6 : memref<32xi32, #tpu.memory_space<vmem>>) target_semaphore(%run_scoped3A : memref<!tpu.dma_semaphore, #tpu.memory_space<semaphore_mem>>)
      %dma_wait3A_76 = tpu.memref_slice %arg4[%mul3A_6] : memref<4096xi32, #tpu.memory_space<hbm>> -> memref<32xi32, #tpu.memory_space<hbm>>
      %dma_wait3A_77 = tpu.memref_slice %arg4[%mul3A_6] : memref<4096xi32, #tpu.memory_space<hbm>> -> memref<32xi32, #tpu.memory_space<hbm>>
      tpu.wait_dma2 semaphore(%run_scoped3A : memref<!tpu.dma_semaphore, #tpu.memory_space<semaphore_mem>>) src(%dma_wait3A_77 : memref<32xi32, #tpu.memory_space<hbm>>) dst(%arg6 : memref<32xi32, #tpu.memory_space<vmem>>)
      tpu.yield
    }) : () -> ()
    %dma_start3A = arith.constant 0 : i32
    %dma_start3A_7 = arith.constant 0 : i32
    %dma_start3A_8 = tpu.memref_slice %arg2[%dma_start3A, %dma_start3A_7] : memref<13312x1024xf32, #tpu.memory_space<hbm>> -> memref<13312x1024xf32, #tpu.memory_space<hbm>>
    tpu.enqueue_indirect_dma source(%dma_start3A_8 : memref<13312x1024xf32, #tpu.memory_space<hbm>>) target(%arg7 : memref<32x1024xf32, #tpu.memory_space<vmem>>) offsets(%arg6 : memref<32xi32, #tpu.memory_space<vmem>>) semaphore(%arg9 : memref<!tpu.dma_semaphore, #tpu.memory_space<semaphore_mem>>)
    %dma_wait3A = arith.constant 0 : i32
    %dma_wait3A_9 = arith.constant 0 : i32
    %dma_wait3A_10 = tpu.memref_slice %arg2[%dma_wait3A, %dma_wait3A_9] : memref<13312x1024xf32, #tpu.memory_space<hbm>> -> memref<13312x1024xf32, #tpu.memory_space<hbm>>
    tpu.wait_indirect_dma semaphore(%arg9 : memref<!tpu.dma_semaphore, #tpu.memory_space<semaphore_mem>>) src(%dma_wait3A_10 : memref<13312x1024xf32, #tpu.memory_space<hbm>>) dst(%arg7 : memref<32x1024xf32, #tpu.memory_space<vmem>>)
    "tpu.region"() ({
      %run_scoped3A = tpu.sem_alloc : memref<!tpu.dma_semaphore, #tpu.memory_space<semaphore_mem>>
      %dma_start3A_74 = arith.constant 0 : i32
      %dma_start3A_75 = tpu.memref_slice %arg3[%add3A_4, %dma_start3A_74] : memref<2048x1024xf32, #tpu.memory_space<hbm>> -> memref<16x1024xf32, #tpu.memory_space<hbm>>
      %dma_start3A_76 = arith.constant 0 : i32
      %dma_start3A_77 = tpu.memref_slice %arg3[%add3A_4, %dma_start3A_76] : memref<2048x1024xf32, #tpu.memory_space<hbm>> -> memref<16x1024xf32, #tpu.memory_space<hbm>>
      tpu.enqueue_dma source(%dma_start3A_77 : memref<16x1024xf32, #tpu.memory_space<hbm>>) target(%arg8 : memref<16x1024xf32, #tpu.memory_space<vmem>>) target_semaphore(%run_scoped3A : memref<!tpu.dma_semaphore, #tpu.memory_space<semaphore_mem>>)
      %dma_wait3A_78 = arith.constant 0 : i32
      %dma_wait3A_79 = tpu.memref_slice %arg3[%add3A_4, %dma_wait3A_78] : memref<2048x1024xf32, #tpu.memory_space<hbm>> -> memref<16x1024xf32, #tpu.memory_space<hbm>>
      %dma_wait3A_80 = arith.constant 0 : i32
      %dma_wait3A_81 = tpu.memref_slice %arg3[%add3A_4, %dma_wait3A_80] : memref<2048x1024xf32, #tpu.memory_space<hbm>> -> memref<16x1024xf32, #tpu.memory_space<hbm>>
      tpu.wait_dma2 semaphore(%run_scoped3A : memref<!tpu.dma_semaphore, #tpu.memory_space<semaphore_mem>>) src(%dma_wait3A_81 : memref<16x1024xf32, #tpu.memory_space<hbm>>) dst(%arg8 : memref<16x1024xf32, #tpu.memory_space<vmem>>)
      tpu.yield
    }) : () -> ()
    %scan3A = arith.constant 0 : i32
    %scan3A_11 = arith.constant 0 : i32
    %scan3A_12 = arith.constant 16 : i32
    %scan3A_13 = arith.addi %scan3A_11, %scan3A_12 : i32
    %scan3A_14 = arith.constant 1 : i32
    %scan3A_15 = scf.for %scan3A_74 = %scan3A_11 to %scan3A_13 step %scan3A_14 iter_args(%scan3A_75 = %scan3A) -> (i32)  : i32 {
      %scan3A_76 = arith.constant 0 : i32
      %scan3A_77 = arith.constant 0 : i32
      %scan3A_78 = arith.constant 64 : i32
      %scan3A_79 = arith.addi %scan3A_77, %scan3A_78 : i32
      %scan3A_80 = arith.constant 1 : i32
      %scan3A_81 = scf.for %scan3A_84 = %scan3A_77 to %scan3A_79 step %scan3A_80 iter_args(%scan3A_85 = %scan3A_76) -> (i32)  : i32 {
        %mul3A_86 = arith.constant 16 : i32
        %mul3A_87 = arith.muli %scan3A_84, %mul3A_86 : i32
        %get3A = arith.index_cast %scan3A_74 : i32 to index
        %get3A_88 = arith.index_cast %mul3A_87 : i32 to index
        %get3A_89 = tpu.vector_load %arg8[%get3A, %get3A_88] {strides = array<i32>} : memref<16x1024xf32, #tpu.memory_space<vmem>>, vector<1x16xf32>,
        %get3A_90 = vector.shape_cast %get3A_89 : vector<1x16xf32> to vector<16xf32>
        %mul3A_91 = arith.constant 2 : i32
        %mul3A_92 = arith.muli %mul3A_91, %scan3A_74 : i32
        %get3A_93 = arith.index_cast %mul3A_92 : i32 to index
        %get3A_94 = arith.index_cast %mul3A_87 : i32 to index
        %get3A_95 = tpu.vector_load %arg7[%get3A_93, %get3A_94] {strides = array<i32>} : memref<32x1024xf32, #tpu.memory_space<vmem>>, vector<1x16xf32>,
        %get3A_96 = vector.shape_cast %get3A_95 : vector<1x16xf32> to vector<16xf32>
        %add3A_97 = arith.addf %get3A_90, %get3A_96 : vector<16xf32>
        %mul3A_98 = arith.constant 2 : i32
        %mul3A_99 = arith.muli %mul3A_98, %scan3A_74 : i32
        %add3A_100 = arith.constant 1 : i32
        %add3A_101 = arith.addi %mul3A_99, %add3A_100 : i32
        %get3A_102 = arith.index_cast %add3A_101 : i32 to index
        %get3A_103 = arith.index_cast %mul3A_87 : i32 to index
        %get3A_104 = tpu.vector_load %arg7[%get3A_102, %get3A_103] {strides = array<i32>} : memref<32x1024xf32, #tpu.memory_space<vmem>>, vector<1x16xf32>,
        %get3A_105 = vector.shape_cast %get3A_104 : vector<1x16xf32> to vector<16xf32>
        %add3A_106 = arith.addf %add3A_97, %get3A_105 : vector<16xf32>
        %swap3A = arith.index_cast %scan3A_74 : i32 to index
        %swap3A_107 = arith.index_cast %mul3A_87 : i32 to index
        %swap3A_108 = tpu.vector_load %arg8[%swap3A, %swap3A_107] {strides = array<i32>} : memref<16x1024xf32, #tpu.memory_space<vmem>>, vector<1x16xf32>,
        %swap3A_109 = vector.shape_cast %swap3A_108 : vector<1x16xf32> to vector<16xf32>
        %swap3A_110 = vector.shape_cast %add3A_106 : vector<16xf32> to vector<1x16xf32>
        tpu.vector_store %arg8[%swap3A, %swap3A_107], %swap3A_110 {strides = array<i32>} : memref<16x1024xf32, #tpu.memory_space<vmem>>, vector<1x16xf32>,
        %scan3A_111 = arith.constant 0 : i32
        scf.yield %scan3A_111 : i32
      }
      %scan3A_82 = arith.constant 64 : i32
      %scan3A_83 = arith.constant 0 : i32
      scf.yield %scan3A_83 : i32
    }
    %scan3A_16 = arith.constant 16 : i32
    "tpu.region"() ({
      %run_scoped3A = tpu.sem_alloc : memref<!tpu.dma_semaphore, #tpu.memory_space<semaphore_mem>>
      %dma_start3A_74 = arith.constant 0 : i32
      %dma_start3A_75 = tpu.memref_slice %arg5[%add3A_4, %dma_start3A_74] : memref<2048x1024xf32, #tpu.memory_space<hbm>> -> memref<16x1024xf32, #tpu.memory_space<hbm>>
      %dma_start3A_76 = arith.constant 0 : i32
      %dma_start3A_77 = tpu.memref_slice %arg5[%add3A_4, %dma_start3A_76] : memref<2048x1024xf32, #tpu.memory_space<hbm>> -> memref<16x1024xf32, #tpu.memory_space<hbm>>
      tpu.enqueue_dma source(%arg8 : memref<16x1024xf32, #tpu.memory_space<vmem>>) target(%dma_start3A_77 : memref<16x1024xf32, #tpu.memory_space<hbm>>) target_semaphore(%run_scoped3A : memref<!tpu.dma_semaphore, #tpu.memory_space<semaphore_mem>>)
      %dma_wait3A_78 = arith.constant 0 : i32
      %dma_wait3A_79 = tpu.memref_slice %arg5[%add3A_4, %dma_wait3A_78] : memref<2048x1024xf32, #tpu.memory_space<hbm>> -> memref<16x1024xf32, #tpu.memory_space<hbm>>
      %dma_wait3A_80 = arith.constant 0 : i32
      %dma_wait3A_81 = tpu.memref_slice %arg5[%add3A_4, %dma_wait3A_80] : memref<2048x1024xf32, #tpu.memory_space<hbm>> -> memref<16x1024xf32, #tpu.memory_space<hbm>>
      tpu.wait_dma2 semaphore(%run_scoped3A : memref<!tpu.dma_semaphore, #tpu.memory_space<semaphore_mem>>) src(%arg8 : memref<16x1024xf32, #tpu.memory_space<vmem>>) dst(%dma_wait3A_81 : memref<16x1024xf32, #tpu.memory_space<hbm>>)
      tpu.yield
    }) : () -> ()
    %mul3A_17 = arith.constant 64 : i32
    %mul3A_18 = arith.muli %add3A, %mul3A_17 : i32
    %add3A_19 = arith.constant 16 : i32
    %add3A_20 = arith.addi %mul3A_18, %add3A_19 : i32
    %mul3A_21 = arith.constant 2 : i32
    %mul3A_22 = arith.muli %add3A_20, %mul3A_21 : i32
    "tpu.region"() ({
      %run_scoped3A = tpu.sem_alloc : memref<!tpu.dma_semaphore, #tpu.memory_space<semaphore_mem>>
      %dma_start3A_74 = tpu.memref_slice %arg4[%mul3A_22] : memref<4096xi32, #tpu.memory_space<hbm>> -> memref<32xi32, #tpu.memory_space<hbm>>
      %dma_start3A_75 = tpu.memref_slice %arg4[%mul3A_22] : memref<4096xi32, #tpu.memory_space<hbm>> -> memref<32xi32, #tpu.memory_space<hbm>>
      tpu.enqueue_dma source(%dma_start3A_75 : memref<32xi32, #tpu.memory_space<hbm>>) target(%arg6 : memref<32xi32, #tpu.memory_space<vmem>>) target_semaphore(%run_scoped3A : memref<!tpu.dma_semaphore, #tpu.memory_space<semaphore_mem>>)
      %dma_wait3A_76 = tpu.memref_slice %arg4[%mul3A_22] : memref<4096xi32, #tpu.memory_space<hbm>> -> memref<32xi32, #tpu.memory_space<hbm>>
      %dma_wait3A_77 = tpu.memref_slice %arg4[%mul3A_22] : memref<4096xi32, #tpu.memory_space<hbm>> -> memref<32xi32, #tpu.memory_space<hbm>>
      tpu.wait_dma2 semaphore(%run_scoped3A : memref<!tpu.dma_semaphore, #tpu.memory_space<semaphore_mem>>) src(%dma_wait3A_77 : memref<32xi32, #tpu.memory_space<hbm>>) dst(%arg6 : memref<32xi32, #tpu.memory_space<vmem>>)
      tpu.yield
    }) : () -> ()
    %dma_start3A_23 = arith.constant 0 : i32
    %dma_start3A_24 = arith.constant 0 : i32
    %dma_start3A_25 = tpu.memref_slice %arg2[%dma_start3A_23, %dma_start3A_24] : memref<13312x1024xf32, #tpu.memory_space<hbm>> -> memref<13312x1024xf32, #tpu.memory_space<hbm>>
    tpu.enqueue_indirect_dma source(%dma_start3A_25 : memref<13312x1024xf32, #tpu.memory_space<hbm>>) target(%arg7 : memref<32x1024xf32, #tpu.memory_space<vmem>>) offsets(%arg6 : memref<32xi32, #tpu.memory_space<vmem>>) semaphore(%arg9 : memref<!tpu.dma_semaphore, #tpu.memory_space<semaphore_mem>>)
    %dma_wait3A_26 = arith.constant 0 : i32
    %dma_wait3A_27 = arith.constant 0 : i32
    %dma_wait3A_28 = tpu.memref_slice %arg2[%dma_wait3A_26, %dma_wait3A_27] : memref<13312x1024xf32, #tpu.memory_space<hbm>> -> memref<13312x1024xf32, #tpu.memory_space<hbm>>
    tpu.wait_indirect_dma semaphore(%arg9 : memref<!tpu.dma_semaphore, #tpu.memory_space<semaphore_mem>>) src(%dma_wait3A_28 : memref<13312x1024xf32, #tpu.memory_space<hbm>>) dst(%arg7 : memref<32x1024xf32, #tpu.memory_space<vmem>>)
    "tpu.region"() ({
      %run_scoped3A = tpu.sem_alloc : memref<!tpu.dma_semaphore, #tpu.memory_space<semaphore_mem>>
      %dma_start3A_74 = arith.constant 0 : i32
      %dma_start3A_75 = tpu.memref_slice %arg3[%add3A_20, %dma_start3A_74] : memref<2048x1024xf32, #tpu.memory_space<hbm>> -> memref<16x1024xf32, #tpu.memory_space<hbm>>
      %dma_start3A_76 = arith.constant 0 : i32
      %dma_start3A_77 = tpu.memref_slice %arg3[%add3A_20, %dma_start3A_76] : memref<2048x1024xf32, #tpu.memory_space<hbm>> -> memref<16x1024xf32, #tpu.memory_space<hbm>>
      tpu.enqueue_dma source(%dma_start3A_77 : memref<16x1024xf32, #tpu.memory_space<hbm>>) target(%arg8 : memref<16x1024xf32, #tpu.memory_space<vmem>>) target_semaphore(%run_scoped3A : memref<!tpu.dma_semaphore, #tpu.memory_space<semaphore_mem>>)
      %dma_wait3A_78 = arith.constant 0 : i32
      %dma_wait3A_79 = tpu.memref_slice %arg3[%add3A_20, %dma_wait3A_78] : memref<2048x1024xf32, #tpu.memory_space<hbm>> -> memref<16x1024xf32, #tpu.memory_space<hbm>>
      %dma_wait3A_80 = arith.constant 0 : i32
      %dma_wait3A_81 = tpu.memref_slice %arg3[%add3A_20, %dma_wait3A_80] : memref<2048x1024xf32, #tpu.memory_space<hbm>> -> memref<16x1024xf32, #tpu.memory_space<hbm>>
      tpu.wait_dma2 semaphore(%run_scoped3A : memref<!tpu.dma_semaphore, #tpu.memory_space<semaphore_mem>>) src(%dma_wait3A_81 : memref<16x1024xf32, #tpu.memory_space<hbm>>) dst(%arg8 : memref<16x1024xf32, #tpu.memory_space<vmem>>)
      tpu.yield
    }) : () -> ()
    %scan3A_29 = arith.constant 0 : i32
    %scan3A_30 = arith.constant 0 : i32
    %scan3A_31 = arith.constant 16 : i32
    %scan3A_32 = arith.addi %scan3A_30, %scan3A_31 : i32
    %scan3A_33 = arith.constant 1 : i32
    %scan3A_34 = scf.for %scan3A_74 = %scan3A_30 to %scan3A_32 step %scan3A_33 iter_args(%scan3A_75 = %scan3A_29) -> (i32)  : i32 {
      %scan3A_76 = arith.constant 0 : i32
      %scan3A_77 = arith.constant 0 : i32
      %scan3A_78 = arith.constant 64 : i32
      %scan3A_79 = arith.addi %scan3A_77, %scan3A_78 : i32
      %scan3A_80 = arith.constant 1 : i32
      %scan3A_81 = scf.for %scan3A_84 = %scan3A_77 to %scan3A_79 step %scan3A_80 iter_args(%scan3A_85 = %scan3A_76) -> (i32)  : i32 {
        %mul3A_86 = arith.constant 16 : i32
        %mul3A_87 = arith.muli %scan3A_84, %mul3A_86 : i32
        %get3A = arith.index_cast %scan3A_74 : i32 to index
        %get3A_88 = arith.index_cast %mul3A_87 : i32 to index
        %get3A_89 = tpu.vector_load %arg8[%get3A, %get3A_88] {strides = array<i32>} : memref<16x1024xf32, #tpu.memory_space<vmem>>, vector<1x16xf32>,
        %get3A_90 = vector.shape_cast %get3A_89 : vector<1x16xf32> to vector<16xf32>
        %mul3A_91 = arith.constant 2 : i32
        %mul3A_92 = arith.muli %mul3A_91, %scan3A_74 : i32
        %get3A_93 = arith.index_cast %mul3A_92 : i32 to index
        %get3A_94 = arith.index_cast %mul3A_87 : i32 to index
        %get3A_95 = tpu.vector_load %arg7[%get3A_93, %get3A_94] {strides = array<i32>} : memref<32x1024xf32, #tpu.memory_space<vmem>>, vector<1x16xf32>,
        %get3A_96 = vector.shape_cast %get3A_95 : vector<1x16xf32> to vector<16xf32>
        %add3A_97 = arith.addf %get3A_90, %get3A_96 : vector<16xf32>
        %mul3A_98 = arith.constant 2 : i32
        %mul3A_99 = arith.muli %mul3A_98, %scan3A_74 : i32
        %add3A_100 = arith.constant 1 : i32
        %add3A_101 = arith.addi %mul3A_99, %add3A_100 : i32
        %get3A_102 = arith.index_cast %add3A_101 : i32 to index
        %get3A_103 = arith.index_cast %mul3A_87 : i32 to index
        %get3A_104 = tpu.vector_load %arg7[%get3A_102, %get3A_103] {strides = array<i32>} : memref<32x1024xf32, #tpu.memory_space<vmem>>, vector<1x16xf32>,
        %get3A_105 = vector.shape_cast %get3A_104 : vector<1x16xf32> to vector<16xf32>
        %add3A_106 = arith.addf %add3A_97, %get3A_105 : vector<16xf32>
        %swap3A = arith.index_cast %scan3A_74 : i32 to index
        %swap3A_107 = arith.index_cast %mul3A_87 : i32 to index
        %swap3A_108 = tpu.vector_load %arg8[%swap3A, %swap3A_107] {strides = array<i32>} : memref<16x1024xf32, #tpu.memory_space<vmem>>, vector<1x16xf32>,
        %swap3A_109 = vector.shape_cast %swap3A_108 : vector<1x16xf32> to vector<16xf32>
        %swap3A_110 = vector.shape_cast %add3A_106 : vector<16xf32> to vector<1x16xf32>
        tpu.vector_store %arg8[%swap3A, %swap3A_107], %swap3A_110 {strides = array<i32>} : memref<16x1024xf32, #tpu.memory_space<vmem>>, vector<1x16xf32>,
        %scan3A_111 = arith.constant 0 : i32
        scf.yield %scan3A_111 : i32
      }
      %scan3A_82 = arith.constant 64 : i32
      %scan3A_83 = arith.constant 0 : i32
      scf.yield %scan3A_83 : i32
    }
    %scan3A_35 = arith.constant 16 : i32
    "tpu.region"() ({
      %run_scoped3A = tpu.sem_alloc : memref<!tpu.dma_semaphore, #tpu.memory_space<semaphore_mem>>
      %dma_start3A_74 = arith.constant 0 : i32
      %dma_start3A_75 = tpu.memref_slice %arg5[%add3A_20, %dma_start3A_74] : memref<2048x1024xf32, #tpu.memory_space<hbm>> -> memref<16x1024xf32, #tpu.memory_space<hbm>>
      %dma_start3A_76 = arith.constant 0 : i32
      %dma_start3A_77 = tpu.memref_slice %arg5[%add3A_20, %dma_start3A_76] : memref<2048x1024xf32, #tpu.memory_space<hbm>> -> memref<16x1024xf32, #tpu.memory_space<hbm>>
      tpu.enqueue_dma source(%arg8 : memref<16x1024xf32, #tpu.memory_space<vmem>>) target(%dma_start3A_77 : memref<16x1024xf32, #tpu.memory_space<hbm>>) target_semaphore(%run_scoped3A : memref<!tpu.dma_semaphore, #tpu.memory_space<semaphore_mem>>)
      %dma_wait3A_78 = arith.constant 0 : i32
      %dma_wait3A_79 = tpu.memref_slice %arg5[%add3A_20, %dma_wait3A_78] : memref<2048x1024xf32, #tpu.memory_space<hbm>> -> memref<16x1024xf32, #tpu.memory_space<hbm>>
      %dma_wait3A_80 = arith.constant 0 : i32
      %dma_wait3A_81 = tpu.memref_slice %arg5[%add3A_20, %dma_wait3A_80] : memref<2048x1024xf32, #tpu.memory_space<hbm>> -> memref<16x1024xf32, #tpu.memory_space<hbm>>
      tpu.wait_dma2 semaphore(%run_scoped3A : memref<!tpu.dma_semaphore, #tpu.memory_space<semaphore_mem>>) src(%arg8 : memref<16x1024xf32, #tpu.memory_space<vmem>>) dst(%dma_wait3A_81 : memref<16x1024xf32, #tpu.memory_space<hbm>>)
      tpu.yield
    }) : () -> ()
    %mul3A_36 = arith.constant 64 : i32
    %mul3A_37 = arith.muli %add3A, %mul3A_36 : i32
    %add3A_38 = arith.constant 32 : i32
    %add3A_39 = arith.addi %mul3A_37, %add3A_38 : i32
    %mul3A_40 = arith.constant 2 : i32
    %mul3A_41 = arith.muli %add3A_39, %mul3A_40 : i32
    "tpu.region"() ({
      %run_scoped3A = tpu.sem_alloc : memref<!tpu.dma_semaphore, #tpu.memory_space<semaphore_mem>>
      %dma_start3A_74 = tpu.memref_slice %arg4[%mul3A_41] : memref<4096xi32, #tpu.memory_space<hbm>> -> memref<32xi32, #tpu.memory_space<hbm>>
      %dma_start3A_75 = tpu.memref_slice %arg4[%mul3A_41] : memref<4096xi32, #tpu.memory_space<hbm>> -> memref<32xi32, #tpu.memory_space<hbm>>
      tpu.enqueue_dma source(%dma_start3A_75 : memref<32xi32, #tpu.memory_space<hbm>>) target(%arg6 : memref<32xi32, #tpu.memory_space<vmem>>) target_semaphore(%run_scoped3A : memref<!tpu.dma_semaphore, #tpu.memory_space<semaphore_mem>>)
      %dma_wait3A_76 = tpu.memref_slice %arg4[%mul3A_41] : memref<4096xi32, #tpu.memory_space<hbm>> -> memref<32xi32, #tpu.memory_space<hbm>>
      %dma_wait3A_77 = tpu.memref_slice %arg4[%mul3A_41] : memref<4096xi32, #tpu.memory_space<hbm>> -> memref<32xi32, #tpu.memory_space<hbm>>
      tpu.wait_dma2 semaphore(%run_scoped3A : memref<!tpu.dma_semaphore, #tpu.memory_space<semaphore_mem>>) src(%dma_wait3A_77 : memref<32xi32, #tpu.memory_space<hbm>>) dst(%arg6 : memref<32xi32, #tpu.memory_space<vmem>>)
      tpu.yield
    }) : () -> ()
    %dma_start3A_42 = arith.constant 0 : i32
    %dma_start3A_43 = arith.constant 0 : i32
    %dma_start3A_44 = tpu.memref_slice %arg2[%dma_start3A_42, %dma_start3A_43] : memref<13312x1024xf32, #tpu.memory_space<hbm>> -> memref<13312x1024xf32, #tpu.memory_space<hbm>>
    tpu.enqueue_indirect_dma source(%dma_start3A_44 : memref<13312x1024xf32, #tpu.memory_space<hbm>>) target(%arg7 : memref<32x1024xf32, #tpu.memory_space<vmem>>) offsets(%arg6 : memref<32xi32, #tpu.memory_space<vmem>>) semaphore(%arg9 : memref<!tpu.dma_semaphore, #tpu.memory_space<semaphore_mem>>)
    %dma_wait3A_45 = arith.constant 0 : i32
    %dma_wait3A_46 = arith.constant 0 : i32
    %dma_wait3A_47 = tpu.memref_slice %arg2[%dma_wait3A_45, %dma_wait3A_46] : memref<13312x1024xf32, #tpu.memory_space<hbm>> -> memref<13312x1024xf32, #tpu.memory_space<hbm>>
    tpu.wait_indirect_dma semaphore(%arg9 : memref<!tpu.dma_semaphore, #tpu.memory_space<semaphore_mem>>) src(%dma_wait3A_47 : memref<13312x1024xf32, #tpu.memory_space<hbm>>) dst(%arg7 : memref<32x1024xf32, #tpu.memory_space<vmem>>)
    "tpu.region"() ({
      %run_scoped3A = tpu.sem_alloc : memref<!tpu.dma_semaphore, #tpu.memory_space<semaphore_mem>>
      %dma_start3A_74 = arith.constant 0 : i32
      %dma_start3A_75 = tpu.memref_slice %arg3[%add3A_39, %dma_start3A_74] : memref<2048x1024xf32, #tpu.memory_space<hbm>> -> memref<16x1024xf32, #tpu.memory_space<hbm>>
      %dma_start3A_76 = arith.constant 0 : i32
      %dma_start3A_77 = tpu.memref_slice %arg3[%add3A_39, %dma_start3A_76] : memref<2048x1024xf32, #tpu.memory_space<hbm>> -> memref<16x1024xf32, #tpu.memory_space<hbm>>
      tpu.enqueue_dma source(%dma_start3A_77 : memref<16x1024xf32, #tpu.memory_space<hbm>>) target(%arg8 : memref<16x1024xf32, #tpu.memory_space<vmem>>) target_semaphore(%run_scoped3A : memref<!tpu.dma_semaphore, #tpu.memory_space<semaphore_mem>>)
      %dma_wait3A_78 = arith.constant 0 : i32
      %dma_wait3A_79 = tpu.memref_slice %arg3[%add3A_39, %dma_wait3A_78] : memref<2048x1024xf32, #tpu.memory_space<hbm>> -> memref<16x1024xf32, #tpu.memory_space<hbm>>
      %dma_wait3A_80 = arith.constant 0 : i32
      %dma_wait3A_81 = tpu.memref_slice %arg3[%add3A_39, %dma_wait3A_80] : memref<2048x1024xf32, #tpu.memory_space<hbm>> -> memref<16x1024xf32, #tpu.memory_space<hbm>>
      tpu.wait_dma2 semaphore(%run_scoped3A : memref<!tpu.dma_semaphore, #tpu.memory_space<semaphore_mem>>) src(%dma_wait3A_81 : memref<16x1024xf32, #tpu.memory_space<hbm>>) dst(%arg8 : memref<16x1024xf32, #tpu.memory_space<vmem>>)
      tpu.yield
    }) : () -> ()
    %scan3A_48 = arith.constant 0 : i32
    %scan3A_49 = arith.constant 0 : i32
    %scan3A_50 = arith.constant 16 : i32
    %scan3A_51 = arith.addi %scan3A_49, %scan3A_50 : i32
    %scan3A_52 = arith.constant 1 : i32
    %scan3A_53 = scf.for %scan3A_74 = %scan3A_49 to %scan3A_51 step %scan3A_52 iter_args(%scan3A_75 = %scan3A_48) -> (i32)  : i32 {
      %scan3A_76 = arith.constant 0 : i32
      %scan3A_77 = arith.constant 0 : i32
      %scan3A_78 = arith.constant 64 : i32
      %scan3A_79 = arith.addi %scan3A_77, %scan3A_78 : i32
      %scan3A_80 = arith.constant 1 : i32
      %scan3A_81 = scf.for %scan3A_84 = %scan3A_77 to %scan3A_79 step %scan3A_80 iter_args(%scan3A_85 = %scan3A_76) -> (i32)  : i32 {
        %mul3A_86 = arith.constant 16 : i32
        %mul3A_87 = arith.muli %scan3A_84, %mul3A_86 : i32
        %get3A = arith.index_cast %scan3A_74 : i32 to index
        %get3A_88 = arith.index_cast %mul3A_87 : i32 to index
        %get3A_89 = tpu.vector_load %arg8[%get3A, %get3A_88] {strides = array<i32>} : memref<16x1024xf32, #tpu.memory_space<vmem>>, vector<1x16xf32>,
        %get3A_90 = vector.shape_cast %get3A_89 : vector<1x16xf32> to vector<16xf32>
        %mul3A_91 = arith.constant 2 : i32
        %mul3A_92 = arith.muli %mul3A_91, %scan3A_74 : i32
        %get3A_93 = arith.index_cast %mul3A_92 : i32 to index
        %get3A_94 = arith.index_cast %mul3A_87 : i32 to index
        %get3A_95 = tpu.vector_load %arg7[%get3A_93, %get3A_94] {strides = array<i32>} : memref<32x1024xf32, #tpu.memory_space<vmem>>, vector<1x16xf32>,
        %get3A_96 = vector.shape_cast %get3A_95 : vector<1x16xf32> to vector<16xf32>
        %add3A_97 = arith.addf %get3A_90, %get3A_96 : vector<16xf32>
        %mul3A_98 = arith.constant 2 : i32
        %mul3A_99 = arith.muli %mul3A_98, %scan3A_74 : i32
        %add3A_100 = arith.constant 1 : i32
        %add3A_101 = arith.addi %mul3A_99, %add3A_100 : i32
        %get3A_102 = arith.index_cast %add3A_101 : i32 to index
        %get3A_103 = arith.index_cast %mul3A_87 : i32 to index
        %get3A_104 = tpu.vector_load %arg7[%get3A_102, %get3A_103] {strides = array<i32>} : memref<32x1024xf32, #tpu.memory_space<vmem>>, vector<1x16xf32>,
        %get3A_105 = vector.shape_cast %get3A_104 : vector<1x16xf32> to vector<16xf32>
        %add3A_106 = arith.addf %add3A_97, %get3A_105 : vector<16xf32>
        %swap3A = arith.index_cast %scan3A_74 : i32 to index
        %swap3A_107 = arith.index_cast %mul3A_87 : i32 to index
        %swap3A_108 = tpu.vector_load %arg8[%swap3A, %swap3A_107] {strides = array<i32>} : memref<16x1024xf32, #tpu.memory_space<vmem>>, vector<1x16xf32>,
        %swap3A_109 = vector.shape_cast %swap3A_108 : vector<1x16xf32> to vector<16xf32>
        %swap3A_110 = vector.shape_cast %add3A_106 : vector<16xf32> to vector<1x16xf32>
        tpu.vector_store %arg8[%swap3A, %swap3A_107], %swap3A_110 {strides = array<i32>} : memref<16x1024xf32, #tpu.memory_space<vmem>>, vector<1x16xf32>,
        %scan3A_111 = arith.constant 0 : i32
        scf.yield %scan3A_111 : i32
      }
      %scan3A_82 = arith.constant 64 : i32
      %scan3A_83 = arith.constant 0 : i32
      scf.yield %scan3A_83 : i32
    }
    %scan3A_54 = arith.constant 16 : i32
    "tpu.region"() ({
      %run_scoped3A = tpu.sem_alloc : memref<!tpu.dma_semaphore, #tpu.memory_space<semaphore_mem>>
      %dma_start3A_74 = arith.constant 0 : i32
      %dma_start3A_75 = tpu.memref_slice %arg5[%add3A_39, %dma_start3A_74] : memref<2048x1024xf32, #tpu.memory_space<hbm>> -> memref<16x1024xf32, #tpu.memory_space<hbm>>
      %dma_start3A_76 = arith.constant 0 : i32
      %dma_start3A_77 = tpu.memref_slice %arg5[%add3A_39, %dma_start3A_76] : memref<2048x1024xf32, #tpu.memory_space<hbm>> -> memref<16x1024xf32, #tpu.memory_space<hbm>>
      tpu.enqueue_dma source(%arg8 : memref<16x1024xf32, #tpu.memory_space<vmem>>) target(%dma_start3A_77 : memref<16x1024xf32, #tpu.memory_space<hbm>>) target_semaphore(%run_scoped3A : memref<!tpu.dma_semaphore, #tpu.memory_space<semaphore_mem>>)
      %dma_wait3A_78 = arith.constant 0 : i32
      %dma_wait3A_79 = tpu.memref_slice %arg5[%add3A_39, %dma_wait3A_78] : memref<2048x1024xf32, #tpu.memory_space<hbm>> -> memref<16x1024xf32, #tpu.memory_space<hbm>>
      %dma_wait3A_80 = arith.constant 0 : i32
      %dma_wait3A_81 = tpu.memref_slice %arg5[%add3A_39, %dma_wait3A_80] : memref<2048x1024xf32, #tpu.memory_space<hbm>> -> memref<16x1024xf32, #tpu.memory_space<hbm>>
      tpu.wait_dma2 semaphore(%run_scoped3A : memref<!tpu.dma_semaphore, #tpu.memory_space<semaphore_mem>>) src(%arg8 : memref<16x1024xf32, #tpu.memory_space<vmem>>) dst(%dma_wait3A_81 : memref<16x1024xf32, #tpu.memory_space<hbm>>)
      tpu.yield
    }) : () -> ()
    %mul3A_55 = arith.constant 64 : i32
    %mul3A_56 = arith.muli %add3A, %mul3A_55 : i32
    %add3A_57 = arith.constant 48 : i32
    %add3A_58 = arith.addi %mul3A_56, %add3A_57 : i32
    %mul3A_59 = arith.constant 2 : i32
    %mul3A_60 = arith.muli %add3A_58, %mul3A_59 : i32
    "tpu.region"() ({
      %run_scoped3A = tpu.sem_alloc : memref<!tpu.dma_semaphore, #tpu.memory_space<semaphore_mem>>
      %dma_start3A_74 = tpu.memref_slice %arg4[%mul3A_60] : memref<4096xi32, #tpu.memory_space<hbm>> -> memref<32xi32, #tpu.memory_space<hbm>>
      %dma_start3A_75 = tpu.memref_slice %arg4[%mul3A_60] : memref<4096xi32, #tpu.memory_space<hbm>> -> memref<32xi32, #tpu.memory_space<hbm>>
      tpu.enqueue_dma source(%dma_start3A_75 : memref<32xi32, #tpu.memory_space<hbm>>) target(%arg6 : memref<32xi32, #tpu.memory_space<vmem>>) target_semaphore(%run_scoped3A : memref<!tpu.dma_semaphore, #tpu.memory_space<semaphore_mem>>)
      %dma_wait3A_76 = tpu.memref_slice %arg4[%mul3A_60] : memref<4096xi32, #tpu.memory_space<hbm>> -> memref<32xi32, #tpu.memory_space<hbm>>
      %dma_wait3A_77 = tpu.memref_slice %arg4[%mul3A_60] : memref<4096xi32, #tpu.memory_space<hbm>> -> memref<32xi32, #tpu.memory_space<hbm>>
      tpu.wait_dma2 semaphore(%run_scoped3A : memref<!tpu.dma_semaphore, #tpu.memory_space<semaphore_mem>>) src(%dma_wait3A_77 : memref<32xi32, #tpu.memory_space<hbm>>) dst(%arg6 : memref<32xi32, #tpu.memory_space<vmem>>)
      tpu.yield
    }) : () -> ()
    %dma_start3A_61 = arith.constant 0 : i32
    %dma_start3A_62 = arith.constant 0 : i32
    %dma_start3A_63 = tpu.memref_slice %arg2[%dma_start3A_61, %dma_start3A_62] : memref<13312x1024xf32, #tpu.memory_space<hbm>> -> memref<13312x1024xf32, #tpu.memory_space<hbm>>
    tpu.enqueue_indirect_dma source(%dma_start3A_63 : memref<13312x1024xf32, #tpu.memory_space<hbm>>) target(%arg7 : memref<32x1024xf32, #tpu.memory_space<vmem>>) offsets(%arg6 : memref<32xi32, #tpu.memory_space<vmem>>) semaphore(%arg9 : memref<!tpu.dma_semaphore, #tpu.memory_space<semaphore_mem>>)
    %dma_wait3A_64 = arith.constant 0 : i32
    %dma_wait3A_65 = arith.constant 0 : i32
    %dma_wait3A_66 = tpu.memref_slice %arg2[%dma_wait3A_64, %dma_wait3A_65] : memref<13312x1024xf32, #tpu.memory_space<hbm>> -> memref<13312x1024xf32, #tpu.memory_space<hbm>>
    tpu.wait_indirect_dma semaphore(%arg9 : memref<!tpu.dma_semaphore, #tpu.memory_space<semaphore_mem>>) src(%dma_wait3A_66 : memref<13312x1024xf32, #tpu.memory_space<hbm>>) dst(%arg7 : memref<32x1024xf32, #tpu.memory_space<vmem>>)
    "tpu.region"() ({
      %run_scoped3A = tpu.sem_alloc : memref<!tpu.dma_semaphore, #tpu.memory_space<semaphore_mem>>
      %dma_start3A_74 = arith.constant 0 : i32
      %dma_start3A_75 = tpu.memref_slice %arg3[%add3A_58, %dma_start3A_74] : memref<2048x1024xf32, #tpu.memory_space<hbm>> -> memref<16x1024xf32, #tpu.memory_space<hbm>>
      %dma_start3A_76 = arith.constant 0 : i32
      %dma_start3A_77 = tpu.memref_slice %arg3[%add3A_58, %dma_start3A_76] : memref<2048x1024xf32, #tpu.memory_space<hbm>> -> memref<16x1024xf32, #tpu.memory_space<hbm>>
      tpu.enqueue_dma source(%dma_start3A_77 : memref<16x1024xf32, #tpu.memory_space<hbm>>) target(%arg8 : memref<16x1024xf32, #tpu.memory_space<vmem>>) target_semaphore(%run_scoped3A : memref<!tpu.dma_semaphore, #tpu.memory_space<semaphore_mem>>)
      %dma_wait3A_78 = arith.constant 0 : i32
      %dma_wait3A_79 = tpu.memref_slice %arg3[%add3A_58, %dma_wait3A_78] : memref<2048x1024xf32, #tpu.memory_space<hbm>> -> memref<16x1024xf32, #tpu.memory_space<hbm>>
      %dma_wait3A_80 = arith.constant 0 : i32
      %dma_wait3A_81 = tpu.memref_slice %arg3[%add3A_58, %dma_wait3A_80] : memref<2048x1024xf32, #tpu.memory_space<hbm>> -> memref<16x1024xf32, #tpu.memory_space<hbm>>
      tpu.wait_dma2 semaphore(%run_scoped3A : memref<!tpu.dma_semaphore, #tpu.memory_space<semaphore_mem>>) src(%dma_wait3A_81 : memref<16x1024xf32, #tpu.memory_space<hbm>>) dst(%arg8 : memref<16x1024xf32, #tpu.memory_space<vmem>>)
      tpu.yield
    }) : () -> ()
    %scan3A_67 = arith.constant 0 : i32
    %scan3A_68 = arith.constant 0 : i32
    %scan3A_69 = arith.constant 16 : i32
    %scan3A_70 = arith.addi %scan3A_68, %scan3A_69 : i32
    %scan3A_71 = arith.constant 1 : i32
    %scan3A_72 = scf.for %scan3A_74 = %scan3A_68 to %scan3A_70 step %scan3A_71 iter_args(%scan3A_75 = %scan3A_67) -> (i32)  : i32 {
      %scan3A_76 = arith.constant 0 : i32
      %scan3A_77 = arith.constant 0 : i32
      %scan3A_78 = arith.constant 64 : i32
      %scan3A_79 = arith.addi %scan3A_77, %scan3A_78 : i32
      %scan3A_80 = arith.constant 1 : i32
      %scan3A_81 = scf.for %scan3A_84 = %scan3A_77 to %scan3A_79 step %scan3A_80 iter_args(%scan3A_85 = %scan3A_76) -> (i32)  : i32 {
        %mul3A_86 = arith.constant 16 : i32
        %mul3A_87 = arith.muli %scan3A_84, %mul3A_86 : i32
        %get3A = arith.index_cast %scan3A_74 : i32 to index
        %get3A_88 = arith.index_cast %mul3A_87 : i32 to index
        %get3A_89 = tpu.vector_load %arg8[%get3A, %get3A_88] {strides = array<i32>} : memref<16x1024xf32, #tpu.memory_space<vmem>>, vector<1x16xf32>,
        %get3A_90 = vector.shape_cast %get3A_89 : vector<1x16xf32> to vector<16xf32>
        %mul3A_91 = arith.constant 2 : i32
        %mul3A_92 = arith.muli %mul3A_91, %scan3A_74 : i32
        %get3A_93 = arith.index_cast %mul3A_92 : i32 to index
        %get3A_94 = arith.index_cast %mul3A_87 : i32 to index
        %get3A_95 = tpu.vector_load %arg7[%get3A_93, %get3A_94] {strides = array<i32>} : memref<32x1024xf32, #tpu.memory_space<vmem>>, vector<1x16xf32>,
        %get3A_96 = vector.shape_cast %get3A_95 : vector<1x16xf32> to vector<16xf32>
        %add3A_97 = arith.addf %get3A_90, %get3A_96 : vector<16xf32>
        %mul3A_98 = arith.constant 2 : i32
        %mul3A_99 = arith.muli %mul3A_98, %scan3A_74 : i32
        %add3A_100 = arith.constant 1 : i32
        %add3A_101 = arith.addi %mul3A_99, %add3A_100 : i32
        %get3A_102 = arith.index_cast %add3A_101 : i32 to index
        %get3A_103 = arith.index_cast %mul3A_87 : i32 to index
        %get3A_104 = tpu.vector_load %arg7[%get3A_102, %get3A_103] {strides = array<i32>} : memref<32x1024xf32, #tpu.memory_space<vmem>>, vector<1x16xf32>,
        %get3A_105 = vector.shape_cast %get3A_104 : vector<1x16xf32> to vector<16xf32>
        %add3A_106 = arith.addf %add3A_97, %get3A_105 : vector<16xf32>
        %swap3A = arith.index_cast %scan3A_74 : i32 to index
        %swap3A_107 = arith.index_cast %mul3A_87 : i32 to index
        %swap3A_108 = tpu.vector_load %arg8[%swap3A, %swap3A_107] {strides = array<i32>} : memref<16x1024xf32, #tpu.memory_space<vmem>>, vector<1x16xf32>,
        %swap3A_109 = vector.shape_cast %swap3A_108 : vector<1x16xf32> to vector<16xf32>
        %swap3A_110 = vector.shape_cast %add3A_106 : vector<16xf32> to vector<1x16xf32>
        tpu.vector_store %arg8[%swap3A, %swap3A_107], %swap3A_110 {strides = array<i32>} : memref<16x1024xf32, #tpu.memory_space<vmem>>, vector<1x16xf32>,
        %scan3A_111 = arith.constant 0 : i32
        scf.yield %scan3A_111 : i32
      }
      %scan3A_82 = arith.constant 64 : i32
      %scan3A_83 = arith.constant 0 : i32
      scf.yield %scan3A_83 : i32
    }
    %scan3A_73 = arith.constant 16 : i32
    "tpu.region"() ({
      %run_scoped3A = tpu.sem_alloc : memref<!tpu.dma_semaphore, #tpu.memory_space<semaphore_mem>>
      %dma_start3A_74 = arith.constant 0 : i32
      %dma_start3A_75 = tpu.memref_slice %arg5[%add3A_58, %dma_start3A_74] : memref<2048x1024xf32, #tpu.memory_space<hbm>> -> memref<16x1024xf32, #tpu.memory_space<hbm>>
      %dma_start3A_76 = arith.constant 0 : i32
      %dma_start3A_77 = tpu.memref_slice %arg5[%add3A_58, %dma_start3A_76] : memref<2048x1024xf32, #tpu.memory_space<hbm>> -> memref<16x1024xf32, #tpu.memory_space<hbm>>
      tpu.enqueue_dma source(%arg8 : memref<16x1024xf32, #tpu.memory_space<vmem>>) target(%dma_start3A_77 : memref<16x1024xf32, #tpu.memory_space<hbm>>) target_semaphore(%run_scoped3A : memref<!tpu.dma_semaphore, #tpu.memory_space<semaphore_mem>>)
      %dma_wait3A_78 = arith.constant 0 : i32
      %dma_wait3A_79 = tpu.memref_slice %arg5[%add3A_58, %dma_wait3A_78] : memref<2048x1024xf32, #tpu.memory_space<hbm>> -> memref<16x1024xf32, #tpu.memory_space<hbm>>
      %dma_wait3A_80 = arith.constant 0 : i32
      %dma_wait3A_81 = tpu.memref_slice %arg5[%add3A_58, %dma_wait3A_80] : memref<2048x1024xf32, #tpu.memory_space<hbm>> -> memref<16x1024xf32, #tpu.memory_space<hbm>>
      tpu.wait_dma2 semaphore(%run_scoped3A : memref<!tpu.dma_semaphore, #tpu.memory_space<semaphore_mem>>) src(%arg8 : memref<16x1024xf32, #tpu.memory_space<vmem>>) dst(%dma_wait3A_81 : memref<16x1024xf32, #tpu.memory_space<hbm>>)
      tpu.yield
    }) : () -> ()
    return
  }
}

module attributes {stable_mosaic.version = 14 : i64} {
  func.func @_attn_body(%arg0: i32, %arg1: i32, %arg2: memref<256x256xf32, #tpu.memory_space<vmem>>, %arg3: memref<2048x256xf32, #tpu.memory_space<vmem>>, %arg4: memref<2048x256xf32, #tpu.memory_space<vmem>>, %arg5: memref<256x256xf32, #tpu.memory_space<vmem>>) attributes {dimension_semantics = [#tpu.dimension_semantics<arbitrary>, #tpu.dimension_semantics<arbitrary>], iteration_bounds = array<i64: 4, 8>, scalar_prefetch = 0 : i64, scratch_operands = 0 : i64, tpu.core_type = #tpu.core_type<tc>, window_params = [{transform_indices = @transform_0, window_bounds = array<i64: 256, 256>}, {pipeline_mode = #tpu.pipeline_mode<synchronous>, transform_indices = @transform_1, window_bounds = array<i64: 2048, 256>}, {pipeline_mode = #tpu.pipeline_mode<synchronous>, transform_indices = @transform_2, window_bounds = array<i64: 2048, 256>}, {transform_indices = @transform_3, window_bounds = array<i64: 256, 256>}]} {
    %get3A = arith.constant 0 : index
    %get3A_0 = arith.constant 0 : index
    %get3A_1 = vector.load %arg2[%get3A, %get3A_0] : memref<256x256xf32, #tpu.memory_space<vmem>>, vector<256x256xf32>
    %get3A_2 = arith.constant 0 : index
    %get3A_3 = arith.constant 0 : index
    %get3A_4 = vector.load %arg3[%get3A_2, %get3A_3] : memref<2048x256xf32, #tpu.memory_space<vmem>>, vector<2048x256xf32>
    %dot_general3A = arith.constant dense<0.000000e+00> : vector<256x2048xf32>
    %dot_general3A_5 = tpu.matmul %get3A_1, %get3A_4, %dot_general3A {dimension_numbers = #tpu.dot_dimension_numbers<[1], [1], [0], [0], [0, 0, 1, 0], [], []>, transpose_lhs_hint = false} : vector<256x256xf32>, vector<2048x256xf32>, vector<256x2048xf32> -> vector<256x2048xf32>
    %mul3A = arith.constant 6.250000e-02 : f32
    %mul3A_6 = vector.broadcast %mul3A : f32 to vector<256x2048xf32>
    %mul3A_7 = arith.mulf %dot_general3A_5, %mul3A_6 : vector<256x2048xf32>
    %reduce_max3A = arith.constant dense<0xFF800000> : vector<256xf32>
    %reduce_max3A_8 = vector.multi_reduction <maximumf>, %mul3A_7, %reduce_max3A [1] : vector<256x2048xf32> to vector<256xf32>
    %broadcast_in_dim3A = vector.shape_cast %reduce_max3A_8 : vector<256xf32> to vector<256x1xf32>
    %sub3A = vector.broadcast %broadcast_in_dim3A : vector<256x1xf32> to vector<256x2048xf32>
    %sub3A_9 = arith.subf %mul3A_7, %sub3A : vector<256x2048xf32>
    %exp3A = math.exp %sub3A_9 : vector<256x2048xf32>
    %reduce_sum3A = arith.constant dense<0.000000e+00> : vector<256xf32>
    %reduce_sum3A_10 = vector.multi_reduction <add>, %exp3A, %reduce_sum3A [1] : vector<256x2048xf32> to vector<256xf32>
    %broadcast_in_dim3A_11 = vector.shape_cast %reduce_sum3A_10 : vector<256xf32> to vector<256x1xf32>
    %get3A_12 = arith.constant 0 : index
    %get3A_13 = arith.constant 0 : index
    %get3A_14 = vector.load %arg4[%get3A_12, %get3A_13] : memref<2048x256xf32, #tpu.memory_space<vmem>>, vector<2048x256xf32>
    %dot_general3A_15 = arith.constant dense<0.000000e+00> : vector<256x256xf32>
    %dot_general3A_16 = tpu.matmul %exp3A, %get3A_14, %dot_general3A_15 {dimension_numbers = #tpu.dot_dimension_numbers<[1], [0], [0], [1], [0, 0, 1, 1], [], []>, transpose_lhs_hint = false} : vector<256x2048xf32>, vector<2048x256xf32>, vector<256x256xf32> -> vector<256x256xf32>
    %div3A = vector.broadcast %broadcast_in_dim3A_11 : vector<256x1xf32> to vector<256x256xf32>
    %div3A_17 = arith.divf %dot_general3A_16, %div3A : vector<256x256xf32>
    %swap3A = arith.constant 0 : index
    %swap3A_18 = arith.constant 0 : index
    %swap3A_19 = vector.load %arg5[%swap3A, %swap3A_18] : memref<256x256xf32, #tpu.memory_space<vmem>>, vector<256x256xf32>
    tpu.vector_store %arg5[%swap3A, %swap3A_18], %div3A_17 {strides = array<i32>} : memref<256x256xf32, #tpu.memory_space<vmem>>, vector<256x256xf32>,
    return
  }
  func.func @transform_0(%arg0: i32, %arg1: i32) -> (i32, i32) {
    %c0_i32 = arith.constant 0 : i32
    return %arg1, %arg0 : i32, i32
  }
  func.func @transform_1(%arg0: i32, %arg1: i32) -> (i32, i32) {
    %c0_i32 = arith.constant 0 : i32
    %c0_i32_0 = arith.constant 0 : i32
    %c0_i32_1 = arith.constant 0 : i32
    return %c0_i32, %c0_i32_0 : i32, i32
  }
  func.func @transform_2(%arg0: i32, %arg1: i32) -> (i32, i32) {
    %c0_i32 = arith.constant 0 : i32
    %c0_i32_0 = arith.constant 0 : i32
    %c0_i32_1 = arith.constant 0 : i32
    return %c0_i32, %c0_i32_0 : i32, i32
  }
  func.func @transform_3(%arg0: i32, %arg1: i32) -> (i32, i32) {
    %c0_i32 = arith.constant 0 : i32
    return %arg1, %arg0 : i32, i32
  }
}

module attributes {stable_mosaic.version = 14 : i64} {
  func.func @_s1_body(%arg0: i32, %arg1: memref<256x1024xf32, #tpu.memory_space<vmem>>, %arg2: memref<1024x1024xf32, #tpu.memory_space<vmem>>, %arg3: memref<1024x256xf32, #tpu.memory_space<vmem>>, %arg4: memref<1024x256xf32, #tpu.memory_space<vmem>>, %arg5: memref<1x1024xf32, #tpu.memory_space<vmem>>, %arg6: memref<1x1024xf32, #tpu.memory_space<vmem>>, %arg7: memref<256x128xf32, #tpu.memory_space<vmem>>, %arg8: memref<256x128xf32, #tpu.memory_space<vmem>>, %arg9: memref<256x1024xf32, #tpu.memory_space<vmem>>, %arg10: memref<256x256xf32, #tpu.memory_space<vmem>>, %arg11: memref<256x256xf32, #tpu.memory_space<vmem>>) attributes {dimension_semantics = [#tpu.dimension_semantics<arbitrary>], iteration_bounds = array<i64: 8>, scalar_prefetch = 0 : i64, scratch_operands = 0 : i64, tpu.core_type = #tpu.core_type<tc>, window_params = [{transform_indices = @transform_0, window_bounds = array<i64: 256, 1024>}, {pipeline_mode = #tpu.pipeline_mode<synchronous>, transform_indices = @transform_1, window_bounds = array<i64: 1024, 1024>}, {pipeline_mode = #tpu.pipeline_mode<synchronous>, transform_indices = @transform_2, window_bounds = array<i64: 1024, 256>}, {pipeline_mode = #tpu.pipeline_mode<synchronous>, transform_indices = @transform_3, window_bounds = array<i64: 1024, 256>}, {pipeline_mode = #tpu.pipeline_mode<synchronous>, transform_indices = @transform_4, window_bounds = array<i64: 1, 1024>}, {pipeline_mode = #tpu.pipeline_mode<synchronous>, transform_indices = @transform_5, window_bounds = array<i64: 1, 1024>}, {transform_indices = @transform_6, window_bounds = array<i64: 256, 128>}, {transform_indices = @transform_7, window_bounds = array<i64: 256, 128>}, {transform_indices = @transform_8, window_bounds = array<i64: 256, 1024>}, {transform_indices = @transform_9, window_bounds = array<i64: 256, 256>}, {transform_indices = @transform_10, window_bounds = array<i64: 256, 256>}]} {
    %get3A = arith.constant 0 : index
    %get3A_0 = arith.constant 0 : index
    %get3A_1 = vector.load %arg1[%get3A, %get3A_0] : memref<256x1024xf32, #tpu.memory_space<vmem>>, vector<256x1024xf32>
    %reduce_sum3A = arith.constant dense<0.000000e+00> : vector<256xf32>
    %reduce_sum3A_2 = vector.multi_reduction <add>, %get3A_1, %reduce_sum3A [1] : vector<256x1024xf32> to vector<256xf32>
    %broadcast_in_dim3A = vector.shape_cast %reduce_sum3A_2 : vector<256xf32> to vector<256x1xf32>
    %div3A = arith.constant 1.024000e+03 : f32
    %div3A_3 = vector.broadcast %div3A : f32 to vector<256x1xf32>
    %div3A_4 = arith.divf %broadcast_in_dim3A, %div3A_3 : vector<256x1xf32>
    %sub3A = vector.broadcast %div3A_4 : vector<256x1xf32> to vector<256x1024xf32>
    %sub3A_5 = arith.subf %get3A_1, %sub3A : vector<256x1024xf32>
    %integer_pow3A = arith.mulf %sub3A_5, %sub3A_5 : vector<256x1024xf32>
    %reduce_sum3A_6 = arith.constant dense<0.000000e+00> : vector<256xf32>
    %reduce_sum3A_7 = vector.multi_reduction <add>, %integer_pow3A, %reduce_sum3A_6 [1] : vector<256x1024xf32> to vector<256xf32>
    %broadcast_in_dim3A_8 = vector.shape_cast %reduce_sum3A_7 : vector<256xf32> to vector<256x1xf32>
    %div3A_9 = arith.constant 1.024000e+03 : f32
    %div3A_10 = vector.broadcast %div3A_9 : f32 to vector<256x1xf32>
    %div3A_11 = arith.divf %broadcast_in_dim3A_8, %div3A_10 : vector<256x1xf32>
    %sub3A_12 = vector.broadcast %div3A_4 : vector<256x1xf32> to vector<256x1024xf32>
    %sub3A_13 = arith.subf %get3A_1, %sub3A_12 : vector<256x1024xf32>
    %add3A = arith.constant 9.99999974E-6 : f32
    %add3A_14 = vector.broadcast %add3A : f32 to vector<256x1xf32>
    %add3A_15 = arith.addf %div3A_11, %add3A_14 : vector<256x1xf32>
    %rsqrt3A = math.rsqrt %add3A_15 : vector<256x1xf32>
    %mul3A = vector.broadcast %rsqrt3A : vector<256x1xf32> to vector<256x1024xf32>
    %mul3A_16 = arith.mulf %sub3A_13, %mul3A : vector<256x1024xf32>
    %get3A_17 = arith.constant 0 : index
    %get3A_18 = arith.constant 0 : index
    %get3A_19 = vector.load %arg5[%get3A_17, %get3A_18] : memref<1x1024xf32, #tpu.memory_space<vmem>>, vector<1x1024xf32>
    %mul3A_20 = vector.broadcast %get3A_19 : vector<1x1024xf32> to vector<256x1024xf32>
    %mul3A_21 = arith.mulf %mul3A_16, %mul3A_20 : vector<256x1024xf32>
    %get3A_22 = arith.constant 0 : index
    %get3A_23 = arith.constant 0 : index
    %get3A_24 = vector.load %arg6[%get3A_22, %get3A_23] : memref<1x1024xf32, #tpu.memory_space<vmem>>, vector<1x1024xf32>
    %add3A_25 = vector.broadcast %get3A_24 : vector<1x1024xf32> to vector<256x1024xf32>
    %add3A_26 = arith.addf %mul3A_21, %add3A_25 : vector<256x1024xf32>
    %get3A_27 = arith.constant 0 : index
    %get3A_28 = arith.constant 0 : index
    %get3A_29 = vector.load %arg2[%get3A_27, %get3A_28] : memref<1024x1024xf32, #tpu.memory_space<vmem>>, vector<1024x1024xf32>
    %dot_general3A = arith.constant dense<0.000000e+00> : vector<256x1024xf32>
    %dot_general3A_30 = tpu.matmul %add3A_26, %get3A_29, %dot_general3A {dimension_numbers = #tpu.dot_dimension_numbers<[1], [0], [0], [1], [0, 0, 1, 1], [], []>, transpose_lhs_hint = false} : vector<256x1024xf32>, vector<1024x1024xf32>, vector<256x1024xf32> -> vector<256x1024xf32>
    %get3A_31 = arith.constant 0 : index
    %get3A_32 = arith.constant 0 : index
    %get3A_33 = vector.load %arg3[%get3A_31, %get3A_32] : memref<1024x256xf32, #tpu.memory_space<vmem>>, vector<1024x256xf32>
    %dot_general3A_34 = arith.constant dense<0.000000e+00> : vector<256x256xf32>
    %dot_general3A_35 = tpu.matmul %add3A_26, %get3A_33, %dot_general3A_34 {dimension_numbers = #tpu.dot_dimension_numbers<[1], [0], [0], [1], [0, 0, 1, 1], [], []>, transpose_lhs_hint = false} : vector<256x1024xf32>, vector<1024x256xf32>, vector<256x256xf32> -> vector<256x256xf32>
    %get3A_36 = arith.constant 0 : index
    %get3A_37 = arith.constant 0 : index
    %get3A_38 = vector.load %arg4[%get3A_36, %get3A_37] : memref<1024x256xf32, #tpu.memory_space<vmem>>, vector<1024x256xf32>
    %dot_general3A_39 = arith.constant dense<0.000000e+00> : vector<256x256xf32>
    %dot_general3A_40 = tpu.matmul %add3A_26, %get3A_38, %dot_general3A_39 {dimension_numbers = #tpu.dot_dimension_numbers<[1], [0], [0], [1], [0, 0, 1, 1], [], []>, transpose_lhs_hint = false} : vector<256x1024xf32>, vector<1024x256xf32>, vector<256x256xf32> -> vector<256x256xf32>
    %get3A_41 = arith.constant 0 : index
    %get3A_42 = arith.constant 0 : index
    %get3A_43 = vector.load %arg7[%get3A_41, %get3A_42] : memref<256x128xf32, #tpu.memory_space<vmem>>, vector<256x128xf32>
    %get3A_44 = arith.constant 0 : index
    %get3A_45 = arith.constant 0 : index
    %get3A_46 = vector.load %arg8[%get3A_44, %get3A_45] : memref<256x128xf32, #tpu.memory_space<vmem>>, vector<256x128xf32>
    %slice3A = vector.extract_strided_slice %dot_general3A_30 {offsets = [0, 0], sizes = [256, 128], strides = [1, 1]} : vector<256x1024xf32> to vector<256x128xf32>
    %slice3A_47 = vector.extract_strided_slice %dot_general3A_30 {offsets = [0, 128], sizes = [256, 128], strides = [1, 1]} : vector<256x1024xf32> to vector<256x128xf32>
    %mul3A_48 = arith.mulf %slice3A, %get3A_43 : vector<256x128xf32>
    %mul3A_49 = arith.mulf %slice3A_47, %get3A_46 : vector<256x128xf32>
    %sub3A_50 = arith.subf %mul3A_48, %mul3A_49 : vector<256x128xf32>
    %mul3A_51 = arith.mulf %slice3A_47, %get3A_43 : vector<256x128xf32>
    %mul3A_52 = arith.mulf %slice3A, %get3A_46 : vector<256x128xf32>
    %add3A_53 = arith.addf %mul3A_51, %mul3A_52 : vector<256x128xf32>
    %slice3A_54 = vector.extract_strided_slice %dot_general3A_30 {offsets = [0, 256], sizes = [256, 128], strides = [1, 1]} : vector<256x1024xf32> to vector<256x128xf32>
    %slice3A_55 = vector.extract_strided_slice %dot_general3A_30 {offsets = [0, 384], sizes = [256, 128], strides = [1, 1]} : vector<256x1024xf32> to vector<256x128xf32>
    %mul3A_56 = arith.mulf %slice3A_54, %get3A_43 : vector<256x128xf32>
    %mul3A_57 = arith.mulf %slice3A_55, %get3A_46 : vector<256x128xf32>
    %sub3A_58 = arith.subf %mul3A_56, %mul3A_57 : vector<256x128xf32>
    %mul3A_59 = arith.mulf %slice3A_55, %get3A_43 : vector<256x128xf32>
    %mul3A_60 = arith.mulf %slice3A_54, %get3A_46 : vector<256x128xf32>
    %add3A_61 = arith.addf %mul3A_59, %mul3A_60 : vector<256x128xf32>
    %slice3A_62 = vector.extract_strided_slice %dot_general3A_30 {offsets = [0, 512], sizes = [256, 128], strides = [1, 1]} : vector<256x1024xf32> to vector<256x128xf32>
    %slice3A_63 = vector.extract_strided_slice %dot_general3A_30 {offsets = [0, 640], sizes = [256, 128], strides = [1, 1]} : vector<256x1024xf32> to vector<256x128xf32>
    %mul3A_64 = arith.mulf %slice3A_62, %get3A_43 : vector<256x128xf32>
    %mul3A_65 = arith.mulf %slice3A_63, %get3A_46 : vector<256x128xf32>
    %sub3A_66 = arith.subf %mul3A_64, %mul3A_65 : vector<256x128xf32>
    %mul3A_67 = arith.mulf %slice3A_63, %get3A_43 : vector<256x128xf32>
    %mul3A_68 = arith.mulf %slice3A_62, %get3A_46 : vector<256x128xf32>
    %add3A_69 = arith.addf %mul3A_67, %mul3A_68 : vector<256x128xf32>
    %slice3A_70 = vector.extract_strided_slice %dot_general3A_30 {offsets = [0, 768], sizes = [256, 128], strides = [1, 1]} : vector<256x1024xf32> to vector<256x128xf32>
    %slice3A_71 = vector.extract_strided_slice %dot_general3A_30 {offsets = [0, 896], sizes = [256, 128], strides = [1, 1]} : vector<256x1024xf32> to vector<256x128xf32>
    %mul3A_72 = arith.mulf %slice3A_70, %get3A_43 : vector<256x128xf32>
    %mul3A_73 = arith.mulf %slice3A_71, %get3A_46 : vector<256x128xf32>
    %sub3A_74 = arith.subf %mul3A_72, %mul3A_73 : vector<256x128xf32>
    %mul3A_75 = arith.mulf %slice3A_71, %get3A_43 : vector<256x128xf32>
    %mul3A_76 = arith.mulf %slice3A_70, %get3A_46 : vector<256x128xf32>
    %add3A_77 = arith.addf %mul3A_75, %mul3A_76 : vector<256x128xf32>
    %concatenate3A = tpu.concatenate %sub3A_50, %add3A_53, %sub3A_58, %add3A_61, %sub3A_66, %add3A_69, %sub3A_74, %add3A_77 in 1 : vector<256x128xf32>, vector<256x128xf32>, vector<256x128xf32>, vector<256x128xf32>, vector<256x128xf32>, vector<256x128xf32>, vector<256x128xf32>, vector<256x128xf32> -> vector<256x1024xf32>
    %swap3A = arith.constant 0 : index
    %swap3A_78 = arith.constant 0 : index
    %swap3A_79 = vector.load %arg9[%swap3A, %swap3A_78] : memref<256x1024xf32, #tpu.memory_space<vmem>>, vector<256x1024xf32>
    tpu.vector_store %arg9[%swap3A, %swap3A_78], %concatenate3A {strides = array<i32>} : memref<256x1024xf32, #tpu.memory_space<vmem>>, vector<256x1024xf32>,
    %slice3A_80 = vector.extract_strided_slice %dot_general3A_35 {offsets = [0, 0], sizes = [256, 128], strides = [1, 1]} : vector<256x256xf32> to vector<256x128xf32>
    %slice3A_81 = vector.extract_strided_slice %dot_general3A_35 {offsets = [0, 128], sizes = [256, 128], strides = [1, 1]} : vector<256x256xf32> to vector<256x128xf32>
    %mul3A_82 = arith.mulf %slice3A_80, %get3A_43 : vector<256x128xf32>
    %mul3A_83 = arith.mulf %slice3A_81, %get3A_46 : vector<256x128xf32>
    %sub3A_84 = arith.subf %mul3A_82, %mul3A_83 : vector<256x128xf32>
    %mul3A_85 = arith.mulf %slice3A_81, %get3A_43 : vector<256x128xf32>
    %mul3A_86 = arith.mulf %slice3A_80, %get3A_46 : vector<256x128xf32>
    %add3A_87 = arith.addf %mul3A_85, %mul3A_86 : vector<256x128xf32>
    %concatenate3A_88 = tpu.concatenate %sub3A_84, %add3A_87 in 1 : vector<256x128xf32>, vector<256x128xf32> -> vector<256x256xf32>
    %swap3A_89 = arith.constant 0 : index
    %swap3A_90 = arith.constant 0 : index
    %swap3A_91 = vector.load %arg10[%swap3A_89, %swap3A_90] : memref<256x256xf32, #tpu.memory_space<vmem>>, vector<256x256xf32>
    tpu.vector_store %arg10[%swap3A_89, %swap3A_90], %concatenate3A_88 {strides = array<i32>} : memref<256x256xf32, #tpu.memory_space<vmem>>, vector<256x256xf32>,
    %swap3A_92 = arith.constant 0 : index
    %swap3A_93 = arith.constant 0 : index
    %swap3A_94 = vector.load %arg11[%swap3A_92, %swap3A_93] : memref<256x256xf32, #tpu.memory_space<vmem>>, vector<256x256xf32>
    tpu.vector_store %arg11[%swap3A_92, %swap3A_93], %dot_general3A_40 {strides = array<i32>} : memref<256x256xf32, #tpu.memory_space<vmem>>, vector<256x256xf32>,
    return
  }
  func.func @transform_0(%arg0: i32) -> (i32, i32) {
    %c0_i32 = arith.constant 0 : i32
    %c0_i32_0 = arith.constant 0 : i32
    return %arg0, %c0_i32 : i32, i32
  }
  func.func @transform_1(%arg0: i32) -> (i32, i32) {
    %c0_i32 = arith.constant 0 : i32
    %c0_i32_0 = arith.constant 0 : i32
    %c0_i32_1 = arith.constant 0 : i32
    return %c0_i32, %c0_i32_0 : i32, i32
  }
  func.func @transform_2(%arg0: i32) -> (i32, i32) {
    %c0_i32 = arith.constant 0 : i32
    %c0_i32_0 = arith.constant 0 : i32
    %c0_i32_1 = arith.constant 0 : i32
    return %c0_i32, %c0_i32_0 : i32, i32
  }
  func.func @transform_3(%arg0: i32) -> (i32, i32) {
    %c0_i32 = arith.constant 0 : i32
    %c0_i32_0 = arith.constant 0 : i32
    %c0_i32_1 = arith.constant 0 : i32
    return %c0_i32, %c0_i32_0 : i32, i32
  }
  func.func @transform_4(%arg0: i32) -> (i32, i32) {
    %c0_i32 = arith.constant 0 : i32
    %c0_i32_0 = arith.constant 0 : i32
    %c0_i32_1 = arith.constant 0 : i32
    return %c0_i32, %c0_i32_0 : i32, i32
  }
  func.func @transform_5(%arg0: i32) -> (i32, i32) {
    %c0_i32 = arith.constant 0 : i32
    %c0_i32_0 = arith.constant 0 : i32
    %c0_i32_1 = arith.constant 0 : i32
    return %c0_i32, %c0_i32_0 : i32, i32
  }
  func.func @transform_6(%arg0: i32) -> (i32, i32) {
    %c0_i32 = arith.constant 0 : i32
    %c0_i32_0 = arith.constant 0 : i32
    return %arg0, %c0_i32 : i32, i32
  }
  func.func @transform_7(%arg0: i32) -> (i32, i32) {
    %c0_i32 = arith.constant 0 : i32
    %c0_i32_0 = arith.constant 0 : i32
    return %arg0, %c0_i32 : i32, i32
  }
  func.func @transform_8(%arg0: i32) -> (i32, i32) {
    %c0_i32 = arith.constant 0 : i32
    %c0_i32_0 = arith.constant 0 : i32
    return %arg0, %c0_i32 : i32, i32
  }
  func.func @transform_9(%arg0: i32) -> (i32, i32) {
    %c0_i32 = arith.constant 0 : i32
    %c0_i32_0 = arith.constant 0 : i32
    return %arg0, %c0_i32 : i32, i32
  }
  func.func @transform_10(%arg0: i32) -> (i32, i32) {
    %c0_i32 = arith.constant 0 : i32
    %c0_i32_0 = arith.constant 0 : i32
    return %arg0, %c0_i32 : i32, i32
  }
}

module attributes {stable_mosaic.version = 14 : i64} {
  func.func @_s3_body(%arg0: i32, %arg1: memref<256x1024xf32, #tpu.memory_space<vmem>>, %arg2: memref<1024x1024xf32, #tpu.memory_space<vmem>>, %arg3: memref<256x1024xf32, #tpu.memory_space<vmem>>, %arg4: memref<1x1024xf32, #tpu.memory_space<vmem>>, %arg5: memref<1x1024xf32, #tpu.memory_space<vmem>>, %arg6: memref<1024x128xf32, #tpu.memory_space<vmem>>, %arg7: memref<256x1024xf32, #tpu.memory_space<vmem>>, %arg8: memref<256x1024xf32, #tpu.memory_space<vmem>>, %arg9: memref<256x128xf32, #tpu.memory_space<vmem>>) attributes {dimension_semantics = [#tpu.dimension_semantics<arbitrary>], iteration_bounds = array<i64: 8>, scalar_prefetch = 0 : i64, scratch_operands = 0 : i64, tpu.core_type = #tpu.core_type<tc>, window_params = [{transform_indices = @transform_0, window_bounds = array<i64: 256, 1024>}, {pipeline_mode = #tpu.pipeline_mode<synchronous>, transform_indices = @transform_1, window_bounds = array<i64: 1024, 1024>}, {transform_indices = @transform_2, window_bounds = array<i64: 256, 1024>}, {pipeline_mode = #tpu.pipeline_mode<synchronous>, transform_indices = @transform_3, window_bounds = array<i64: 1, 1024>}, {pipeline_mode = #tpu.pipeline_mode<synchronous>, transform_indices = @transform_4, window_bounds = array<i64: 1, 1024>}, {pipeline_mode = #tpu.pipeline_mode<synchronous>, transform_indices = @transform_5, window_bounds = array<i64: 1024, 128>}, {transform_indices = @transform_6, window_bounds = array<i64: 256, 1024>}, {transform_indices = @transform_7, window_bounds = array<i64: 256, 1024>}, {transform_indices = @transform_8, window_bounds = array<i64: 256, 128>}]} {
    %get3A = arith.constant 0 : index
    %get3A_0 = arith.constant 0 : index
    %get3A_1 = vector.load %arg1[%get3A, %get3A_0] : memref<256x1024xf32, #tpu.memory_space<vmem>>, vector<256x1024xf32>
    %get3A_2 = arith.constant 0 : index
    %get3A_3 = arith.constant 0 : index
    %get3A_4 = vector.load %arg2[%get3A_2, %get3A_3] : memref<1024x1024xf32, #tpu.memory_space<vmem>>, vector<1024x1024xf32>
    %dot_general3A = arith.constant dense<0.000000e+00> : vector<256x1024xf32>
    %dot_general3A_5 = tpu.matmul %get3A_1, %get3A_4, %dot_general3A {dimension_numbers = #tpu.dot_dimension_numbers<[1], [0], [0], [1], [0, 0, 1, 1], [], []>, transpose_lhs_hint = false} : vector<256x1024xf32>, vector<1024x1024xf32>, vector<256x1024xf32> -> vector<256x1024xf32>
    %get3A_6 = arith.constant 0 : index
    %get3A_7 = arith.constant 0 : index
    %get3A_8 = vector.load %arg3[%get3A_6, %get3A_7] : memref<256x1024xf32, #tpu.memory_space<vmem>>, vector<256x1024xf32>
    %add3A = arith.addf %get3A_8, %dot_general3A_5 : vector<256x1024xf32>
    %swap3A = arith.constant 0 : index
    %swap3A_9 = arith.constant 0 : index
    %swap3A_10 = vector.load %arg7[%swap3A, %swap3A_9] : memref<256x1024xf32, #tpu.memory_space<vmem>>, vector<256x1024xf32>
    tpu.vector_store %arg7[%swap3A, %swap3A_9], %add3A {strides = array<i32>} : memref<256x1024xf32, #tpu.memory_space<vmem>>, vector<256x1024xf32>,
    %reduce_sum3A = arith.constant dense<0.000000e+00> : vector<256xf32>
    %reduce_sum3A_11 = vector.multi_reduction <add>, %add3A, %reduce_sum3A [1] : vector<256x1024xf32> to vector<256xf32>
    %broadcast_in_dim3A = vector.shape_cast %reduce_sum3A_11 : vector<256xf32> to vector<256x1xf32>
    %div3A = arith.constant 1.024000e+03 : f32
    %div3A_12 = vector.broadcast %div3A : f32 to vector<256x1xf32>
    %div3A_13 = arith.divf %broadcast_in_dim3A, %div3A_12 : vector<256x1xf32>
    %sub3A = vector.broadcast %div3A_13 : vector<256x1xf32> to vector<256x1024xf32>
    %sub3A_14 = arith.subf %add3A, %sub3A : vector<256x1024xf32>
    %integer_pow3A = arith.mulf %sub3A_14, %sub3A_14 : vector<256x1024xf32>
    %reduce_sum3A_15 = arith.constant dense<0.000000e+00> : vector<256xf32>
    %reduce_sum3A_16 = vector.multi_reduction <add>, %integer_pow3A, %reduce_sum3A_15 [1] : vector<256x1024xf32> to vector<256xf32>
    %broadcast_in_dim3A_17 = vector.shape_cast %reduce_sum3A_16 : vector<256xf32> to vector<256x1xf32>
    %div3A_18 = arith.constant 1.024000e+03 : f32
    %div3A_19 = vector.broadcast %div3A_18 : f32 to vector<256x1xf32>
    %div3A_20 = arith.divf %broadcast_in_dim3A_17, %div3A_19 : vector<256x1xf32>
    %sub3A_21 = vector.broadcast %div3A_13 : vector<256x1xf32> to vector<256x1024xf32>
    %sub3A_22 = arith.subf %add3A, %sub3A_21 : vector<256x1024xf32>
    %add3A_23 = arith.constant 9.99999974E-6 : f32
    %add3A_24 = vector.broadcast %add3A_23 : f32 to vector<256x1xf32>
    %add3A_25 = arith.addf %div3A_20, %add3A_24 : vector<256x1xf32>
    %rsqrt3A = math.rsqrt %add3A_25 : vector<256x1xf32>
    %mul3A = vector.broadcast %rsqrt3A : vector<256x1xf32> to vector<256x1024xf32>
    %mul3A_26 = arith.mulf %sub3A_22, %mul3A : vector<256x1024xf32>
    %get3A_27 = arith.constant 0 : index
    %get3A_28 = arith.constant 0 : index
    %get3A_29 = vector.load %arg4[%get3A_27, %get3A_28] : memref<1x1024xf32, #tpu.memory_space<vmem>>, vector<1x1024xf32>
    %mul3A_30 = vector.broadcast %get3A_29 : vector<1x1024xf32> to vector<256x1024xf32>
    %mul3A_31 = arith.mulf %mul3A_26, %mul3A_30 : vector<256x1024xf32>
    %get3A_32 = arith.constant 0 : index
    %get3A_33 = arith.constant 0 : index
    %get3A_34 = vector.load %arg5[%get3A_32, %get3A_33] : memref<1x1024xf32, #tpu.memory_space<vmem>>, vector<1x1024xf32>
    %add3A_35 = vector.broadcast %get3A_34 : vector<1x1024xf32> to vector<256x1024xf32>
    %add3A_36 = arith.addf %mul3A_31, %add3A_35 : vector<256x1024xf32>
    %swap3A_37 = arith.constant 0 : index
    %swap3A_38 = arith.constant 0 : index
    %swap3A_39 = vector.load %arg8[%swap3A_37, %swap3A_38] : memref<256x1024xf32, #tpu.memory_space<vmem>>, vector<256x1024xf32>
    tpu.vector_store %arg8[%swap3A_37, %swap3A_38], %add3A_36 {strides = array<i32>} : memref<256x1024xf32, #tpu.memory_space<vmem>>, vector<256x1024xf32>,
    %get3A_40 = arith.constant 0 : index
    %get3A_41 = arith.constant 0 : index
    %get3A_42 = vector.load %arg6[%get3A_40, %get3A_41] : memref<1024x128xf32, #tpu.memory_space<vmem>>, vector<1024x128xf32>
    %dot_general3A_43 = arith.constant dense<0.000000e+00> : vector<256x128xf32>
    %dot_general3A_44 = tpu.matmul %add3A_36, %get3A_42, %dot_general3A_43 {dimension_numbers = #tpu.dot_dimension_numbers<[1], [0], [0], [1], [0, 0, 1, 1], [], []>, transpose_lhs_hint = false} : vector<256x1024xf32>, vector<1024x128xf32>, vector<256x128xf32> -> vector<256x128xf32>
    %iota3A = tpu.iota {dimensions = array<i32: 1>} : vector<256x128xi32>
    %lt3A = arith.constant 8 : i32
    %lt3A_45 = vector.broadcast %lt3A : i32 to vector<256x128xi32>
    %lt3A_46 = arith.cmpi slt, %iota3A, %lt3A_45 : vector<256x128xi32>
    %jit3A = arith.constant -1.000000e+30 : f32
    %broadcast_in_dim3A_47 = vector.broadcast %jit3A : f32 to vector<256x128xf32>
    %select_n3A = arith.select %lt3A_46, %dot_general3A_44, %broadcast_in_dim3A_47 : vector<256x128xi1>, vector<256x128xf32>
    %reduce_max3A = arith.constant dense<0xFF800000> : vector<256xf32>
    %reduce_max3A_48 = vector.multi_reduction <maximumf>, %select_n3A, %reduce_max3A [1] : vector<256x128xf32> to vector<256xf32>
    %broadcast_in_dim3A_49 = vector.shape_cast %reduce_max3A_48 : vector<256xf32> to vector<256x1xf32>
    %sub3A_50 = vector.broadcast %broadcast_in_dim3A_49 : vector<256x1xf32> to vector<256x128xf32>
    %sub3A_51 = arith.subf %select_n3A, %sub3A_50 : vector<256x128xf32>
    %exp3A = math.exp %sub3A_51 : vector<256x128xf32>
    %jit3A_52 = arith.constant 0.000000e+00 : f32
    %broadcast_in_dim3A_53 = vector.broadcast %jit3A_52 : f32 to vector<256x128xf32>
    %select_n3A_54 = arith.select %lt3A_46, %exp3A, %broadcast_in_dim3A_53 : vector<256x128xi1>, vector<256x128xf32>
    %reduce_sum3A_55 = arith.constant dense<0.000000e+00> : vector<256xf32>
    %reduce_sum3A_56 = vector.multi_reduction <add>, %select_n3A_54, %reduce_sum3A_55 [1] : vector<256x128xf32> to vector<256xf32>
    %broadcast_in_dim3A_57 = vector.shape_cast %reduce_sum3A_56 : vector<256xf32> to vector<256x1xf32>
    %div3A_58 = vector.broadcast %broadcast_in_dim3A_57 : vector<256x1xf32> to vector<256x128xf32>
    %div3A_59 = arith.divf %select_n3A_54, %div3A_58 : vector<256x128xf32>
    %reduce_max3A_60 = arith.constant dense<0xFF800000> : vector<256xf32>
    %reduce_max3A_61 = vector.multi_reduction <maximumf>, %div3A_59, %reduce_max3A_60 [1] : vector<256x128xf32> to vector<256xf32>
    %broadcast_in_dim3A_62 = vector.shape_cast %reduce_max3A_61 : vector<256xf32> to vector<256x1xf32>
    %eq3A = vector.broadcast %broadcast_in_dim3A_62 : vector<256x1xf32> to vector<256x128xf32>
    %eq3A_63 = arith.cmpf oeq, %div3A_59, %eq3A : vector<256x128xf32>
    %jit3A_64 = arith.constant 128 : i32
    %broadcast_in_dim3A_65 = vector.broadcast %jit3A_64 : i32 to vector<256x128xi32>
    %select_n3A_66 = arith.select %eq3A_63, %iota3A, %broadcast_in_dim3A_65 : vector<256x128xi1>, vector<256x128xi32>
    %reduce_min3A = arith.constant dense<2147483647> : vector<256xi32>
    %reduce_min3A_67 = vector.multi_reduction <minsi>, %select_n3A_66, %reduce_min3A [1] : vector<256x128xi32> to vector<256xi32>
    %broadcast_in_dim3A_68 = vector.shape_cast %reduce_min3A_67 : vector<256xi32> to vector<256x1xi32>
    %eq3A_69 = vector.broadcast %broadcast_in_dim3A_68 : vector<256x1xi32> to vector<256x128xi32>
    %eq3A_70 = arith.cmpi eq, %iota3A, %eq3A_69 : vector<256x128xi32>
    %jit3A_71 = arith.constant -1.000000e+00 : f32
    %broadcast_in_dim3A_72 = vector.broadcast %jit3A_71 : f32 to vector<256x128xf32>
    %select_n3A_73 = arith.select %eq3A_70, %broadcast_in_dim3A_72, %div3A_59 : vector<256x128xi1>, vector<256x128xf32>
    %reduce_max3A_74 = arith.constant dense<0xFF800000> : vector<256xf32>
    %reduce_max3A_75 = vector.multi_reduction <maximumf>, %select_n3A_73, %reduce_max3A_74 [1] : vector<256x128xf32> to vector<256xf32>
    %broadcast_in_dim3A_76 = vector.shape_cast %reduce_max3A_75 : vector<256xf32> to vector<256x1xf32>
    %eq3A_77 = vector.broadcast %broadcast_in_dim3A_76 : vector<256x1xf32> to vector<256x128xf32>
    %eq3A_78 = arith.cmpf oeq, %select_n3A_73, %eq3A_77 : vector<256x128xf32>
    %jit3A_79 = arith.constant 128 : i32
    %broadcast_in_dim3A_80 = vector.broadcast %jit3A_79 : i32 to vector<256x128xi32>
    %select_n3A_81 = arith.select %eq3A_78, %iota3A, %broadcast_in_dim3A_80 : vector<256x128xi1>, vector<256x128xi32>
    %reduce_min3A_82 = arith.constant dense<2147483647> : vector<256xi32>
    %reduce_min3A_83 = vector.multi_reduction <minsi>, %select_n3A_81, %reduce_min3A_82 [1] : vector<256x128xi32> to vector<256xi32>
    %broadcast_in_dim3A_84 = vector.shape_cast %reduce_min3A_83 : vector<256xi32> to vector<256x1xi32>
    %add3A_85 = arith.addf %broadcast_in_dim3A_62, %broadcast_in_dim3A_76 : vector<256x1xf32>
    %div3A_86 = arith.divf %broadcast_in_dim3A_62, %add3A_85 : vector<256x1xf32>
    %div3A_87 = arith.divf %broadcast_in_dim3A_76, %add3A_85 : vector<256x1xf32>
    %eq3A_88 = vector.broadcast %broadcast_in_dim3A_68 : vector<256x1xi32> to vector<256x128xi32>
    %eq3A_89 = arith.cmpi eq, %iota3A, %eq3A_88 : vector<256x128xi32>
    %jit3A_90 = arith.constant 0.000000e+00 : f32
    %broadcast_in_dim3A_91 = vector.shape_cast %div3A_86 : vector<256x1xf32> to vector<256x1xf32>
    %broadcast_in_dim3A_92 = vector.broadcast %broadcast_in_dim3A_91 : vector<256x1xf32> to vector<256x128xf32>
    %broadcast_in_dim3A_93 = vector.broadcast %jit3A_90 : f32 to vector<256x128xf32>
    %select_n3A_94 = arith.select %eq3A_89, %broadcast_in_dim3A_92, %broadcast_in_dim3A_93 : vector<256x128xi1>, vector<256x128xf32>
    %eq3A_95 = vector.broadcast %broadcast_in_dim3A_84 : vector<256x1xi32> to vector<256x128xi32>
    %eq3A_96 = arith.cmpi eq, %iota3A, %eq3A_95 : vector<256x128xi32>
    %jit3A_97 = arith.constant 0.000000e+00 : f32
    %broadcast_in_dim3A_98 = vector.shape_cast %div3A_87 : vector<256x1xf32> to vector<256x1xf32>
    %broadcast_in_dim3A_99 = vector.broadcast %broadcast_in_dim3A_98 : vector<256x1xf32> to vector<256x128xf32>
    %broadcast_in_dim3A_100 = vector.broadcast %jit3A_97 : f32 to vector<256x128xf32>
    %select_n3A_101 = arith.select %eq3A_96, %broadcast_in_dim3A_99, %broadcast_in_dim3A_100 : vector<256x128xi1>, vector<256x128xf32>
    %add3A_102 = arith.addf %select_n3A_94, %select_n3A_101 : vector<256x128xf32>
    %swap3A_103 = arith.constant 0 : index
    %swap3A_104 = arith.constant 0 : index
    %swap3A_105 = vector.load %arg9[%swap3A_103, %swap3A_104] : memref<256x128xf32, #tpu.memory_space<vmem>>, vector<256x128xf32>
    tpu.vector_store %arg9[%swap3A_103, %swap3A_104], %add3A_102 {strides = array<i32>} : memref<256x128xf32, #tpu.memory_space<vmem>>, vector<256x128xf32>,
    return
  }
  func.func @transform_0(%arg0: i32) -> (i32, i32) {
    %c0_i32 = arith.constant 0 : i32
    %c0_i32_0 = arith.constant 0 : i32
    return %arg0, %c0_i32 : i32, i32
  }
  func.func @transform_1(%arg0: i32) -> (i32, i32) {
    %c0_i32 = arith.constant 0 : i32
    %c0_i32_0 = arith.constant 0 : i32
    %c0_i32_1 = arith.constant 0 : i32
    return %c0_i32, %c0_i32_0 : i32, i32
  }
  func.func @transform_2(%arg0: i32) -> (i32, i32) {
    %c0_i32 = arith.constant 0 : i32
    %c0_i32_0 = arith.constant 0 : i32
    return %arg0, %c0_i32 : i32, i32
  }
  func.func @transform_3(%arg0: i32) -> (i32, i32) {
    %c0_i32 = arith.constant 0 : i32
    %c0_i32_0 = arith.constant 0 : i32
    %c0_i32_1 = arith.constant 0 : i32
    return %c0_i32, %c0_i32_0 : i32, i32
  }
  func.func @transform_4(%arg0: i32) -> (i32, i32) {
    %c0_i32 = arith.constant 0 : i32
    %c0_i32_0 = arith.constant 0 : i32
    %c0_i32_1 = arith.constant 0 : i32
    return %c0_i32, %c0_i32_0 : i32, i32
  }
  func.func @transform_5(%arg0: i32) -> (i32, i32) {
    %c0_i32 = arith.constant 0 : i32
    %c0_i32_0 = arith.constant 0 : i32
    %c0_i32_1 = arith.constant 0 : i32
    return %c0_i32, %c0_i32_0 : i32, i32
  }
  func.func @transform_6(%arg0: i32) -> (i32, i32) {
    %c0_i32 = arith.constant 0 : i32
    %c0_i32_0 = arith.constant 0 : i32
    return %arg0, %c0_i32 : i32, i32
  }
  func.func @transform_7(%arg0: i32) -> (i32, i32) {
    %c0_i32 = arith.constant 0 : i32
    %c0_i32_0 = arith.constant 0 : i32
    return %arg0, %c0_i32 : i32, i32
  }
  func.func @transform_8(%arg0: i32) -> (i32, i32) {
    %c0_i32 = arith.constant 0 : i32
    %c0_i32_0 = arith.constant 0 : i32
    return %arg0, %c0_i32 : i32, i32
  }
}

module attributes {stable_mosaic.version = 14 : i64} {
  func.func @_moe_body(%arg0: i32, %arg1: i32, %arg2: memref<52xi32, #tpu.memory_space<smem>>, %arg3: memref<52xi32, #tpu.memory_space<smem>>, %arg4: memref<52xi32, #tpu.memory_space<smem>>, %arg5: memref<52xi32, #tpu.memory_space<smem>>, %arg6: memref<52xi32, #tpu.memory_space<smem>>, %arg7: memref<52xi32, #tpu.memory_space<smem>>, %arg8: memref<52xi32, #tpu.memory_space<smem>>, %arg9: memref<256x1024xf32, #tpu.memory_space<vmem>>, %arg10: memref<256x128xf32, #tpu.memory_space<vmem>>, %arg11: memref<1x1024x512xf32, #tpu.memory_space<vmem>>, %arg12: memref<1x1024x512xf32, #tpu.memory_space<vmem>>, %arg13: memref<1x512x1024xf32, #tpu.memory_space<vmem>>, %arg14: memref<1x1024x256xf32, #tpu.memory_space<vmem>>, %arg15: memref<1x1024x256xf32, #tpu.memory_space<vmem>>, %arg16: memref<1x256x1024xf32, #tpu.memory_space<vmem>>, %arg17: memref<1x1024x1024xf32, #tpu.memory_space<vmem>>, %arg18: memref<1x1024x256xf32, #tpu.memory_space<vmem>>, %arg19: memref<1x1024x256xf32, #tpu.memory_space<vmem>>, %arg20: memref<1x256x1024xf32, #tpu.memory_space<vmem>>, %arg21: memref<256x1024xf32, #tpu.memory_space<vmem>>, %arg22: memref<256x1024xf32, #tpu.memory_space<vmem>>) attributes {dimension_semantics = [#tpu.dimension_semantics<arbitrary>, #tpu.dimension_semantics<arbitrary>], iteration_bounds = array<i64: 52, 11>, scalar_prefetch = 7 : i64, scratch_operands = 1 : i64, tpu.core_type = #tpu.core_type<tc>, window_params = [{transform_indices = @transform_0, window_bounds = array<i64: 256, 1024>}, {transform_indices = @transform_1, window_bounds = array<i64: 256, 128>}, {transform_indices = @transform_2, window_bounds = array<i64: 1, 1024, 512>}, {transform_indices = @transform_3, window_bounds = array<i64: 1, 1024, 512>}, {transform_indices = @transform_4, window_bounds = array<i64: 1, 512, 1024>}, {transform_indices = @transform_5, window_bounds = array<i64: 1, 1024, 256>}, {transform_indices = @transform_6, window_bounds = array<i64: 1, 1024, 256>}, {transform_indices = @transform_7, window_bounds = array<i64: 1, 256, 1024>}, {transform_indices = @transform_8, window_bounds = array<i64: 1, 1024, 1024>}, {transform_indices = @transform_9, window_bounds = array<i64: 1, 1024, 256>}, {transform_indices = @transform_10, window_bounds = array<i64: 1, 1024, 256>}, {transform_indices = @transform_11, window_bounds = array<i64: 1, 256, 1024>}, {transform_indices = @transform_12, window_bounds = array<i64: 256, 1024>}]} {
    %get3A = arith.index_cast %arg0 : i32 to index
    %get3A_0 = memref.load %arg2[%get3A] : memref<52xi32, #tpu.memory_space<smem>>
    %eq3A = arith.constant 1 : i32
    %eq3A_1 = arith.cmpi eq, %get3A_0, %eq3A : i32
    %convert_element_type3A = arith.extui %eq3A_1 : i1 to i32
    %cond3A = arith.constant 0 : i32
    %cond3A_2 = arith.cmpi ne, %convert_element_type3A, %cond3A : i32
    scf.if %cond3A_2 {
      %get3A_3 = arith.constant 0 : index
      %get3A_4 = arith.constant 0 : index
      %get3A_5 = vector.load %arg9[%get3A_3, %get3A_4] : memref<256x1024xf32, #tpu.memory_space<vmem>>, vector<256x1024xf32>
      %lt3A = arith.constant 16 : i32
      %lt3A_6 = arith.cmpi slt, %arg0, %lt3A : i32
      %convert_element_type3A_7 = arith.extui %lt3A_6 : i1 to i32
      %cond3A_8 = arith.constant 0 : i32
      %cond3A_9 = arith.cmpi ne, %convert_element_type3A_7, %cond3A_8 : i32
      scf.if %cond3A_9 {
        %get3A_26 = arith.constant 0 : index
        %get3A_27 = arith.constant 0 : index
        %get3A_28 = arith.constant 0 : index
        %get3A_29 = vector.load %arg11[%get3A_26, %get3A_27, %get3A_28] : memref<1x1024x512xf32, #tpu.memory_space<vmem>>, vector<1x1024x512xf32>
        %get3A_30 = vector.shape_cast %get3A_29 : vector<1x1024x512xf32> to vector<1024x512xf32>
        %dot_general3A = arith.constant dense<0.000000e+00> : vector<256x512xf32>
        %dot_general3A_31 = tpu.matmul %get3A_5, %get3A_30, %dot_general3A {dimension_numbers = #tpu.dot_dimension_numbers<[1], [0], [0], [1], [0, 0, 1, 1], [], []>, transpose_lhs_hint = false} : vector<256x1024xf32>, vector<1024x512xf32>, vector<256x512xf32> -> vector<256x512xf32>
        %get3A_32 = arith.constant 0 : index
        %get3A_33 = arith.constant 0 : index
        %get3A_34 = arith.constant 0 : index
        %get3A_35 = vector.load %arg12[%get3A_32, %get3A_33, %get3A_34] : memref<1x1024x512xf32, #tpu.memory_space<vmem>>, vector<1x1024x512xf32>
        %get3A_36 = vector.shape_cast %get3A_35 : vector<1x1024x512xf32> to vector<1024x512xf32>
        %dot_general3A_37 = arith.constant dense<0.000000e+00> : vector<256x512xf32>
        %dot_general3A_38 = tpu.matmul %get3A_5, %get3A_36, %dot_general3A_37 {dimension_numbers = #tpu.dot_dimension_numbers<[1], [0], [0], [1], [0, 0, 1, 1], [], []>, transpose_lhs_hint = false} : vector<256x1024xf32>, vector<1024x512xf32>, vector<256x512xf32> -> vector<256x512xf32>
        %logistic3A = arith.negf %dot_general3A_31 : vector<256x512xf32>
        %logistic3A_39 = math.exp %logistic3A : vector<256x512xf32>
        %logistic3A_40 = arith.constant 1.000000e+00 : f32
        %logistic3A_41 = vector.broadcast %logistic3A_40 : f32 to vector<256x512xf32>
        %logistic3A_42 = arith.addf %logistic3A_41, %logistic3A_39 : vector<256x512xf32>
        %logistic3A_43 = arith.divf %logistic3A_41, %logistic3A_42 : vector<256x512xf32>
        %mul3A = arith.mulf %dot_general3A_31, %logistic3A_43 : vector<256x512xf32>
        %mul3A_44 = arith.mulf %mul3A, %dot_general3A_38 : vector<256x512xf32>
        %mul3A_45 = arith.constant 1.100000e+00 : f32
        %mul3A_46 = vector.broadcast %mul3A_45 : f32 to vector<256x512xf32>
        %mul3A_47 = arith.mulf %mul3A_44, %mul3A_46 : vector<256x512xf32>
        %get3A_48 = arith.constant 0 : index
        %get3A_49 = arith.constant 0 : index
        %get3A_50 = arith.constant 0 : index
        %get3A_51 = vector.load %arg13[%get3A_48, %get3A_49, %get3A_50] : memref<1x512x1024xf32, #tpu.memory_space<vmem>>, vector<1x512x1024xf32>
        %get3A_52 = vector.shape_cast %get3A_51 : vector<1x512x1024xf32> to vector<512x1024xf32>
        %dot_general3A_53 = arith.constant dense<0.000000e+00> : vector<256x1024xf32>
        %dot_general3A_54 = tpu.matmul %mul3A_47, %get3A_52, %dot_general3A_53 {dimension_numbers = #tpu.dot_dimension_numbers<[1], [0], [0], [1], [0, 0, 1, 1], [], []>, transpose_lhs_hint = false} : vector<256x512xf32>, vector<512x1024xf32>, vector<256x1024xf32> -> vector<256x1024xf32>
        %eq3A_55 = arith.constant 0 : i32
        %eq3A_56 = arith.cmpi eq, %arg1, %eq3A_55 : i32
        %convert_element_type3A_57 = arith.extui %eq3A_56 : i1 to i32
        %cond3A_58 = arith.constant 0 : i32
        %cond3A_59 = arith.cmpi ne, %convert_element_type3A_57, %cond3A_58 : i32
        scf.if %cond3A_59 {
          %swap3A = arith.constant 0 : index
          %swap3A_64 = arith.constant 0 : index
          %swap3A_65 = vector.load %arg22[%swap3A, %swap3A_64] : memref<256x1024xf32, #tpu.memory_space<vmem>>, vector<256x1024xf32>
          tpu.vector_store %arg22[%swap3A, %swap3A_64], %dot_general3A_54 {strides = array<i32>} : memref<256x1024xf32, #tpu.memory_space<vmem>>, vector<256x1024xf32>,
        } else {
        }
        %gt3A = arith.constant 0 : i32
        %gt3A_60 = arith.cmpi sgt, %arg1, %gt3A : i32
        %convert_element_type3A_61 = arith.extui %gt3A_60 : i1 to i32
        %cond3A_62 = arith.constant 0 : i32
        %cond3A_63 = arith.cmpi ne, %convert_element_type3A_61, %cond3A_62 : i32
        scf.if %cond3A_63 {
          %get3A_64 = arith.constant 0 : index
          %get3A_65 = arith.constant 0 : index
          %get3A_66 = vector.load %arg22[%get3A_64, %get3A_65] : memref<256x1024xf32, #tpu.memory_space<vmem>>, vector<256x1024xf32>
          %add3A = arith.addf %get3A_66, %dot_general3A_54 : vector<256x1024xf32>
          %swap3A = arith.constant 0 : index
          %swap3A_67 = arith.constant 0 : index
          %swap3A_68 = vector.load %arg22[%swap3A, %swap3A_67] : memref<256x1024xf32, #tpu.memory_space<vmem>>, vector<256x1024xf32>
          tpu.vector_store %arg22[%swap3A, %swap3A_67], %add3A {strides = array<i32>} : memref<256x1024xf32, #tpu.memory_space<vmem>>, vector<256x1024xf32>,
        } else {
        }
      } else {
      }
      %ge3A = arith.constant 16 : i32
      %ge3A_10 = arith.cmpi sge, %arg0, %ge3A : i32
      %lt3A_11 = arith.constant 32 : i32
      %lt3A_12 = arith.cmpi slt, %arg0, %lt3A_11 : i32
      %and3A = arith.andi %ge3A_10, %lt3A_12 : i1
      %convert_element_type3A_13 = arith.extui %and3A : i1 to i32
      %cond3A_14 = arith.constant 0 : i32
      %cond3A_15 = arith.cmpi ne, %convert_element_type3A_13, %cond3A_14 : i32
      scf.if %cond3A_15 {
        %eq3A_26 = arith.constant 0 : i32
        %eq3A_27 = arith.cmpi eq, %arg1, %eq3A_26 : i32
        %get3A_28 = arith.constant 0 : index
        %get3A_29 = arith.constant 0 : index
        %get3A_30 = arith.constant 0 : index
        %get3A_31 = vector.load %arg17[%get3A_28, %get3A_29, %get3A_30] : memref<1x1024x1024xf32, #tpu.memory_space<vmem>>, vector<1x1024x1024xf32>
        %get3A_32 = vector.shape_cast %get3A_31 : vector<1x1024x1024xf32> to vector<1024x1024xf32>
        %dot_general3A = arith.constant dense<0.000000e+00> : vector<256x1024xf32>
        %dot_general3A_33 = tpu.matmul %get3A_5, %get3A_32, %dot_general3A {dimension_numbers = #tpu.dot_dimension_numbers<[1], [0], [0], [1], [0, 0, 1, 1], [], []>, transpose_lhs_hint = false} : vector<256x1024xf32>, vector<1024x1024xf32>, vector<256x1024xf32> -> vector<256x1024xf32>
        %tanh3A = math.tanh %dot_general3A_33 : vector<256x1024xf32>
        %mul3A = arith.constant 2.000000e-01 : f32
        %mul3A_34 = vector.broadcast %mul3A : f32 to vector<256x1024xf32>
        %mul3A_35 = arith.mulf %tanh3A, %mul3A_34 : vector<256x1024xf32>
        %jit3A = arith.constant 0.000000e+00 : f32
        %broadcast_in_dim3A = vector.broadcast %jit3A : f32 to vector<256x1024xf32>
        %select_n3A = arith.select %eq3A_27, %mul3A_35, %broadcast_in_dim3A : vector<256x1024xf32>
        %get3A_36 = arith.constant 0 : index
        %get3A_37 = arith.constant 0 : index
        %get3A_38 = arith.constant 0 : index
        %get3A_39 = vector.load %arg14[%get3A_36, %get3A_37, %get3A_38] : memref<1x1024x256xf32, #tpu.memory_space<vmem>>, vector<1x1024x256xf32>
        %get3A_40 = vector.shape_cast %get3A_39 : vector<1x1024x256xf32> to vector<1024x256xf32>
        %dot_general3A_41 = arith.constant dense<0.000000e+00> : vector<256x256xf32>
        %dot_general3A_42 = tpu.matmul %get3A_5, %get3A_40, %dot_general3A_41 {dimension_numbers = #tpu.dot_dimension_numbers<[1], [0], [0], [1], [0, 0, 1, 1], [], []>, transpose_lhs_hint = false} : vector<256x1024xf32>, vector<1024x256xf32>, vector<256x256xf32> -> vector<256x256xf32>
        %get3A_43 = arith.constant 0 : index
        %get3A_44 = arith.constant 0 : index
        %get3A_45 = arith.constant 0 : index
        %get3A_46 = vector.load %arg15[%get3A_43, %get3A_44, %get3A_45] : memref<1x1024x256xf32, #tpu.memory_space<vmem>>, vector<1x1024x256xf32>
        %get3A_47 = vector.shape_cast %get3A_46 : vector<1x1024x256xf32> to vector<1024x256xf32>
        %dot_general3A_48 = arith.constant dense<0.000000e+00> : vector<256x256xf32>
        %dot_general3A_49 = tpu.matmul %get3A_5, %get3A_47, %dot_general3A_48 {dimension_numbers = #tpu.dot_dimension_numbers<[1], [0], [0], [1], [0, 0, 1, 1], [], []>, transpose_lhs_hint = false} : vector<256x1024xf32>, vector<1024x256xf32>, vector<256x256xf32> -> vector<256x256xf32>
        %logistic3A = arith.negf %dot_general3A_42 : vector<256x256xf32>
        %logistic3A_50 = math.exp %logistic3A : vector<256x256xf32>
        %logistic3A_51 = arith.constant 1.000000e+00 : f32
        %logistic3A_52 = vector.broadcast %logistic3A_51 : f32 to vector<256x256xf32>
        %logistic3A_53 = arith.addf %logistic3A_52, %logistic3A_50 : vector<256x256xf32>
        %logistic3A_54 = arith.divf %logistic3A_52, %logistic3A_53 : vector<256x256xf32>
        %mul3A_55 = arith.mulf %dot_general3A_42, %logistic3A_54 : vector<256x256xf32>
        %mul3A_56 = arith.mulf %mul3A_55, %dot_general3A_49 : vector<256x256xf32>
        %mul3A_57 = arith.constant 1.000000e+00 : f32
        %mul3A_58 = vector.broadcast %mul3A_57 : f32 to vector<256x256xf32>
        %mul3A_59 = arith.mulf %mul3A_56, %mul3A_58 : vector<256x256xf32>
        %get3A_60 = arith.constant 0 : index
        %get3A_61 = arith.constant 0 : index
        %get3A_62 = arith.constant 0 : index
        %get3A_63 = vector.load %arg16[%get3A_60, %get3A_61, %get3A_62] : memref<1x256x1024xf32, #tpu.memory_space<vmem>>, vector<1x256x1024xf32>
        %get3A_64 = vector.shape_cast %get3A_63 : vector<1x256x1024xf32> to vector<256x1024xf32>
        %dot_general3A_65 = arith.constant dense<0.000000e+00> : vector<256x1024xf32>
        %dot_general3A_66 = tpu.matmul %mul3A_59, %get3A_64, %dot_general3A_65 {dimension_numbers = #tpu.dot_dimension_numbers<[1], [0], [0], [1], [0, 0, 1, 1], [], []>, transpose_lhs_hint = false} : vector<256x256xf32>, vector<256x1024xf32>, vector<256x1024xf32> -> vector<256x1024xf32>
        %add3A = arith.addf %dot_general3A_66, %select_n3A : vector<256x1024xf32>
        %eq3A_67 = arith.constant 0 : i32
        %eq3A_68 = arith.cmpi eq, %arg1, %eq3A_67 : i32
        %convert_element_type3A_69 = arith.extui %eq3A_68 : i1 to i32
        %cond3A_70 = arith.constant 0 : i32
        %cond3A_71 = arith.cmpi ne, %convert_element_type3A_69, %cond3A_70 : i32
        scf.if %cond3A_71 {
          %swap3A = arith.constant 0 : index
          %swap3A_76 = arith.constant 0 : index
          %swap3A_77 = vector.load %arg22[%swap3A, %swap3A_76] : memref<256x1024xf32, #tpu.memory_space<vmem>>, vector<256x1024xf32>
          tpu.vector_store %arg22[%swap3A, %swap3A_76], %add3A {strides = array<i32>} : memref<256x1024xf32, #tpu.memory_space<vmem>>, vector<256x1024xf32>,
        } else {
        }
        %gt3A = arith.constant 0 : i32
        %gt3A_72 = arith.cmpi sgt, %arg1, %gt3A : i32
        %convert_element_type3A_73 = arith.extui %gt3A_72 : i1 to i32
        %cond3A_74 = arith.constant 0 : i32
        %cond3A_75 = arith.cmpi ne, %convert_element_type3A_73, %cond3A_74 : i32
        scf.if %cond3A_75 {
          %get3A_76 = arith.constant 0 : index
          %get3A_77 = arith.constant 0 : index
          %get3A_78 = vector.load %arg22[%get3A_76, %get3A_77] : memref<256x1024xf32, #tpu.memory_space<vmem>>, vector<256x1024xf32>
          %add3A_79 = arith.addf %get3A_78, %add3A : vector<256x1024xf32>
          %swap3A = arith.constant 0 : index
          %swap3A_80 = arith.constant 0 : index
          %swap3A_81 = vector.load %arg22[%swap3A, %swap3A_80] : memref<256x1024xf32, #tpu.memory_space<vmem>>, vector<256x1024xf32>
          tpu.vector_store %arg22[%swap3A, %swap3A_80], %add3A_79 {strides = array<i32>} : memref<256x1024xf32, #tpu.memory_space<vmem>>, vector<256x1024xf32>,
        } else {
        }
      } else {
      }
      %ge3A_16 = arith.constant 32 : i32
      %ge3A_17 = arith.cmpi sge, %arg0, %ge3A_16 : i32
      %convert_element_type3A_18 = arith.extui %ge3A_17 : i1 to i32
      %cond3A_19 = arith.constant 0 : i32
      %cond3A_20 = arith.cmpi ne, %convert_element_type3A_18, %cond3A_19 : i32
      scf.if %cond3A_20 {
        %get3A_26 = arith.constant 0 : index
        %get3A_27 = arith.constant 0 : index
        %get3A_28 = arith.constant 0 : index
        %get3A_29 = vector.load %arg18[%get3A_26, %get3A_27, %get3A_28] : memref<1x1024x256xf32, #tpu.memory_space<vmem>>, vector<1x1024x256xf32>
        %get3A_30 = vector.shape_cast %get3A_29 : vector<1x1024x256xf32> to vector<1024x256xf32>
        %dot_general3A = arith.constant dense<0.000000e+00> : vector<256x256xf32>
        %dot_general3A_31 = tpu.matmul %get3A_5, %get3A_30, %dot_general3A {dimension_numbers = #tpu.dot_dimension_numbers<[1], [0], [0], [1], [0, 0, 1, 1], [], []>, transpose_lhs_hint = false} : vector<256x1024xf32>, vector<1024x256xf32>, vector<256x256xf32> -> vector<256x256xf32>
        %get3A_32 = arith.constant 0 : index
        %get3A_33 = arith.constant 0 : index
        %get3A_34 = arith.constant 0 : index
        %get3A_35 = vector.load %arg19[%get3A_32, %get3A_33, %get3A_34] : memref<1x1024x256xf32, #tpu.memory_space<vmem>>, vector<1x1024x256xf32>
        %get3A_36 = vector.shape_cast %get3A_35 : vector<1x1024x256xf32> to vector<1024x256xf32>
        %dot_general3A_37 = arith.constant dense<0.000000e+00> : vector<256x256xf32>
        %dot_general3A_38 = tpu.matmul %get3A_5, %get3A_36, %dot_general3A_37 {dimension_numbers = #tpu.dot_dimension_numbers<[1], [0], [0], [1], [0, 0, 1, 1], [], []>, transpose_lhs_hint = false} : vector<256x1024xf32>, vector<1024x256xf32>, vector<256x256xf32> -> vector<256x256xf32>
        %logistic3A = arith.negf %dot_general3A_31 : vector<256x256xf32>
        %logistic3A_39 = math.exp %logistic3A : vector<256x256xf32>
        %logistic3A_40 = arith.constant 1.000000e+00 : f32
        %logistic3A_41 = vector.broadcast %logistic3A_40 : f32 to vector<256x256xf32>
        %logistic3A_42 = arith.addf %logistic3A_41, %logistic3A_39 : vector<256x256xf32>
        %logistic3A_43 = arith.divf %logistic3A_41, %logistic3A_42 : vector<256x256xf32>
        %mul3A = arith.mulf %dot_general3A_31, %logistic3A_43 : vector<256x256xf32>
        %mul3A_44 = arith.mulf %mul3A, %dot_general3A_38 : vector<256x256xf32>
        %mul3A_45 = arith.constant 1.000000e+00 : f32
        %mul3A_46 = vector.broadcast %mul3A_45 : f32 to vector<256x256xf32>
        %mul3A_47 = arith.mulf %mul3A_44, %mul3A_46 : vector<256x256xf32>
        %get3A_48 = arith.constant 0 : index
        %get3A_49 = arith.constant 0 : index
        %get3A_50 = arith.constant 0 : index
        %get3A_51 = vector.load %arg20[%get3A_48, %get3A_49, %get3A_50] : memref<1x256x1024xf32, #tpu.memory_space<vmem>>, vector<1x256x1024xf32>
        %get3A_52 = vector.shape_cast %get3A_51 : vector<1x256x1024xf32> to vector<256x1024xf32>
        %dot_general3A_53 = arith.constant dense<0.000000e+00> : vector<256x1024xf32>
        %dot_general3A_54 = tpu.matmul %mul3A_47, %get3A_52, %dot_general3A_53 {dimension_numbers = #tpu.dot_dimension_numbers<[1], [0], [0], [1], [0, 0, 1, 1], [], []>, transpose_lhs_hint = false} : vector<256x256xf32>, vector<256x1024xf32>, vector<256x1024xf32> -> vector<256x1024xf32>
        %eq3A_55 = arith.constant 0 : i32
        %eq3A_56 = arith.cmpi eq, %arg1, %eq3A_55 : i32
        %convert_element_type3A_57 = arith.extui %eq3A_56 : i1 to i32
        %cond3A_58 = arith.constant 0 : i32
        %cond3A_59 = arith.cmpi ne, %convert_element_type3A_57, %cond3A_58 : i32
        scf.if %cond3A_59 {
          %swap3A = arith.constant 0 : index
          %swap3A_64 = arith.constant 0 : index
          %swap3A_65 = vector.load %arg22[%swap3A, %swap3A_64] : memref<256x1024xf32, #tpu.memory_space<vmem>>, vector<256x1024xf32>
          tpu.vector_store %arg22[%swap3A, %swap3A_64], %dot_general3A_54 {strides = array<i32>} : memref<256x1024xf32, #tpu.memory_space<vmem>>, vector<256x1024xf32>,
        } else {
        }
        %gt3A = arith.constant 0 : i32
        %gt3A_60 = arith.cmpi sgt, %arg1, %gt3A : i32
        %convert_element_type3A_61 = arith.extui %gt3A_60 : i1 to i32
        %cond3A_62 = arith.constant 0 : i32
        %cond3A_63 = arith.cmpi ne, %convert_element_type3A_61, %cond3A_62 : i32
        scf.if %cond3A_63 {
          %get3A_64 = arith.constant 0 : index
          %get3A_65 = arith.constant 0 : index
          %get3A_66 = vector.load %arg22[%get3A_64, %get3A_65] : memref<256x1024xf32, #tpu.memory_space<vmem>>, vector<256x1024xf32>
          %add3A = arith.addf %get3A_66, %dot_general3A_54 : vector<256x1024xf32>
          %swap3A = arith.constant 0 : index
          %swap3A_67 = arith.constant 0 : index
          %swap3A_68 = vector.load %arg22[%swap3A, %swap3A_67] : memref<256x1024xf32, #tpu.memory_space<vmem>>, vector<256x1024xf32>
          tpu.vector_store %arg22[%swap3A, %swap3A_67], %add3A {strides = array<i32>} : memref<256x1024xf32, #tpu.memory_space<vmem>>, vector<256x1024xf32>,
        } else {
        }
      } else {
      }
      %eq3A_21 = arith.constant 10 : i32
      %eq3A_22 = arith.cmpi eq, %arg1, %eq3A_21 : i32
      %convert_element_type3A_23 = arith.extui %eq3A_22 : i1 to i32
      %cond3A_24 = arith.constant 0 : i32
      %cond3A_25 = arith.cmpi ne, %convert_element_type3A_23, %cond3A_24 : i32
      scf.if %cond3A_25 {
        %get3A_26 = arith.constant 0 : index
        %get3A_27 = arith.constant 0 : index
        %get3A_28 = vector.load %arg22[%get3A_26, %get3A_27] : memref<256x1024xf32, #tpu.memory_space<vmem>>, vector<256x1024xf32>
        %get3A_29 = arith.constant 0 : index
        %get3A_30 = arith.constant 0 : index
        %get3A_31 = vector.load %arg10[%get3A_29, %get3A_30] : memref<256x128xf32, #tpu.memory_space<vmem>>, vector<256x1xf32>
        %mul3A = vector.broadcast %get3A_31 : vector<256x1xf32> to vector<256x1024xf32>
        %mul3A_32 = arith.mulf %get3A_28, %mul3A : vector<256x1024xf32>
        %swap3A = arith.constant 0 : index
        %swap3A_33 = arith.constant 0 : index
        %swap3A_34 = vector.load %arg21[%swap3A, %swap3A_33] : memref<256x1024xf32, #tpu.memory_space<vmem>>, vector<256x1024xf32>
        tpu.vector_store %arg21[%swap3A, %swap3A_33], %mul3A_32 {strides = array<i32>} : memref<256x1024xf32, #tpu.memory_space<vmem>>, vector<256x1024xf32>,
      } else {
      }
    } else {
    }
    return
  }
  func.func @transform_0(%arg0: i32, %arg1: i32, %arg2: memref<52xi32, #tpu.memory_space<smem>>, %arg3: memref<52xi32, #tpu.memory_space<smem>>, %arg4: memref<52xi32, #tpu.memory_space<smem>>, %arg5: memref<52xi32, #tpu.memory_space<smem>>, %arg6: memref<52xi32, #tpu.memory_space<smem>>, %arg7: memref<52xi32, #tpu.memory_space<smem>>, %arg8: memref<52xi32, #tpu.memory_space<smem>>) -> (i32, i32) {
    %get3A = arith.index_cast %arg0 : i32 to index
    %get3A_0 = memref.load %arg2[%get3A] : memref<52xi32, #tpu.memory_space<smem>>
    %mul3A = arith.muli %arg0, %get3A_0 : i32
    %c0_i32 = arith.constant 0 : i32
    %c0_i32_1 = arith.constant 0 : i32
    return %mul3A, %c0_i32 : i32, i32
  }
  func.func @transform_1(%arg0: i32, %arg1: i32, %arg2: memref<52xi32, #tpu.memory_space<smem>>, %arg3: memref<52xi32, #tpu.memory_space<smem>>, %arg4: memref<52xi32, #tpu.memory_space<smem>>, %arg5: memref<52xi32, #tpu.memory_space<smem>>, %arg6: memref<52xi32, #tpu.memory_space<smem>>, %arg7: memref<52xi32, #tpu.memory_space<smem>>, %arg8: memref<52xi32, #tpu.memory_space<smem>>) -> (i32, i32) {
    %get3A = arith.index_cast %arg0 : i32 to index
    %get3A_0 = memref.load %arg2[%get3A] : memref<52xi32, #tpu.memory_space<smem>>
    %mul3A = arith.muli %arg0, %get3A_0 : i32
    %c0_i32 = arith.constant 0 : i32
    %c0_i32_1 = arith.constant 0 : i32
    return %mul3A, %c0_i32 : i32, i32
  }
  func.func @transform_2(%arg0: i32, %arg1: i32, %arg2: memref<52xi32, #tpu.memory_space<smem>>, %arg3: memref<52xi32, #tpu.memory_space<smem>>, %arg4: memref<52xi32, #tpu.memory_space<smem>>, %arg5: memref<52xi32, #tpu.memory_space<smem>>, %arg6: memref<52xi32, #tpu.memory_space<smem>>, %arg7: memref<52xi32, #tpu.memory_space<smem>>, %arg8: memref<52xi32, #tpu.memory_space<smem>>) -> (i32, i32, i32) {
    %get3A = arith.index_cast %arg0 : i32 to index
    %get3A_0 = memref.load %arg3[%get3A] : memref<52xi32, #tpu.memory_space<smem>>
    %get3A_1 = arith.index_cast %arg0 : i32 to index
    %get3A_2 = memref.load %arg4[%get3A_1] : memref<52xi32, #tpu.memory_space<smem>>
    %mul3A = arith.muli %arg1, %get3A_2 : i32
    %c0_i32 = arith.constant 0 : i32
    %c0_i32_3 = arith.constant 0 : i32
    return %get3A_0, %c0_i32, %mul3A : i32, i32, i32
  }
  func.func @transform_3(%arg0: i32, %arg1: i32, %arg2: memref<52xi32, #tpu.memory_space<smem>>, %arg3: memref<52xi32, #tpu.memory_space<smem>>, %arg4: memref<52xi32, #tpu.memory_space<smem>>, %arg5: memref<52xi32, #tpu.memory_space<smem>>, %arg6: memref<52xi32, #tpu.memory_space<smem>>, %arg7: memref<52xi32, #tpu.memory_space<smem>>, %arg8: memref<52xi32, #tpu.memory_space<smem>>) -> (i32, i32, i32) {
    %get3A = arith.index_cast %arg0 : i32 to index
    %get3A_0 = memref.load %arg3[%get3A] : memref<52xi32, #tpu.memory_space<smem>>
    %get3A_1 = arith.index_cast %arg0 : i32 to index
    %get3A_2 = memref.load %arg4[%get3A_1] : memref<52xi32, #tpu.memory_space<smem>>
    %mul3A = arith.muli %arg1, %get3A_2 : i32
    %c0_i32 = arith.constant 0 : i32
    %c0_i32_3 = arith.constant 0 : i32
    return %get3A_0, %c0_i32, %mul3A : i32, i32, i32
  }
  func.func @transform_4(%arg0: i32, %arg1: i32, %arg2: memref<52xi32, #tpu.memory_space<smem>>, %arg3: memref<52xi32, #tpu.memory_space<smem>>, %arg4: memref<52xi32, #tpu.memory_space<smem>>, %arg5: memref<52xi32, #tpu.memory_space<smem>>, %arg6: memref<52xi32, #tpu.memory_space<smem>>, %arg7: memref<52xi32, #tpu.memory_space<smem>>, %arg8: memref<52xi32, #tpu.memory_space<smem>>) -> (i32, i32, i32) {
    %get3A = arith.index_cast %arg0 : i32 to index
    %get3A_0 = memref.load %arg3[%get3A] : memref<52xi32, #tpu.memory_space<smem>>
    %get3A_1 = arith.index_cast %arg0 : i32 to index
    %get3A_2 = memref.load %arg4[%get3A_1] : memref<52xi32, #tpu.memory_space<smem>>
    %mul3A = arith.muli %arg1, %get3A_2 : i32
    %c0_i32 = arith.constant 0 : i32
    %c0_i32_3 = arith.constant 0 : i32
    return %get3A_0, %mul3A, %c0_i32 : i32, i32, i32
  }
  func.func @transform_5(%arg0: i32, %arg1: i32, %arg2: memref<52xi32, #tpu.memory_space<smem>>, %arg3: memref<52xi32, #tpu.memory_space<smem>>, %arg4: memref<52xi32, #tpu.memory_space<smem>>, %arg5: memref<52xi32, #tpu.memory_space<smem>>, %arg6: memref<52xi32, #tpu.memory_space<smem>>, %arg7: memref<52xi32, #tpu.memory_space<smem>>, %arg8: memref<52xi32, #tpu.memory_space<smem>>) -> (i32, i32, i32) {
    %get3A = arith.index_cast %arg0 : i32 to index
    %get3A_0 = memref.load %arg5[%get3A] : memref<52xi32, #tpu.memory_space<smem>>
    %get3A_1 = arith.index_cast %arg0 : i32 to index
    %get3A_2 = memref.load %arg6[%get3A_1] : memref<52xi32, #tpu.memory_space<smem>>
    %mul3A = arith.muli %arg1, %get3A_2 : i32
    %c0_i32 = arith.constant 0 : i32
    %c0_i32_3 = arith.constant 0 : i32
    return %get3A_0, %c0_i32, %mul3A : i32, i32, i32
  }
  func.func @transform_6(%arg0: i32, %arg1: i32, %arg2: memref<52xi32, #tpu.memory_space<smem>>, %arg3: memref<52xi32, #tpu.memory_space<smem>>, %arg4: memref<52xi32, #tpu.memory_space<smem>>, %arg5: memref<52xi32, #tpu.memory_space<smem>>, %arg6: memref<52xi32, #tpu.memory_space<smem>>, %arg7: memref<52xi32, #tpu.memory_space<smem>>, %arg8: memref<52xi32, #tpu.memory_space<smem>>) -> (i32, i32, i32) {
    %get3A = arith.index_cast %arg0 : i32 to index
    %get3A_0 = memref.load %arg5[%get3A] : memref<52xi32, #tpu.memory_space<smem>>
    %get3A_1 = arith.index_cast %arg0 : i32 to index
    %get3A_2 = memref.load %arg6[%get3A_1] : memref<52xi32, #tpu.memory_space<smem>>
    %mul3A = arith.muli %arg1, %get3A_2 : i32
    %c0_i32 = arith.constant 0 : i32
    %c0_i32_3 = arith.constant 0 : i32
    return %get3A_0, %c0_i32, %mul3A : i32, i32, i32
  }
  func.func @transform_7(%arg0: i32, %arg1: i32, %arg2: memref<52xi32, #tpu.memory_space<smem>>, %arg3: memref<52xi32, #tpu.memory_space<smem>>, %arg4: memref<52xi32, #tpu.memory_space<smem>>, %arg5: memref<52xi32, #tpu.memory_space<smem>>, %arg6: memref<52xi32, #tpu.memory_space<smem>>, %arg7: memref<52xi32, #tpu.memory_space<smem>>, %arg8: memref<52xi32, #tpu.memory_space<smem>>) -> (i32, i32, i32) {
    %get3A = arith.index_cast %arg0 : i32 to index
    %get3A_0 = memref.load %arg5[%get3A] : memref<52xi32, #tpu.memory_space<smem>>
    %get3A_1 = arith.index_cast %arg0 : i32 to index
    %get3A_2 = memref.load %arg6[%get3A_1] : memref<52xi32, #tpu.memory_space<smem>>
    %mul3A = arith.muli %arg1, %get3A_2 : i32
    %c0_i32 = arith.constant 0 : i32
    %c0_i32_3 = arith.constant 0 : i32
    return %get3A_0, %mul3A, %c0_i32 : i32, i32, i32
  }
  func.func @transform_8(%arg0: i32, %arg1: i32, %arg2: memref<52xi32, #tpu.memory_space<smem>>, %arg3: memref<52xi32, #tpu.memory_space<smem>>, %arg4: memref<52xi32, #tpu.memory_space<smem>>, %arg5: memref<52xi32, #tpu.memory_space<smem>>, %arg6: memref<52xi32, #tpu.memory_space<smem>>, %arg7: memref<52xi32, #tpu.memory_space<smem>>, %arg8: memref<52xi32, #tpu.memory_space<smem>>) -> (i32, i32, i32) {
    %get3A = arith.index_cast %arg0 : i32 to index
    %get3A_0 = memref.load %arg5[%get3A] : memref<52xi32, #tpu.memory_space<smem>>
    %c0_i32 = arith.constant 0 : i32
    %c0_i32_1 = arith.constant 0 : i32
    %c0_i32_2 = arith.constant 0 : i32
    return %get3A_0, %c0_i32, %c0_i32_1 : i32, i32, i32
  }
  func.func @transform_9(%arg0: i32, %arg1: i32, %arg2: memref<52xi32, #tpu.memory_space<smem>>, %arg3: memref<52xi32, #tpu.memory_space<smem>>, %arg4: memref<52xi32, #tpu.memory_space<smem>>, %arg5: memref<52xi32, #tpu.memory_space<smem>>, %arg6: memref<52xi32, #tpu.memory_space<smem>>, %arg7: memref<52xi32, #tpu.memory_space<smem>>, %arg8: memref<52xi32, #tpu.memory_space<smem>>) -> (i32, i32, i32) {
    %get3A = arith.index_cast %arg0 : i32 to index
    %get3A_0 = memref.load %arg7[%get3A] : memref<52xi32, #tpu.memory_space<smem>>
    %get3A_1 = arith.index_cast %arg0 : i32 to index
    %get3A_2 = memref.load %arg8[%get3A_1] : memref<52xi32, #tpu.memory_space<smem>>
    %mul3A = arith.muli %arg1, %get3A_2 : i32
    %c0_i32 = arith.constant 0 : i32
    %c0_i32_3 = arith.constant 0 : i32
    return %get3A_0, %c0_i32, %mul3A : i32, i32, i32
  }
  func.func @transform_10(%arg0: i32, %arg1: i32, %arg2: memref<52xi32, #tpu.memory_space<smem>>, %arg3: memref<52xi32, #tpu.memory_space<smem>>, %arg4: memref<52xi32, #tpu.memory_space<smem>>, %arg5: memref<52xi32, #tpu.memory_space<smem>>, %arg6: memref<52xi32, #tpu.memory_space<smem>>, %arg7: memref<52xi32, #tpu.memory_space<smem>>, %arg8: memref<52xi32, #tpu.memory_space<smem>>) -> (i32, i32, i32) {
    %get3A = arith.index_cast %arg0 : i32 to index
    %get3A_0 = memref.load %arg7[%get3A] : memref<52xi32, #tpu.memory_space<smem>>
    %get3A_1 = arith.index_cast %arg0 : i32 to index
    %get3A_2 = memref.load %arg8[%get3A_1] : memref<52xi32, #tpu.memory_space<smem>>
    %mul3A = arith.muli %arg1, %get3A_2 : i32
    %c0_i32 = arith.constant 0 : i32
    %c0_i32_3 = arith.constant 0 : i32
    return %get3A_0, %c0_i32, %mul3A : i32, i32, i32
  }
  func.func @transform_11(%arg0: i32, %arg1: i32, %arg2: memref<52xi32, #tpu.memory_space<smem>>, %arg3: memref<52xi32, #tpu.memory_space<smem>>, %arg4: memref<52xi32, #tpu.memory_space<smem>>, %arg5: memref<52xi32, #tpu.memory_space<smem>>, %arg6: memref<52xi32, #tpu.memory_space<smem>>, %arg7: memref<52xi32, #tpu.memory_space<smem>>, %arg8: memref<52xi32, #tpu.memory_space<smem>>) -> (i32, i32, i32) {
    %get3A = arith.index_cast %arg0 : i32 to index
    %get3A_0 = memref.load %arg7[%get3A] : memref<52xi32, #tpu.memory_space<smem>>
    %get3A_1 = arith.index_cast %arg0 : i32 to index
    %get3A_2 = memref.load %arg8[%get3A_1] : memref<52xi32, #tpu.memory_space<smem>>
    %mul3A = arith.muli %arg1, %get3A_2 : i32
    %c0_i32 = arith.constant 0 : i32
    %c0_i32_3 = arith.constant 0 : i32
    return %get3A_0, %mul3A, %c0_i32 : i32, i32, i32
  }
  func.func @transform_12(%arg0: i32, %arg1: i32, %arg2: memref<52xi32, #tpu.memory_space<smem>>, %arg3: memref<52xi32, #tpu.memory_space<smem>>, %arg4: memref<52xi32, #tpu.memory_space<smem>>, %arg5: memref<52xi32, #tpu.memory_space<smem>>, %arg6: memref<52xi32, #tpu.memory_space<smem>>, %arg7: memref<52xi32, #tpu.memory_space<smem>>, %arg8: memref<52xi32, #tpu.memory_space<smem>>) -> (i32, i32) {
    %c0_i32 = arith.constant 0 : i32
    %c0_i32_0 = arith.constant 0 : i32
    return %arg0, %c0_i32 : i32, i32
  }
}

</mosaic_0001>

<sc_bundles>
// kernel: gather_offload_async_start.1
scs
__scs_entry_jumppad:
0x0: {  	(pc) =	sbr.rel $0x88, $3  }
0x1: {  	(tag) =	ssettag $0x0;
	lr =	simm.s32 $0x1  }
0x2: {  	[smem:$0x3F8D] =	sst lr;
	_ =	strace $0xD0000000  }
0x3: {  	_ = 	snop  }
0x4: {  	_ = 	snop  }
0x5: {  	_ = 	snop  }
0x6: {  	_ = 	snop  }
0x7: {  	_ = 	snop  }
__scs_overlays_trampoline_lowered:
0x8: {  	[smem:$0x3F9C] =	sst s0  }
0x9: {  	[smem:$0x3F9D] =	sst s1  }
0xa: {  	[smem:$0x3F9E] =	sst s2  }
0xb: {  	[smem:$0x3F9F] =	sst s3  }
0xc: {  	[smem:$0x3FA0] =	sst s4  }
0xd: {  	[smem:$0x3FA1] =	sst s5  }
0xe: {  	[smem:$0x3FA2] =	sst s6  }
0xf: {  	[smem:$0x3FA3] =	sst s7  }
0x10: {  	[smem:$0x3FA4] =	sst s8  }
0x11: {  	[smem:$0x3FA5] =	sst s9;
	s0 =	simm.s32 @!p0 $0x0  }
0x12: {  	s1 =	sld [smem:$0x3F8B];
	s0 =	simm.s32 @p0 $0x1  }
0x13: {  	[smem:$0x3FA6] =	sst s0;
	s0 =	simm.s32 @!p1 $0x0  }
0x14: {  	s2 =	sld [smem:$0x3F8A];
	s0 =	simm.s32 @p1 $0x1  }
0x15: {  	[smem:$0x3FA7] =	sst s0;
	s0 =	simm.s32 @!p2 $0x0  }
0x16: {  	s3 =	sld [smem:$0x3FDB];
	s0 =	simm.s32 @p2 $0x1  }
0x17: {  	s4 =	simm.s32 $0x1BF5;
	[smem:$0x3FA9] =	sst s0  }
0x18: {  	s0 =	sld [smem:$0x3F8C];
	_ =	swait.ge [sflag:s4], $0x0  }
0x19: {  	s7 =	sld [smem:$0x3F8D]  }
0x1a: {  	s8 =	sadd.s32 $0xFFFFE003, lr  }
0x1b: {  	s9 =	sadd.s32 $0xFFFFFEF7, lr;
	s5 =	simm.s32 $0xFFFFFFFF;
	p2 =	slt.u32 s8, $0xFFFFF086  }
0x1c: {  	p1 =	slt.u32 s9, $0xF7A;
	s5 =	simm.s32 @!p2 $0x0  }
0x1d: {  	s5 =	simm.s32 @p1 $0x1;
	p0 =	seq.s32 s7, s2  }
0x1e: {  	s7 =	smul.u32 @!p0 $0xF7A, s2;
	p2 =	seq.s32 @!p0 s5, $0x0  }
0x1f: {  	s9 =	smul.u32 $0xF7A, s1;
	s8 =	simm.s32 @!p0 $0x1BF5;
	p2 =	por !p2, p0  }
0x20: {  	[sflag:s8] =	ssyncset.s32 @!p0 $0xFFFFF086;
	s6 =	sadd.s32 @!p0 s3, s7;
	s7 =	simm.s32 @!p0 $0x108  }
0x21: {  	s3 =	sadd.s32 s3, s9;
	s6 =	sadd.s32 @!p0 $0x88, s6;
	s7 =	simm.s32 @p2 $0x1082  }
0x22: {  	[simem:s7], [sflag:s8] =	dma.local @!p0 [hbm:s6], $0xF7A  }
0x23: {  	s9 =	sor.u32 $0xD0000000, s2;
	s6 =	simm.s32 $0x108;
	_ =	swait.ge @!p0 [sflag:s8], $0x0  }
0x24: {  	s3 =	sadd.s32 $0x88, s3;
	s6 =	simm.s32 @!p1 $0x1082;
	[sflag:s4] =	ssyncset.s32 $0xFFFFF086  }
0x25: {  	[simem:s6], [sflag:s4] =	dma.local [hbm:s3], $0xF7A  }
0x26: {  	[smem:$0x3F8D] =	sst s1;
	(tag) =	ssettag s2;
	_ =	strace s9  }
0x27: {  	s1 =	sld [smem:$0x3F9D]  }
0x28: {  	s2 =	sld [smem:$0x3F9E]  }
0x29: {  	s4 =	sld [smem:$0x3FA0]  }
0x2a: {  	p0 =	seq.s32 s5, $0x0;
	s5 =	sld [smem:$0x3FA1]  }
0x2b: {  	s6 =	sld [smem:$0x3FA2]  }
0x2c: {  	s7 =	sld [smem:$0x3FA3]  }
0x2d: {  	s3 =	simm.s32 $0x108;
	s8 =	sld [smem:$0x3FA4]  }
0x2e: {  	s3 =	simm.s32 @!p0 $0x1082;
	s9 =	sld [smem:$0x3FA5]  }
0x2f: {  	lr =	sadd.s32 s0, s3;
	s0 =	sld [smem:$0x3F9C]  }
0x30: {  	s3 =	sld [smem:$0x3F9F]  }
0x31: {  	[smem:$0x3FA8] =	sst s10  }
0x32: {  	s10 =	sld [smem:$0x3FA6];
	_ =	sdelay $0x3  }
0x33: {  	p0 =	seq.s32 s10, $0x1;
	s10 =	sld [smem:$0x3FA8];
	_ =	sdelay $0x3  }
0x34: {  	[smem:$0x3FA8] =	sst s10  }
0x35: {  	s10 =	sld [smem:$0x3FA7];
	_ =	sdelay $0x3  }
0x36: {  	p1 =	seq.s32 s10, $0x1;
	s10 =	sld [smem:$0x3FA8];
	_ =	sdelay $0x3  }
0x37: {  	[smem:$0x3FA8] =	sst s10  }
0x38: {  	s10 =	sld [smem:$0x3FA9]  }
0x39: {  	_ = 	snop;
	(pc) =	sbr.ind lr, $3  }
0x3a: {  	_ = 	snop  }
0x3b: {  	_ = 	snop  }
0x3c: {  	p2 =	seq.s32 s10, $0x1;
	s10 =	sld [smem:$0x3FA8]  }
0x3d: {  	_ =	shalt  }
0x3e: {  	_ =	shalt  }
0x3f: {  	_ =	shalt  }
0x40: {  	_ =	shalt  }
0x41: {  	_ =	shalt  }
0x42: {  	_ =	shalt  }
0x43: {  	_ =	shalt  }
0x44: {  	_ =	shalt  }
0x45: {  	_ =	shalt  }
0x46: {  	_ =	shalt  }
0x47: {  	_ =	shalt  }
0x48: {  	_ =	shalt  }
0x49: {  	_ =	shalt  }
0x4a: {  	_ =	shalt  }
0x4b: {  	_ =	shalt  }
0x4c: {  	_ =	shalt  }
0x4d: {  	_ =	shalt  }
0x4e: {  	_ =	shalt  }
0x4f: {  	_ =	shalt  }
0x50: {  	_ =	shalt  }
0x51: {  	_ =	shalt  }
0x52: {  	_ =	shalt  }
0x53: {  	_ =	shalt  }
0x54: {  	_ =	shalt  }
0x55: {  	_ =	shalt  }
0x56: {  	_ =	shalt  }
0x57: {  	_ =	shalt  }
0x58: {  	_ =	shalt  }
0x59: {  	_ =	shalt  }
0x5a: {  	_ =	shalt  }
0x5b: {  	_ =	shalt  }
0x5c: {  	_ =	shalt  }
0x5d: {  	_ =	shalt  }
0x5e: {  	_ =	shalt  }
0x5f: {  	_ =	shalt  }
0x60: {  	_ =	shalt  }
0x61: {  	_ =	shalt  }
0x62: {  	_ =	shalt  }
0x63: {  	_ =	shalt  }
0x64: {  	_ =	shalt  }
0x65: {  	_ =	shalt  }
0x66: {  	_ =	shalt  }
0x67: {  	_ =	shalt  }
0x68: {  	_ =	shalt  }
0x69: {  	_ =	shalt  }
0x6a: {  	_ =	shalt  }
0x6b: {  	_ =	shalt  }
0x6c: {  	_ =	shalt  }
0x6d: {  	_ =	shalt  }
0x6e: {  	_ =	shalt  }
0x6f: {  	_ =	shalt  }
0x70: {  	_ =	shalt  }
0x71: {  	_ =	shalt  }
0x72: {  	_ =	shalt  }
0x73: {  	_ =	shalt  }
0x74: {  	_ =	shalt  }
0x75: {  	_ =	shalt  }
0x76: {  	_ =	shalt  }
0x77: {  	_ =	shalt  }
0x78: {  	_ =	shalt  }
0x79: {  	_ =	shalt  }
0x7a: {  	_ =	shalt  }
0x7b: {  	_ =	shalt  }
0x7c: {  	_ =	shalt  }
0x7d: {  	_ =	shalt  }
0x7e: {  	_ =	shalt  }
0x7f: {  	_ =	shalt  }
0x80: {  	_ =	shalt  }
0x81: {  	_ =	shalt  }
0x82: {  	_ =	shalt  }
0x83: {  	_ =	shalt  }
0x84: {  	_ =	shalt  }
0x85: {  	_ =	shalt  }
0x86: {  	_ =	shalt  }
0x87: {  	_ =	shalt  }
.Lfunc_end0:
.L_simem_size_0:
called_computation.1_lowered:
.L_overlay_start_0:
0x88: {  	s2 =	sld [smem:$0x3FD9]  }
0x89: {  	s3 =	sld [smem:$0x3FFE];
	_ =	sdelay $0x1  }
0x8a: {  	s1 =	srdreg.scid  }
0x8b: {  	s0 =	sand.u32 $0x1, s1  }
0x8c: {  	s17 =	sshll.u32 s0, $0xA;
	s2 =	sadd.s32 s3, s2  }
0x8d: {  	s2 =	sadd.s32 s2, s17  }
0x8e: {  	[smem:$0x3FB4] =	sst s2  }
0x8f: {  	_ = 	snop  }
0x90: {  	(tm) =	ssettm $0x1  }
0x91: {  	s18 =	sld [smem:$0x3FFB];
	_ =	sdelay $0x3  }
0x92: {  	_ =	strace s18  }
0x93: {  	s2 =	sld [smem:$0x3FFC];
	_ =	sdelay $0x3  }
0x94: {  	_ =	strace s2  }
0x95: {  	s2 =	sld [smem:$0x3FFD];
	_ =	sdelay $0x3  }
0x96: {  	_ =	strace s2  }
0x97: {  	_ =	strace $0x8FFFFFFF  }
0x98: {  	s19 =	sld [smem:$0x3FDB];
	_ =	sdelay $0x1  }
0x99: {  	s20 =	simm.s32 $_scs_section_size  }
0x9a: {  	s4 =	simm.s32 $_size__tile_overlayer_lowered;
	s5 =	simm.s32 $_tile_overlayer_lowered  }
0x9b: {  	s6 =	simm.s32 $0x1BFF;
	s21 =	sshll.u32 s5, $0x1;
	s3 =	sadd.s32 s20, s19  }
0x9c: {  	s22 =	simm.s32 $0x0;
	s4 =	sshll.u32 s4, $0x1;
	s5 =	sadd.s32 s21, s3  }
0x9d: {  	[timem:s22], [sflag:s6] =	dma.local [hbm:s5], s4  }
0x9e: {  	_ =	swait.ge [sflag:s6], s4  }
0x9f: {  	s4 =	ssub.s32 $0x0, s4;
	[sflag:s6] =	ssyncset.done $0x0  }
0xa0: {  	[sflag:s6] =	ssyncadd.s32 s4;
	_ =	sdelay $0x1  }
0xa1: {  	s23 =	simm.s32 $0x1B8B  }
0xa2: {  	_ =	swait.ge [sflag:s23], $0x1  }
0xa3: {  	[sflag:s23] =	ssyncset.done $0x0  }
0xa4: {  	[sflag:s23] =	ssyncadd.s32 $0xFFFFFFFF  }
0xa5: {  	s4 =	sld [smem:$0x0]  }
0xa6: {  	s5 =	sand.u32 $0xFFFFFFFE, s1  }
0xa7: {  	p0 =	sne.s32 s1, s5  }
0xa8: {  	s5 =	sshll.u32 @p0 s5, $0xE  }
0xa9: {  	s5 =	sadd.s32 @p0 $0x11B8D, s5;
	s6 =	sshll.u32 @p0 s4, $0x11  }
0xaa: {  	s5 =	sor.u32 @p0 s6, s5  }
0xab: {  	[sflag:s5] =	ssyncadd.remote.s32 @p0 $0x1;
	_ =	sdelay $0x1  }
0xac: {  	s5 =	simm.s32 @p0 $0x1B8D  }
0xad: {  	_ =	swait.eq @p0 [sflag:s5], $0x1  }
0xae: {  	[sflag:s5] =	ssyncadd.s32 @p0 $0xFFFFFFFF  }
0xaf: {  	s6 =	sshll.u32 @!p0 s1, $0xE  }
0xb0: {  	s6 =	sor.u32 @!p0 $0x4000, s6;
	s5 =	simm.s32 @!p0 $0x1B8D  }
0xb1: {  	s4 =	sshll.u32 @!p0 s4, $0x11;
	s6 =	sadd.s32 @!p0 $0x11B8D, s6;
	_ =	swait.eq @!p0 [sflag:s5], $0x1  }
0xb2: {  	s4 =	sor.u32 @!p0 s4, s6;
	[sflag:s5] =	ssyncadd.s32 @!p0 $0xFFFFFFFF  }
0xb3: {  	s25 =	simm.s32 $0x1B8E;
	s24 =	sld [smem:$0x3FFE];
	[sflag:s4] =	ssyncadd.remote.s32 @!p0 $0x1  }
0xb4: {  	s26 =	simm.s32 $execute0_lowered;
	[smem:$0x3FD2] =	sst s25  }
0xb5: {  	s5 =	sshll.u32 s26, $0x1;
	_ =	strace $0x80000049;
	[dreg:$0x1] =	wrdreg $0xFFFFFFFF  }
0xb6: {  	s28 =	simm.s32 $_size_execute0_lowered;
	s3 =	sadd.s32 s3, s5;
	[dreg:$0x0] =	wrdreg $0x0  }
0xb7: {  	s5 =	sshll.u32 s28, $0x1;
	[dreg:$0x2] =	wrdreg s3  }
0xb8: {  	[dreg:$0x3] =	wrdreg s5  }
0xb9: {  	[dreg:$0x4] =	wrdreg $0xC0  }
0xba: {  	_ =	task [dreg:s22], $0x5FFFF  }
0xbb: {  	[dreg:$0x1] =	wrdreg $0xFFFFFFFF  }
0xbc: {  	[dreg:$0x0] =	wrdreg $0x60  }
0xbd: {  	[dreg:$0x2] =	wrdreg s24  }
0xbe: {  	[dreg:$0x3] =	wrdreg $0xA  }
0xbf: {  	_ =	task.clear_ibuf [dreg:s22], $0x4FFFF;
	_ =	strace $0x90000049  }
0xc0: {  	s29 =	simm.s32 $0xA;
	_ =	strace $0x8000004B  }
0xc1: {  	_ =	swait.ge [sflag:s29], $0x1  }
0xc2: {  	[sflag:s29] =	ssyncadd.s32 $0xFFFFFFFF  }
0xc3: {  	_ =	strace $0x9000004B  }
0xc4: {  	_ =	sfence  }
0xc5: {  	s30 =	sld [smem:$0x0];
	_ =	sdelay $0x2  }
0xc6: {  	s31 =	sshll.u32 s1, $0xD;
	s1 =	sshrl.u32 s1, $0x2  }
0xc7: {  	s4 =	sand.u32 $0x4000, s31;
	s1 =	sadd.s32 s1, s30  }
0xc8: {  	s0 =	sor.u32 s4, s0;
	s1 =	sshll.u32 s1, $0x11  }
0xc9: {  	s0 =	sor.u32 s1, s0  }
0xca: {  	s0 =	sadd.s32 $0x8F2B, s0  }
0xcb: {  	[sflag:s0] =	ssyncadd.remote.s32 $0x1  }
0xcc: {  	_ =	sfence.sel $0xFFFF  }
0xcd: {  	[dreg:$0x0] =	wrdreg $0xFFFFFFFF;
	(pc) =	sbr.abs _section_cstart, $3  }
0xce: {  	[dreg:$0x1] =	wrdreg $0xFFFFFFFF  }
0xcf: {  	_ =	task.clear_ibuf [dreg:s22], $0x2FFFF;
	_ =	strace $0x9FFFFFFF  }
0xd0: {  	(tm) =	ssettm $0x7FFFFFFF  }
0xd1: {  	_ =	shalt  }
tec
execute0_lowered:
.L_overlay_start_1:
0x0: {  	(tag) =	ssettag $0x1  }
0x1: {  	s1 =	srdreg.scid  }
0x2: {  	s0 =	stileid.u32;
	s8 =	rddreg [dreg:$0x0];
	s5 =	simm.s32 $0x1  }
0x3: {  	s9 =	simm.s32 $0x1;
	s10 =	simm.s32 $0x3;
	s1 =	sshll.u32 s1, $0x5  }
0x4: {  	s13 =	simm.s32 $0x0;
	s2 =	sshll.u32 s0, $0x6;
	s3 =	sand.u32 $0x20, s1  }
0x5: {  	s12 =	simm.s32 $0x0;
	s4 =	sadd.s32 $0x40400, s8;
	s2 =	sor.u32 s2, s3  }
0x6: {  	s1 =	rddreg [dreg:$0x1];
	_ =	strace $0x8000004A;
	s7 =	ssub.s32 $0x800, s2  }
.Ltmp0:
0x7: {  	s3 =	sadd.s32 $0x41000, s8;
	s6 =	sand.u32 $0x3E0, s7;
	(pc) =	sbr.rel .LBB2_1-.Ltmp0, $4  }
0x8: {  	[sflag:s5] =	ssyncpa.u1 $0x0;
	s8 =	sadd.s32 $0x49800, s8;
	p0 =	sne.s32 s6, $0x0  }
0x9: {  	s7 =	sshrl.u32 s7, $0xA;
	s6 =	simm.s32 $0x2;
	s9 =	simm.s32 @!p0 $0x0  }
0xa: {  	s11 =	smov.u32 s2;
	[sflag:s6] =	ssyncpa.u1 $0x0;
	s7 =	sadd.s32 s9, s7  }
0xb: {  	vm0 =	vmmov $0xffff;
	[sflag:s10] =	ssyncpa.u1 $0x0;
	s10 =	simm.s32 $0x0;
	s9 =	sadd.s32 $0x1, s7  }
.LBB2_5:
0xc: {  	s15 =	sadd.s32 $0x400, s11  }
0xd: {  	p1 =	sgt.s32 s15, $0x7FF  }
0xe: {  	s15 =	smov.u32 @p1 s2;
	p1 =	sne.s32 s12, s9  }
.Ltmp1:
0xf: {  	p0 =	slt.u32 s12, $0x2;
	(pc) =	sbr.rel @!p1 .LBB2_6-.Ltmp1, $4  }
0x10: {  	s14 =	simm.s32 @!p0 $0x3  }
0x11: {  	_ =	swait.ge @!p0 [sflag:s14], $0x20  }
0x12: {  	s16 =	sadd.s32 $0x1, s12;
	s13 =	smov.u32 s11;
	[sflag:s14] =	ssyncset.done @!p0 $0x0  }
0x13: {  	s12 =	smov.u32 s16;
	s11 =	smov.u32 s15;
	[sflag:s14] =	ssyncadd.s32 @!p0 $0xFFFFFFE0  }
.LBB2_1:
0x14: {  	p0 =	sge.u32 s12, s7  }
0x15: {  	s14 =	sxor.u32 @!p0 $0xFFFFFFFF, s12  }
0x16: {  	s31 =	sadd.s32 $0xFFFFFFFF, s12;
	s15 =	sshrl.u32 @!p0 s11, $0x3;
	s14 =	sshll.u32 @!p0 s14, $0x5  }
0x17: {  	s16 =	sand.u32 @!p0 $0x7, s11;
	s15 =	sadd.s32 @!p0 s4, s15;
	s14 =	sand.u32 @!p0 $0x20, s14  }
0x18: {  	[tilespmem:s14], [sflag:$0x2] =	stream.linear.gather @!p0 [hbm4b:s15+s16], $0x20, $0x38;
	[tilespmem:$0x80] =	vst v63  }
0x19: {  	p0 =	sge.u32 s31, s7  }
.Ltmp2:
0x1a: {  	_ = 	snop;
	(pc) =	sbr.rel @p0 .LBB2_5-.Ltmp2, $1  }
0x1b: {  	_ =	sdelay $0x3  }
0x1c: {  	_ =	swait.ge [sflag:s6], $0x20;
	s14 =	sshll.u32 s12, $0x5;
	s16 =	simm.s32 $0x0  }
0x1d: {  	p0 =	por $0x1, $0x1;
	[sflag:s6] =	ssyncset.done $0x0;
	s15 =	sand.u32 $0x20, s14  }
0x1e: {  	[sflag:s6] =	ssyncadd.s32 $0xFFFFFFE0;
	(ifvalue) =	ssetifvalue $0x7FFFFFFF;
	s14 =	sor.u32 $0x40, s15  }
.LBB2_3:
0x1f: {  	s17 =	sadd.s32 s16, s15  }
0x20: {  	v0 =	vld.msk [tilespmem:s17+$0x0 ss:$0x1], $0xffff;
	_ =	sdelay $0x4  }
0x21: {  	v1 =	vshrl.u32 v0, $0xB;
	v2 =	vshll.u32 v0, $0x7  }
0x22: {  	vm1 =	veq.s32 v0, $0x80000000;
	v61 =	vand.u32 $0x7, v1;
	v62 =	vand.u32 $0x3FF80, v2  }
0x23: {  	v0 =	vsel vm1, $0xFFFFFFFF, v61;
	v1 =	vsel vm1, $0xFFFFFF80, v62  }
0x24: {  	v63 =	vand.u32 $0xFFFFFC00, v1;
	v3 =	vand.u32 $0xFFFFFC00, v0  }
0x25: {  	v1 =	vand.u32 $0x380, v1;
	v2 =	vadd.s32 v3, v63  }
0x26: {  	v0 =	vand.u32 $0x7F, v0;
	v1 =	vor.u32 v1, v2  }
0x27: {  	p1 =	por p0, p0;
	v0 =	vor.u32 v0, v1  }
.Ltmp3:
0x28: {  	_ = 	snop;
	(pc) =	sbr.rel @p1 .LBB2_3-.Ltmp3, $4  }
0x29: {  	_ = 	snop  }
0x2a: {  	s31 =	sadd.s32 s16, s14  }
0x2b: {  	s16 =	simm.s32 $0x10;
	p0 =	por $0x0, $0x0;
	(ifvalue) =	ssetifvalue $0x7FFFFFFF  }
0x2c: {  	[tilespmem:s31], [sflag:$0x1] =	stream.indirect_vreg.gather [hbm4b:s3+s10], $0x1, v0, vm0, $0x4038;
	[tilespmem:$0x80] =	vst v63  }
.Ltmp4:
0x2d: {  	(pc) =	sbr.rel .LBB2_5-.Ltmp4, $4  }
0x2e: {  	_ =	swait.ge [sflag:s5], $0x20  }
0x2f: {  	s15 =	sshrl.u32 s13, $0x3;
	[sflag:s5] =	ssyncset.done $0x0  }
0x30: {  	s31 =	sand.u32 $0x7, s13;
	s15 =	sadd.s32 s8, s15;
	[sflag:s5] =	ssyncadd.s32 $0xFFFFFFE0  }
0x31: {  	[hbm4b:s15+s31] =	stream.linear.scatter [tilespmem:s14], [sflag:$0x3], $0x20, $0x38;
	[tilespmem:$0x80] =	vst v63  }
.LBB2_6:
0x32: {  	_ =	sfence.sel $0x180000  }
0x33: {  	s2 =	simm.s32 $0x2;
	[bflag:$0x0] =	sbarrier.arrive $0xFFFF  }
0x34: {  	s30 =	simm.s32 $0x3;
	[sflag:s2] =	ssyncpa.u1 $0x1  }
0x35: {  	s31 =	simm.s32 $0x1;
	[sflag:s30] =	ssyncpa.u1 $0x1  }
0x36: {  	[sflag:s31] =	ssyncpa.u1 $0x1  }
0x37: {  	p0 =	sne.s32 s0, $0x0;
	_ =	strace $0x9000004A  }
0x38: {  	s0 =	sadd.s32 @!p0 $0x100000, s1;
	[bflag:$0x2] =	sbarrier.arrive $0xFFFF  }
0x39: {  	[sflag:s0] =	ssyncadd.tile.s32 @!p0 $0x1;
	_ =	shalt  }
.Lfunc_end2:
_tile_overlayer_lowered:
.L_overlay_start_2:
0x3a: {  	(tag) =	ssettag $0x2  }
0x3b: {  	s0 =	rddreg [dreg:$0x0];
	s2 =	stileid.u32  }
0x3c: {  	s1 =	rddreg [dreg:$0x1];
	p0 =	sne.s32 s2, $0x0  }
0x3d: {  	s3 =	rddreg [dreg:$0x2];
	[bflag:$0x3] =	sbarrier.arrive $0xFFFF;
	s2 =	simm.s32 @!p0 $0x1C01  }
0x3e: {  	[timem:s3], [sflag:s2] =	dma.local @!p0 [hbm:s0], s1  }
0x3f: {  	s0 =	simm.s32 @!p0 $0x1  }
0x40: {  	_ =	swait.ge @!p0 [sflag:s0], s1  }
0x41: {  	s1 =	ssub.s32 @!p0 $0x0, s1;
	[sflag:s0] =	ssyncset.done @!p0 $0x0  }
0x42: {  	[sflag:s0] =	ssyncadd.s32 @!p0 s1  }
0x43: {  	[bflag:$0x3] =	sbarrier.arrive $0xFFFF  }
0x44: {  	_ =	shalt  }

// kernel: gather_offload_async_start
scs
__scs_entry_jumppad:
0x0: {  	(pc) =	sbr.rel $0x88, $3  }
0x1: {  	(tag) =	ssettag $0x0;
	lr =	simm.s32 $0x1  }
0x2: {  	[smem:$0x3F8D] =	sst lr;
	_ =	strace $0xD0000000  }
0x3: {  	_ = 	snop  }
0x4: {  	_ = 	snop  }
0x5: {  	_ = 	snop  }
0x6: {  	_ = 	snop  }
0x7: {  	_ = 	snop  }
__scs_overlays_trampoline_lowered:
0x8: {  	[smem:$0x3F9C] =	sst s0  }
0x9: {  	[smem:$0x3F9D] =	sst s1  }
0xa: {  	[smem:$0x3F9E] =	sst s2  }
0xb: {  	[smem:$0x3F9F] =	sst s3  }
0xc: {  	[smem:$0x3FA0] =	sst s4  }
0xd: {  	[smem:$0x3FA1] =	sst s5  }
0xe: {  	[smem:$0x3FA2] =	sst s6  }
0xf: {  	[smem:$0x3FA3] =	sst s7  }
0x10: {  	[smem:$0x3FA4] =	sst s8  }
0x11: {  	[smem:$0x3FA5] =	sst s9;
	s0 =	simm.s32 @!p0 $0x0  }
0x12: {  	s1 =	sld [smem:$0x3F8B];
	s0 =	simm.s32 @p0 $0x1  }
0x13: {  	[smem:$0x3FA6] =	sst s0;
	s0 =	simm.s32 @!p1 $0x0  }
0x14: {  	s2 =	sld [smem:$0x3F8A];
	s0 =	simm.s32 @p1 $0x1  }
0x15: {  	[smem:$0x3FA7] =	sst s0;
	s0 =	simm.s32 @!p2 $0x0  }
0x16: {  	s3 =	sld [smem:$0x3FDB];
	s0 =	simm.s32 @p2 $0x1  }
0x17: {  	s4 =	simm.s32 $0x1BF5;
	[smem:$0x3FA9] =	sst s0  }
0x18: {  	s0 =	sld [smem:$0x3F8C];
	_ =	swait.ge [sflag:s4], $0x0  }
0x19: {  	s7 =	sld [smem:$0x3F8D]  }
0x1a: {  	s8 =	sadd.s32 $0xFFFFE003, lr  }
0x1b: {  	s9 =	sadd.s32 $0xFFFFFEF7, lr;
	s5 =	simm.s32 $0xFFFFFFFF;
	p2 =	slt.u32 s8, $0xFFFFF086  }
0x1c: {  	p1 =	slt.u32 s9, $0xF7A;
	s5 =	simm.s32 @!p2 $0x0  }
0x1d: {  	s5 =	simm.s32 @p1 $0x1;
	p0 =	seq.s32 s7, s2  }
0x1e: {  	s7 =	smul.u32 @!p0 $0xF7A, s2;
	p2 =	seq.s32 @!p0 s5, $0x0  }
0x1f: {  	s9 =	smul.u32 $0xF7A, s1;
	s8 =	simm.s32 @!p0 $0x1BF5;
	p2 =	por !p2, p0  }
0x20: {  	[sflag:s8] =	ssyncset.s32 @!p0 $0xFFFFF086;
	s6 =	sadd.s32 @!p0 s3, s7;
	s7 =	simm.s32 @!p0 $0x108  }
0x21: {  	s3 =	sadd.s32 s3, s9;
	s6 =	sadd.s32 @!p0 $0x88, s6;
	s7 =	simm.s32 @p2 $0x1082  }
0x22: {  	[simem:s7], [sflag:s8] =	dma.local @!p0 [hbm:s6], $0xF7A  }
0x23: {  	s9 =	sor.u32 $0xD0000000, s2;
	s6 =	simm.s32 $0x108;
	_ =	swait.ge @!p0 [sflag:s8], $0x0  }
0x24: {  	s3 =	sadd.s32 $0x88, s3;
	s6 =	simm.s32 @!p1 $0x1082;
	[sflag:s4] =	ssyncset.s32 $0xFFFFF086  }
0x25: {  	[simem:s6], [sflag:s4] =	dma.local [hbm:s3], $0xF7A  }
0x26: {  	[smem:$0x3F8D] =	sst s1;
	(tag) =	ssettag s2;
	_ =	strace s9  }
0x27: {  	s1 =	sld [smem:$0x3F9D]  }
0x28: {  	s2 =	sld [smem:$0x3F9E]  }
0x29: {  	s4 =	sld [smem:$0x3FA0]  }
0x2a: {  	p0 =	seq.s32 s5, $0x0;
	s5 =	sld [smem:$0x3FA1]  }
0x2b: {  	s6 =	sld [smem:$0x3FA2]  }
0x2c: {  	s7 =	sld [smem:$0x3FA3]  }
0x2d: {  	s3 =	simm.s32 $0x108;
	s8 =	sld [smem:$0x3FA4]  }
0x2e: {  	s3 =	simm.s32 @!p0 $0x1082;
	s9 =	sld [smem:$0x3FA5]  }
0x2f: {  	lr =	sadd.s32 s0, s3;
	s0 =	sld [smem:$0x3F9C]  }
0x30: {  	s3 =	sld [smem:$0x3F9F]  }
0x31: {  	[smem:$0x3FA8] =	sst s10  }
0x32: {  	s10 =	sld [smem:$0x3FA6];
	_ =	sdelay $0x3  }
0x33: {  	p0 =	seq.s32 s10, $0x1;
	s10 =	sld [smem:$0x3FA8];
	_ =	sdelay $0x3  }
0x34: {  	[smem:$0x3FA8] =	sst s10  }
0x35: {  	s10 =	sld [smem:$0x3FA7];
	_ =	sdelay $0x3  }
0x36: {  	p1 =	seq.s32 s10, $0x1;
	s10 =	sld [smem:$0x3FA8];
	_ =	sdelay $0x3  }
0x37: {  	[smem:$0x3FA8] =	sst s10  }
0x38: {  	s10 =	sld [smem:$0x3FA9]  }
0x39: {  	_ = 	snop;
	(pc) =	sbr.ind lr, $3  }
0x3a: {  	_ = 	snop  }
0x3b: {  	_ = 	snop  }
0x3c: {  	p2 =	seq.s32 s10, $0x1;
	s10 =	sld [smem:$0x3FA8]  }
0x3d: {  	_ =	shalt  }
0x3e: {  	_ =	shalt  }
0x3f: {  	_ =	shalt  }
0x40: {  	_ =	shalt  }
0x41: {  	_ =	shalt  }
0x42: {  	_ =	shalt  }
0x43: {  	_ =	shalt  }
0x44: {  	_ =	shalt  }
0x45: {  	_ =	shalt  }
0x46: {  	_ =	shalt  }
0x47: {  	_ =	shalt  }
0x48: {  	_ =	shalt  }
0x49: {  	_ =	shalt  }
0x4a: {  	_ =	shalt  }
0x4b: {  	_ =	shalt  }
0x4c: {  	_ =	shalt  }
0x4d: {  	_ =	shalt  }
0x4e: {  	_ =	shalt  }
0x4f: {  	_ =	shalt  }
0x50: {  	_ =	shalt  }
0x51: {  	_ =	shalt  }
0x52: {  	_ =	shalt  }
0x53: {  	_ =	shalt  }
0x54: {  	_ =	shalt  }
0x55: {  	_ =	shalt  }
0x56: {  	_ =	shalt  }
0x57: {  	_ =	shalt  }
0x58: {  	_ =	shalt  }
0x59: {  	_ =	shalt  }
0x5a: {  	_ =	shalt  }
0x5b: {  	_ =	shalt  }
0x5c: {  	_ =	shalt  }
0x5d: {  	_ =	shalt  }
0x5e: {  	_ =	shalt  }
0x5f: {  	_ =	shalt  }
0x60: {  	_ =	shalt  }
0x61: {  	_ =	shalt  }
0x62: {  	_ =	shalt  }
0x63: {  	_ =	shalt  }
0x64: {  	_ =	shalt  }
0x65: {  	_ =	shalt  }
0x66: {  	_ =	shalt  }
0x67: {  	_ =	shalt  }
0x68: {  	_ =	shalt  }
0x69: {  	_ =	shalt  }
0x6a: {  	_ =	shalt  }
0x6b: {  	_ =	shalt  }
0x6c: {  	_ =	shalt  }
0x6d: {  	_ =	shalt  }
0x6e: {  	_ =	shalt  }
0x6f: {  	_ =	shalt  }
0x70: {  	_ =	shalt  }
0x71: {  	_ =	shalt  }
0x72: {  	_ =	shalt  }
0x73: {  	_ =	shalt  }
0x74: {  	_ =	shalt  }
0x75: {  	_ =	shalt  }
0x76: {  	_ =	shalt  }
0x77: {  	_ =	shalt  }
0x78: {  	_ =	shalt  }
0x79: {  	_ =	shalt  }
0x7a: {  	_ =	shalt  }
0x7b: {  	_ =	shalt  }
0x7c: {  	_ =	shalt  }
0x7d: {  	_ =	shalt  }
0x7e: {  	_ =	shalt  }
0x7f: {  	_ =	shalt  }
0x80: {  	_ =	shalt  }
0x81: {  	_ =	shalt  }
0x82: {  	_ =	shalt  }
0x83: {  	_ =	shalt  }
0x84: {  	_ =	shalt  }
0x85: {  	_ =	shalt  }
0x86: {  	_ =	shalt  }
0x87: {  	_ =	shalt  }
.Lfunc_end0:
.L_simem_size_0:
called_computation_lowered:
.L_overlay_start_0:
0x88: {  	s2 =	sld [smem:$0x3FD9]  }
0x89: {  	s3 =	sld [smem:$0x3FFE];
	_ =	sdelay $0x1  }
0x8a: {  	s1 =	srdreg.scid  }
0x8b: {  	s0 =	sand.u32 $0x1, s1  }
0x8c: {  	s16 =	sshll.u32 s0, $0xA;
	s2 =	sadd.s32 s3, s2  }
0x8d: {  	s2 =	sadd.s32 s2, s16  }
0x8e: {  	[smem:$0x3FB4] =	sst s2  }
0x8f: {  	_ = 	snop  }
0x90: {  	(tm) =	ssettm $0x1  }
0x91: {  	s17 =	sld [smem:$0x3FFB];
	_ =	sdelay $0x3  }
0x92: {  	_ =	strace s17  }
0x93: {  	s2 =	sld [smem:$0x3FFC];
	_ =	sdelay $0x3  }
0x94: {  	_ =	strace s2  }
0x95: {  	s2 =	sld [smem:$0x3FFD];
	_ =	sdelay $0x3  }
0x96: {  	_ =	strace s2  }
0x97: {  	_ =	strace $0x8FFFFFFF  }
0x98: {  	s18 =	sld [smem:$0x3FDB];
	_ =	sdelay $0x1  }
0x99: {  	s19 =	simm.s32 $_scs_section_size  }
0x9a: {  	s4 =	simm.s32 $_size__tile_overlayer_lowered;
	s5 =	simm.s32 $_tile_overlayer_lowered  }
0x9b: {  	s22 =	simm.s32 $0x1BFF;
	s21 =	sshll.u32 s5, $0x1;
	s2 =	sadd.s32 s19, s18  }
0x9c: {  	s6 =	simm.s32 $0x0;
	s20 =	sshll.u32 s4, $0x1;
	s4 =	sadd.s32 s21, s2  }
0x9d: {  	[timem:s6], [sflag:s22] =	dma.local [hbm:s4], s20  }
0x9e: {  	_ =	swait.ge [sflag:s22], s20  }
0x9f: {  	s3 =	ssub.s32 $0x0, s20;
	[sflag:s22] =	ssyncset.done $0x0  }
0xa0: {  	[sflag:s22] =	ssyncadd.s32 s3;
	_ =	sdelay $0x1  }
0xa1: {  	s23 =	simm.s32 $0x1B8B  }
0xa2: {  	_ =	swait.ge [sflag:s23], $0x1  }
0xa3: {  	[sflag:s23] =	ssyncset.done $0x0  }
0xa4: {  	s25 =	simm.s32 $0x1B8E;
	s24 =	sld [smem:$0x3FFE];
	[sflag:s23] =	ssyncadd.s32 $0xFFFFFFFF  }
0xa5: {  	s26 =	simm.s32 $execute0_lowered;
	[smem:$0x3FD2] =	sst s25  }
0xa6: {  	s4 =	sshll.u32 s26, $0x1;
	_ =	strace $0x80000046;
	[dreg:$0x1] =	wrdreg $0xFFFFFFFF  }
0xa7: {  	s28 =	simm.s32 $_size_execute0_lowered;
	s2 =	sadd.s32 s2, s4;
	[dreg:$0x0] =	wrdreg $0x0  }
0xa8: {  	s4 =	sshll.u32 s28, $0x1;
	[dreg:$0x2] =	wrdreg s2  }
0xa9: {  	[dreg:$0x3] =	wrdreg s4  }
0xaa: {  	[dreg:$0x4] =	wrdreg $0xC0  }
0xab: {  	_ =	task [dreg:s6], $0x5FFFF  }
0xac: {  	[dreg:$0x1] =	wrdreg $0xFFFFFFFF  }
0xad: {  	[dreg:$0x0] =	wrdreg $0x60  }
0xae: {  	[dreg:$0x2] =	wrdreg s24  }
0xaf: {  	[dreg:$0x3] =	wrdreg $0x9  }
0xb0: {  	_ =	task.clear_ibuf [dreg:s6], $0x4FFFF;
	_ =	strace $0x90000046  }
0xb1: {  	s29 =	simm.s32 $0x9;
	_ =	strace $0x80000048  }
0xb2: {  	_ =	swait.ge [sflag:s29], $0x1  }
0xb3: {  	[sflag:s29] =	ssyncadd.s32 $0xFFFFFFFF  }
0xb4: {  	_ =	strace $0x90000048  }
0xb5: {  	_ =	sfence  }
0xb6: {  	s30 =	sld [smem:$0x0];
	_ =	sdelay $0x2  }
0xb7: {  	s31 =	sshll.u32 s1, $0xD;
	s1 =	sshrl.u32 s1, $0x2  }
0xb8: {  	s3 =	sand.u32 $0x4000, s31;
	s1 =	sadd.s32 s1, s30  }
0xb9: {  	s0 =	sor.u32 s3, s0;
	s1 =	sshll.u32 s1, $0x11  }
0xba: {  	s0 =	sor.u32 s1, s0  }
0xbb: {  	s0 =	sadd.s32 $0x8F2B, s0  }
0xbc: {  	[sflag:s0] =	ssyncadd.remote.s32 $0x1  }
0xbd: {  	_ =	sfence.sel $0xFFFF  }
0xbe: {  	[dreg:$0x0] =	wrdreg $0xFFFFFFFF;
	(pc) =	sbr.abs _section_cstart, $3  }
0xbf: {  	[dreg:$0x1] =	wrdreg $0xFFFFFFFF  }
0xc0: {  	_ =	task.clear_ibuf [dreg:s6], $0x2FFFF;
	_ =	strace $0x9FFFFFFF  }
0xc1: {  	(tm) =	ssettm $0x7FFFFFFF  }
tec
execute0_lowered:
.L_overlay_start_1:
0x0: {  	(tag) =	ssettag $0x1  }
0x1: {  	s1 =	srdreg.scid  }
0x2: {  	s0 =	stileid.u32;
	s8 =	rddreg [dreg:$0x0];
	s5 =	simm.s32 $0x1  }
0x3: {  	s9 =	simm.s32 $0x1;
	s10 =	simm.s32 $0x3;
	s1 =	sshll.u32 s1, $0x5  }
0x4: {  	s13 =	simm.s32 $0x0;
	s2 =	sshll.u32 s0, $0x6;
	s3 =	sand.u32 $0x20, s1  }
0x5: {  	s12 =	simm.s32 $0x0;
	s4 =	sadd.s32 $0x40200, s8;
	s2 =	sor.u32 s2, s3  }
0x6: {  	s1 =	rddreg [dreg:$0x1];
	_ =	strace $0x80000047;
	s7 =	ssub.s32 $0x800, s2  }
.Ltmp0:
0x7: {  	s3 =	sadd.s32 $0x41000, s8;
	s6 =	sand.u32 $0x3E0, s7;
	(pc) =	sbr.rel .LBB2_1-.Ltmp0, $4  }
0x8: {  	[sflag:s5] =	ssyncpa.u1 $0x0;
	s8 =	sadd.s32 $0x40600, s8;
	p0 =	sne.s32 s6, $0x0  }
0x9: {  	s7 =	sshrl.u32 s7, $0xA;
	s6 =	simm.s32 $0x2;
	s9 =	simm.s32 @!p0 $0x0  }
0xa: {  	s11 =	smov.u32 s2;
	[sflag:s6] =	ssyncpa.u1 $0x0;
	s7 =	sadd.s32 s9, s7  }
0xb: {  	vm0 =	vmmov $0xffff;
	[sflag:s10] =	ssyncpa.u1 $0x0;
	s10 =	simm.s32 $0x0;
	s9 =	sadd.s32 $0x1, s7  }
.LBB2_5:
0xc: {  	s15 =	sadd.s32 $0x400, s11  }
0xd: {  	p1 =	sgt.s32 s15, $0x7FF  }
0xe: {  	s15 =	smov.u32 @p1 s2;
	p1 =	sne.s32 s12, s9  }
.Ltmp1:
0xf: {  	p0 =	slt.u32 s12, $0x2;
	(pc) =	sbr.rel @!p1 .LBB2_6-.Ltmp1, $4  }
0x10: {  	s14 =	simm.s32 @!p0 $0x3  }
0x11: {  	_ =	swait.ge @!p0 [sflag:s14], $0x20  }
0x12: {  	s16 =	sadd.s32 $0x1, s12;
	s13 =	smov.u32 s11;
	[sflag:s14] =	ssyncset.done @!p0 $0x0  }
0x13: {  	s12 =	smov.u32 s16;
	s11 =	smov.u32 s15;
	[sflag:s14] =	ssyncadd.s32 @!p0 $0xFFFFFFE0  }
.LBB2_1:
0x14: {  	p0 =	sge.u32 s12, s7  }
0x15: {  	s14 =	sxor.u32 @!p0 $0xFFFFFFFF, s12  }
0x16: {  	s31 =	sadd.s32 $0xFFFFFFFF, s12;
	s15 =	sshrl.u32 @!p0 s11, $0x3;
	s14 =	sshll.u32 @!p0 s14, $0x5  }
0x17: {  	s16 =	sand.u32 @!p0 $0x7, s11;
	s15 =	sadd.s32 @!p0 s4, s15;
	s14 =	sand.u32 @!p0 $0x20, s14  }
0x18: {  	[tilespmem:s14], [sflag:$0x2] =	stream.linear.gather @!p0 [hbm4b:s15+s16], $0x20, $0x38;
	[tilespmem:$0x80] =	vst v63  }
0x19: {  	p0 =	sge.u32 s31, s7  }
.Ltmp2:
0x1a: {  	_ = 	snop;
	(pc) =	sbr.rel @p0 .LBB2_5-.Ltmp2, $1  }
0x1b: {  	_ =	sdelay $0x3  }
0x1c: {  	_ =	swait.ge [sflag:s6], $0x20;
	s14 =	sshll.u32 s12, $0x5;
	s16 =	simm.s32 $0x0  }
0x1d: {  	p0 =	por $0x1, $0x1;
	[sflag:s6] =	ssyncset.done $0x0;
	s15 =	sand.u32 $0x20, s14  }
0x1e: {  	[sflag:s6] =	ssyncadd.s32 $0xFFFFFFE0;
	(ifvalue) =	ssetifvalue $0x7FFFFFFF;
	s14 =	sor.u32 $0x40, s15  }
.LBB2_3:
0x1f: {  	s17 =	sadd.s32 s16, s15  }
0x20: {  	v0 =	vld.msk [tilespmem:s17+$0x0 ss:$0x1], $0xffff;
	_ =	sdelay $0x4  }
0x21: {  	v1 =	vshrl.u32 v0, $0xB;
	v2 =	vshll.u32 v0, $0x7  }
0x22: {  	vm1 =	veq.s32 v0, $0x80000000;
	v61 =	vand.u32 $0x7, v1;
	v62 =	vand.u32 $0x3FF80, v2  }
0x23: {  	v0 =	vsel vm1, $0xFFFFFFFF, v61;
	v1 =	vsel vm1, $0xFFFFFF80, v62  }
0x24: {  	v63 =	vand.u32 $0xFFFFFC00, v1;
	v3 =	vand.u32 $0xFFFFFC00, v0  }
0x25: {  	v1 =	vand.u32 $0x380, v1;
	v2 =	vadd.s32 v3, v63  }
0x26: {  	v0 =	vand.u32 $0x7F, v0;
	v1 =	vor.u32 v1, v2  }
0x27: {  	p1 =	por p0, p0;
	v0 =	vor.u32 v0, v1  }
.Ltmp3:
0x28: {  	_ = 	snop;
	(pc) =	sbr.rel @p1 .LBB2_3-.Ltmp3, $4  }
0x29: {  	_ = 	snop  }
0x2a: {  	s31 =	sadd.s32 s16, s14  }
0x2b: {  	s16 =	simm.s32 $0x10;
	p0 =	por $0x0, $0x0;
	(ifvalue) =	ssetifvalue $0x7FFFFFFF  }
0x2c: {  	[tilespmem:s31], [sflag:$0x1] =	stream.indirect_vreg.gather [hbm4b:s3+s10], $0x1, v0, vm0, $0x4038;
	[tilespmem:$0x80] =	vst v63  }
.Ltmp4:
0x2d: {  	(pc) =	sbr.rel .LBB2_5-.Ltmp4, $4  }
0x2e: {  	_ =	swait.ge [sflag:s5], $0x20  }
0x2f: {  	s15 =	sshrl.u32 s13, $0x3;
	[sflag:s5] =	ssyncset.done $0x0  }
0x30: {  	s31 =	sand.u32 $0x7, s13;
	s15 =	sadd.s32 s8, s15;
	[sflag:s5] =	ssyncadd.s32 $0xFFFFFFE0  }
0x31: {  	[hbm4b:s15+s31] =	stream.linear.scatter [tilespmem:s14], [sflag:$0x3], $0x20, $0x38;
	[tilespmem:$0x80] =	vst v63  }
.LBB2_6:
0x32: {  	_ =	sfence.sel $0x180000  }
0x33: {  	s2 =	simm.s32 $0x2;
	[bflag:$0x0] =	sbarrier.arrive $0xFFFF  }
0x34: {  	s30 =	simm.s32 $0x3;
	[sflag:s2] =	ssyncpa.u1 $0x1  }
0x35: {  	s31 =	simm.s32 $0x1;
	[sflag:s30] =	ssyncpa.u1 $0x1  }
0x36: {  	[sflag:s31] =	ssyncpa.u1 $0x1  }
0x37: {  	p0 =	sne.s32 s0, $0x0;
	_ =	strace $0x90000047  }
0x38: {  	s0 =	sadd.s32 @!p0 $0x100000, s1;
	[bflag:$0x2] =	sbarrier.arrive $0xFFFF  }
0x39: {  	[sflag:s0] =	ssyncadd.tile.s32 @!p0 $0x1;
	_ =	shalt  }
.Lfunc_end2:
_tile_overlayer_lowered:
.L_overlay_start_2:
0x3a: {  	(tag) =	ssettag $0x2  }
0x3b: {  	s0 =	rddreg [dreg:$0x0];
	s2 =	stileid.u32  }
0x3c: {  	s1 =	rddreg [dreg:$0x1];
	p0 =	sne.s32 s2, $0x0  }
0x3d: {  	s3 =	rddreg [dreg:$0x2];
	[bflag:$0x3] =	sbarrier.arrive $0xFFFF;
	s2 =	simm.s32 @!p0 $0x1C01  }
0x3e: {  	[timem:s3], [sflag:s2] =	dma.local @!p0 [hbm:s0], s1  }
0x3f: {  	s0 =	simm.s32 @!p0 $0x1  }
0x40: {  	_ =	swait.ge @!p0 [sflag:s0], s1  }
0x41: {  	s1 =	ssub.s32 @!p0 $0x0, s1;
	[sflag:s0] =	ssyncset.done @!p0 $0x0  }
0x42: {  	[sflag:s0] =	ssyncadd.s32 @!p0 s1  }
0x43: {  	[bflag:$0x3] =	sbarrier.arrive $0xFFFF  }
0x44: {  	_ =	shalt  }

// kernel: kernel.11.cloned.1.call-start
scs
__scs_entry_jumppad:
0x0: {  	(pc) =	sbr.rel $0x88, $3  }
0x1: {  	(tag) =	ssettag $0x0;
	lr =	simm.s32 $0x1  }
0x2: {  	[smem:$0x3F8D] =	sst lr;
	_ =	strace $0xD0000000  }
0x3: {  	_ = 	snop  }
0x4: {  	_ = 	snop  }
0x5: {  	_ = 	snop  }
0x6: {  	_ = 	snop  }
0x7: {  	_ = 	snop  }
__scs_overlays_trampoline_lowered:
0x8: {  	[smem:$0x3F9C] =	sst s0  }
0x9: {  	[smem:$0x3F9D] =	sst s1  }
0xa: {  	[smem:$0x3F9E] =	sst s2  }
0xb: {  	[smem:$0x3F9F] =	sst s3  }
0xc: {  	[smem:$0x3FA0] =	sst s4  }
0xd: {  	[smem:$0x3FA1] =	sst s5  }
0xe: {  	[smem:$0x3FA2] =	sst s6  }
0xf: {  	[smem:$0x3FA3] =	sst s7  }
0x10: {  	[smem:$0x3FA4] =	sst s8  }
0x11: {  	[smem:$0x3FA5] =	sst s9;
	s0 =	simm.s32 @!p0 $0x0  }
0x12: {  	s1 =	sld [smem:$0x3F8B];
	s0 =	simm.s32 @p0 $0x1  }
0x13: {  	[smem:$0x3FA6] =	sst s0;
	s0 =	simm.s32 @!p1 $0x0  }
0x14: {  	s2 =	sld [smem:$0x3F8A];
	s0 =	simm.s32 @p1 $0x1  }
0x15: {  	[smem:$0x3FA7] =	sst s0;
	s0 =	simm.s32 @!p2 $0x0  }
0x16: {  	s3 =	sld [smem:$0x3FDB];
	s0 =	simm.s32 @p2 $0x1  }
0x17: {  	s4 =	simm.s32 $0x1BF5;
	[smem:$0x3FA9] =	sst s0  }
0x18: {  	s0 =	sld [smem:$0x3F8C];
	_ =	swait.ge [sflag:s4], $0x0  }
0x19: {  	s7 =	sld [smem:$0x3F8D]  }
0x1a: {  	s8 =	sadd.s32 $0xFFFFE003, lr  }
0x1b: {  	s9 =	sadd.s32 $0xFFFFFEF7, lr;
	s5 =	simm.s32 $0xFFFFFFFF;
	p2 =	slt.u32 s8, $0xFFFFF086  }
0x1c: {  	p1 =	slt.u32 s9, $0xF7A;
	s5 =	simm.s32 @!p2 $0x0  }
0x1d: {  	s5 =	simm.s32 @p1 $0x1;
	p0 =	seq.s32 s7, s2  }
0x1e: {  	s7 =	smul.u32 @!p0 $0xF7A, s2;
	p2 =	seq.s32 @!p0 s5, $0x0  }
0x1f: {  	s9 =	smul.u32 $0xF7A, s1;
	s8 =	simm.s32 @!p0 $0x1BF5;
	p2 =	por !p2, p0  }
0x20: {  	[sflag:s8] =	ssyncset.s32 @!p0 $0xFFFFF086;
	s6 =	sadd.s32 @!p0 s3, s7;
	s7 =	simm.s32 @!p0 $0x108  }
0x21: {  	s3 =	sadd.s32 s3, s9;
	s6 =	sadd.s32 @!p0 $0x88, s6;
	s7 =	simm.s32 @p2 $0x1082  }
0x22: {  	[simem:s7], [sflag:s8] =	dma.local @!p0 [hbm:s6], $0xF7A  }
0x23: {  	s9 =	sor.u32 $0xD0000000, s2;
	s6 =	simm.s32 $0x108;
	_ =	swait.ge @!p0 [sflag:s8], $0x0  }
0x24: {  	s3 =	sadd.s32 $0x88, s3;
	s6 =	simm.s32 @!p1 $0x1082;
	[sflag:s4] =	ssyncset.s32 $0xFFFFF086  }
0x25: {  	[simem:s6], [sflag:s4] =	dma.local [hbm:s3], $0xF7A  }
0x26: {  	[smem:$0x3F8D] =	sst s1;
	(tag) =	ssettag s2;
	_ =	strace s9  }
0x27: {  	s1 =	sld [smem:$0x3F9D]  }
0x28: {  	s2 =	sld [smem:$0x3F9E]  }
0x29: {  	s4 =	sld [smem:$0x3FA0]  }
0x2a: {  	p0 =	seq.s32 s5, $0x0;
	s5 =	sld [smem:$0x3FA1]  }
0x2b: {  	s6 =	sld [smem:$0x3FA2]  }
0x2c: {  	s7 =	sld [smem:$0x3FA3]  }
0x2d: {  	s3 =	simm.s32 $0x108;
	s8 =	sld [smem:$0x3FA4]  }
0x2e: {  	s3 =	simm.s32 @!p0 $0x1082;
	s9 =	sld [smem:$0x3FA5]  }
0x2f: {  	lr =	sadd.s32 s0, s3;
	s0 =	sld [smem:$0x3F9C]  }
0x30: {  	s3 =	sld [smem:$0x3F9F]  }
0x31: {  	[smem:$0x3FA8] =	sst s10  }
0x32: {  	s10 =	sld [smem:$0x3FA6];
	_ =	sdelay $0x3  }
0x33: {  	p0 =	seq.s32 s10, $0x1;
	s10 =	sld [smem:$0x3FA8];
	_ =	sdelay $0x3  }
0x34: {  	[smem:$0x3FA8] =	sst s10  }
0x35: {  	s10 =	sld [smem:$0x3FA7];
	_ =	sdelay $0x3  }
0x36: {  	p1 =	seq.s32 s10, $0x1;
	s10 =	sld [smem:$0x3FA8];
	_ =	sdelay $0x3  }
0x37: {  	[smem:$0x3FA8] =	sst s10  }
0x38: {  	s10 =	sld [smem:$0x3FA9]  }
0x39: {  	_ = 	snop;
	(pc) =	sbr.ind lr, $3  }
0x3a: {  	_ = 	snop  }
0x3b: {  	_ = 	snop  }
0x3c: {  	p2 =	seq.s32 s10, $0x1;
	s10 =	sld [smem:$0x3FA8]  }
0x3d: {  	_ =	shalt  }
0x3e: {  	_ =	shalt  }
0x3f: {  	_ =	shalt  }
0x40: {  	_ =	shalt  }
0x41: {  	_ =	shalt  }
0x42: {  	_ =	shalt  }
0x43: {  	_ =	shalt  }
0x44: {  	_ =	shalt  }
0x45: {  	_ =	shalt  }
0x46: {  	_ =	shalt  }
0x47: {  	_ =	shalt  }
0x48: {  	_ =	shalt  }
0x49: {  	_ =	shalt  }
0x4a: {  	_ =	shalt  }
0x4b: {  	_ =	shalt  }
0x4c: {  	_ =	shalt  }
0x4d: {  	_ =	shalt  }
0x4e: {  	_ =	shalt  }
0x4f: {  	_ =	shalt  }
0x50: {  	_ =	shalt  }
0x51: {  	_ =	shalt  }
0x52: {  	_ =	shalt  }
0x53: {  	_ =	shalt  }
0x54: {  	_ =	shalt  }
0x55: {  	_ =	shalt  }
0x56: {  	_ =	shalt  }
0x57: {  	_ =	shalt  }
0x58: {  	_ =	shalt  }
0x59: {  	_ =	shalt  }
0x5a: {  	_ =	shalt  }
0x5b: {  	_ =	shalt  }
0x5c: {  	_ =	shalt  }
0x5d: {  	_ =	shalt  }
0x5e: {  	_ =	shalt  }
0x5f: {  	_ =	shalt  }
0x60: {  	_ =	shalt  }
0x61: {  	_ =	shalt  }
0x62: {  	_ =	shalt  }
0x63: {  	_ =	shalt  }
0x64: {  	_ =	shalt  }
0x65: {  	_ =	shalt  }
0x66: {  	_ =	shalt  }
0x67: {  	_ =	shalt  }
0x68: {  	_ =	shalt  }
0x69: {  	_ =	shalt  }
0x6a: {  	_ =	shalt  }
0x6b: {  	_ =	shalt  }
0x6c: {  	_ =	shalt  }
0x6d: {  	_ =	shalt  }
0x6e: {  	_ =	shalt  }
0x6f: {  	_ =	shalt  }
0x70: {  	_ =	shalt  }
0x71: {  	_ =	shalt  }
0x72: {  	_ =	shalt  }
0x73: {  	_ =	shalt  }
0x74: {  	_ =	shalt  }
0x75: {  	_ =	shalt  }
0x76: {  	_ =	shalt  }
0x77: {  	_ =	shalt  }
0x78: {  	_ =	shalt  }
0x79: {  	_ =	shalt  }
0x7a: {  	_ =	shalt  }
0x7b: {  	_ =	shalt  }
0x7c: {  	_ =	shalt  }
0x7d: {  	_ =	shalt  }
0x7e: {  	_ =	shalt  }
0x7f: {  	_ =	shalt  }
0x80: {  	_ =	shalt  }
0x81: {  	_ =	shalt  }
0x82: {  	_ =	shalt  }
0x83: {  	_ =	shalt  }
0x84: {  	_ =	shalt  }
0x85: {  	_ =	shalt  }
0x86: {  	_ =	shalt  }
0x87: {  	_ =	shalt  }
.Lfunc_end0:
.L_simem_size_0:
called_computation.3_lowered:
.L_overlay_start_0:
0x88: {  	s2 =	sld [smem:$0x3FD9]  }
0x89: {  	s3 =	sld [smem:$0x3FFE];
	_ =	sdelay $0x1  }
0x8a: {  	s1 =	srdreg.scid  }
0x8b: {  	s0 =	sand.u32 $0x1, s1  }
0x8c: {  	s17 =	sshll.u32 s0, $0xA;
	s2 =	sadd.s32 s3, s2  }
0x8d: {  	s2 =	sadd.s32 s2, s17  }
0x8e: {  	[smem:$0x3FB4] =	sst s2  }
0x8f: {  	_ = 	snop  }
0x90: {  	s2 =	sld [smem:$0x3FD0];
	(tm) =	ssettm $0x1  }
0x91: {  	s18 =	sld [smem:$0x3FFB];
	_ =	sdelay $0x3  }
0x92: {  	_ =	strace s18  }
0x93: {  	s3 =	sld [smem:$0x3FFC];
	_ =	sdelay $0x3  }
0x94: {  	_ =	strace s3  }
0x95: {  	s3 =	sld [smem:$0x3FFD];
	_ =	sdelay $0x3  }
0x96: {  	_ =	strace s3  }
0x97: {  	_ =	strace $0x8FFFFFFF  }
0x98: {  	s19 =	sld [smem:$0x3FDB];
	_ =	sdelay $0x1  }
0x99: {  	s4 =	simm.s32 $_scs_section_size  }
0x9a: {  	s5 =	simm.s32 $_size__tile_overlayer_lowered;
	s6 =	simm.s32 $_tile_overlayer_lowered  }
0x9b: {  	s22 =	simm.s32 $0x1BFF;
	s21 =	sshll.u32 s6, $0x1;
	s3 =	sadd.s32 s4, s19  }
0x9c: {  	s7 =	simm.s32 $0x0;
	s20 =	sshll.u32 s5, $0x1;
	s5 =	sadd.s32 s21, s3  }
0x9d: {  	[timem:s7], [sflag:s22] =	dma.local [hbm:s5], s20  }
0x9e: {  	_ =	swait.ge [sflag:s22], s20  }
0x9f: {  	s4 =	ssub.s32 $0x0, s20;
	[sflag:s22] =	ssyncset.done $0x0  }
0xa0: {  	[sflag:s22] =	ssyncadd.s32 s4;
	_ =	sdelay $0x1  }
0xa1: {  	s23 =	simm.s32 $0x1B8B  }
0xa2: {  	_ =	swait.ge [sflag:s23], $0x1  }
0xa3: {  	[sflag:s23] =	ssyncset.done $0x0  }
0xa4: {  	s25 =	simm.s32 $0x1B8E;
	s24 =	sld [smem:$0x3FFE];
	[sflag:s23] =	ssyncadd.s32 $0xFFFFFFFF  }
0xa5: {  	s26 =	simm.s32 $execute0_lowered;
	[smem:$0x3FD2] =	sst s25  }
0xa6: {  	s5 =	sshll.u32 s26, $0x1;
	_ =	strace $0x8000004F;
	[dreg:$0x1] =	wrdreg $0xFFFFFFFF  }
0xa7: {  	s28 =	simm.s32 $_size_execute0_lowered;
	s3 =	sadd.s32 s3, s5;
	[dreg:$0x0] =	wrdreg $0x0  }
0xa8: {  	s5 =	sshll.u32 s28, $0x1;
	[dreg:$0x2] =	wrdreg s3  }
0xa9: {  	[dreg:$0x3] =	wrdreg s5  }
0xaa: {  	[dreg:$0x4] =	wrdreg $0xC0  }
0xab: {  	_ =	task [dreg:s7], $0x5FFFF  }
0xac: {  	[dreg:$0x1] =	wrdreg $0xFFFFFFFF  }
0xad: {  	[dreg:$0x0] =	wrdreg $0x60  }
0xae: {  	[dreg:$0x2] =	wrdreg s24  }
0xaf: {  	[dreg:$0x3] =	wrdreg s2  }
0xb0: {  	[dreg:$0x4] =	wrdreg $0x9  }
0xb1: {  	_ =	task.clear_ibuf [dreg:s7], $0x5FFFF;
	_ =	strace $0x9000004F  }
0xb2: {  	s29 =	simm.s32 $0x9;
	_ =	strace $0x80000051  }
0xb3: {  	_ =	swait.ge [sflag:s29], $0x1  }
0xb4: {  	[sflag:s29] =	ssyncadd.s32 $0xFFFFFFFF  }
0xb5: {  	_ =	strace $0x90000051  }
0xb6: {  	_ =	sfence  }
0xb7: {  	s30 =	sld [smem:$0x0];
	_ =	sdelay $0x2  }
0xb8: {  	s31 =	sshll.u32 s1, $0xD;
	s1 =	sshrl.u32 s1, $0x2  }
0xb9: {  	s3 =	sand.u32 $0x4000, s31;
	s1 =	sadd.s32 s1, s30  }
0xba: {  	s0 =	sor.u32 s3, s0;
	s1 =	sshll.u32 s1, $0x11  }
0xbb: {  	s0 =	sor.u32 s1, s0  }
0xbc: {  	s0 =	sadd.s32 $0x8F2B, s0  }
0xbd: {  	[sflag:s0] =	ssyncadd.remote.s32 $0x1  }
0xbe: {  	_ =	sfence.sel $0xFFFF  }
0xbf: {  	[dreg:$0x0] =	wrdreg $0xFFFFFFFF;
	(pc) =	sbr.abs _section_cstart, $3  }
0xc0: {  	[dreg:$0x1] =	wrdreg $0xFFFFFFFF  }
0xc1: {  	_ =	task.clear_ibuf [dreg:s7], $0x2FFFF;
	_ =	strace $0x9FFFFFFF  }
0xc2: {  	(tm) =	ssettm $0x7FFFFFFF  }
0xc3: {  	_ =	shalt  }
tec
execute0_lowered:
.L_overlay_start_1:
0x0: {  	(tag) =	ssettag $0x1  }
0x1: {  	s0 =	rddreg [dreg:$0x0]  }
0x2: {  	s2 =	rddreg [dreg:$0x1];
	s1 =	simm.s32 $0x0  }
0x3: {  	s3 =	srdreg.scid;
	s7 =	stileid.u32;
	s28 =	simm.s32 $0x3080  }
0x4: {  	s29 =	simm.s32 $0x3880;
	s30 =	simm.s32 $0x4080;
	s31 =	simm.s32 $0x4880  }
0x5: {  	s12 =	simm.s32 $0x8080;
	s13 =	simm.s32 $0x0;
	[smem:$0x7FF] =	sst s1  }
0x6: {  	s4 =	sand.u32 $0x1, s3;
	s3 =	sadd.s32 $0x1E9A00, s0;
	s7 =	sshll.u32 s7, $0x1  }
0x7: {  	s8 =	sadd.s32 $0x40200, s0;
	_ =	strace $0x80000050;
	s5 =	ssub.s32 $0x2, s4  }
0x8: {  	s7 =	sor.u32 s4, s7;
	s4 =	sadd.s32 $0x1E9B00, s0;
	s6 =	sshrl.u32 s5, $0x1  }
0x9: {  	s9 =	sshll.u32 s7, $0x6;
	s17 =	sshll.u32 s7, $0x4;
	s10 =	sshll.u32 s7, $0xD  }
0xa: {  	s7 =	sadd.s32 $0x1E9D00, s0;
	s5 =	ssub.s32 s5, s6;
	s6 =	sadd.s32 s8, s17  }
0xb: {  	s11 =	sadd.s32 s0, s10;
	s18 =	sor.u32 $0x10, s9;
	[dreg:$0x3] =	wrdreg s6  }
0xc: {  	s10 =	sadd.s32 s2, s10;
	s21 =	sor.u32 $0x20, s9;
	[dreg:$0x4] =	wrdreg s11  }
0xd: {  	s9 =	sor.u32 $0x30, s9;
	s6 =	sadd.s32 $0x1E9C00, s0;
	[dreg:$0x5] =	wrdreg s10  }
0xe: {  	s19 =	sshrl.u32 s18, $0x2;
	s11 =	sshll.u32 s18, $0x7;
	s22 =	sshrl.u32 s21, $0x2  }
0xf: {  	s24 =	sshrl.u32 s9, $0x2;
	s9 =	sshll.u32 s9, $0x7;
	s26 =	smax.u32 s5, $0x1  }
0x10: {  	s5 =	simm.s32 $0x6080;
	s10 =	sadd.s32 s8, s19;
	[dreg:$0xf] =	wrdreg s26  }
0x11: {  	s20 =	sadd.s32 s0, s11;
	s11 =	sadd.s32 s2, s11;
	[dreg:$0x6] =	wrdreg s10  }
0x12: {  	s25 =	sadd.s32 s2, s9;
	s26 =	simm.s32 $0x2880;
	[dreg:$0x7] =	wrdreg s20  }
0x13: {  	[dreg:$0x8] =	wrdreg s11;
	s10 =	sshll.u32 s21, $0x7;
	s11 =	sadd.s32 s8, s22  }
0x14: {  	s8 =	sadd.s32 s8, s24;
	[dreg:$0xe] =	wrdreg s25;
	s20 =	simm.s32 $0x2  }
0x15: {  	s25 =	simm.s32 $0x2080;
	[dreg:$0x9] =	wrdreg s11;
	s23 =	sadd.s32 s0, s10  }
0x16: {  	s10 =	sadd.s32 s2, s10;
	[dreg:$0xc] =	wrdreg s8;
	s0 =	sadd.s32 s0, s9  }
0x17: {  	v2 =	vlaneseq.u32;
	s2 =	simm.s32 $0x5880;
	s8 =	simm.s32 $0x6880;
	[dreg:$0xa] =	wrdreg s23  }
0x18: {  	vm0 =	vmmov $0xffff;
	v1 =	vshrl.u32 v2, $0x3;
	s9 =	simm.s32 $0x7080;
	s11 =	simm.s32 $0x1;
	[dreg:$0xb] =	wrdreg s10  }
0x19: {  	v0 =	vand.u32 $0x7, v2;
	v2 =	vor.u32 $0x8, v2;
	v1 =	vmul.u32 $0x8, v1;
	[dreg:$0xd] =	wrdreg s0;
	s0 =	simm.s32 $0x5080;
	s10 =	simm.s32 $0x7880  }
.LBB2_1:
0x1a: {  	s14 =	rddreg [dreg:$0x3]  }
0x1b: {  	[tilespmem:s1], [sflag:$0x2] =	stream.linear.gather [hbm4b:s14+s1], $0x20, $0x38;
	[tilespmem:$0xC080] =	vst v63  }
0x1c: {  	_ =	swait.ge [sflag:s20], $0x20  }
0x1d: {  	[sflag:s20] =	ssyncset.done $0x0  }
0x1e: {  	[sflag:s20] =	ssyncadd.s32 $0xFFFFFFE0  }
0x1f: {  	v3 =	vld [tilespmem:$0x0];
	_ =	sdelay $0x4  }
0x20: {  	v4 =	vshll.u32 v3, $0x3  }
0x21: {  	v3 =	vand.u32 $0x7, v3;
	v4 =	vand.u32 $0xFFFFFFC0, v4  }
0x22: {  	v3 =	vor.u32 v3, v4  }
0x23: {  	v4 =	vperm.xlane v3, v0;
	_ =	sdelay $0x1  }
0x24: {  	v4 =	vadd.s32 v1, v4;
	_ =	sdelay $0x3  }
0x25: {  	s19 =	simm.s32 $0x80  }
0x26: {  	[tilespmem:s19], [sflag:$0x1] =	stream.indirect_vreg.gather [hbm4b:s3+s1], $0x80, v4, vm0, $0xb8;
	[tilespmem:$0xC080] =	vst v63  }
0x27: {  	s21 =	simm.s32 $0x880;
	v3 =	vperm.xlane v3, v2  }
0x28: {  	[tilespmem:s21], [sflag:$0x1] =	stream.indirect_vreg.gather [hbm4b:s4+s1], $0x80, v4, vm0, $0xb8;
	[tilespmem:$0xC080] =	vst v63  }
0x29: {  	s22 =	simm.s32 $0x1080;
	v3 =	vadd.s32 v1, v3  }
0x2a: {  	[tilespmem:s22], [sflag:$0x1] =	stream.indirect_vreg.gather [hbm4b:s6+s1], $0x80, v4, vm0, $0xb8;
	[tilespmem:$0xC080] =	vst v63  }
0x2b: {  	s23 =	simm.s32 $0x1880  }
0x2c: {  	[tilespmem:s23], [sflag:$0x1] =	stream.indirect_vreg.gather [hbm4b:s7+s1], $0x80, v4, vm0, $0xb8;
	[tilespmem:$0xC080] =	vst v63  }
0x2d: {  	_ = 	snop  }
0x2e: {  	[tilespmem:s25], [sflag:$0x1] =	stream.indirect_vreg.gather [hbm4b:s3+s1], $0x80, v3, vm0, $0xb8;
	[tilespmem:$0xC080] =	vst v63  }
0x2f: {  	_ = 	snop  }
0x30: {  	[tilespmem:s26], [sflag:$0x1] =	stream.indirect_vreg.gather [hbm4b:s4+s1], $0x80, v3, vm0, $0xb8;
	[tilespmem:$0xC080] =	vst v63  }
0x31: {  	_ = 	snop  }
0x32: {  	[tilespmem:s28], [sflag:$0x1] =	stream.indirect_vreg.gather [hbm4b:s6+s1], $0x80, v3, vm0, $0xb8;
	[tilespmem:$0xC080] =	vst v63  }
0x33: {  	_ = 	snop  }
0x34: {  	[tilespmem:s29], [sflag:$0x1] =	stream.indirect_vreg.gather [hbm4b:s7+s1], $0x80, v3, vm0, $0xb8;
	[tilespmem:$0xC080] =	vst v63  }
0x35: {  	v3 =	vld [tilespmem:$0x10];
	_ =	sdelay $0x4  }
0x36: {  	v63 =	vshll.u32 v3, $0x3  }
0x37: {  	v3 =	vand.u32 $0x7, v3;
	v4 =	vand.u32 $0xFFFFFFC0, v63  }
0x38: {  	v3 =	vor.u32 v3, v4  }
0x39: {  	v4 =	vperm.xlane v3, v0;
	_ =	sdelay $0x1  }
0x3a: {  	v4 =	vadd.s32 v1, v4;
	_ =	sdelay $0x4  }
0x3b: {  	[tilespmem:s30], [sflag:$0x1] =	stream.indirect_vreg.gather [hbm4b:s3+s1], $0x80, v4, vm0, $0xb8;
	[tilespmem:$0xC080] =	vst v63  }
0x3c: {  	v3 =	vperm.xlane v3, v2  }
0x3d: {  	[tilespmem:s31], [sflag:$0x1] =	stream.indirect_vreg.gather [hbm4b:s4+s1], $0x80, v4, vm0, $0xb8;
	[tilespmem:$0xC080] =	vst v63  }
0x3e: {  	v3 =	vadd.s32 v1, v3  }
0x3f: {  	[tilespmem:s0], [sflag:$0x1] =	stream.indirect_vreg.gather [hbm4b:s6+s1], $0x80, v4, vm0, $0xb8;
	[tilespmem:$0xC080] =	vst v63  }
0x40: {  	_ = 	snop  }
0x41: {  	[tilespmem:s2], [sflag:$0x1] =	stream.indirect_vreg.gather [hbm4b:s7+s1], $0x80, v4, vm0, $0xb8;
	[tilespmem:$0xC080] =	vst v63  }
0x42: {  	_ = 	snop  }
0x43: {  	[tilespmem:s5], [sflag:$0x1] =	stream.indirect_vreg.gather [hbm4b:s3+s1], $0x80, v3, vm0, $0xb8;
	[tilespmem:$0xC080] =	vst v63  }
0x44: {  	_ = 	snop  }
0x45: {  	[tilespmem:s8], [sflag:$0x1] =	stream.indirect_vreg.gather [hbm4b:s4+s1], $0x80, v3, vm0, $0xb8;
	[tilespmem:$0xC080] =	vst v63  }
0x46: {  	_ = 	snop  }
0x47: {  	[tilespmem:s9], [sflag:$0x1] =	stream.indirect_vreg.gather [hbm4b:s6+s1], $0x80, v3, vm0, $0xb8;
	[tilespmem:$0xC080] =	vst v63  }
0x48: {  	_ = 	snop  }
0x49: {  	[tilespmem:s10], [sflag:$0x1] =	stream.indirect_vreg.gather [hbm4b:s7+s1], $0x80, v3, vm0, $0xb8;
	[tilespmem:$0xC080] =	vst v63  }
0x4a: {  	_ =	swait.ge [sflag:s11], $0x8000  }
0x4b: {  	[sflag:s11] =	ssyncset.done $0x0  }
0x4c: {  	s24 =	rddreg [dreg:$0x4];
	[sflag:s11] =	ssyncadd.s32 $0xFFFF8000  }
0x4d: {  	[tilespmem:s12], [sflag:$0x2] =	stream.linear.gather [hbm4b:s24+s1], $0x4000, $0x38;
	[tilespmem:$0xC080] =	vst v63  }
0x4e: {  	_ =	swait.ge [sflag:s20], $0x4000  }
0x4f: {  	[sflag:s20] =	ssyncset.done $0x0  }
0x50: {  	s14 =	simm.s32 $0x0;
	[sflag:s20] =	ssyncadd.s32 $0xFFFFC000  }
.LBB2_2:
0x51: {  	s15 =	sshll.u32 s14, $0xA  }
0x52: {  	s16 =	sshll.u32 s14, $0x8;
	s17 =	sshll.u32 s14, $0xB;
	s18 =	sshll.u32 s14, $0x7  }
0x53: {  	s22 =	simm.s32 $0x0;
	s17 =	sand.u32 $0x6000, s17;
	s16 =	sand.u32 $0x300, s16  }
0x54: {  	s15 =	sand.u32 $0x2000, s15;
	s18 =	sand.u32 $0x380, s18;
	s16 =	sor.u32 s16, s17  }
0x55: {  	s19 =	sand.u32 $0x1C00, s22;
	s18 =	sor.u32 s18, s15;
	s15 =	sor.u32 $0x80, s16  }
0x56: {  	s17 =	sand.u32 $0x70, s22;
	s16 =	sadd.s32 $0x8080, s18;
	s23 =	sadd.s32 s19, s15  }
0x57: {  	s19 =	sadd.s32 s19, s16;
	s18 =	sadd.s32 s17, s23  }
0x58: {  	s17 =	sadd.s32 s17, s19;
	v3 =	vld [tilespmem:s18+$0x0]  }
0x59: {  	v4 =	vld [tilespmem:s17+$0x0];
	_ =	sdelay $0x1  }
0x5a: {  	v5 =	vld [tilespmem:s18+$0x80];
	_ =	sdelay $0x2  }
0x5b: {  	v3 =	vadd.f32 v3, v4  }
0x5c: {  	s18 =	simm.s32 $0x80  }
0x5d: {  	s24 =	simm.s32 $0x10;
	s22 =	sand.u32 $0x1C00, s18;
	v3 =	vadd.f32 v5, v3  }
0x5e: {  	s21 =	sand.u32 $0x70, s24;
	s19 =	simm.s32 $0x20;
	s23 =	sadd.s32 s22, s15  }
.LBB2_3:
0x5f: {  	p0 =	sne.s32 s19, $0x3F0;
	s22 =	sadd.s32 s22, s16;
	s23 =	sadd.s32 s21, s23;
	[tilespmem:s17+$0x0] =	vst v3  }
0x60: {  	s17 =	sadd.s32 s21, s22;
	v3 =	vld [tilespmem:s23+$0x0]  }
0x61: {  	v4 =	vld [tilespmem:s17+$0x0];
	_ =	sdelay $0x1  }
0x62: {  	v5 =	vld [tilespmem:s23+$0x80];
	_ =	sdelay $0x1  }
.Ltmp0:
0x63: {  	(pc) =	sbr.rel @p0 .LBB2_3-.Ltmp0, $4  }
0x64: {  	v3 =	vadd.f32 v3, v4  }
0x65: {  	s18 =	sadd.s32 $0x80, s18  }
0x66: {  	s22 =	sand.u32 $0x1C00, s18;
	v3 =	vadd.f32 v5, v3  }
0x67: {  	s21 =	sand.u32 $0x70, s19;
	s19 =	sadd.s32 $0x10, s19;
	s23 =	sadd.s32 s22, s15  }
0x68: {  	s15 =	sadd.s32 s22, s16;
	s24 =	sadd.s32 s21, s23;
	[tilespmem:s17+$0x0] =	vst v3  }
0x69: {  	s15 =	sadd.s32 s21, s15;
	v3 =	vld [tilespmem:s24+$0x0]  }
0x6a: {  	v4 =	vld [tilespmem:s15+$0x0];
	_ =	sdelay $0x1  }
0x6b: {  	v5 =	vld [tilespmem:s24+$0x80]  }
0x6c: {  	s14 =	sadd.s32 $0x1, s14  }
0x6d: {  	p0 =	sne.s32 s14, $0x10  }
.Ltmp1:
0x6e: {  	v3 =	vadd.f32 v3, v4;
	(pc) =	sbr.rel @p0 .LBB2_2-.Ltmp1, $3  }
0x6f: {  	_ = 	snop  }
0x70: {  	v3 =	vadd.f32 v5, v3;
	_ =	sdelay $0x1  }
0x71: {  	[tilespmem:s15+$0x0] =	vst v3  }
0x72: {  	s14 =	simm.s32 $0x0;
	s15 =	rddreg [dreg:$0x5]  }
0x73: {  	[hbm4b:s15+s14] =	stream.linear.scatter [tilespmem:s12], [sflag:$0x2], $0x4000, $0x38;
	[tilespmem:$0xC080] =	vst v63  }
0x74: {  	_ =	swait.ge [sflag:s20], $0x4000  }
0x75: {  	[sflag:s20] =	ssyncset.done $0x0  }
0x76: {  	s18 =	rddreg [dreg:$0x6];
	[sflag:s20] =	ssyncadd.s32 $0xFFFFC000  }
0x77: {  	[tilespmem:s14], [sflag:$0x2] =	stream.linear.gather [hbm4b:s18+s14], $0x20, $0x38;
	[tilespmem:$0xC080] =	vst v63  }
0x78: {  	_ =	swait.ge [sflag:s20], $0x20  }
0x79: {  	[sflag:s20] =	ssyncset.done $0x0  }
0x7a: {  	[sflag:s20] =	ssyncadd.s32 $0xFFFFFFE0  }
0x7b: {  	v3 =	vld [tilespmem:$0x0];
	_ =	sdelay $0x4  }
0x7c: {  	v4 =	vshll.u32 v3, $0x3  }
0x7d: {  	v3 =	vand.u32 $0x7, v3;
	v4 =	vand.u32 $0xFFFFFFC0, v4  }
0x7e: {  	v3 =	vor.u32 v3, v4  }
0x7f: {  	v4 =	vperm.xlane v3, v0;
	_ =	sdelay $0x1  }
0x80: {  	v4 =	vadd.s32 v1, v4;
	_ =	sdelay $0x3  }
0x81: {  	s19 =	simm.s32 $0x80  }
0x82: {  	[tilespmem:s19], [sflag:$0x1] =	stream.indirect_vreg.gather [hbm4b:s3+s14], $0x80, v4, vm0, $0xb8;
	[tilespmem:$0xC080] =	vst v63  }
0x83: {  	s21 =	simm.s32 $0x880;
	v3 =	vperm.xlane v3, v2  }
0x84: {  	[tilespmem:s21], [sflag:$0x1] =	stream.indirect_vreg.gather [hbm4b:s4+s14], $0x80, v4, vm0, $0xb8;
	[tilespmem:$0xC080] =	vst v63  }
0x85: {  	s22 =	simm.s32 $0x1080;
	v3 =	vadd.s32 v1, v3  }
0x86: {  	[tilespmem:s22], [sflag:$0x1] =	stream.indirect_vreg.gather [hbm4b:s6+s14], $0x80, v4, vm0, $0xb8;
	[tilespmem:$0xC080] =	vst v63  }
0x87: {  	s23 =	simm.s32 $0x1880  }
0x88: {  	[tilespmem:s23], [sflag:$0x1] =	stream.indirect_vreg.gather [hbm4b:s7+s14], $0x80, v4, vm0, $0xb8;
	[tilespmem:$0xC080] =	vst v63  }
0x89: {  	_ = 	snop  }
0x8a: {  	[tilespmem:s25], [sflag:$0x1] =	stream.indirect_vreg.gather [hbm4b:s3+s14], $0x80, v3, vm0, $0xb8;
	[tilespmem:$0xC080] =	vst v63  }
0x8b: {  	_ = 	snop  }
0x8c: {  	[tilespmem:s26], [sflag:$0x1] =	stream.indirect_vreg.gather [hbm4b:s4+s14], $0x80, v3, vm0, $0xb8;
	[tilespmem:$0xC080] =	vst v63  }
0x8d: {  	_ = 	snop  }
0x8e: {  	[tilespmem:s28], [sflag:$0x1] =	stream.indirect_vreg.gather [hbm4b:s6+s14], $0x80, v3, vm0, $0xb8;
	[tilespmem:$0xC080] =	vst v63  }
0x8f: {  	_ = 	snop  }
0x90: {  	[tilespmem:s29], [sflag:$0x1] =	stream.indirect_vreg.gather [hbm4b:s7+s14], $0x80, v3, vm0, $0xb8;
	[tilespmem:$0xC080] =	vst v63  }
0x91: {  	v3 =	vld [tilespmem:$0x10];
	_ =	sdelay $0x4  }
0x92: {  	v63 =	vshll.u32 v3, $0x3  }
0x93: {  	v3 =	vand.u32 $0x7, v3;
	v4 =	vand.u32 $0xFFFFFFC0, v63  }
0x94: {  	v3 =	vor.u32 v3, v4  }
0x95: {  	v4 =	vperm.xlane v3, v0;
	_ =	sdelay $0x1  }
0x96: {  	v4 =	vadd.s32 v1, v4;
	_ =	sdelay $0x4  }
0x97: {  	[tilespmem:s30], [sflag:$0x1] =	stream.indirect_vreg.gather [hbm4b:s3+s14], $0x80, v4, vm0, $0xb8;
	[tilespmem:$0xC080] =	vst v63  }
0x98: {  	v3 =	vperm.xlane v3, v2  }
0x99: {  	[tilespmem:s31], [sflag:$0x1] =	stream.indirect_vreg.gather [hbm4b:s4+s14], $0x80, v4, vm0, $0xb8;
	[tilespmem:$0xC080] =	vst v63  }
0x9a: {  	v3 =	vadd.s32 v1, v3  }
0x9b: {  	[tilespmem:s0], [sflag:$0x1] =	stream.indirect_vreg.gather [hbm4b:s6+s14], $0x80, v4, vm0, $0xb8;
	[tilespmem:$0xC080] =	vst v63  }
0x9c: {  	_ = 	snop  }
0x9d: {  	[tilespmem:s2], [sflag:$0x1] =	stream.indirect_vreg.gather [hbm4b:s7+s14], $0x80, v4, vm0, $0xb8;
	[tilespmem:$0xC080] =	vst v63  }
0x9e: {  	_ = 	snop  }
0x9f: {  	[tilespmem:s5], [sflag:$0x1] =	stream.indirect_vreg.gather [hbm4b:s3+s14], $0x80, v3, vm0, $0xb8;
	[tilespmem:$0xC080] =	vst v63  }
0xa0: {  	_ = 	snop  }
0xa1: {  	[tilespmem:s8], [sflag:$0x1] =	stream.indirect_vreg.gather [hbm4b:s4+s14], $0x80, v3, vm0, $0xb8;
	[tilespmem:$0xC080] =	vst v63  }
0xa2: {  	_ = 	snop  }
0xa3: {  	[tilespmem:s9], [sflag:$0x1] =	stream.indirect_vreg.gather [hbm4b:s6+s14], $0x80, v3, vm0, $0xb8;
	[tilespmem:$0xC080] =	vst v63  }
0xa4: {  	_ = 	snop  }
0xa5: {  	[tilespmem:s10], [sflag:$0x1] =	stream.indirect_vreg.gather [hbm4b:s7+s14], $0x80, v3, vm0, $0xb8;
	[tilespmem:$0xC080] =	vst v63  }
0xa6: {  	_ =	swait.ge [sflag:s11], $0x8000  }
0xa7: {  	[sflag:s11] =	ssyncset.done $0x0  }
0xa8: {  	s24 =	rddreg [dreg:$0x7];
	[sflag:s11] =	ssyncadd.s32 $0xFFFF8000  }
0xa9: {  	[tilespmem:s12], [sflag:$0x2] =	stream.linear.gather [hbm4b:s24+s14], $0x4000, $0x38;
	[tilespmem:$0xC080] =	vst v63  }
0xaa: {  	_ =	swait.ge [sflag:s20], $0x4000  }
0xab: {  	[sflag:s20] =	ssyncset.done $0x0  }
0xac: {  	s15 =	simm.s32 $0x0;
	[sflag:s20] =	ssyncadd.s32 $0xFFFFC000  }
.LBB2_6:
0xad: {  	s16 =	sshll.u32 s15, $0xA;
	s17 =	sshll.u32 s15, $0x8;
	s18 =	sshll.u32 s15, $0xB  }
0xae: {  	s19 =	sshll.u32 s15, $0x7;
	s18 =	sand.u32 $0x6000, s18;
	s17 =	sand.u32 $0x300, s17  }
0xaf: {  	s16 =	sand.u32 $0x2000, s16;
	s19 =	sand.u32 $0x380, s19;
	s17 =	sor.u32 s17, s18  }
0xb0: {  	s22 =	sand.u32 $0x1C00, s14;
	s21 =	sor.u32 s19, s16;
	s16 =	sor.u32 $0x80, s17  }
0xb1: {  	s23 =	sand.u32 $0x70, s14;
	s17 =	sadd.s32 $0x8080, s21;
	s21 =	sadd.s32 s22, s16  }
0xb2: {  	s19 =	sadd.s32 s22, s17;
	s21 =	sadd.s32 s23, s21  }
0xb3: {  	s18 =	sadd.s32 s23, s19;
	v3 =	vld [tilespmem:s21+$0x0]  }
0xb4: {  	v4 =	vld [tilespmem:s18+$0x0];
	_ =	sdelay $0x1  }
0xb5: {  	v5 =	vld [tilespmem:s21+$0x80];
	_ =	sdelay $0x2  }
0xb6: {  	v3 =	vadd.f32 v3, v4  }
0xb7: {  	s19 =	simm.s32 $0x80  }
0xb8: {  	s24 =	simm.s32 $0x10;
	s23 =	sand.u32 $0x1C00, s19;
	v3 =	vadd.f32 v5, v3  }
0xb9: {  	s22 =	sand.u32 $0x70, s24;
	s21 =	simm.s32 $0x20;
	s24 =	sadd.s32 s23, s16  }
.LBB2_7:
0xba: {  	p0 =	sne.s32 s21, $0x3F0;
	s23 =	sadd.s32 s23, s17;
	s24 =	sadd.s32 s22, s24;
	[tilespmem:s18+$0x0] =	vst v3  }
0xbb: {  	s18 =	sadd.s32 s22, s23;
	v3 =	vld [tilespmem:s24+$0x0]  }
0xbc: {  	v4 =	vld [tilespmem:s18+$0x0];
	_ =	sdelay $0x1  }
0xbd: {  	v5 =	vld [tilespmem:s24+$0x80];
	_ =	sdelay $0x1  }
.Ltmp2:
0xbe: {  	(pc) =	sbr.rel @p0 .LBB2_7-.Ltmp2, $4  }
0xbf: {  	v3 =	vadd.f32 v3, v4  }
0xc0: {  	s19 =	sadd.s32 $0x80, s19  }
0xc1: {  	s23 =	sand.u32 $0x1C00, s19;
	v3 =	vadd.f32 v5, v3  }
0xc2: {  	s22 =	sand.u32 $0x70, s21;
	s21 =	sadd.s32 $0x10, s21;
	s24 =	sadd.s32 s23, s16  }
0xc3: {  	s16 =	sadd.s32 s23, s17;
	s24 =	sadd.s32 s22, s24;
	[tilespmem:s18+$0x0] =	vst v3  }
0xc4: {  	s16 =	sadd.s32 s22, s16;
	v3 =	vld [tilespmem:s24+$0x0]  }
0xc5: {  	v4 =	vld [tilespmem:s16+$0x0];
	_ =	sdelay $0x1  }
0xc6: {  	v5 =	vld [tilespmem:s24+$0x80]  }
0xc7: {  	s15 =	sadd.s32 $0x1, s15  }
0xc8: {  	p0 =	sne.s32 s15, $0x10  }
.Ltmp3:
0xc9: {  	v3 =	vadd.f32 v3, v4;
	(pc) =	sbr.rel @p0 .LBB2_6-.Ltmp3, $3  }
0xca: {  	_ = 	snop  }
0xcb: {  	v3 =	vadd.f32 v5, v3;
	_ =	sdelay $0x1  }
0xcc: {  	[tilespmem:s16+$0x0] =	vst v3  }
0xcd: {  	s14 =	simm.s32 $0x0;
	s15 =	rddreg [dreg:$0x8]  }
0xce: {  	[hbm4b:s15+s14] =	stream.linear.scatter [tilespmem:s12], [sflag:$0x2], $0x4000, $0x38;
	[tilespmem:$0xC080] =	vst v63  }
0xcf: {  	_ =	swait.ge [sflag:s20], $0x4000  }
0xd0: {  	[sflag:s20] =	ssyncset.done $0x0  }
0xd1: {  	s18 =	rddreg [dreg:$0x9];
	[sflag:s20] =	ssyncadd.s32 $0xFFFFC000  }
0xd2: {  	[tilespmem:s14], [sflag:$0x2] =	stream.linear.gather [hbm4b:s18+s14], $0x20, $0x38;
	[tilespmem:$0xC080] =	vst v63  }
0xd3: {  	_ =	swait.ge [sflag:s20], $0x20  }
0xd4: {  	[sflag:s20] =	ssyncset.done $0x0  }
0xd5: {  	[sflag:s20] =	ssyncadd.s32 $0xFFFFFFE0  }
0xd6: {  	v3 =	vld [tilespmem:$0x0];
	_ =	sdelay $0x4  }
0xd7: {  	v4 =	vshll.u32 v3, $0x3  }
0xd8: {  	v3 =	vand.u32 $0x7, v3;
	v4 =	vand.u32 $0xFFFFFFC0, v4  }
0xd9: {  	v3 =	vor.u32 v3, v4  }
0xda: {  	v4 =	vperm.xlane v3, v0;
	_ =	sdelay $0x1  }
0xdb: {  	v4 =	vadd.s32 v1, v4;
	_ =	sdelay $0x3  }
0xdc: {  	s19 =	simm.s32 $0x80  }
0xdd: {  	[tilespmem:s19], [sflag:$0x1] =	stream.indirect_vreg.gather [hbm4b:s3+s14], $0x80, v4, vm0, $0xb8;
	[tilespmem:$0xC080] =	vst v63  }
0xde: {  	s21 =	simm.s32 $0x880;
	v3 =	vperm.xlane v3, v2  }
0xdf: {  	[tilespmem:s21], [sflag:$0x1] =	stream.indirect_vreg.gather [hbm4b:s4+s14], $0x80, v4, vm0, $0xb8;
	[tilespmem:$0xC080] =	vst v63  }
0xe0: {  	s22 =	simm.s32 $0x1080;
	v3 =	vadd.s32 v1, v3  }
0xe1: {  	[tilespmem:s22], [sflag:$0x1] =	stream.indirect_vreg.gather [hbm4b:s6+s14], $0x80, v4, vm0, $0xb8;
	[tilespmem:$0xC080] =	vst v63  }
0xe2: {  	s23 =	simm.s32 $0x1880  }
0xe3: {  	[tilespmem:s23], [sflag:$0x1] =	stream.indirect_vreg.gather [hbm4b:s7+s14], $0x80, v4, vm0, $0xb8;
	[tilespmem:$0xC080] =	vst v63  }
0xe4: {  	_ = 	snop  }
0xe5: {  	[tilespmem:s25], [sflag:$0x1] =	stream.indirect_vreg.gather [hbm4b:s3+s14], $0x80, v3, vm0, $0xb8;
	[tilespmem:$0xC080] =	vst v63  }
0xe6: {  	_ = 	snop  }
0xe7: {  	[tilespmem:s26], [sflag:$0x1] =	stream.indirect_vreg.gather [hbm4b:s4+s14], $0x80, v3, vm0, $0xb8;
	[tilespmem:$0xC080] =	vst v63  }
0xe8: {  	_ = 	snop  }
0xe9: {  	[tilespmem:s28], [sflag:$0x1] =	stream.indirect_vreg.gather [hbm4b:s6+s14], $0x80, v3, vm0, $0xb8;
	[tilespmem:$0xC080] =	vst v63  }
0xea: {  	_ = 	snop  }
0xeb: {  	[tilespmem:s29], [sflag:$0x1] =	stream.indirect_vreg.gather [hbm4b:s7+s14], $0x80, v3, vm0, $0xb8;
	[tilespmem:$0xC080] =	vst v63  }
0xec: {  	v3 =	vld [tilespmem:$0x10];
	_ =	sdelay $0x4  }
0xed: {  	v63 =	vshll.u32 v3, $0x3  }
0xee: {  	v3 =	vand.u32 $0x7, v3;
	v4 =	vand.u32 $0xFFFFFFC0, v63  }
0xef: {  	v3 =	vor.u32 v3, v4  }
0xf0: {  	v4 =	vperm.xlane v3, v0;
	_ =	sdelay $0x1  }
0xf1: {  	v4 =	vadd.s32 v1, v4;
	_ =	sdelay $0x4  }
0xf2: {  	[tilespmem:s30], [sflag:$0x1] =	stream.indirect_vreg.gather [hbm4b:s3+s14], $0x80, v4, vm0, $0xb8;
	[tilespmem:$0xC080] =	vst v63  }
0xf3: {  	v3 =	vperm.xlane v3, v2  }
0xf4: {  	[tilespmem:s31], [sflag:$0x1] =	stream.indirect_vreg.gather [hbm4b:s4+s14], $0x80, v4, vm0, $0xb8;
	[tilespmem:$0xC080] =	vst v63  }
0xf5: {  	v3 =	vadd.s32 v1, v3  }
0xf6: {  	[tilespmem:s0], [sflag:$0x1] =	stream.indirect_vreg.gather [hbm4b:s6+s14], $0x80, v4, vm0, $0xb8;
	[tilespmem:$0xC080] =	vst v63  }
0xf7: {  	_ = 	snop  }
0xf8: {  	[tilespmem:s2], [sflag:$0x1] =	stream.indirect_vreg.gather [hbm4b:s7+s14], $0x80, v4, vm0, $0xb8;
	[tilespmem:$0xC080] =	vst v63  }
0xf9: {  	_ = 	snop  }
0xfa: {  	[tilespmem:s5], [sflag:$0x1] =	stream.indirect_vreg.gather [hbm4b:s3+s14], $0x80, v3, vm0, $0xb8;
	[tilespmem:$0xC080] =	vst v63  }
0xfb: {  	_ = 	snop  }
0xfc: {  	[tilespmem:s8], [sflag:$0x1] =	stream.indirect_vreg.gather [hbm4b:s4+s14], $0x80, v3, vm0, $0xb8;
	[tilespmem:$0xC080] =	vst v63  }
0xfd: {  	_ = 	snop  }
0xfe: {  	[tilespmem:s9], [sflag:$0x1] =	stream.indirect_vreg.gather [hbm4b:s6+s14], $0x80, v3, vm0, $0xb8;
	[tilespmem:$0xC080] =	vst v63  }
0xff: {  	_ = 	snop  }
0x100: {  	[tilespmem:s10], [sflag:$0x1] =	stream.indirect_vreg.gather [hbm4b:s7+s14], $0x80, v3, vm0, $0xb8;
	[tilespmem:$0xC080] =	vst v63  }
0x101: {  	_ =	swait.ge [sflag:s11], $0x8000  }
0x102: {  	[sflag:s11] =	ssyncset.done $0x0  }
0x103: {  	s24 =	rddreg [dreg:$0xa];
	[sflag:s11] =	ssyncadd.s32 $0xFFFF8000  }
0x104: {  	[tilespmem:s12], [sflag:$0x2] =	stream.linear.gather [hbm4b:s24+s14], $0x4000, $0x38;
	[tilespmem:$0xC080] =	vst v63  }
0x105: {  	_ =	swait.ge [sflag:s20], $0x4000  }
0x106: {  	[sflag:s20] =	ssyncset.done $0x0  }
0x107: {  	s15 =	simm.s32 $0x0;
	[sflag:s20] =	ssyncadd.s32 $0xFFFFC000  }
.LBB2_10:
0x108: {  	s16 =	sshll.u32 s15, $0xA;
	s17 =	sshll.u32 s15, $0x8;
	s18 =	sshll.u32 s15, $0xB  }
0x109: {  	s19 =	sshll.u32 s15, $0x7;
	s18 =	sand.u32 $0x6000, s18;
	s17 =	sand.u32 $0x300, s17  }
0x10a: {  	s16 =	sand.u32 $0x2000, s16;
	s19 =	sand.u32 $0x380, s19;
	s17 =	sor.u32 s17, s18  }
0x10b: {  	s22 =	sand.u32 $0x1C00, s14;
	s21 =	sor.u32 s19, s16;
	s16 =	sor.u32 $0x80, s17  }
0x10c: {  	s23 =	sand.u32 $0x70, s14;
	s17 =	sadd.s32 $0x8080, s21;
	s21 =	sadd.s32 s22, s16  }
0x10d: {  	s19 =	sadd.s32 s22, s17;
	s21 =	sadd.s32 s23, s21  }
0x10e: {  	s18 =	sadd.s32 s23, s19;
	v3 =	vld [tilespmem:s21+$0x0]  }
0x10f: {  	v4 =	vld [tilespmem:s18+$0x0];
	_ =	sdelay $0x1  }
0x110: {  	v5 =	vld [tilespmem:s21+$0x80];
	_ =	sdelay $0x2  }
0x111: {  	v3 =	vadd.f32 v3, v4  }
0x112: {  	s19 =	simm.s32 $0x80  }
0x113: {  	s24 =	simm.s32 $0x10;
	s23 =	sand.u32 $0x1C00, s19;
	v3 =	vadd.f32 v5, v3  }
0x114: {  	s22 =	sand.u32 $0x70, s24;
	s21 =	simm.s32 $0x20;
	s24 =	sadd.s32 s23, s16  }
.LBB2_11:
0x115: {  	p0 =	sne.s32 s21, $0x3F0;
	s23 =	sadd.s32 s23, s17;
	s24 =	sadd.s32 s22, s24;
	[tilespmem:s18+$0x0] =	vst v3  }
0x116: {  	s18 =	sadd.s32 s22, s23;
	v3 =	vld [tilespmem:s24+$0x0]  }
0x117: {  	v4 =	vld [tilespmem:s18+$0x0];
	_ =	sdelay $0x1  }
0x118: {  	v5 =	vld [tilespmem:s24+$0x80];
	_ =	sdelay $0x1  }
.Ltmp4:
0x119: {  	(pc) =	sbr.rel @p0 .LBB2_11-.Ltmp4, $4  }
0x11a: {  	v3 =	vadd.f32 v3, v4  }
0x11b: {  	s19 =	sadd.s32 $0x80, s19  }
0x11c: {  	s23 =	sand.u32 $0x1C00, s19;
	v3 =	vadd.f32 v5, v3  }
0x11d: {  	s22 =	sand.u32 $0x70, s21;
	s21 =	sadd.s32 $0x10, s21;
	s24 =	sadd.s32 s23, s16  }
0x11e: {  	s16 =	sadd.s32 s23, s17;
	s24 =	sadd.s32 s22, s24;
	[tilespmem:s18+$0x0] =	vst v3  }
0x11f: {  	s16 =	sadd.s32 s22, s16;
	v3 =	vld [tilespmem:s24+$0x0]  }
0x120: {  	v4 =	vld [tilespmem:s16+$0x0];
	_ =	sdelay $0x1  }
0x121: {  	v5 =	vld [tilespmem:s24+$0x80]  }
0x122: {  	s15 =	sadd.s32 $0x1, s15  }
0x123: {  	p0 =	sne.s32 s15, $0x10  }
.Ltmp5:
0x124: {  	v3 =	vadd.f32 v3, v4;
	(pc) =	sbr.rel @p0 .LBB2_10-.Ltmp5, $3  }
0x125: {  	_ = 	snop  }
0x126: {  	v3 =	vadd.f32 v5, v3;
	_ =	sdelay $0x1  }
0x127: {  	[tilespmem:s16+$0x0] =	vst v3  }
0x128: {  	s14 =	simm.s32 $0x0;
	s15 =	rddreg [dreg:$0xb]  }
0x129: {  	[hbm4b:s15+s14] =	stream.linear.scatter [tilespmem:s12], [sflag:$0x2], $0x4000, $0x38;
	[tilespmem:$0xC080] =	vst v63  }
0x12a: {  	_ =	swait.ge [sflag:s20], $0x4000  }
0x12b: {  	[sflag:s20] =	ssyncset.done $0x0  }
0x12c: {  	s18 =	rddreg [dreg:$0xc];
	[sflag:s20] =	ssyncadd.s32 $0xFFFFC000  }
0x12d: {  	[tilespmem:s14], [sflag:$0x2] =	stream.linear.gather [hbm4b:s18+s14], $0x20, $0x38;
	[tilespmem:$0xC080] =	vst v63  }
0x12e: {  	_ =	swait.ge [sflag:s20], $0x20  }
0x12f: {  	[sflag:s20] =	ssyncset.done $0x0  }
0x130: {  	[sflag:s20] =	ssyncadd.s32 $0xFFFFFFE0  }
0x131: {  	v3 =	vld [tilespmem:$0x0];
	_ =	sdelay $0x4  }
0x132: {  	v4 =	vshll.u32 v3, $0x3  }
0x133: {  	v3 =	vand.u32 $0x7, v3;
	v4 =	vand.u32 $0xFFFFFFC0, v4  }
0x134: {  	v3 =	vor.u32 v3, v4  }
0x135: {  	v4 =	vperm.xlane v3, v0;
	_ =	sdelay $0x1  }
0x136: {  	v4 =	vadd.s32 v1, v4;
	_ =	sdelay $0x3  }
0x137: {  	s19 =	simm.s32 $0x80  }
0x138: {  	[tilespmem:s19], [sflag:$0x1] =	stream.indirect_vreg.gather [hbm4b:s3+s14], $0x80, v4, vm0, $0xb8;
	[tilespmem:$0xC080] =	vst v63  }
0x139: {  	s21 =	simm.s32 $0x880;
	v3 =	vperm.xlane v3, v2  }
0x13a: {  	[tilespmem:s21], [sflag:$0x1] =	stream.indirect_vreg.gather [hbm4b:s4+s14], $0x80, v4, vm0, $0xb8;
	[tilespmem:$0xC080] =	vst v63  }
0x13b: {  	s22 =	simm.s32 $0x1080;
	v3 =	vadd.s32 v1, v3  }
0x13c: {  	[tilespmem:s22], [sflag:$0x1] =	stream.indirect_vreg.gather [hbm4b:s6+s14], $0x80, v4, vm0, $0xb8;
	[tilespmem:$0xC080] =	vst v63  }
0x13d: {  	s23 =	simm.s32 $0x1880  }
0x13e: {  	[tilespmem:s23], [sflag:$0x1] =	stream.indirect_vreg.gather [hbm4b:s7+s14], $0x80, v4, vm0, $0xb8;
	[tilespmem:$0xC080] =	vst v63  }
0x13f: {  	_ = 	snop  }
0x140: {  	[tilespmem:s25], [sflag:$0x1] =	stream.indirect_vreg.gather [hbm4b:s3+s14], $0x80, v3, vm0, $0xb8;
	[tilespmem:$0xC080] =	vst v63  }
0x141: {  	_ = 	snop  }
0x142: {  	[tilespmem:s26], [sflag:$0x1] =	stream.indirect_vreg.gather [hbm4b:s4+s14], $0x80, v3, vm0, $0xb8;
	[tilespmem:$0xC080] =	vst v63  }
0x143: {  	_ = 	snop  }
0x144: {  	[tilespmem:s28], [sflag:$0x1] =	stream.indirect_vreg.gather [hbm4b:s6+s14], $0x80, v3, vm0, $0xb8;
	[tilespmem:$0xC080] =	vst v63  }
0x145: {  	_ = 	snop  }
0x146: {  	[tilespmem:s29], [sflag:$0x1] =	stream.indirect_vreg.gather [hbm4b:s7+s14], $0x80, v3, vm0, $0xb8;
	[tilespmem:$0xC080] =	vst v63  }
0x147: {  	v3 =	vld [tilespmem:$0x10];
	_ =	sdelay $0x4  }
0x148: {  	v63 =	vshll.u32 v3, $0x3  }
0x149: {  	v3 =	vand.u32 $0x7, v3;
	v4 =	vand.u32 $0xFFFFFFC0, v63  }
0x14a: {  	v3 =	vor.u32 v3, v4  }
0x14b: {  	v4 =	vperm.xlane v3, v0;
	_ =	sdelay $0x1  }
0x14c: {  	v4 =	vadd.s32 v1, v4;
	_ =	sdelay $0x4  }
0x14d: {  	[tilespmem:s30], [sflag:$0x1] =	stream.indirect_vreg.gather [hbm4b:s3+s14], $0x80, v4, vm0, $0xb8;
	[tilespmem:$0xC080] =	vst v63  }
0x14e: {  	v3 =	vperm.xlane v3, v2  }
0x14f: {  	[tilespmem:s31], [sflag:$0x1] =	stream.indirect_vreg.gather [hbm4b:s4+s14], $0x80, v4, vm0, $0xb8;
	[tilespmem:$0xC080] =	vst v63  }
0x150: {  	v3 =	vadd.s32 v1, v3  }
0x151: {  	[tilespmem:s0], [sflag:$0x1] =	stream.indirect_vreg.gather [hbm4b:s6+s14], $0x80, v4, vm0, $0xb8;
	[tilespmem:$0xC080] =	vst v63  }
0x152: {  	_ = 	snop  }
0x153: {  	[tilespmem:s2], [sflag:$0x1] =	stream.indirect_vreg.gather [hbm4b:s7+s14], $0x80, v4, vm0, $0xb8;
	[tilespmem:$0xC080] =	vst v63  }
0x154: {  	_ = 	snop  }
0x155: {  	[tilespmem:s5], [sflag:$0x1] =	stream.indirect_vreg.gather [hbm4b:s3+s14], $0x80, v3, vm0, $0xb8;
	[tilespmem:$0xC080] =	vst v63  }
0x156: {  	_ = 	snop  }
0x157: {  	[tilespmem:s8], [sflag:$0x1] =	stream.indirect_vreg.gather [hbm4b:s4+s14], $0x80, v3, vm0, $0xb8;
	[tilespmem:$0xC080] =	vst v63  }
0x158: {  	_ = 	snop  }
0x159: {  	[tilespmem:s9], [sflag:$0x1] =	stream.indirect_vreg.gather [hbm4b:s6+s14], $0x80, v3, vm0, $0xb8;
	[tilespmem:$0xC080] =	vst v63  }
0x15a: {  	_ = 	snop  }
0x15b: {  	[tilespmem:s10], [sflag:$0x1] =	stream.indirect_vreg.gather [hbm4b:s7+s14], $0x80, v3, vm0, $0xb8;
	[tilespmem:$0xC080] =	vst v63  }
0x15c: {  	_ =	swait.ge [sflag:s11], $0x8000  }
0x15d: {  	[sflag:s11] =	ssyncset.done $0x0  }
0x15e: {  	s24 =	rddreg [dreg:$0xd];
	[sflag:s11] =	ssyncadd.s32 $0xFFFF8000  }
0x15f: {  	[tilespmem:s12], [sflag:$0x2] =	stream.linear.gather [hbm4b:s24+s14], $0x4000, $0x38;
	[tilespmem:$0xC080] =	vst v63  }
0x160: {  	_ =	swait.ge [sflag:s20], $0x4000  }
0x161: {  	[sflag:s20] =	ssyncset.done $0x0  }
0x162: {  	s15 =	simm.s32 $0x0;
	[sflag:s20] =	ssyncadd.s32 $0xFFFFC000  }
.LBB2_14:
0x163: {  	s16 =	sshll.u32 s15, $0xA;
	s17 =	sshll.u32 s15, $0x8;
	s18 =	sshll.u32 s15, $0xB  }
0x164: {  	s19 =	sshll.u32 s15, $0x7;
	s18 =	sand.u32 $0x6000, s18;
	s17 =	sand.u32 $0x300, s17  }
0x165: {  	s16 =	sand.u32 $0x2000, s16;
	s19 =	sand.u32 $0x380, s19;
	s17 =	sor.u32 s17, s18  }
0x166: {  	s22 =	sand.u32 $0x1C00, s14;
	s21 =	sor.u32 s19, s16;
	s16 =	sor.u32 $0x80, s17  }
0x167: {  	s23 =	sand.u32 $0x70, s14;
	s17 =	sadd.s32 $0x8080, s21;
	s21 =	sadd.s32 s22, s16  }
0x168: {  	s19 =	sadd.s32 s22, s17;
	s21 =	sadd.s32 s23, s21  }
0x169: {  	s18 =	sadd.s32 s23, s19;
	v3 =	vld [tilespmem:s21+$0x0]  }
0x16a: {  	v4 =	vld [tilespmem:s18+$0x0];
	_ =	sdelay $0x1  }
0x16b: {  	v5 =	vld [tilespmem:s21+$0x80];
	_ =	sdelay $0x2  }
0x16c: {  	v3 =	vadd.f32 v3, v4  }
0x16d: {  	s19 =	simm.s32 $0x80  }
0x16e: {  	s24 =	simm.s32 $0x10;
	s23 =	sand.u32 $0x1C00, s19;
	v3 =	vadd.f32 v5, v3  }
0x16f: {  	s22 =	sand.u32 $0x70, s24;
	s21 =	simm.s32 $0x20;
	s24 =	sadd.s32 s23, s16  }
.LBB2_15:
0x170: {  	p0 =	sne.s32 s21, $0x3F0;
	s23 =	sadd.s32 s23, s17;
	s24 =	sadd.s32 s22, s24;
	[tilespmem:s18+$0x0] =	vst v3  }
0x171: {  	s18 =	sadd.s32 s22, s23;
	v3 =	vld [tilespmem:s24+$0x0]  }
0x172: {  	v4 =	vld [tilespmem:s18+$0x0];
	_ =	sdelay $0x1  }
0x173: {  	v5 =	vld [tilespmem:s24+$0x80];
	_ =	sdelay $0x1  }
.Ltmp6:
0x174: {  	(pc) =	sbr.rel @p0 .LBB2_15-.Ltmp6, $4  }
0x175: {  	v3 =	vadd.f32 v3, v4  }
0x176: {  	s19 =	sadd.s32 $0x80, s19  }
0x177: {  	s23 =	sand.u32 $0x1C00, s19;
	v3 =	vadd.f32 v5, v3  }
0x178: {  	s22 =	sand.u32 $0x70, s21;
	s21 =	sadd.s32 $0x10, s21;
	s24 =	sadd.s32 s23, s16  }
0x179: {  	s16 =	sadd.s32 s23, s17;
	s24 =	sadd.s32 s22, s24;
	[tilespmem:s18+$0x0] =	vst v3  }
0x17a: {  	s16 =	sadd.s32 s22, s16;
	v3 =	vld [tilespmem:s24+$0x0]  }
0x17b: {  	v4 =	vld [tilespmem:s16+$0x0];
	_ =	sdelay $0x1  }
0x17c: {  	v5 =	vld [tilespmem:s24+$0x80]  }
0x17d: {  	s15 =	sadd.s32 $0x1, s15  }
0x17e: {  	p0 =	sne.s32 s15, $0x10  }
.Ltmp7:
0x17f: {  	v3 =	vadd.f32 v3, v4;
	(pc) =	sbr.rel @p0 .LBB2_14-.Ltmp7, $3  }
0x180: {  	_ = 	snop  }
0x181: {  	v3 =	vadd.f32 v5, v3;
	_ =	sdelay $0x1  }
0x182: {  	[tilespmem:s16+$0x0] =	vst v3  }
0x183: {  	s14 =	rddreg [dreg:$0xe]  }
0x184: {  	[hbm4b:s14+s1] =	stream.linear.scatter [tilespmem:s12], [sflag:$0x2], $0x4000, $0x38;
	[tilespmem:$0xC080] =	vst v63  }
0x185: {  	_ =	swait.ge [sflag:s20], $0x4000  }
0x186: {  	s13 =	sadd.s32 $0x1, s13;
	s24 =	rddreg [dreg:$0xf]  }
0x187: {  	p0 =	sne.s32 s13, s24  }
.Ltmp8:
0x188: {  	_ = 	snop;
	(pc) =	sbr.rel @p0 .LBB2_1-.Ltmp8, $3  }
0x189: {  	_ =	sdelay $0x1  }
0x18a: {  	[sflag:s20] =	ssyncset.done $0x0  }
0x18b: {  	[sflag:s20] =	ssyncadd.s32 $0xFFFFC000  }
0x18c: {  	_ =	sfence.sel $0x180000  }
0x18d: {  	[bflag:$0x0] =	sbarrier.arrive $0xFFFF  }
0x18e: {  	_ =	strace $0x90000050  }
0x18f: {  	s0 =	stileid.u32;
	[bflag:$0x2] =	sbarrier.arrive $0xFFFF  }
0x190: {  	p0 =	sne.s32 s0, $0x0;
	s0 =	rddreg [dreg:$0x2]  }
0x191: {  	s0 =	sadd.s32 @!p0 $0x100000, s0  }
0x192: {  	[sflag:s0] =	ssyncadd.tile.s32 @!p0 $0x1;
	_ =	shalt  }
.Lfunc_end2:
_tile_overlayer_lowered:
.L_overlay_start_2:
0x193: {  	(tag) =	ssettag $0x2  }
0x194: {  	s0 =	rddreg [dreg:$0x0];
	s2 =	stileid.u32  }
0x195: {  	s1 =	rddreg [dreg:$0x1];
	p0 =	sne.s32 s2, $0x0  }
0x196: {  	s3 =	rddreg [dreg:$0x2];
	[bflag:$0x3] =	sbarrier.arrive $0xFFFF;
	s2 =	simm.s32 @!p0 $0x1C02  }
0x197: {  	[timem:s3], [sflag:s2] =	dma.local @!p0 [hbm:s0], s1  }
0x198: {  	s0 =	simm.s32 @!p0 $0x2  }
0x199: {  	_ =	swait.ge @!p0 [sflag:s0], s1  }
0x19a: {  	s1 =	ssub.s32 @!p0 $0x0, s1;
	[sflag:s0] =	ssyncset.done @!p0 $0x0  }
0x19b: {  	[sflag:s0] =	ssyncadd.s32 @!p0 s1  }
0x19c: {  	[bflag:$0x3] =	sbarrier.arrive $0xFFFF  }
0x19d: {  	_ =	shalt  }

// kernel: kernel.8.cloned.1.call-start
scs
__scs_entry_jumppad:
0x0: {  	(pc) =	sbr.rel $0x88, $3  }
0x1: {  	(tag) =	ssettag $0x0;
	lr =	simm.s32 $0x1  }
0x2: {  	[smem:$0x3F8D] =	sst lr;
	_ =	strace $0xD0000000  }
0x3: {  	_ = 	snop  }
0x4: {  	_ = 	snop  }
0x5: {  	_ = 	snop  }
0x6: {  	_ = 	snop  }
0x7: {  	_ = 	snop  }
__scs_overlays_trampoline_lowered:
0x8: {  	[smem:$0x3F9C] =	sst s0  }
0x9: {  	[smem:$0x3F9D] =	sst s1  }
0xa: {  	[smem:$0x3F9E] =	sst s2  }
0xb: {  	[smem:$0x3F9F] =	sst s3  }
0xc: {  	[smem:$0x3FA0] =	sst s4  }
0xd: {  	[smem:$0x3FA1] =	sst s5  }
0xe: {  	[smem:$0x3FA2] =	sst s6  }
0xf: {  	[smem:$0x3FA3] =	sst s7  }
0x10: {  	[smem:$0x3FA4] =	sst s8  }
0x11: {  	[smem:$0x3FA5] =	sst s9;
	s0 =	simm.s32 @!p0 $0x0  }
0x12: {  	s1 =	sld [smem:$0x3F8B];
	s0 =	simm.s32 @p0 $0x1  }
0x13: {  	[smem:$0x3FA6] =	sst s0;
	s0 =	simm.s32 @!p1 $0x0  }
0x14: {  	s2 =	sld [smem:$0x3F8A];
	s0 =	simm.s32 @p1 $0x1  }
0x15: {  	[smem:$0x3FA7] =	sst s0;
	s0 =	simm.s32 @!p2 $0x0  }
0x16: {  	s3 =	sld [smem:$0x3FDB];
	s0 =	simm.s32 @p2 $0x1  }
0x17: {  	s4 =	simm.s32 $0x1BF5;
	[smem:$0x3FA9] =	sst s0  }
0x18: {  	s0 =	sld [smem:$0x3F8C];
	_ =	swait.ge [sflag:s4], $0x0  }
0x19: {  	s7 =	sld [smem:$0x3F8D]  }
0x1a: {  	s8 =	sadd.s32 $0xFFFFE003, lr  }
0x1b: {  	s9 =	sadd.s32 $0xFFFFFEF7, lr;
	s5 =	simm.s32 $0xFFFFFFFF;
	p2 =	slt.u32 s8, $0xFFFFF086  }
0x1c: {  	p1 =	slt.u32 s9, $0xF7A;
	s5 =	simm.s32 @!p2 $0x0  }
0x1d: {  	s5 =	simm.s32 @p1 $0x1;
	p0 =	seq.s32 s7, s2  }
0x1e: {  	s7 =	smul.u32 @!p0 $0xF7A, s2;
	p2 =	seq.s32 @!p0 s5, $0x0  }
0x1f: {  	s9 =	smul.u32 $0xF7A, s1;
	s8 =	simm.s32 @!p0 $0x1BF5;
	p2 =	por !p2, p0  }
0x20: {  	[sflag:s8] =	ssyncset.s32 @!p0 $0xFFFFF086;
	s6 =	sadd.s32 @!p0 s3, s7;
	s7 =	simm.s32 @!p0 $0x108  }
0x21: {  	s3 =	sadd.s32 s3, s9;
	s6 =	sadd.s32 @!p0 $0x88, s6;
	s7 =	simm.s32 @p2 $0x1082  }
0x22: {  	[simem:s7], [sflag:s8] =	dma.local @!p0 [hbm:s6], $0xF7A  }
0x23: {  	s9 =	sor.u32 $0xD0000000, s2;
	s6 =	simm.s32 $0x108;
	_ =	swait.ge @!p0 [sflag:s8], $0x0  }
0x24: {  	s3 =	sadd.s32 $0x88, s3;
	s6 =	simm.s32 @!p1 $0x1082;
	[sflag:s4] =	ssyncset.s32 $0xFFFFF086  }
0x25: {  	[simem:s6], [sflag:s4] =	dma.local [hbm:s3], $0xF7A  }
0x26: {  	[smem:$0x3F8D] =	sst s1;
	(tag) =	ssettag s2;
	_ =	strace s9  }
0x27: {  	s1 =	sld [smem:$0x3F9D]  }
0x28: {  	s2 =	sld [smem:$0x3F9E]  }
0x29: {  	s4 =	sld [smem:$0x3FA0]  }
0x2a: {  	p0 =	seq.s32 s5, $0x0;
	s5 =	sld [smem:$0x3FA1]  }
0x2b: {  	s6 =	sld [smem:$0x3FA2]  }
0x2c: {  	s7 =	sld [smem:$0x3FA3]  }
0x2d: {  	s3 =	simm.s32 $0x108;
	s8 =	sld [smem:$0x3FA4]  }
0x2e: {  	s3 =	simm.s32 @!p0 $0x1082;
	s9 =	sld [smem:$0x3FA5]  }
0x2f: {  	lr =	sadd.s32 s0, s3;
	s0 =	sld [smem:$0x3F9C]  }
0x30: {  	s3 =	sld [smem:$0x3F9F]  }
0x31: {  	[smem:$0x3FA8] =	sst s10  }
0x32: {  	s10 =	sld [smem:$0x3FA6];
	_ =	sdelay $0x3  }
0x33: {  	p0 =	seq.s32 s10, $0x1;
	s10 =	sld [smem:$0x3FA8];
	_ =	sdelay $0x3  }
0x34: {  	[smem:$0x3FA8] =	sst s10  }
0x35: {  	s10 =	sld [smem:$0x3FA7];
	_ =	sdelay $0x3  }
0x36: {  	p1 =	seq.s32 s10, $0x1;
	s10 =	sld [smem:$0x3FA8];
	_ =	sdelay $0x3  }
0x37: {  	[smem:$0x3FA8] =	sst s10  }
0x38: {  	s10 =	sld [smem:$0x3FA9]  }
0x39: {  	_ = 	snop;
	(pc) =	sbr.ind lr, $3  }
0x3a: {  	_ = 	snop  }
0x3b: {  	_ = 	snop  }
0x3c: {  	p2 =	seq.s32 s10, $0x1;
	s10 =	sld [smem:$0x3FA8]  }
0x3d: {  	_ =	shalt  }
0x3e: {  	_ =	shalt  }
0x3f: {  	_ =	shalt  }
0x40: {  	_ =	shalt  }
0x41: {  	_ =	shalt  }
0x42: {  	_ =	shalt  }
0x43: {  	_ =	shalt  }
0x44: {  	_ =	shalt  }
0x45: {  	_ =	shalt  }
0x46: {  	_ =	shalt  }
0x47: {  	_ =	shalt  }
0x48: {  	_ =	shalt  }
0x49: {  	_ =	shalt  }
0x4a: {  	_ =	shalt  }
0x4b: {  	_ =	shalt  }
0x4c: {  	_ =	shalt  }
0x4d: {  	_ =	shalt  }
0x4e: {  	_ =	shalt  }
0x4f: {  	_ =	shalt  }
0x50: {  	_ =	shalt  }
0x51: {  	_ =	shalt  }
0x52: {  	_ =	shalt  }
0x53: {  	_ =	shalt  }
0x54: {  	_ =	shalt  }
0x55: {  	_ =	shalt  }
0x56: {  	_ =	shalt  }
0x57: {  	_ =	shalt  }
0x58: {  	_ =	shalt  }
0x59: {  	_ =	shalt  }
0x5a: {  	_ =	shalt  }
0x5b: {  	_ =	shalt  }
0x5c: {  	_ =	shalt  }
0x5d: {  	_ =	shalt  }
0x5e: {  	_ =	shalt  }
0x5f: {  	_ =	shalt  }
0x60: {  	_ =	shalt  }
0x61: {  	_ =	shalt  }
0x62: {  	_ =	shalt  }
0x63: {  	_ =	shalt  }
0x64: {  	_ =	shalt  }
0x65: {  	_ =	shalt  }
0x66: {  	_ =	shalt  }
0x67: {  	_ =	shalt  }
0x68: {  	_ =	shalt  }
0x69: {  	_ =	shalt  }
0x6a: {  	_ =	shalt  }
0x6b: {  	_ =	shalt  }
0x6c: {  	_ =	shalt  }
0x6d: {  	_ =	shalt  }
0x6e: {  	_ =	shalt  }
0x6f: {  	_ =	shalt  }
0x70: {  	_ =	shalt  }
0x71: {  	_ =	shalt  }
0x72: {  	_ =	shalt  }
0x73: {  	_ =	shalt  }
0x74: {  	_ =	shalt  }
0x75: {  	_ =	shalt  }
0x76: {  	_ =	shalt  }
0x77: {  	_ =	shalt  }
0x78: {  	_ =	shalt  }
0x79: {  	_ =	shalt  }
0x7a: {  	_ =	shalt  }
0x7b: {  	_ =	shalt  }
0x7c: {  	_ =	shalt  }
0x7d: {  	_ =	shalt  }
0x7e: {  	_ =	shalt  }
0x7f: {  	_ =	shalt  }
0x80: {  	_ =	shalt  }
0x81: {  	_ =	shalt  }
0x82: {  	_ =	shalt  }
0x83: {  	_ =	shalt  }
0x84: {  	_ =	shalt  }
0x85: {  	_ =	shalt  }
0x86: {  	_ =	shalt  }
0x87: {  	_ =	shalt  }
.Lfunc_end0:
.L_simem_size_0:
called_computation.2_lowered:
.L_overlay_start_0:
0x88: {  	s2 =	sld [smem:$0x3FD9]  }
0x89: {  	s3 =	sld [smem:$0x3FFE];
	_ =	sdelay $0x1  }
0x8a: {  	s1 =	srdreg.scid  }
0x8b: {  	s0 =	sand.u32 $0x1, s1  }
0x8c: {  	s17 =	sshll.u32 s0, $0xA;
	s2 =	sadd.s32 s3, s2  }
0x8d: {  	s2 =	sadd.s32 s2, s17  }
0x8e: {  	[smem:$0x3FB4] =	sst s2  }
0x8f: {  	_ = 	snop  }
0x90: {  	s18 =	sld [smem:$0x3FD0];
	(tm) =	ssettm $0x1  }
0x91: {  	s19 =	sld [smem:$0x3FFB];
	_ =	sdelay $0x3  }
0x92: {  	_ =	strace s19  }
0x93: {  	s2 =	sld [smem:$0x3FFC];
	_ =	sdelay $0x3  }
0x94: {  	_ =	strace s2  }
0x95: {  	s2 =	sld [smem:$0x3FFD];
	_ =	sdelay $0x3  }
0x96: {  	_ =	strace s2  }
0x97: {  	_ =	strace $0x8FFFFFFF  }
0x98: {  	s20 =	sld [smem:$0x3FDB];
	_ =	sdelay $0x1  }
0x99: {  	s4 =	simm.s32 $_scs_section_size  }
0x9a: {  	s5 =	simm.s32 $_size__tile_overlayer_lowered;
	s6 =	simm.s32 $_tile_overlayer_lowered  }
0x9b: {  	s7 =	simm.s32 $0x1BFF;
	s21 =	sshll.u32 s6, $0x1;
	s4 =	sadd.s32 s4, s20  }
0x9c: {  	s22 =	simm.s32 $0x0;
	s5 =	sshll.u32 s5, $0x1;
	s6 =	sadd.s32 s21, s4  }
0x9d: {  	[timem:s22], [sflag:s7] =	dma.local [hbm:s6], s5  }
0x9e: {  	_ =	swait.ge [sflag:s7], s5  }
0x9f: {  	s5 =	ssub.s32 $0x0, s5;
	[sflag:s7] =	ssyncset.done $0x0  }
0xa0: {  	[sflag:s7] =	ssyncadd.s32 s5;
	_ =	sdelay $0x1  }
0xa1: {  	s23 =	simm.s32 $0x1B8B  }
0xa2: {  	_ =	swait.ge [sflag:s23], $0x1  }
0xa3: {  	[sflag:s23] =	ssyncset.done $0x0  }
0xa4: {  	[sflag:s23] =	ssyncadd.s32 $0xFFFFFFFF  }
0xa5: {  	s5 =	sld [smem:$0x0]  }
0xa6: {  	s6 =	sand.u32 $0xFFFFFFFE, s1  }
0xa7: {  	p0 =	sne.s32 s1, s6  }
0xa8: {  	s6 =	sshll.u32 @p0 s6, $0xE  }
0xa9: {  	s6 =	sadd.s32 @p0 $0x11B8D, s6;
	s7 =	sshll.u32 @p0 s5, $0x11  }
0xaa: {  	s6 =	sor.u32 @p0 s7, s6  }
0xab: {  	[sflag:s6] =	ssyncadd.remote.s32 @p0 $0x1;
	_ =	sdelay $0x1  }
0xac: {  	s6 =	simm.s32 @p0 $0x1B8D  }
0xad: {  	_ =	swait.eq @p0 [sflag:s6], $0x1  }
0xae: {  	[sflag:s6] =	ssyncadd.s32 @p0 $0xFFFFFFFF  }
0xaf: {  	s7 =	sshll.u32 @!p0 s1, $0xE  }
0xb0: {  	s7 =	sor.u32 @!p0 $0x4000, s7;
	s6 =	simm.s32 @!p0 $0x1B8D  }
0xb1: {  	s5 =	sshll.u32 @!p0 s5, $0x11;
	s7 =	sadd.s32 @!p0 $0x11B8D, s7;
	_ =	swait.eq @!p0 [sflag:s6], $0x1  }
0xb2: {  	s5 =	sor.u32 @!p0 s5, s7;
	[sflag:s6] =	ssyncadd.s32 @!p0 $0xFFFFFFFF  }
0xb3: {  	s25 =	simm.s32 $0x1B8E;
	s24 =	sld [smem:$0x3FFE];
	[sflag:s5] =	ssyncadd.remote.s32 @!p0 $0x1  }
0xb4: {  	s26 =	simm.s32 $execute0_lowered;
	[smem:$0x3FD2] =	sst s25  }
0xb5: {  	s6 =	sshll.u32 s26, $0x1;
	_ =	strace $0x8000004C;
	[dreg:$0x1] =	wrdreg $0xFFFFFFFF  }
0xb6: {  	s28 =	simm.s32 $_size_execute0_lowered;
	s4 =	sadd.s32 s4, s6;
	[dreg:$0x0] =	wrdreg $0x0  }
0xb7: {  	s6 =	sshll.u32 s28, $0x1;
	[dreg:$0x2] =	wrdreg s4  }
0xb8: {  	[dreg:$0x3] =	wrdreg s6  }
0xb9: {  	[dreg:$0x4] =	wrdreg $0xC0  }
0xba: {  	_ =	task [dreg:s22], $0x5FFFF  }
0xbb: {  	[dreg:$0x1] =	wrdreg $0xFFFFFFFF  }
0xbc: {  	[dreg:$0x0] =	wrdreg $0x60  }
0xbd: {  	[dreg:$0x2] =	wrdreg s24  }
0xbe: {  	[dreg:$0x3] =	wrdreg s18  }
0xbf: {  	[dreg:$0x4] =	wrdreg $0xB  }
0xc0: {  	_ =	task.clear_ibuf [dreg:s22], $0x5FFFF;
	_ =	strace $0x9000004C  }
0xc1: {  	s29 =	simm.s32 $0xB;
	_ =	strace $0x8000004E  }
0xc2: {  	_ =	swait.ge [sflag:s29], $0x1  }
0xc3: {  	[sflag:s29] =	ssyncadd.s32 $0xFFFFFFFF  }
0xc4: {  	_ =	strace $0x9000004E  }
0xc5: {  	_ =	sfence  }
0xc6: {  	s30 =	sld [smem:$0x0];
	_ =	sdelay $0x2  }
0xc7: {  	s31 =	sshll.u32 s1, $0xD;
	s1 =	sshrl.u32 s1, $0x2  }
0xc8: {  	s4 =	sand.u32 $0x4000, s31;
	s1 =	sadd.s32 s1, s30  }
0xc9: {  	s0 =	sor.u32 s4, s0;
	s1 =	sshll.u32 s1, $0x11  }
0xca: {  	s0 =	sor.u32 s1, s0  }
0xcb: {  	s0 =	sadd.s32 $0x8F2B, s0  }
0xcc: {  	[sflag:s0] =	ssyncadd.remote.s32 $0x1  }
0xcd: {  	_ =	sfence.sel $0xFFFF  }
0xce: {  	[dreg:$0x0] =	wrdreg $0xFFFFFFFF;
	(pc) =	sbr.abs _section_cstart, $3  }
0xcf: {  	[dreg:$0x1] =	wrdreg $0xFFFFFFFF  }
0xd0: {  	_ =	task.clear_ibuf [dreg:s22], $0x2FFFF;
	_ =	strace $0x9FFFFFFF  }
0xd1: {  	(tm) =	ssettm $0x7FFFFFFF  }
tec
execute0_lowered:
.L_overlay_start_1:
0x0: {  	(tag) =	ssettag $0x1  }
0x1: {  	s4 =	rddreg [dreg:$0x0]  }
0x2: {  	s1 =	srdreg.scid;
	s0 =	stileid.u32  }
0x3: {  	s2 =	rddreg [dreg:$0x1];
	s5 =	sand.u32 $0x1, s1;
	s6 =	sshll.u32 s0, $0x1  }
0x4: {  	s3 =	simm.s32 $0x0;
	s1 =	rddreg [dreg:$0x2];
	s6 =	sor.u32 s5, s6  }
0x5: {  	s31 =	simm.s32 $0x200;
	[smem:$0x7FF] =	sst s3;
	s7 =	smul.u32 $0x34, s6  }
0x6: {  	_ =	strace $0x8000004D;
	s8 =	sshll.u32 s6, $0x1;
	s9 =	smul.u32 $0x68000, s6  }
0x7: {  	[dreg:$0x12] =	wrdreg s31;
	s6 =	smul.u32 $0xD000, s6;
	s8 =	sadd.s32 s8, s4  }
0x8: {  	s7 =	sadd.s32 s7, s4;
	s4 =	sadd.s32 $0x49A00, s4;
	s15 =	sadd.s32 $0x40000, s8  }
0x9: {  	s16 =	sshrl.u32 s9, $0x3;
	s7 =	sadd.s32 $0x49000, s7;
	[dreg:$0x4] =	wrdreg s15  }
0xa: {  	s6 =	sadd.s32 s4, s6;
	s17 =	sadd.s32 s4, s16;
	[dreg:$0x3] =	wrdreg s7  }
0xb: {  	[dreg:$0x5] =	wrdreg s6;
	s4 =	sadd.s32 $0x1000, s17  }
0xc: {  	s18 =	sadd.s32 $0x2000, s17;
	[dreg:$0x6] =	wrdreg s4  }
0xd: {  	s19 =	sadd.s32 $0x3000, s17;
	[dreg:$0x7] =	wrdreg s18  }
0xe: {  	s20 =	sadd.s32 $0x4000, s17;
	[dreg:$0x8] =	wrdreg s19  }
0xf: {  	s21 =	sadd.s32 $0x5000, s17;
	[dreg:$0x9] =	wrdreg s20  }
0x10: {  	s22 =	sadd.s32 $0x6000, s17;
	[dreg:$0xa] =	wrdreg s21  }
0x11: {  	s5 =	ssub.s32 $0x2, s5;
	s23 =	sadd.s32 $0x7000, s17;
	[dreg:$0xb] =	wrdreg s22  }
0x12: {  	s25 =	sshrl.u32 s5, $0x1;
	s24 =	sadd.s32 $0x8000, s17;
	[dreg:$0xc] =	wrdreg s23  }
0x13: {  	s28 =	ssub.s32 s5, s25;
	s26 =	sadd.s32 $0x9000, s17;
	[dreg:$0xd] =	wrdreg s24  }
0x14: {  	s5 =	sadd.s32 $0x200, s2;
	s29 =	sadd.s32 $0xA000, s17;
	[dreg:$0xe] =	wrdreg s26  }
0x15: {  	s8 =	simm.s32 $0x3;
	s30 =	sadd.s32 $0xB000, s17;
	[dreg:$0xf] =	wrdreg s29  }
0x16: {  	s7 =	sadd.s32 $0xC000, s17;
	s6 =	sadd.s32 $0x300, s2;
	[dreg:$0x10] =	wrdreg s30  }
0x17: {  	s4 =	sadd.s32 $0x100, s2;
	[dreg:$0x11] =	wrdreg s7;
	s7 =	smax.u32 s28, $0x1  }
.LBB2_1:
0x18: {  	s9 =	rddreg [dreg:$0x3]  }
0x19: {  	[tilespmem:s3], [sflag:$0x3] =	stream.linear.gather [hbm4b:s9+s3], $0x1A0, $0x38;
	[tilespmem:$0x10280] =	vst v63  }
0x1a: {  	_ =	swait.ge [sflag:s8], $0x1A0  }
0x1b: {  	s28 =	rddreg [dreg:$0x4];
	[sflag:s8] =	ssyncset.done $0x0  }
0x1c: {  	s10 =	rddreg [dreg:$0x12];
	[sflag:s8] =	ssyncadd.s32 $0xFFFFFE60  }
0x1d: {  	[tilespmem:s10], [sflag:$0x3] =	stream.linear.gather [hbm4b:s28+s3], $0x10, $0x38;
	[tilespmem:$0x10280] =	vst v63  }
0x1e: {  	_ =	swait.ge [sflag:s8], $0x10  }
0x1f: {  	[sflag:s8] =	ssyncset.done $0x0  }
0x20: {  	[sflag:s8] =	ssyncadd.s32 $0xFFFFFFF0  }
0x21: {  	v0 =	vld [tilespmem:$0x200];
	_ =	sdelay $0x4  }
0x22: {  	(v2sf) =	vpush v0, $0x0;
	_ =	sdelay $0xe  }
0x23: {  	s29 =	spop (v2sf)  }
0x24: {  	p0 =	sne.s32 s29, $0x1  }
0x25: {  	v1 =	vld @!p0 [tilespmem:$0x0];
	_ =	sdelay $0x4  }
0x26: {  	v2 =	vshll.u32 @!p0 v1, $0x3  }
0x27: {  	v3 =	vlaneseq.u32 @!p0;
	v1 =	vand.u32 @!p0 $0x7, v1;
	v2 =	vand.u32 @!p0 $0xFFFFFFC0, v2  }
0x28: {  	v4 =	vshrl.u32 @!p0 v3, $0x3;
	v1 =	vor.u32 @!p0 v1, v2;
	v2 =	vand.u32 @!p0 $0x7, v3  }
0x29: {  	v4 =	vmul.u32 @!p0 $0x8, v4;
	v5 =	vperm.xlane @!p0 v1, v2;
	_ =	sdelay $0x1  }
0x2a: {  	v5 =	vadd.s32 @!p0 v4, v5;
	_ =	sdelay $0x3  }
0x2b: {  	vm0 =	vmmov @!p0 $0xffff;
	s19 =	simm.s32 @!p0 $0x0;
	s20 =	simm.s32 @!p0 $0x280  }
0x2c: {  	v3 =	vor.u32 @!p0 $0x8, v3;
	[tilespmem:s20], [sflag:$0x1] =	stream.indirect_vreg.gather @!p0 [hbm4b:s2+s19], $0x80, v5, vm0, $0xb8;
	[tilespmem:$0x10280] =	vst v63  }
0x2d: {  	s9 =	simm.s32 @!p0 $0xA80;
	v1 =	vperm.xlane @!p0 v1, v3  }
0x2e: {  	[tilespmem:s9], [sflag:$0x1] =	stream.indirect_vreg.gather @!p0 [hbm4b:s4+s19], $0x80, v5, vm0, $0xb8;
	[tilespmem:$0x10280] =	vst v63  }
0x2f: {  	v1 =	vadd.s32 @!p0 v4, v1;
	s9 =	simm.s32 @!p0 $0x1280  }
0x30: {  	[tilespmem:s9], [sflag:$0x1] =	stream.indirect_vreg.gather @!p0 [hbm4b:s5+s19], $0x80, v5, vm0, $0xb8;
	[tilespmem:$0x10280] =	vst v63  }
0x31: {  	s9 =	simm.s32 @!p0 $0x1A80  }
0x32: {  	[tilespmem:s9], [sflag:$0x1] =	stream.indirect_vreg.gather @!p0 [hbm4b:s6+s19], $0x80, v5, vm0, $0xb8;
	[tilespmem:$0x10280] =	vst v63  }
0x33: {  	s9 =	simm.s32 @!p0 $0x2280  }
0x34: {  	[tilespmem:s9], [sflag:$0x1] =	stream.indirect_vreg.gather @!p0 [hbm4b:s2+s19], $0x80, v1, vm0, $0xb8;
	[tilespmem:$0x10280] =	vst v63  }
0x35: {  	(v2sf) =	vpush v0, $0x1;
	s9 =	simm.s32 @!p0 $0x2A80  }
0x36: {  	[tilespmem:s9], [sflag:$0x1] =	stream.indirect_vreg.gather @!p0 [hbm4b:s4+s19], $0x80, v1, vm0, $0xb8;
	[tilespmem:$0x10280] =	vst v63  }
0x37: {  	(v2sf) =	vpush v0, $0x2;
	s9 =	simm.s32 @!p0 $0x3280  }
0x38: {  	(v2sf) =	vpush v0, $0x3;
	[tilespmem:s9], [sflag:$0x1] =	stream.indirect_vreg.gather @!p0 [hbm4b:s5+s19], $0x80, v1, vm0, $0xb8;
	[tilespmem:$0x10280] =	vst v63  }
0x39: {  	(v2sf) =	vpush v0, $0x4;
	s9 =	simm.s32 @!p0 $0x3A80  }
0x3a: {  	(v2sf) =	vpush v0, $0x5;
	[tilespmem:s9], [sflag:$0x1] =	stream.indirect_vreg.gather @!p0 [hbm4b:s6+s19], $0x80, v1, vm0, $0xb8;
	[tilespmem:$0x10280] =	vst v63  }
0x3b: {  	v1 =	vld @!p0 [tilespmem:$0x10]  }
0x3c: {  	(v2sf) =	vpush v0, $0x6;
	_ =	sdelay $0x1  }
0x3d: {  	(v2sf) =	vpush v0, $0x7;
	_ =	sdelay $0x1  }
0x3e: {  	(v2sf) =	vpush v0, $0x8;
	v5 =	vshll.u32 @!p0 v1, $0x3  }
0x3f: {  	v1 =	vand.u32 @!p0 $0x7, v1;
	v5 =	vand.u32 @!p0 $0xFFFFFFC0, v5  }
0x40: {  	(v2sf) =	vpush v0, $0x9;
	v1 =	vor.u32 @!p0 v1, v5  }
0x41: {  	v2 =	vperm.xlane @!p0 v1, v2  }
0x42: {  	s21 =	spop (v2sf);
	(v2sf) =	vpush v0, $0xA  }
0x43: {  	v2 =	vadd.s32 @!p0 v4, v2  }
0x44: {  	s23 =	spop (v2sf);
	(v2sf) =	vpush v0, $0xB  }
0x45: {  	s18 =	spop (v2sf)  }
0x46: {  	(v2sf) =	vpush v0, $0xC;
	s17 =	spop (v2sf)  }
0x47: {  	s16 =	spop (v2sf);
	s9 =	simm.s32 @!p0 $0x4280  }
0x48: {  	[tilespmem:s9], [sflag:$0x1] =	stream.indirect_vreg.gather @!p0 [hbm4b:s2+s19], $0x80, v2, vm0, $0xb8;
	[tilespmem:$0x10280] =	vst v63  }
0x49: {  	s15 =	spop (v2sf);
	v0 =	vperm.xlane @!p0 v1, v3;
	s9 =	simm.s32 @!p0 $0x4A80  }
0x4a: {  	[tilespmem:s9], [sflag:$0x1] =	stream.indirect_vreg.gather @!p0 [hbm4b:s4+s19], $0x80, v2, vm0, $0xb8;
	[tilespmem:$0x10280] =	vst v63  }
0x4b: {  	s14 =	spop (v2sf);
	v0 =	vadd.s32 @!p0 v4, v0;
	s9 =	simm.s32 @!p0 $0x5280  }
0x4c: {  	[tilespmem:s9], [sflag:$0x1] =	stream.indirect_vreg.gather @!p0 [hbm4b:s5+s19], $0x80, v2, vm0, $0xb8;
	[tilespmem:$0x10280] =	vst v63  }
0x4d: {  	s13 =	spop (v2sf);
	s9 =	simm.s32 @!p0 $0x5A80  }
0x4e: {  	[tilespmem:s9], [sflag:$0x1] =	stream.indirect_vreg.gather @!p0 [hbm4b:s6+s19], $0x80, v2, vm0, $0xb8;
	[tilespmem:$0x10280] =	vst v63  }
0x4f: {  	s12 =	spop (v2sf);
	s9 =	simm.s32 @!p0 $0x6280  }
0x50: {  	[tilespmem:s9], [sflag:$0x1] =	stream.indirect_vreg.gather @!p0 [hbm4b:s2+s19], $0x80, v0, vm0, $0xb8;
	[tilespmem:$0x10280] =	vst v63  }
0x51: {  	s11 =	spop (v2sf);
	s9 =	simm.s32 @!p0 $0x6A80  }
0x52: {  	[tilespmem:s9], [sflag:$0x1] =	stream.indirect_vreg.gather @!p0 [hbm4b:s4+s19], $0x80, v0, vm0, $0xb8;
	[tilespmem:$0x10280] =	vst v63  }
0x53: {  	s30 =	spop (v2sf);
	s9 =	simm.s32 @!p0 $0x7280  }
0x54: {  	[tilespmem:s9], [sflag:$0x1] =	stream.indirect_vreg.gather @!p0 [hbm4b:s5+s19], $0x80, v0, vm0, $0xb8;
	[tilespmem:$0x10280] =	vst v63  }
0x55: {  	s22 =	simm.s32 @!p0 $0x1;
	s31 =	spop (v2sf);
	s9 =	simm.s32 @!p0 $0x7A80  }
0x56: {  	[tilespmem:s9], [sflag:$0x1] =	stream.indirect_vreg.gather @!p0 [hbm4b:s6+s19], $0x80, v0, vm0, $0xb8;
	[tilespmem:$0x10280] =	vst v63  }
0x57: {  	_ =	swait.ge @!p0 [sflag:s22], $0x8000  }
0x58: {  	[sflag:s22] =	ssyncset.done @!p0 $0x0  }
0x59: {  	p1 =	sne.s32 s21, $0x1;
	[sflag:s22] =	ssyncadd.s32 @!p0 $0xFFFF8000  }
0x5a: {  	v0 =	vld @!p1 [tilespmem:$0x20];
	_ =	sdelay $0x4  }
0x5b: {  	v1 =	vshll.u32 @!p1 v0, $0x3  }
0x5c: {  	v2 =	vlaneseq.u32 @!p1;
	v0 =	vand.u32 @!p1 $0x7, v0;
	v1 =	vand.u32 @!p1 $0xFFFFFFC0, v1  }
0x5d: {  	v3 =	vshrl.u32 @!p1 v2, $0x3;
	v0 =	vor.u32 @!p1 v0, v1;
	v1 =	vand.u32 @!p1 $0x7, v2  }
0x5e: {  	v3 =	vmul.u32 @!p1 $0x8, v3;
	v4 =	vperm.xlane @!p1 v0, v1;
	_ =	sdelay $0x1  }
0x5f: {  	v4 =	vadd.s32 @!p1 v3, v4;
	_ =	sdelay $0x3  }
0x60: {  	s21 =	simm.s32 @!p1 $0x0;
	vm0 =	vmmov @!p1 $0xffff;
	s22 =	simm.s32 @!p1 $0x8280  }
0x61: {  	v2 =	vor.u32 @!p1 $0x8, v2;
	[tilespmem:s22], [sflag:$0x1] =	stream.indirect_vreg.gather @!p1 [hbm4b:s2+s21], $0x80, v4, vm0, $0xb8;
	[tilespmem:$0x10280] =	vst v63  }
0x62: {  	s24 =	simm.s32 @!p1 $0x8A80;
	v0 =	vperm.xlane @!p1 v0, v2  }
0x63: {  	[tilespmem:s24], [sflag:$0x1] =	stream.indirect_vreg.gather @!p1 [hbm4b:s4+s21], $0x80, v4, vm0, $0xb8;
	[tilespmem:$0x10280] =	vst v63  }
0x64: {  	v0 =	vadd.s32 @!p1 v3, v0;
	s24 =	simm.s32 @!p1 $0x9280  }
0x65: {  	[tilespmem:s24], [sflag:$0x1] =	stream.indirect_vreg.gather @!p1 [hbm4b:s5+s21], $0x80, v4, vm0, $0xb8;
	[tilespmem:$0x10280] =	vst v63  }
0x66: {  	s24 =	simm.s32 @!p1 $0x9A80  }
0x67: {  	[tilespmem:s24], [sflag:$0x1] =	stream.indirect_vreg.gather @!p1 [hbm4b:s6+s21], $0x80, v4, vm0, $0xb8;
	[tilespmem:$0x10280] =	vst v63  }
0x68: {  	s24 =	simm.s32 @!p1 $0xA280  }
0x69: {  	[tilespmem:s24], [sflag:$0x1] =	stream.indirect_vreg.gather @!p1 [hbm4b:s2+s21], $0x80, v0, vm0, $0xb8;
	[tilespmem:$0x10280] =	vst v63  }
0x6a: {  	s24 =	simm.s32 @!p1 $0xAA80  }
0x6b: {  	[tilespmem:s24], [sflag:$0x1] =	stream.indirect_vreg.gather @!p1 [hbm4b:s4+s21], $0x80, v0, vm0, $0xb8;
	[tilespmem:$0x10280] =	vst v63  }
0x6c: {  	s24 =	simm.s32 @!p1 $0xB280  }
0x6d: {  	[tilespmem:s24], [sflag:$0x1] =	stream.indirect_vreg.gather @!p1 [hbm4b:s5+s21], $0x80, v0, vm0, $0xb8;
	[tilespmem:$0x10280] =	vst v63  }
0x6e: {  	s24 =	simm.s32 @!p1 $0xBA80  }
0x6f: {  	[tilespmem:s24], [sflag:$0x1] =	stream.indirect_vreg.gather @!p1 [hbm4b:s6+s21], $0x80, v0, vm0, $0xb8;
	[tilespmem:$0x10280] =	vst v63  }
0x70: {  	v0 =	vld @!p1 [tilespmem:$0x30];
	_ =	sdelay $0x4  }
0x71: {  	v4 =	vshll.u32 @!p1 v0, $0x3  }
0x72: {  	v0 =	vand.u32 @!p1 $0x7, v0;
	v4 =	vand.u32 @!p1 $0xFFFFFFC0, v4  }
0x73: {  	v0 =	vor.u32 @!p1 v0, v4  }
0x74: {  	v1 =	vperm.xlane @!p1 v0, v1;
	_ =	sdelay $0x1  }
0x75: {  	v1 =	vadd.s32 @!p1 v3, v1;
	_ =	sdelay $0x3  }
0x76: {  	s24 =	simm.s32 @!p1 $0xC280  }
0x77: {  	[tilespmem:s24], [sflag:$0x1] =	stream.indirect_vreg.gather @!p1 [hbm4b:s2+s21], $0x80, v1, vm0, $0xb8;
	[tilespmem:$0x10280] =	vst v63  }
0x78: {  	v0 =	vperm.xlane @!p1 v0, v2;
	s24 =	simm.s32 @!p1 $0xCA80  }
0x79: {  	[tilespmem:s24], [sflag:$0x1] =	stream.indirect_vreg.gather @!p1 [hbm4b:s4+s21], $0x80, v1, vm0, $0xb8;
	[tilespmem:$0x10280] =	vst v63  }
0x7a: {  	v0 =	vadd.s32 @!p1 v3, v0;
	s24 =	simm.s32 @!p1 $0xD280  }
0x7b: {  	[tilespmem:s24], [sflag:$0x1] =	stream.indirect_vreg.gather @!p1 [hbm4b:s5+s21], $0x80, v1, vm0, $0xb8;
	[tilespmem:$0x10280] =	vst v63  }
0x7c: {  	s24 =	simm.s32 @!p1 $0xDA80  }
0x7d: {  	[tilespmem:s24], [sflag:$0x1] =	stream.indirect_vreg.gather @!p1 [hbm4b:s6+s21], $0x80, v1, vm0, $0xb8;
	[tilespmem:$0x10280] =	vst v63  }
0x7e: {  	s24 =	simm.s32 @!p1 $0xE280  }
0x7f: {  	[tilespmem:s24], [sflag:$0x1] =	stream.indirect_vreg.gather @!p1 [hbm4b:s2+s21], $0x80, v0, vm0, $0xb8;
	[tilespmem:$0x10280] =	vst v63  }
0x80: {  	s24 =	simm.s32 @!p1 $0xEA80  }
0x81: {  	[tilespmem:s24], [sflag:$0x1] =	stream.indirect_vreg.gather @!p1 [hbm4b:s4+s21], $0x80, v0, vm0, $0xb8;
	[tilespmem:$0x10280] =	vst v63  }
0x82: {  	s24 =	simm.s32 @!p1 $0xF280  }
0x83: {  	[tilespmem:s24], [sflag:$0x1] =	stream.indirect_vreg.gather @!p1 [hbm4b:s5+s21], $0x80, v0, vm0, $0xb8;
	[tilespmem:$0x10280] =	vst v63  }
0x84: {  	s24 =	simm.s32 @!p1 $0xFA80  }
0x85: {  	[tilespmem:s24], [sflag:$0x1] =	stream.indirect_vreg.gather @!p1 [hbm4b:s6+s21], $0x80, v0, vm0, $0xb8;
	[tilespmem:$0x10280] =	vst v63  }
0x86: {  	s25 =	rddreg [dreg:$0x5]  }
0x87: {  	[hbm4b:s25+s19] =	stream.linear.scatter @!p0 [tilespmem:s20], [sflag:$0x2], $0x8000, $0x38;
	[tilespmem:$0x10280] =	vst v63  }
0x88: {  	s19 =	simm.s32 @!p1 $0x1  }
0x89: {  	_ =	swait.ge @!p1 [sflag:s19], $0x8000  }
0x8a: {  	[sflag:s19] =	ssyncset.done @!p1 $0x0  }
0x8b: {  	[sflag:s19] =	ssyncadd.s32 @!p1 $0xFFFF8000;
	s19 =	simm.s32 @!p0 $0x2  }
0x8c: {  	_ =	swait.ge @!p0 [sflag:s19], $0x8000  }
0x8d: {  	[sflag:s19] =	ssyncset.done @!p0 $0x0  }
0x8e: {  	[sflag:s19] =	ssyncadd.s32 @!p0 $0xFFFF8000;
	p0 =	sne.s32 s23, $0x1  }
0x8f: {  	v0 =	vld @!p0 [tilespmem:$0x40];
	_ =	sdelay $0x4  }
0x90: {  	v1 =	vshll.u32 @!p0 v0, $0x3  }
0x91: {  	v2 =	vlaneseq.u32 @!p0;
	v0 =	vand.u32 @!p0 $0x7, v0;
	v1 =	vand.u32 @!p0 $0xFFFFFFC0, v1  }
0x92: {  	v3 =	vshrl.u32 @!p0 v2, $0x3;
	v0 =	vor.u32 @!p0 v0, v1;
	v1 =	vand.u32 @!p0 $0x7, v2  }
0x93: {  	v3 =	vmul.u32 @!p0 $0x8, v3;
	v4 =	vperm.xlane @!p0 v0, v1;
	_ =	sdelay $0x1  }
0x94: {  	v4 =	vadd.s32 @!p0 v3, v4;
	_ =	sdelay $0x3  }
0x95: {  	vm0 =	vmmov @!p0 $0xffff;
	s19 =	simm.s32 @!p0 $0x0;
	s20 =	simm.s32 @!p0 $0x280  }
0x96: {  	v2 =	vor.u32 @!p0 $0x8, v2;
	[tilespmem:s20], [sflag:$0x1] =	stream.indirect_vreg.gather @!p0 [hbm4b:s2+s19], $0x80, v4, vm0, $0xb8;
	[tilespmem:$0x10280] =	vst v63  }
0x97: {  	s23 =	simm.s32 @!p0 $0xA80;
	v0 =	vperm.xlane @!p0 v0, v2  }
0x98: {  	[tilespmem:s23], [sflag:$0x1] =	stream.indirect_vreg.gather @!p0 [hbm4b:s4+s19], $0x80, v4, vm0, $0xb8;
	[tilespmem:$0x10280] =	vst v63  }
0x99: {  	v0 =	vadd.s32 @!p0 v3, v0;
	s23 =	simm.s32 @!p0 $0x1280  }
0x9a: {  	[tilespmem:s23], [sflag:$0x1] =	stream.indirect_vreg.gather @!p0 [hbm4b:s5+s19], $0x80, v4, vm0, $0xb8;
	[tilespmem:$0x10280] =	vst v63  }
0x9b: {  	s23 =	simm.s32 @!p0 $0x1A80  }
0x9c: {  	[tilespmem:s23], [sflag:$0x1] =	stream.indirect_vreg.gather @!p0 [hbm4b:s6+s19], $0x80, v4, vm0, $0xb8;
	[tilespmem:$0x10280] =	vst v63  }
0x9d: {  	s23 =	simm.s32 @!p0 $0x2280  }
0x9e: {  	[tilespmem:s23], [sflag:$0x1] =	stream.indirect_vreg.gather @!p0 [hbm4b:s2+s19], $0x80, v0, vm0, $0xb8;
	[tilespmem:$0x10280] =	vst v63  }
0x9f: {  	s23 =	simm.s32 @!p0 $0x2A80  }
0xa0: {  	[tilespmem:s23], [sflag:$0x1] =	stream.indirect_vreg.gather @!p0 [hbm4b:s4+s19], $0x80, v0, vm0, $0xb8;
	[tilespmem:$0x10280] =	vst v63  }
0xa1: {  	s23 =	simm.s32 @!p0 $0x3280  }
0xa2: {  	[tilespmem:s23], [sflag:$0x1] =	stream.indirect_vreg.gather @!p0 [hbm4b:s5+s19], $0x80, v0, vm0, $0xb8;
	[tilespmem:$0x10280] =	vst v63  }
0xa3: {  	s23 =	simm.s32 @!p0 $0x3A80  }
0xa4: {  	[tilespmem:s23], [sflag:$0x1] =	stream.indirect_vreg.gather @!p0 [hbm4b:s6+s19], $0x80, v0, vm0, $0xb8;
	[tilespmem:$0x10280] =	vst v63  }
0xa5: {  	v0 =	vld @!p0 [tilespmem:$0x50];
	_ =	sdelay $0x4  }
0xa6: {  	v4 =	vshll.u32 @!p0 v0, $0x3  }
0xa7: {  	v0 =	vand.u32 @!p0 $0x7, v0;
	v4 =	vand.u32 @!p0 $0xFFFFFFC0, v4  }
0xa8: {  	v0 =	vor.u32 @!p0 v0, v4  }
0xa9: {  	v1 =	vperm.xlane @!p0 v0, v1;
	_ =	sdelay $0x1  }
0xaa: {  	v1 =	vadd.s32 @!p0 v3, v1;
	_ =	sdelay $0x3  }
0xab: {  	s23 =	simm.s32 @!p0 $0x4280  }
0xac: {  	[tilespmem:s23], [sflag:$0x1] =	stream.indirect_vreg.gather @!p0 [hbm4b:s2+s19], $0x80, v1, vm0, $0xb8;
	[tilespmem:$0x10280] =	vst v63  }
0xad: {  	v0 =	vperm.xlane @!p0 v0, v2;
	s23 =	simm.s32 @!p0 $0x4A80  }
0xae: {  	[tilespmem:s23], [sflag:$0x1] =	stream.indirect_vreg.gather @!p0 [hbm4b:s4+s19], $0x80, v1, vm0, $0xb8;
	[tilespmem:$0x10280] =	vst v63  }
0xaf: {  	v0 =	vadd.s32 @!p0 v3, v0;
	s23 =	simm.s32 @!p0 $0x5280  }
0xb0: {  	[tilespmem:s23], [sflag:$0x1] =	stream.indirect_vreg.gather @!p0 [hbm4b:s5+s19], $0x80, v1, vm0, $0xb8;
	[tilespmem:$0x10280] =	vst v63  }
0xb1: {  	s23 =	simm.s32 @!p0 $0x5A80  }
0xb2: {  	[tilespmem:s23], [sflag:$0x1] =	stream.indirect_vreg.gather @!p0 [hbm4b:s6+s19], $0x80, v1, vm0, $0xb8;
	[tilespmem:$0x10280] =	vst v63  }
0xb3: {  	s23 =	simm.s32 @!p0 $0x6280  }
0xb4: {  	[tilespmem:s23], [sflag:$0x1] =	stream.indirect_vreg.gather @!p0 [hbm4b:s2+s19], $0x80, v0, vm0, $0xb8;
	[tilespmem:$0x10280] =	vst v63  }
0xb5: {  	s23 =	simm.s32 @!p0 $0x6A80  }
0xb6: {  	[tilespmem:s23], [sflag:$0x1] =	stream.indirect_vreg.gather @!p0 [hbm4b:s4+s19], $0x80, v0, vm0, $0xb8;
	[tilespmem:$0x10280] =	vst v63  }
0xb7: {  	s23 =	simm.s32 @!p0 $0x7280  }
0xb8: {  	[tilespmem:s23], [sflag:$0x1] =	stream.indirect_vreg.gather @!p0 [hbm4b:s5+s19], $0x80, v0, vm0, $0xb8;
	[tilespmem:$0x10280] =	vst v63  }
0xb9: {  	s23 =	simm.s32 @!p0 $0x7A80  }
0xba: {  	[tilespmem:s23], [sflag:$0x1] =	stream.indirect_vreg.gather @!p0 [hbm4b:s6+s19], $0x80, v0, vm0, $0xb8;
	[tilespmem:$0x10280] =	vst v63  }
0xbb: {  	s24 =	rddreg [dreg:$0x6]  }
0xbc: {  	[hbm4b:s24+s21] =	stream.linear.scatter @!p1 [tilespmem:s22], [sflag:$0x2], $0x8000, $0x38;
	[tilespmem:$0x10280] =	vst v63  }
0xbd: {  	s21 =	simm.s32 @!p0 $0x1  }
0xbe: {  	_ =	swait.ge @!p0 [sflag:s21], $0x8000  }
0xbf: {  	[sflag:s21] =	ssyncset.done @!p0 $0x0  }
0xc0: {  	[sflag:s21] =	ssyncadd.s32 @!p0 $0xFFFF8000;
	s21 =	simm.s32 @!p1 $0x2  }
0xc1: {  	_ =	swait.ge @!p1 [sflag:s21], $0x8000  }
0xc2: {  	[sflag:s21] =	ssyncset.done @!p1 $0x0  }
0xc3: {  	[sflag:s21] =	ssyncadd.s32 @!p1 $0xFFFF8000;
	p1 =	sne.s32 s18, $0x1  }
0xc4: {  	v0 =	vld @!p1 [tilespmem:$0x60];
	_ =	sdelay $0x4  }
0xc5: {  	v1 =	vshll.u32 @!p1 v0, $0x3  }
0xc6: {  	v2 =	vlaneseq.u32 @!p1;
	v0 =	vand.u32 @!p1 $0x7, v0;
	v1 =	vand.u32 @!p1 $0xFFFFFFC0, v1  }
0xc7: {  	v3 =	vshrl.u32 @!p1 v2, $0x3;
	v0 =	vor.u32 @!p1 v0, v1;
	v1 =	vand.u32 @!p1 $0x7, v2  }
0xc8: {  	v3 =	vmul.u32 @!p1 $0x8, v3;
	v4 =	vperm.xlane @!p1 v0, v1;
	_ =	sdelay $0x1  }
0xc9: {  	v4 =	vadd.s32 @!p1 v3, v4;
	_ =	sdelay $0x3  }
0xca: {  	vm0 =	vmmov @!p1 $0xffff;
	s18 =	simm.s32 @!p1 $0x0;
	s21 =	simm.s32 @!p1 $0x8280  }
0xcb: {  	v2 =	vor.u32 @!p1 $0x8, v2;
	[tilespmem:s21], [sflag:$0x1] =	stream.indirect_vreg.gather @!p1 [hbm4b:s2+s18], $0x80, v4, vm0, $0xb8;
	[tilespmem:$0x10280] =	vst v63  }
0xcc: {  	s22 =	simm.s32 @!p1 $0x8A80;
	v0 =	vperm.xlane @!p1 v0, v2  }
0xcd: {  	[tilespmem:s22], [sflag:$0x1] =	stream.indirect_vreg.gather @!p1 [hbm4b:s4+s18], $0x80, v4, vm0, $0xb8;
	[tilespmem:$0x10280] =	vst v63  }
0xce: {  	v0 =	vadd.s32 @!p1 v3, v0;
	s22 =	simm.s32 @!p1 $0x9280  }
0xcf: {  	[tilespmem:s22], [sflag:$0x1] =	stream.indirect_vreg.gather @!p1 [hbm4b:s5+s18], $0x80, v4, vm0, $0xb8;
	[tilespmem:$0x10280] =	vst v63  }
0xd0: {  	s22 =	simm.s32 @!p1 $0x9A80  }
0xd1: {  	[tilespmem:s22], [sflag:$0x1] =	stream.indirect_vreg.gather @!p1 [hbm4b:s6+s18], $0x80, v4, vm0, $0xb8;
	[tilespmem:$0x10280] =	vst v63  }
0xd2: {  	s22 =	simm.s32 @!p1 $0xA280  }
0xd3: {  	[tilespmem:s22], [sflag:$0x1] =	stream.indirect_vreg.gather @!p1 [hbm4b:s2+s18], $0x80, v0, vm0, $0xb8;
	[tilespmem:$0x10280] =	vst v63  }
0xd4: {  	s22 =	simm.s32 @!p1 $0xAA80  }
0xd5: {  	[tilespmem:s22], [sflag:$0x1] =	stream.indirect_vreg.gather @!p1 [hbm4b:s4+s18], $0x80, v0, vm0, $0xb8;
	[tilespmem:$0x10280] =	vst v63  }
0xd6: {  	s22 =	simm.s32 @!p1 $0xB280  }
0xd7: {  	[tilespmem:s22], [sflag:$0x1] =	stream.indirect_vreg.gather @!p1 [hbm4b:s5+s18], $0x80, v0, vm0, $0xb8;
	[tilespmem:$0x10280] =	vst v63  }
0xd8: {  	s22 =	simm.s32 @!p1 $0xBA80  }
0xd9: {  	[tilespmem:s22], [sflag:$0x1] =	stream.indirect_vreg.gather @!p1 [hbm4b:s6+s18], $0x80, v0, vm0, $0xb8;
	[tilespmem:$0x10280] =	vst v63  }
0xda: {  	v0 =	vld @!p1 [tilespmem:$0x70];
	_ =	sdelay $0x4  }
0xdb: {  	v4 =	vshll.u32 @!p1 v0, $0x3  }
0xdc: {  	v0 =	vand.u32 @!p1 $0x7, v0;
	v4 =	vand.u32 @!p1 $0xFFFFFFC0, v4  }
0xdd: {  	v0 =	vor.u32 @!p1 v0, v4  }
0xde: {  	v1 =	vperm.xlane @!p1 v0, v1;
	_ =	sdelay $0x1  }
0xdf: {  	v1 =	vadd.s32 @!p1 v3, v1;
	_ =	sdelay $0x3  }
0xe0: {  	s22 =	simm.s32 @!p1 $0xC280  }
0xe1: {  	[tilespmem:s22], [sflag:$0x1] =	stream.indirect_vreg.gather @!p1 [hbm4b:s2+s18], $0x80, v1, vm0, $0xb8;
	[tilespmem:$0x10280] =	vst v63  }
0xe2: {  	v0 =	vperm.xlane @!p1 v0, v2;
	s22 =	simm.s32 @!p1 $0xCA80  }
0xe3: {  	[tilespmem:s22], [sflag:$0x1] =	stream.indirect_vreg.gather @!p1 [hbm4b:s4+s18], $0x80, v1, vm0, $0xb8;
	[tilespmem:$0x10280] =	vst v63  }
0xe4: {  	v0 =	vadd.s32 @!p1 v3, v0;
	s22 =	simm.s32 @!p1 $0xD280  }
0xe5: {  	[tilespmem:s22], [sflag:$0x1] =	stream.indirect_vreg.gather @!p1 [hbm4b:s5+s18], $0x80, v1, vm0, $0xb8;
	[tilespmem:$0x10280] =	vst v63  }
0xe6: {  	s22 =	simm.s32 @!p1 $0xDA80  }
0xe7: {  	[tilespmem:s22], [sflag:$0x1] =	stream.indirect_vreg.gather @!p1 [hbm4b:s6+s18], $0x80, v1, vm0, $0xb8;
	[tilespmem:$0x10280] =	vst v63  }
0xe8: {  	s22 =	simm.s32 @!p1 $0xE280  }
0xe9: {  	[tilespmem:s22], [sflag:$0x1] =	stream.indirect_vreg.gather @!p1 [hbm4b:s2+s18], $0x80, v0, vm0, $0xb8;
	[tilespmem:$0x10280] =	vst v63  }
0xea: {  	s22 =	simm.s32 @!p1 $0xEA80  }
0xeb: {  	[tilespmem:s22], [sflag:$0x1] =	stream.indirect_vreg.gather @!p1 [hbm4b:s4+s18], $0x80, v0, vm0, $0xb8;
	[tilespmem:$0x10280] =	vst v63  }
0xec: {  	s22 =	simm.s32 @!p1 $0xF280  }
0xed: {  	[tilespmem:s22], [sflag:$0x1] =	stream.indirect_vreg.gather @!p1 [hbm4b:s5+s18], $0x80, v0, vm0, $0xb8;
	[tilespmem:$0x10280] =	vst v63  }
0xee: {  	s22 =	simm.s32 @!p1 $0xFA80  }
0xef: {  	[tilespmem:s22], [sflag:$0x1] =	stream.indirect_vreg.gather @!p1 [hbm4b:s6+s18], $0x80, v0, vm0, $0xb8;
	[tilespmem:$0x10280] =	vst v63  }
0xf0: {  	s23 =	rddreg [dreg:$0x7]  }
0xf1: {  	[hbm4b:s23+s19] =	stream.linear.scatter @!p0 [tilespmem:s20], [sflag:$0x2], $0x8000, $0x38;
	[tilespmem:$0x10280] =	vst v63  }
0xf2: {  	s19 =	simm.s32 @!p1 $0x1  }
0xf3: {  	_ =	swait.ge @!p1 [sflag:s19], $0x8000  }
0xf4: {  	[sflag:s19] =	ssyncset.done @!p1 $0x0  }
0xf5: {  	[sflag:s19] =	ssyncadd.s32 @!p1 $0xFFFF8000;
	s19 =	simm.s32 @!p0 $0x2  }
0xf6: {  	_ =	swait.ge @!p0 [sflag:s19], $0x8000  }
0xf7: {  	[sflag:s19] =	ssyncset.done @!p0 $0x0  }
0xf8: {  	[sflag:s19] =	ssyncadd.s32 @!p0 $0xFFFF8000;
	p0 =	sne.s32 s17, $0x1  }
0xf9: {  	v0 =	vld @!p0 [tilespmem:$0x80];
	_ =	sdelay $0x4  }
0xfa: {  	v1 =	vshll.u32 @!p0 v0, $0x3  }
0xfb: {  	v2 =	vlaneseq.u32 @!p0;
	v0 =	vand.u32 @!p0 $0x7, v0;
	v1 =	vand.u32 @!p0 $0xFFFFFFC0, v1  }
0xfc: {  	v3 =	vshrl.u32 @!p0 v2, $0x3;
	v0 =	vor.u32 @!p0 v0, v1;
	v1 =	vand.u32 @!p0 $0x7, v2  }
0xfd: {  	v3 =	vmul.u32 @!p0 $0x8, v3;
	v4 =	vperm.xlane @!p0 v0, v1;
	_ =	sdelay $0x1  }
0xfe: {  	v4 =	vadd.s32 @!p0 v3, v4;
	_ =	sdelay $0x3  }
0xff: {  	vm0 =	vmmov @!p0 $0xffff;
	s17 =	simm.s32 @!p0 $0x0;
	s19 =	simm.s32 @!p0 $0x280  }
0x100: {  	v2 =	vor.u32 @!p0 $0x8, v2;
	[tilespmem:s19], [sflag:$0x1] =	stream.indirect_vreg.gather @!p0 [hbm4b:s2+s17], $0x80, v4, vm0, $0xb8;
	[tilespmem:$0x10280] =	vst v63  }
0x101: {  	s20 =	simm.s32 @!p0 $0xA80;
	v0 =	vperm.xlane @!p0 v0, v2  }
0x102: {  	[tilespmem:s20], [sflag:$0x1] =	stream.indirect_vreg.gather @!p0 [hbm4b:s4+s17], $0x80, v4, vm0, $0xb8;
	[tilespmem:$0x10280] =	vst v63  }
0x103: {  	v0 =	vadd.s32 @!p0 v3, v0;
	s20 =	simm.s32 @!p0 $0x1280  }
0x104: {  	[tilespmem:s20], [sflag:$0x1] =	stream.indirect_vreg.gather @!p0 [hbm4b:s5+s17], $0x80, v4, vm0, $0xb8;
	[tilespmem:$0x10280] =	vst v63  }
0x105: {  	s20 =	simm.s32 @!p0 $0x1A80  }
0x106: {  	[tilespmem:s20], [sflag:$0x1] =	stream.indirect_vreg.gather @!p0 [hbm4b:s6+s17], $0x80, v4, vm0, $0xb8;
	[tilespmem:$0x10280] =	vst v63  }
0x107: {  	s20 =	simm.s32 @!p0 $0x2280  }
0x108: {  	[tilespmem:s20], [sflag:$0x1] =	stream.indirect_vreg.gather @!p0 [hbm4b:s2+s17], $0x80, v0, vm0, $0xb8;
	[tilespmem:$0x10280] =	vst v63  }
0x109: {  	s20 =	simm.s32 @!p0 $0x2A80  }
0x10a: {  	[tilespmem:s20], [sflag:$0x1] =	stream.indirect_vreg.gather @!p0 [hbm4b:s4+s17], $0x80, v0, vm0, $0xb8;
	[tilespmem:$0x10280] =	vst v63  }
0x10b: {  	s20 =	simm.s32 @!p0 $0x3280  }
0x10c: {  	[tilespmem:s20], [sflag:$0x1] =	stream.indirect_vreg.gather @!p0 [hbm4b:s5+s17], $0x80, v0, vm0, $0xb8;
	[tilespmem:$0x10280] =	vst v63  }
0x10d: {  	s20 =	simm.s32 @!p0 $0x3A80  }
0x10e: {  	[tilespmem:s20], [sflag:$0x1] =	stream.indirect_vreg.gather @!p0 [hbm4b:s6+s17], $0x80, v0, vm0, $0xb8;
	[tilespmem:$0x10280] =	vst v63  }
0x10f: {  	v0 =	vld @!p0 [tilespmem:$0x90];
	_ =	sdelay $0x4  }
0x110: {  	v4 =	vshll.u32 @!p0 v0, $0x3  }
0x111: {  	v0 =	vand.u32 @!p0 $0x7, v0;
	v4 =	vand.u32 @!p0 $0xFFFFFFC0, v4  }
0x112: {  	v0 =	vor.u32 @!p0 v0, v4  }
0x113: {  	v1 =	vperm.xlane @!p0 v0, v1;
	_ =	sdelay $0x1  }
0x114: {  	v1 =	vadd.s32 @!p0 v3, v1;
	_ =	sdelay $0x3  }
0x115: {  	s20 =	simm.s32 @!p0 $0x4280  }
0x116: {  	[tilespmem:s20], [sflag:$0x1] =	stream.indirect_vreg.gather @!p0 [hbm4b:s2+s17], $0x80, v1, vm0, $0xb8;
	[tilespmem:$0x10280] =	vst v63  }
0x117: {  	v0 =	vperm.xlane @!p0 v0, v2;
	s20 =	simm.s32 @!p0 $0x4A80  }
0x118: {  	[tilespmem:s20], [sflag:$0x1] =	stream.indirect_vreg.gather @!p0 [hbm4b:s4+s17], $0x80, v1, vm0, $0xb8;
	[tilespmem:$0x10280] =	vst v63  }
0x119: {  	v0 =	vadd.s32 @!p0 v3, v0;
	s20 =	simm.s32 @!p0 $0x5280  }
0x11a: {  	[tilespmem:s20], [sflag:$0x1] =	stream.indirect_vreg.gather @!p0 [hbm4b:s5+s17], $0x80, v1, vm0, $0xb8;
	[tilespmem:$0x10280] =	vst v63  }
0x11b: {  	s20 =	simm.s32 @!p0 $0x5A80  }
0x11c: {  	[tilespmem:s20], [sflag:$0x1] =	stream.indirect_vreg.gather @!p0 [hbm4b:s6+s17], $0x80, v1, vm0, $0xb8;
	[tilespmem:$0x10280] =	vst v63  }
0x11d: {  	s20 =	simm.s32 @!p0 $0x6280  }
0x11e: {  	[tilespmem:s20], [sflag:$0x1] =	stream.indirect_vreg.gather @!p0 [hbm4b:s2+s17], $0x80, v0, vm0, $0xb8;
	[tilespmem:$0x10280] =	vst v63  }
0x11f: {  	s20 =	simm.s32 @!p0 $0x6A80  }
0x120: {  	[tilespmem:s20], [sflag:$0x1] =	stream.indirect_vreg.gather @!p0 [hbm4b:s4+s17], $0x80, v0, vm0, $0xb8;
	[tilespmem:$0x10280] =	vst v63  }
0x121: {  	s20 =	simm.s32 @!p0 $0x7280  }
0x122: {  	[tilespmem:s20], [sflag:$0x1] =	stream.indirect_vreg.gather @!p0 [hbm4b:s5+s17], $0x80, v0, vm0, $0xb8;
	[tilespmem:$0x10280] =	vst v63  }
0x123: {  	s20 =	simm.s32 @!p0 $0x7A80  }
0x124: {  	[tilespmem:s20], [sflag:$0x1] =	stream.indirect_vreg.gather @!p0 [hbm4b:s6+s17], $0x80, v0, vm0, $0xb8;
	[tilespmem:$0x10280] =	vst v63  }
0x125: {  	s22 =	rddreg [dreg:$0x8]  }
0x126: {  	[hbm4b:s22+s18] =	stream.linear.scatter @!p1 [tilespmem:s21], [sflag:$0x2], $0x8000, $0x38;
	[tilespmem:$0x10280] =	vst v63  }
0x127: {  	s18 =	simm.s32 @!p0 $0x1  }
0x128: {  	_ =	swait.ge @!p0 [sflag:s18], $0x8000  }
0x129: {  	[sflag:s18] =	ssyncset.done @!p0 $0x0  }
0x12a: {  	[sflag:s18] =	ssyncadd.s32 @!p0 $0xFFFF8000;
	s18 =	simm.s32 @!p1 $0x2  }
0x12b: {  	_ =	swait.ge @!p1 [sflag:s18], $0x8000  }
0x12c: {  	[sflag:s18] =	ssyncset.done @!p1 $0x0  }
0x12d: {  	[sflag:s18] =	ssyncadd.s32 @!p1 $0xFFFF8000;
	p1 =	sne.s32 s16, $0x1  }
0x12e: {  	v0 =	vld @!p1 [tilespmem:$0xA0];
	_ =	sdelay $0x4  }
0x12f: {  	v1 =	vshll.u32 @!p1 v0, $0x3  }
0x130: {  	v2 =	vlaneseq.u32 @!p1;
	v0 =	vand.u32 @!p1 $0x7, v0;
	v1 =	vand.u32 @!p1 $0xFFFFFFC0, v1  }
0x131: {  	v3 =	vshrl.u32 @!p1 v2, $0x3;
	v0 =	vor.u32 @!p1 v0, v1;
	v1 =	vand.u32 @!p1 $0x7, v2  }
0x132: {  	v3 =	vmul.u32 @!p1 $0x8, v3;
	v4 =	vperm.xlane @!p1 v0, v1;
	_ =	sdelay $0x1  }
0x133: {  	v4 =	vadd.s32 @!p1 v3, v4;
	_ =	sdelay $0x3  }
0x134: {  	vm0 =	vmmov @!p1 $0xffff;
	s16 =	simm.s32 @!p1 $0x0;
	s18 =	simm.s32 @!p1 $0x8280  }
0x135: {  	v2 =	vor.u32 @!p1 $0x8, v2;
	[tilespmem:s18], [sflag:$0x1] =	stream.indirect_vreg.gather @!p1 [hbm4b:s2+s16], $0x80, v4, vm0, $0xb8;
	[tilespmem:$0x10280] =	vst v63  }
0x136: {  	s20 =	simm.s32 @!p1 $0x8A80;
	v0 =	vperm.xlane @!p1 v0, v2  }
0x137: {  	[tilespmem:s20], [sflag:$0x1] =	stream.indirect_vreg.gather @!p1 [hbm4b:s4+s16], $0x80, v4, vm0, $0xb8;
	[tilespmem:$0x10280] =	vst v63  }
0x138: {  	v0 =	vadd.s32 @!p1 v3, v0;
	s20 =	simm.s32 @!p1 $0x9280  }
0x139: {  	[tilespmem:s20], [sflag:$0x1] =	stream.indirect_vreg.gather @!p1 [hbm4b:s5+s16], $0x80, v4, vm0, $0xb8;
	[tilespmem:$0x10280] =	vst v63  }
0x13a: {  	s20 =	simm.s32 @!p1 $0x9A80  }
0x13b: {  	[tilespmem:s20], [sflag:$0x1] =	stream.indirect_vreg.gather @!p1 [hbm4b:s6+s16], $0x80, v4, vm0, $0xb8;
	[tilespmem:$0x10280] =	vst v63  }
0x13c: {  	s20 =	simm.s32 @!p1 $0xA280  }
0x13d: {  	[tilespmem:s20], [sflag:$0x1] =	stream.indirect_vreg.gather @!p1 [hbm4b:s2+s16], $0x80, v0, vm0, $0xb8;
	[tilespmem:$0x10280] =	vst v63  }
0x13e: {  	s20 =	simm.s32 @!p1 $0xAA80  }
0x13f: {  	[tilespmem:s20], [sflag:$0x1] =	stream.indirect_vreg.gather @!p1 [hbm4b:s4+s16], $0x80, v0, vm0, $0xb8;
	[tilespmem:$0x10280] =	vst v63  }
0x140: {  	s20 =	simm.s32 @!p1 $0xB280  }
0x141: {  	[tilespmem:s20], [sflag:$0x1] =	stream.indirect_vreg.gather @!p1 [hbm4b:s5+s16], $0x80, v0, vm0, $0xb8;
	[tilespmem:$0x10280] =	vst v63  }
0x142: {  	s20 =	simm.s32 @!p1 $0xBA80  }
0x143: {  	[tilespmem:s20], [sflag:$0x1] =	stream.indirect_vreg.gather @!p1 [hbm4b:s6+s16], $0x80, v0, vm0, $0xb8;
	[tilespmem:$0x10280] =	vst v63  }
0x144: {  	v0 =	vld @!p1 [tilespmem:$0xB0];
	_ =	sdelay $0x4  }
0x145: {  	v4 =	vshll.u32 @!p1 v0, $0x3  }
0x146: {  	v0 =	vand.u32 @!p1 $0x7, v0;
	v4 =	vand.u32 @!p1 $0xFFFFFFC0, v4  }
0x147: {  	v0 =	vor.u32 @!p1 v0, v4  }
0x148: {  	v1 =	vperm.xlane @!p1 v0, v1;
	_ =	sdelay $0x1  }
0x149: {  	v1 =	vadd.s32 @!p1 v3, v1;
	_ =	sdelay $0x3  }
0x14a: {  	s20 =	simm.s32 @!p1 $0xC280  }
0x14b: {  	[tilespmem:s20], [sflag:$0x1] =	stream.indirect_vreg.gather @!p1 [hbm4b:s2+s16], $0x80, v1, vm0, $0xb8;
	[tilespmem:$0x10280] =	vst v63  }
0x14c: {  	v0 =	vperm.xlane @!p1 v0, v2;
	s20 =	simm.s32 @!p1 $0xCA80  }
0x14d: {  	[tilespmem:s20], [sflag:$0x1] =	stream.indirect_vreg.gather @!p1 [hbm4b:s4+s16], $0x80, v1, vm0, $0xb8;
	[tilespmem:$0x10280] =	vst v63  }
0x14e: {  	v0 =	vadd.s32 @!p1 v3, v0;
	s20 =	simm.s32 @!p1 $0xD280  }
0x14f: {  	[tilespmem:s20], [sflag:$0x1] =	stream.indirect_vreg.gather @!p1 [hbm4b:s5+s16], $0x80, v1, vm0, $0xb8;
	[tilespmem:$0x10280] =	vst v63  }
0x150: {  	s20 =	simm.s32 @!p1 $0xDA80  }
0x151: {  	[tilespmem:s20], [sflag:$0x1] =	stream.indirect_vreg.gather @!p1 [hbm4b:s6+s16], $0x80, v1, vm0, $0xb8;
	[tilespmem:$0x10280] =	vst v63  }
0x152: {  	s20 =	simm.s32 @!p1 $0xE280  }
0x153: {  	[tilespmem:s20], [sflag:$0x1] =	stream.indirect_vreg.gather @!p1 [hbm4b:s2+s16], $0x80, v0, vm0, $0xb8;
	[tilespmem:$0x10280] =	vst v63  }
0x154: {  	s20 =	simm.s32 @!p1 $0xEA80  }
0x155: {  	[tilespmem:s20], [sflag:$0x1] =	stream.indirect_vreg.gather @!p1 [hbm4b:s4+s16], $0x80, v0, vm0, $0xb8;
	[tilespmem:$0x10280] =	vst v63  }
0x156: {  	s20 =	simm.s32 @!p1 $0xF280  }
0x157: {  	[tilespmem:s20], [sflag:$0x1] =	stream.indirect_vreg.gather @!p1 [hbm4b:s5+s16], $0x80, v0, vm0, $0xb8;
	[tilespmem:$0x10280] =	vst v63  }
0x158: {  	s20 =	simm.s32 @!p1 $0xFA80  }
0x159: {  	[tilespmem:s20], [sflag:$0x1] =	stream.indirect_vreg.gather @!p1 [hbm4b:s6+s16], $0x80, v0, vm0, $0xb8;
	[tilespmem:$0x10280] =	vst v63  }
0x15a: {  	s21 =	rddreg [dreg:$0x9]  }
0x15b: {  	[hbm4b:s21+s17] =	stream.linear.scatter @!p0 [tilespmem:s19], [sflag:$0x2], $0x8000, $0x38;
	[tilespmem:$0x10280] =	vst v63  }
0x15c: {  	s17 =	simm.s32 @!p1 $0x1  }
0x15d: {  	_ =	swait.ge @!p1 [sflag:s17], $0x8000  }
0x15e: {  	[sflag:s17] =	ssyncset.done @!p1 $0x0  }
0x15f: {  	[sflag:s17] =	ssyncadd.s32 @!p1 $0xFFFF8000;
	s17 =	simm.s32 @!p0 $0x2  }
0x160: {  	_ =	swait.ge @!p0 [sflag:s17], $0x8000  }
0x161: {  	[sflag:s17] =	ssyncset.done @!p0 $0x0  }
0x162: {  	[sflag:s17] =	ssyncadd.s32 @!p0 $0xFFFF8000;
	p0 =	sne.s32 s15, $0x1  }
0x163: {  	v0 =	vld @!p0 [tilespmem:$0xC0];
	_ =	sdelay $0x4  }
0x164: {  	v1 =	vshll.u32 @!p0 v0, $0x3  }
0x165: {  	v2 =	vlaneseq.u32 @!p0;
	v0 =	vand.u32 @!p0 $0x7, v0;
	v1 =	vand.u32 @!p0 $0xFFFFFFC0, v1  }
0x166: {  	v3 =	vshrl.u32 @!p0 v2, $0x3;
	v0 =	vor.u32 @!p0 v0, v1;
	v1 =	vand.u32 @!p0 $0x7, v2  }
0x167: {  	v3 =	vmul.u32 @!p0 $0x8, v3;
	v4 =	vperm.xlane @!p0 v0, v1;
	_ =	sdelay $0x1  }
0x168: {  	v4 =	vadd.s32 @!p0 v3, v4;
	_ =	sdelay $0x3  }
0x169: {  	vm0 =	vmmov @!p0 $0xffff;
	s15 =	simm.s32 @!p0 $0x0;
	s17 =	simm.s32 @!p0 $0x280  }
0x16a: {  	v2 =	vor.u32 @!p0 $0x8, v2;
	[tilespmem:s17], [sflag:$0x1] =	stream.indirect_vreg.gather @!p0 [hbm4b:s2+s15], $0x80, v4, vm0, $0xb8;
	[tilespmem:$0x10280] =	vst v63  }
0x16b: {  	s19 =	simm.s32 @!p0 $0xA80;
	v0 =	vperm.xlane @!p0 v0, v2  }
0x16c: {  	[tilespmem:s19], [sflag:$0x1] =	stream.indirect_vreg.gather @!p0 [hbm4b:s4+s15], $0x80, v4, vm0, $0xb8;
	[tilespmem:$0x10280] =	vst v63  }
0x16d: {  	v0 =	vadd.s32 @!p0 v3, v0;
	s19 =	simm.s32 @!p0 $0x1280  }
0x16e: {  	[tilespmem:s19], [sflag:$0x1] =	stream.indirect_vreg.gather @!p0 [hbm4b:s5+s15], $0x80, v4, vm0, $0xb8;
	[tilespmem:$0x10280] =	vst v63  }
0x16f: {  	s19 =	simm.s32 @!p0 $0x1A80  }
0x170: {  	[tilespmem:s19], [sflag:$0x1] =	stream.indirect_vreg.gather @!p0 [hbm4b:s6+s15], $0x80, v4, vm0, $0xb8;
	[tilespmem:$0x10280] =	vst v63  }
0x171: {  	s19 =	simm.s32 @!p0 $0x2280  }
0x172: {  	[tilespmem:s19], [sflag:$0x1] =	stream.indirect_vreg.gather @!p0 [hbm4b:s2+s15], $0x80, v0, vm0, $0xb8;
	[tilespmem:$0x10280] =	vst v63  }
0x173: {  	s19 =	simm.s32 @!p0 $0x2A80  }
0x174: {  	[tilespmem:s19], [sflag:$0x1] =	stream.indirect_vreg.gather @!p0 [hbm4b:s4+s15], $0x80, v0, vm0, $0xb8;
	[tilespmem:$0x10280] =	vst v63  }
0x175: {  	s19 =	simm.s32 @!p0 $0x3280  }
0x176: {  	[tilespmem:s19], [sflag:$0x1] =	stream.indirect_vreg.gather @!p0 [hbm4b:s5+s15], $0x80, v0, vm0, $0xb8;
	[tilespmem:$0x10280] =	vst v63  }
0x177: {  	s19 =	simm.s32 @!p0 $0x3A80  }
0x178: {  	[tilespmem:s19], [sflag:$0x1] =	stream.indirect_vreg.gather @!p0 [hbm4b:s6+s15], $0x80, v0, vm0, $0xb8;
	[tilespmem:$0x10280] =	vst v63  }
0x179: {  	v0 =	vld @!p0 [tilespmem:$0xD0];
	_ =	sdelay $0x4  }
0x17a: {  	v4 =	vshll.u32 @!p0 v0, $0x3  }
0x17b: {  	v0 =	vand.u32 @!p0 $0x7, v0;
	v4 =	vand.u32 @!p0 $0xFFFFFFC0, v4  }
0x17c: {  	v0 =	vor.u32 @!p0 v0, v4  }
0x17d: {  	v1 =	vperm.xlane @!p0 v0, v1;
	_ =	sdelay $0x1  }
0x17e: {  	v1 =	vadd.s32 @!p0 v3, v1;
	_ =	sdelay $0x3  }
0x17f: {  	s19 =	simm.s32 @!p0 $0x4280  }
0x180: {  	[tilespmem:s19], [sflag:$0x1] =	stream.indirect_vreg.gather @!p0 [hbm4b:s2+s15], $0x80, v1, vm0, $0xb8;
	[tilespmem:$0x10280] =	vst v63  }
0x181: {  	v0 =	vperm.xlane @!p0 v0, v2;
	s19 =	simm.s32 @!p0 $0x4A80  }
0x182: {  	[tilespmem:s19], [sflag:$0x1] =	stream.indirect_vreg.gather @!p0 [hbm4b:s4+s15], $0x80, v1, vm0, $0xb8;
	[tilespmem:$0x10280] =	vst v63  }
0x183: {  	v0 =	vadd.s32 @!p0 v3, v0;
	s19 =	simm.s32 @!p0 $0x5280  }
0x184: {  	[tilespmem:s19], [sflag:$0x1] =	stream.indirect_vreg.gather @!p0 [hbm4b:s5+s15], $0x80, v1, vm0, $0xb8;
	[tilespmem:$0x10280] =	vst v63  }
0x185: {  	s19 =	simm.s32 @!p0 $0x5A80  }
0x186: {  	[tilespmem:s19], [sflag:$0x1] =	stream.indirect_vreg.gather @!p0 [hbm4b:s6+s15], $0x80, v1, vm0, $0xb8;
	[tilespmem:$0x10280] =	vst v63  }
0x187: {  	s19 =	simm.s32 @!p0 $0x6280  }
0x188: {  	[tilespmem:s19], [sflag:$0x1] =	stream.indirect_vreg.gather @!p0 [hbm4b:s2+s15], $0x80, v0, vm0, $0xb8;
	[tilespmem:$0x10280] =	vst v63  }
0x189: {  	s19 =	simm.s32 @!p0 $0x6A80  }
0x18a: {  	[tilespmem:s19], [sflag:$0x1] =	stream.indirect_vreg.gather @!p0 [hbm4b:s4+s15], $0x80, v0, vm0, $0xb8;
	[tilespmem:$0x10280] =	vst v63  }
0x18b: {  	s19 =	simm.s32 @!p0 $0x7280  }
0x18c: {  	[tilespmem:s19], [sflag:$0x1] =	stream.indirect_vreg.gather @!p0 [hbm4b:s5+s15], $0x80, v0, vm0, $0xb8;
	[tilespmem:$0x10280] =	vst v63  }
0x18d: {  	s19 =	simm.s32 @!p0 $0x7A80  }
0x18e: {  	[tilespmem:s19], [sflag:$0x1] =	stream.indirect_vreg.gather @!p0 [hbm4b:s6+s15], $0x80, v0, vm0, $0xb8;
	[tilespmem:$0x10280] =	vst v63  }
0x18f: {  	s20 =	rddreg [dreg:$0xa]  }
0x190: {  	[hbm4b:s20+s16] =	stream.linear.scatter @!p1 [tilespmem:s18], [sflag:$0x2], $0x8000, $0x38;
	[tilespmem:$0x10280] =	vst v63  }
0x191: {  	s16 =	simm.s32 @!p0 $0x1  }
0x192: {  	_ =	swait.ge @!p0 [sflag:s16], $0x8000  }
0x193: {  	[sflag:s16] =	ssyncset.done @!p0 $0x0  }
0x194: {  	[sflag:s16] =	ssyncadd.s32 @!p0 $0xFFFF8000;
	s16 =	simm.s32 @!p1 $0x2  }
0x195: {  	_ =	swait.ge @!p1 [sflag:s16], $0x8000  }
0x196: {  	[sflag:s16] =	ssyncset.done @!p1 $0x0  }
0x197: {  	[sflag:s16] =	ssyncadd.s32 @!p1 $0xFFFF8000;
	p1 =	sne.s32 s14, $0x1  }
0x198: {  	v0 =	vld @!p1 [tilespmem:$0xE0];
	_ =	sdelay $0x4  }
0x199: {  	v1 =	vshll.u32 @!p1 v0, $0x3  }
0x19a: {  	v2 =	vlaneseq.u32 @!p1;
	v0 =	vand.u32 @!p1 $0x7, v0;
	v1 =	vand.u32 @!p1 $0xFFFFFFC0, v1  }
0x19b: {  	v3 =	vshrl.u32 @!p1 v2, $0x3;
	v0 =	vor.u32 @!p1 v0, v1;
	v1 =	vand.u32 @!p1 $0x7, v2  }
0x19c: {  	v3 =	vmul.u32 @!p1 $0x8, v3;
	v4 =	vperm.xlane @!p1 v0, v1;
	_ =	sdelay $0x1  }
0x19d: {  	v4 =	vadd.s32 @!p1 v3, v4;
	_ =	sdelay $0x3  }
0x19e: {  	vm0 =	vmmov @!p1 $0xffff;
	s14 =	simm.s32 @!p1 $0x0;
	s16 =	simm.s32 @!p1 $0x8280  }
0x19f: {  	v2 =	vor.u32 @!p1 $0x8, v2;
	[tilespmem:s16], [sflag:$0x1] =	stream.indirect_vreg.gather @!p1 [hbm4b:s2+s14], $0x80, v4, vm0, $0xb8;
	[tilespmem:$0x10280] =	vst v63  }
0x1a0: {  	s18 =	simm.s32 @!p1 $0x8A80;
	v0 =	vperm.xlane @!p1 v0, v2  }
0x1a1: {  	[tilespmem:s18], [sflag:$0x1] =	stream.indirect_vreg.gather @!p1 [hbm4b:s4+s14], $0x80, v4, vm0, $0xb8;
	[tilespmem:$0x10280] =	vst v63  }
0x1a2: {  	v0 =	vadd.s32 @!p1 v3, v0;
	s18 =	simm.s32 @!p1 $0x9280  }
0x1a3: {  	[tilespmem:s18], [sflag:$0x1] =	stream.indirect_vreg.gather @!p1 [hbm4b:s5+s14], $0x80, v4, vm0, $0xb8;
	[tilespmem:$0x10280] =	vst v63  }
0x1a4: {  	s18 =	simm.s32 @!p1 $0x9A80  }
0x1a5: {  	[tilespmem:s18], [sflag:$0x1] =	stream.indirect_vreg.gather @!p1 [hbm4b:s6+s14], $0x80, v4, vm0, $0xb8;
	[tilespmem:$0x10280] =	vst v63  }
0x1a6: {  	s18 =	simm.s32 @!p1 $0xA280  }
0x1a7: {  	[tilespmem:s18], [sflag:$0x1] =	stream.indirect_vreg.gather @!p1 [hbm4b:s2+s14], $0x80, v0, vm0, $0xb8;
	[tilespmem:$0x10280] =	vst v63  }
0x1a8: {  	s18 =	simm.s32 @!p1 $0xAA80  }
0x1a9: {  	[tilespmem:s18], [sflag:$0x1] =	stream.indirect_vreg.gather @!p1 [hbm4b:s4+s14], $0x80, v0, vm0, $0xb8;
	[tilespmem:$0x10280] =	vst v63  }
0x1aa: {  	s18 =	simm.s32 @!p1 $0xB280  }
0x1ab: {  	[tilespmem:s18], [sflag:$0x1] =	stream.indirect_vreg.gather @!p1 [hbm4b:s5+s14], $0x80, v0, vm0, $0xb8;
	[tilespmem:$0x10280] =	vst v63  }
0x1ac: {  	s18 =	simm.s32 @!p1 $0xBA80  }
0x1ad: {  	[tilespmem:s18], [sflag:$0x1] =	stream.indirect_vreg.gather @!p1 [hbm4b:s6+s14], $0x80, v0, vm0, $0xb8;
	[tilespmem:$0x10280] =	vst v63  }
0x1ae: {  	v0 =	vld @!p1 [tilespmem:$0xF0];
	_ =	sdelay $0x4  }
0x1af: {  	v4 =	vshll.u32 @!p1 v0, $0x3  }
0x1b0: {  	v0 =	vand.u32 @!p1 $0x7, v0;
	v4 =	vand.u32 @!p1 $0xFFFFFFC0, v4  }
0x1b1: {  	v0 =	vor.u32 @!p1 v0, v4  }
0x1b2: {  	v1 =	vperm.xlane @!p1 v0, v1;
	_ =	sdelay $0x1  }
0x1b3: {  	v1 =	vadd.s32 @!p1 v3, v1;
	_ =	sdelay $0x3  }
0x1b4: {  	s18 =	simm.s32 @!p1 $0xC280  }
0x1b5: {  	[tilespmem:s18], [sflag:$0x1] =	stream.indirect_vreg.gather @!p1 [hbm4b:s2+s14], $0x80, v1, vm0, $0xb8;
	[tilespmem:$0x10280] =	vst v63  }
0x1b6: {  	v0 =	vperm.xlane @!p1 v0, v2;
	s18 =	simm.s32 @!p1 $0xCA80  }
0x1b7: {  	[tilespmem:s18], [sflag:$0x1] =	stream.indirect_vreg.gather @!p1 [hbm4b:s4+s14], $0x80, v1, vm0, $0xb8;
	[tilespmem:$0x10280] =	vst v63  }
0x1b8: {  	v0 =	vadd.s32 @!p1 v3, v0;
	s18 =	simm.s32 @!p1 $0xD280  }
0x1b9: {  	[tilespmem:s18], [sflag:$0x1] =	stream.indirect_vreg.gather @!p1 [hbm4b:s5+s14], $0x80, v1, vm0, $0xb8;
	[tilespmem:$0x10280] =	vst v63  }
0x1ba: {  	s18 =	simm.s32 @!p1 $0xDA80  }
0x1bb: {  	[tilespmem:s18], [sflag:$0x1] =	stream.indirect_vreg.gather @!p1 [hbm4b:s6+s14], $0x80, v1, vm0, $0xb8;
	[tilespmem:$0x10280] =	vst v63  }
0x1bc: {  	s18 =	simm.s32 @!p1 $0xE280  }
0x1bd: {  	[tilespmem:s18], [sflag:$0x1] =	stream.indirect_vreg.gather @!p1 [hbm4b:s2+s14], $0x80, v0, vm0, $0xb8;
	[tilespmem:$0x10280] =	vst v63  }
0x1be: {  	s18 =	simm.s32 @!p1 $0xEA80  }
0x1bf: {  	[tilespmem:s18], [sflag:$0x1] =	stream.indirect_vreg.gather @!p1 [hbm4b:s4+s14], $0x80, v0, vm0, $0xb8;
	[tilespmem:$0x10280] =	vst v63  }
0x1c0: {  	s18 =	simm.s32 @!p1 $0xF280  }
0x1c1: {  	[tilespmem:s18], [sflag:$0x1] =	stream.indirect_vreg.gather @!p1 [hbm4b:s5+s14], $0x80, v0, vm0, $0xb8;
	[tilespmem:$0x10280] =	vst v63  }
0x1c2: {  	s18 =	simm.s32 @!p1 $0xFA80  }
0x1c3: {  	[tilespmem:s18], [sflag:$0x1] =	stream.indirect_vreg.gather @!p1 [hbm4b:s6+s14], $0x80, v0, vm0, $0xb8;
	[tilespmem:$0x10280] =	vst v63  }
0x1c4: {  	s19 =	rddreg [dreg:$0xb]  }
0x1c5: {  	[hbm4b:s19+s15] =	stream.linear.scatter @!p0 [tilespmem:s17], [sflag:$0x2], $0x8000, $0x38;
	[tilespmem:$0x10280] =	vst v63  }
0x1c6: {  	s15 =	simm.s32 @!p1 $0x1  }
0x1c7: {  	_ =	swait.ge @!p1 [sflag:s15], $0x8000  }
0x1c8: {  	[sflag:s15] =	ssyncset.done @!p1 $0x0  }
0x1c9: {  	[sflag:s15] =	ssyncadd.s32 @!p1 $0xFFFF8000;
	s15 =	simm.s32 @!p0 $0x2  }
0x1ca: {  	_ =	swait.ge @!p0 [sflag:s15], $0x8000  }
0x1cb: {  	[sflag:s15] =	ssyncset.done @!p0 $0x0  }
0x1cc: {  	[sflag:s15] =	ssyncadd.s32 @!p0 $0xFFFF8000;
	p0 =	sne.s32 s13, $0x1  }
0x1cd: {  	v0 =	vld @!p0 [tilespmem:$0x100];
	_ =	sdelay $0x4  }
0x1ce: {  	v1 =	vshll.u32 @!p0 v0, $0x3  }
0x1cf: {  	v2 =	vlaneseq.u32 @!p0;
	v0 =	vand.u32 @!p0 $0x7, v0;
	v1 =	vand.u32 @!p0 $0xFFFFFFC0, v1  }
0x1d0: {  	v3 =	vshrl.u32 @!p0 v2, $0x3;
	v0 =	vor.u32 @!p0 v0, v1;
	v1 =	vand.u32 @!p0 $0x7, v2  }
0x1d1: {  	v3 =	vmul.u32 @!p0 $0x8, v3;
	v4 =	vperm.xlane @!p0 v0, v1;
	_ =	sdelay $0x1  }
0x1d2: {  	v4 =	vadd.s32 @!p0 v3, v4;
	_ =	sdelay $0x3  }
0x1d3: {  	vm0 =	vmmov @!p0 $0xffff;
	s13 =	simm.s32 @!p0 $0x0;
	s15 =	simm.s32 @!p0 $0x280  }
0x1d4: {  	v2 =	vor.u32 @!p0 $0x8, v2;
	[tilespmem:s15], [sflag:$0x1] =	stream.indirect_vreg.gather @!p0 [hbm4b:s2+s13], $0x80, v4, vm0, $0xb8;
	[tilespmem:$0x10280] =	vst v63  }
0x1d5: {  	s17 =	simm.s32 @!p0 $0xA80;
	v0 =	vperm.xlane @!p0 v0, v2  }
0x1d6: {  	[tilespmem:s17], [sflag:$0x1] =	stream.indirect_vreg.gather @!p0 [hbm4b:s4+s13], $0x80, v4, vm0, $0xb8;
	[tilespmem:$0x10280] =	vst v63  }
0x1d7: {  	v0 =	vadd.s32 @!p0 v3, v0;
	s17 =	simm.s32 @!p0 $0x1280  }
0x1d8: {  	[tilespmem:s17], [sflag:$0x1] =	stream.indirect_vreg.gather @!p0 [hbm4b:s5+s13], $0x80, v4, vm0, $0xb8;
	[tilespmem:$0x10280] =	vst v63  }
0x1d9: {  	s17 =	simm.s32 @!p0 $0x1A80  }
0x1da: {  	[tilespmem:s17], [sflag:$0x1] =	stream.indirect_vreg.gather @!p0 [hbm4b:s6+s13], $0x80, v4, vm0, $0xb8;
	[tilespmem:$0x10280] =	vst v63  }
0x1db: {  	s17 =	simm.s32 @!p0 $0x2280  }
0x1dc: {  	[tilespmem:s17], [sflag:$0x1] =	stream.indirect_vreg.gather @!p0 [hbm4b:s2+s13], $0x80, v0, vm0, $0xb8;
	[tilespmem:$0x10280] =	vst v63  }
0x1dd: {  	s17 =	simm.s32 @!p0 $0x2A80  }
0x1de: {  	[tilespmem:s17], [sflag:$0x1] =	stream.indirect_vreg.gather @!p0 [hbm4b:s4+s13], $0x80, v0, vm0, $0xb8;
	[tilespmem:$0x10280] =	vst v63  }
0x1df: {  	s17 =	simm.s32 @!p0 $0x3280  }
0x1e0: {  	[tilespmem:s17], [sflag:$0x1] =	stream.indirect_vreg.gather @!p0 [hbm4b:s5+s13], $0x80, v0, vm0, $0xb8;
	[tilespmem:$0x10280] =	vst v63  }
0x1e1: {  	s17 =	simm.s32 @!p0 $0x3A80  }
0x1e2: {  	[tilespmem:s17], [sflag:$0x1] =	stream.indirect_vreg.gather @!p0 [hbm4b:s6+s13], $0x80, v0, vm0, $0xb8;
	[tilespmem:$0x10280] =	vst v63  }
0x1e3: {  	v0 =	vld @!p0 [tilespmem:$0x110];
	_ =	sdelay $0x4  }
0x1e4: {  	v4 =	vshll.u32 @!p0 v0, $0x3  }
0x1e5: {  	v0 =	vand.u32 @!p0 $0x7, v0;
	v4 =	vand.u32 @!p0 $0xFFFFFFC0, v4  }
0x1e6: {  	v0 =	vor.u32 @!p0 v0, v4  }
0x1e7: {  	v1 =	vperm.xlane @!p0 v0, v1;
	_ =	sdelay $0x1  }
0x1e8: {  	v1 =	vadd.s32 @!p0 v3, v1;
	_ =	sdelay $0x3  }
0x1e9: {  	s17 =	simm.s32 @!p0 $0x4280  }
0x1ea: {  	[tilespmem:s17], [sflag:$0x1] =	stream.indirect_vreg.gather @!p0 [hbm4b:s2+s13], $0x80, v1, vm0, $0xb8;
	[tilespmem:$0x10280] =	vst v63  }
0x1eb: {  	v0 =	vperm.xlane @!p0 v0, v2;
	s17 =	simm.s32 @!p0 $0x4A80  }
0x1ec: {  	[tilespmem:s17], [sflag:$0x1] =	stream.indirect_vreg.gather @!p0 [hbm4b:s4+s13], $0x80, v1, vm0, $0xb8;
	[tilespmem:$0x10280] =	vst v63  }
0x1ed: {  	v0 =	vadd.s32 @!p0 v3, v0;
	s17 =	simm.s32 @!p0 $0x5280  }
0x1ee: {  	[tilespmem:s17], [sflag:$0x1] =	stream.indirect_vreg.gather @!p0 [hbm4b:s5+s13], $0x80, v1, vm0, $0xb8;
	[tilespmem:$0x10280] =	vst v63  }
0x1ef: {  	s17 =	simm.s32 @!p0 $0x5A80  }
0x1f0: {  	[tilespmem:s17], [sflag:$0x1] =	stream.indirect_vreg.gather @!p0 [hbm4b:s6+s13], $0x80, v1, vm0, $0xb8;
	[tilespmem:$0x10280] =	vst v63  }
0x1f1: {  	s17 =	simm.s32 @!p0 $0x6280  }
0x1f2: {  	[tilespmem:s17], [sflag:$0x1] =	stream.indirect_vreg.gather @!p0 [hbm4b:s2+s13], $0x80, v0, vm0, $0xb8;
	[tilespmem:$0x10280] =	vst v63  }
0x1f3: {  	s17 =	simm.s32 @!p0 $0x6A80  }
0x1f4: {  	[tilespmem:s17], [sflag:$0x1] =	stream.indirect_vreg.gather @!p0 [hbm4b:s4+s13], $0x80, v0, vm0, $0xb8;
	[tilespmem:$0x10280] =	vst v63  }
0x1f5: {  	s17 =	simm.s32 @!p0 $0x7280  }
0x1f6: {  	[tilespmem:s17], [sflag:$0x1] =	stream.indirect_vreg.gather @!p0 [hbm4b:s5+s13], $0x80, v0, vm0, $0xb8;
	[tilespmem:$0x10280] =	vst v63  }
0x1f7: {  	s17 =	simm.s32 @!p0 $0x7A80  }
0x1f8: {  	[tilespmem:s17], [sflag:$0x1] =	stream.indirect_vreg.gather @!p0 [hbm4b:s6+s13], $0x80, v0, vm0, $0xb8;
	[tilespmem:$0x10280] =	vst v63  }
0x1f9: {  	s18 =	rddreg [dreg:$0xc]  }
0x1fa: {  	[hbm4b:s18+s14] =	stream.linear.scatter @!p1 [tilespmem:s16], [sflag:$0x2], $0x8000, $0x38;
	[tilespmem:$0x10280] =	vst v63  }
0x1fb: {  	s14 =	simm.s32 @!p0 $0x1  }
0x1fc: {  	_ =	swait.ge @!p0 [sflag:s14], $0x8000  }
0x1fd: {  	[sflag:s14] =	ssyncset.done @!p0 $0x0  }
0x1fe: {  	[sflag:s14] =	ssyncadd.s32 @!p0 $0xFFFF8000;
	s14 =	simm.s32 @!p1 $0x2  }
0x1ff: {  	_ =	swait.ge @!p1 [sflag:s14], $0x8000  }
0x200: {  	[sflag:s14] =	ssyncset.done @!p1 $0x0  }
0x201: {  	[sflag:s14] =	ssyncadd.s32 @!p1 $0xFFFF8000;
	p1 =	sne.s32 s12, $0x1  }
0x202: {  	v0 =	vld @!p1 [tilespmem:$0x120];
	_ =	sdelay $0x4  }
0x203: {  	v1 =	vshll.u32 @!p1 v0, $0x3  }
0x204: {  	v2 =	vlaneseq.u32 @!p1;
	v0 =	vand.u32 @!p1 $0x7, v0;
	v1 =	vand.u32 @!p1 $0xFFFFFFC0, v1  }
0x205: {  	v3 =	vshrl.u32 @!p1 v2, $0x3;
	v0 =	vor.u32 @!p1 v0, v1;
	v1 =	vand.u32 @!p1 $0x7, v2  }
0x206: {  	v3 =	vmul.u32 @!p1 $0x8, v3;
	v4 =	vperm.xlane @!p1 v0, v1;
	_ =	sdelay $0x1  }
0x207: {  	v4 =	vadd.s32 @!p1 v3, v4;
	_ =	sdelay $0x3  }
0x208: {  	vm0 =	vmmov @!p1 $0xffff;
	s12 =	simm.s32 @!p1 $0x0;
	s14 =	simm.s32 @!p1 $0x8280  }
0x209: {  	v2 =	vor.u32 @!p1 $0x8, v2;
	[tilespmem:s14], [sflag:$0x1] =	stream.indirect_vreg.gather @!p1 [hbm4b:s2+s12], $0x80, v4, vm0, $0xb8;
	[tilespmem:$0x10280] =	vst v63  }
0x20a: {  	s16 =	simm.s32 @!p1 $0x8A80;
	v0 =	vperm.xlane @!p1 v0, v2  }
0x20b: {  	[tilespmem:s16], [sflag:$0x1] =	stream.indirect_vreg.gather @!p1 [hbm4b:s4+s12], $0x80, v4, vm0, $0xb8;
	[tilespmem:$0x10280] =	vst v63  }
0x20c: {  	v0 =	vadd.s32 @!p1 v3, v0;
	s16 =	simm.s32 @!p1 $0x9280  }
0x20d: {  	[tilespmem:s16], [sflag:$0x1] =	stream.indirect_vreg.gather @!p1 [hbm4b:s5+s12], $0x80, v4, vm0, $0xb8;
	[tilespmem:$0x10280] =	vst v63  }
0x20e: {  	s16 =	simm.s32 @!p1 $0x9A80  }
0x20f: {  	[tilespmem:s16], [sflag:$0x1] =	stream.indirect_vreg.gather @!p1 [hbm4b:s6+s12], $0x80, v4, vm0, $0xb8;
	[tilespmem:$0x10280] =	vst v63  }
0x210: {  	s16 =	simm.s32 @!p1 $0xA280  }
0x211: {  	[tilespmem:s16], [sflag:$0x1] =	stream.indirect_vreg.gather @!p1 [hbm4b:s2+s12], $0x80, v0, vm0, $0xb8;
	[tilespmem:$0x10280] =	vst v63  }
0x212: {  	s16 =	simm.s32 @!p1 $0xAA80  }
0x213: {  	[tilespmem:s16], [sflag:$0x1] =	stream.indirect_vreg.gather @!p1 [hbm4b:s4+s12], $0x80, v0, vm0, $0xb8;
	[tilespmem:$0x10280] =	vst v63  }
0x214: {  	s16 =	simm.s32 @!p1 $0xB280  }
0x215: {  	[tilespmem:s16], [sflag:$0x1] =	stream.indirect_vreg.gather @!p1 [hbm4b:s5+s12], $0x80, v0, vm0, $0xb8;
	[tilespmem:$0x10280] =	vst v63  }
0x216: {  	s16 =	simm.s32 @!p1 $0xBA80  }
0x217: {  	[tilespmem:s16], [sflag:$0x1] =	stream.indirect_vreg.gather @!p1 [hbm4b:s6+s12], $0x80, v0, vm0, $0xb8;
	[tilespmem:$0x10280] =	vst v63  }
0x218: {  	v0 =	vld @!p1 [tilespmem:$0x130];
	_ =	sdelay $0x4  }
0x219: {  	v4 =	vshll.u32 @!p1 v0, $0x3  }
0x21a: {  	v0 =	vand.u32 @!p1 $0x7, v0;
	v4 =	vand.u32 @!p1 $0xFFFFFFC0, v4  }
0x21b: {  	v0 =	vor.u32 @!p1 v0, v4  }
0x21c: {  	v1 =	vperm.xlane @!p1 v0, v1;
	_ =	sdelay $0x1  }
0x21d: {  	v1 =	vadd.s32 @!p1 v3, v1;
	_ =	sdelay $0x3  }
0x21e: {  	s16 =	simm.s32 @!p1 $0xC280  }
0x21f: {  	[tilespmem:s16], [sflag:$0x1] =	stream.indirect_vreg.gather @!p1 [hbm4b:s2+s12], $0x80, v1, vm0, $0xb8;
	[tilespmem:$0x10280] =	vst v63  }
0x220: {  	v0 =	vperm.xlane @!p1 v0, v2;
	s16 =	simm.s32 @!p1 $0xCA80  }
0x221: {  	[tilespmem:s16], [sflag:$0x1] =	stream.indirect_vreg.gather @!p1 [hbm4b:s4+s12], $0x80, v1, vm0, $0xb8;
	[tilespmem:$0x10280] =	vst v63  }
0x222: {  	v0 =	vadd.s32 @!p1 v3, v0;
	s16 =	simm.s32 @!p1 $0xD280  }
0x223: {  	[tilespmem:s16], [sflag:$0x1] =	stream.indirect_vreg.gather @!p1 [hbm4b:s5+s12], $0x80, v1, vm0, $0xb8;
	[tilespmem:$0x10280] =	vst v63  }
0x224: {  	s16 =	simm.s32 @!p1 $0xDA80  }
0x225: {  	[tilespmem:s16], [sflag:$0x1] =	stream.indirect_vreg.gather @!p1 [hbm4b:s6+s12], $0x80, v1, vm0, $0xb8;
	[tilespmem:$0x10280] =	vst v63  }
0x226: {  	s16 =	simm.s32 @!p1 $0xE280  }
0x227: {  	[tilespmem:s16], [sflag:$0x1] =	stream.indirect_vreg.gather @!p1 [hbm4b:s2+s12], $0x80, v0, vm0, $0xb8;
	[tilespmem:$0x10280] =	vst v63  }
0x228: {  	s16 =	simm.s32 @!p1 $0xEA80  }
0x229: {  	[tilespmem:s16], [sflag:$0x1] =	stream.indirect_vreg.gather @!p1 [hbm4b:s4+s12], $0x80, v0, vm0, $0xb8;
	[tilespmem:$0x10280] =	vst v63  }
0x22a: {  	s16 =	simm.s32 @!p1 $0xF280  }
0x22b: {  	[tilespmem:s16], [sflag:$0x1] =	stream.indirect_vreg.gather @!p1 [hbm4b:s5+s12], $0x80, v0, vm0, $0xb8;
	[tilespmem:$0x10280] =	vst v63  }
0x22c: {  	s16 =	simm.s32 @!p1 $0xFA80  }
0x22d: {  	[tilespmem:s16], [sflag:$0x1] =	stream.indirect_vreg.gather @!p1 [hbm4b:s6+s12], $0x80, v0, vm0, $0xb8;
	[tilespmem:$0x10280] =	vst v63  }
0x22e: {  	s17 =	rddreg [dreg:$0xd]  }
0x22f: {  	[hbm4b:s17+s13] =	stream.linear.scatter @!p0 [tilespmem:s15], [sflag:$0x2], $0x8000, $0x38;
	[tilespmem:$0x10280] =	vst v63  }
0x230: {  	s13 =	simm.s32 @!p1 $0x1  }
0x231: {  	_ =	swait.ge @!p1 [sflag:s13], $0x8000  }
0x232: {  	[sflag:s13] =	ssyncset.done @!p1 $0x0  }
0x233: {  	[sflag:s13] =	ssyncadd.s32 @!p1 $0xFFFF8000;
	s13 =	simm.s32 @!p0 $0x2  }
0x234: {  	_ =	swait.ge @!p0 [sflag:s13], $0x8000  }
0x235: {  	[sflag:s13] =	ssyncset.done @!p0 $0x0  }
0x236: {  	p2 =	sne.s32 s11, $0x1;
	[sflag:s13] =	ssyncadd.s32 @!p0 $0xFFFF8000  }
0x237: {  	v0 =	vld @!p2 [tilespmem:$0x140];
	_ =	sdelay $0x4  }
0x238: {  	v1 =	vshll.u32 @!p2 v0, $0x3  }
0x239: {  	v2 =	vlaneseq.u32 @!p2;
	v0 =	vand.u32 @!p2 $0x7, v0;
	v1 =	vand.u32 @!p2 $0xFFFFFFC0, v1  }
0x23a: {  	v3 =	vshrl.u32 @!p2 v2, $0x3;
	v0 =	vor.u32 @!p2 v0, v1;
	v1 =	vand.u32 @!p2 $0x7, v2  }
0x23b: {  	v3 =	vmul.u32 @!p2 $0x8, v3;
	v4 =	vperm.xlane @!p2 v0, v1;
	_ =	sdelay $0x1  }
0x23c: {  	v4 =	vadd.s32 @!p2 v3, v4;
	_ =	sdelay $0x3  }
0x23d: {  	s11 =	simm.s32 @!p2 $0x0;
	vm0 =	vmmov @!p2 $0xffff;
	s13 =	simm.s32 @!p2 $0x280  }
0x23e: {  	v2 =	vor.u32 @!p2 $0x8, v2;
	[tilespmem:s13], [sflag:$0x1] =	stream.indirect_vreg.gather @!p2 [hbm4b:s2+s11], $0x80, v4, vm0, $0xb8;
	[tilespmem:$0x10280] =	vst v63  }
0x23f: {  	s15 =	simm.s32 @!p2 $0xA80;
	v0 =	vperm.xlane @!p2 v0, v2  }
0x240: {  	[tilespmem:s15], [sflag:$0x1] =	stream.indirect_vreg.gather @!p2 [hbm4b:s4+s11], $0x80, v4, vm0, $0xb8;
	[tilespmem:$0x10280] =	vst v63  }
0x241: {  	v0 =	vadd.s32 @!p2 v3, v0;
	s15 =	simm.s32 @!p2 $0x1280  }
0x242: {  	[tilespmem:s15], [sflag:$0x1] =	stream.indirect_vreg.gather @!p2 [hbm4b:s5+s11], $0x80, v4, vm0, $0xb8;
	[tilespmem:$0x10280] =	vst v63  }
0x243: {  	s15 =	simm.s32 @!p2 $0x1A80  }
0x244: {  	[tilespmem:s15], [sflag:$0x1] =	stream.indirect_vreg.gather @!p2 [hbm4b:s6+s11], $0x80, v4, vm0, $0xb8;
	[tilespmem:$0x10280] =	vst v63  }
0x245: {  	s15 =	simm.s32 @!p2 $0x2280  }
0x246: {  	[tilespmem:s15], [sflag:$0x1] =	stream.indirect_vreg.gather @!p2 [hbm4b:s2+s11], $0x80, v0, vm0, $0xb8;
	[tilespmem:$0x10280] =	vst v63  }
0x247: {  	s15 =	simm.s32 @!p2 $0x2A80  }
0x248: {  	[tilespmem:s15], [sflag:$0x1] =	stream.indirect_vreg.gather @!p2 [hbm4b:s4+s11], $0x80, v0, vm0, $0xb8;
	[tilespmem:$0x10280] =	vst v63  }
0x249: {  	s15 =	simm.s32 @!p2 $0x3280  }
0x24a: {  	[tilespmem:s15], [sflag:$0x1] =	stream.indirect_vreg.gather @!p2 [hbm4b:s5+s11], $0x80, v0, vm0, $0xb8;
	[tilespmem:$0x10280] =	vst v63  }
0x24b: {  	s15 =	simm.s32 @!p2 $0x3A80  }
0x24c: {  	[tilespmem:s15], [sflag:$0x1] =	stream.indirect_vreg.gather @!p2 [hbm4b:s6+s11], $0x80, v0, vm0, $0xb8;
	[tilespmem:$0x10280] =	vst v63  }
0x24d: {  	v0 =	vld @!p2 [tilespmem:$0x150];
	_ =	sdelay $0x4  }
0x24e: {  	v4 =	vshll.u32 @!p2 v0, $0x3  }
0x24f: {  	v0 =	vand.u32 @!p2 $0x7, v0;
	v4 =	vand.u32 @!p2 $0xFFFFFFC0, v4  }
0x250: {  	v0 =	vor.u32 @!p2 v0, v4  }
0x251: {  	v1 =	vperm.xlane @!p2 v0, v1;
	_ =	sdelay $0x1  }
0x252: {  	v1 =	vadd.s32 @!p2 v3, v1;
	_ =	sdelay $0x3  }
0x253: {  	s15 =	simm.s32 @!p2 $0x4280  }
0x254: {  	[tilespmem:s15], [sflag:$0x1] =	stream.indirect_vreg.gather @!p2 [hbm4b:s2+s11], $0x80, v1, vm0, $0xb8;
	[tilespmem:$0x10280] =	vst v63  }
0x255: {  	v0 =	vperm.xlane @!p2 v0, v2;
	s15 =	simm.s32 @!p2 $0x4A80  }
0x256: {  	[tilespmem:s15], [sflag:$0x1] =	stream.indirect_vreg.gather @!p2 [hbm4b:s4+s11], $0x80, v1, vm0, $0xb8;
	[tilespmem:$0x10280] =	vst v63  }
0x257: {  	v0 =	vadd.s32 @!p2 v3, v0;
	s15 =	simm.s32 @!p2 $0x5280  }
0x258: {  	[tilespmem:s15], [sflag:$0x1] =	stream.indirect_vreg.gather @!p2 [hbm4b:s5+s11], $0x80, v1, vm0, $0xb8;
	[tilespmem:$0x10280] =	vst v63  }
0x259: {  	s15 =	simm.s32 @!p2 $0x5A80  }
0x25a: {  	[tilespmem:s15], [sflag:$0x1] =	stream.indirect_vreg.gather @!p2 [hbm4b:s6+s11], $0x80, v1, vm0, $0xb8;
	[tilespmem:$0x10280] =	vst v63  }
0x25b: {  	s15 =	simm.s32 @!p2 $0x6280  }
0x25c: {  	[tilespmem:s15], [sflag:$0x1] =	stream.indirect_vreg.gather @!p2 [hbm4b:s2+s11], $0x80, v0, vm0, $0xb8;
	[tilespmem:$0x10280] =	vst v63  }
0x25d: {  	s15 =	simm.s32 @!p2 $0x6A80  }
0x25e: {  	[tilespmem:s15], [sflag:$0x1] =	stream.indirect_vreg.gather @!p2 [hbm4b:s4+s11], $0x80, v0, vm0, $0xb8;
	[tilespmem:$0x10280] =	vst v63  }
0x25f: {  	s15 =	simm.s32 @!p2 $0x7280  }
0x260: {  	[tilespmem:s15], [sflag:$0x1] =	stream.indirect_vreg.gather @!p2 [hbm4b:s5+s11], $0x80, v0, vm0, $0xb8;
	[tilespmem:$0x10280] =	vst v63  }
0x261: {  	s15 =	simm.s32 @!p2 $0x7A80  }
0x262: {  	[tilespmem:s15], [sflag:$0x1] =	stream.indirect_vreg.gather @!p2 [hbm4b:s6+s11], $0x80, v0, vm0, $0xb8;
	[tilespmem:$0x10280] =	vst v63  }
0x263: {  	s16 =	rddreg [dreg:$0xe]  }
0x264: {  	[hbm4b:s16+s12] =	stream.linear.scatter @!p1 [tilespmem:s14], [sflag:$0x2], $0x8000, $0x38;
	[tilespmem:$0x10280] =	vst v63  }
0x265: {  	s12 =	simm.s32 @!p2 $0x1  }
0x266: {  	_ =	swait.ge @!p2 [sflag:s12], $0x8000  }
0x267: {  	[sflag:s12] =	ssyncset.done @!p2 $0x0  }
0x268: {  	[sflag:s12] =	ssyncadd.s32 @!p2 $0xFFFF8000;
	s12 =	simm.s32 @!p1 $0x2  }
0x269: {  	_ =	swait.ge @!p1 [sflag:s12], $0x8000  }
0x26a: {  	[sflag:s12] =	ssyncset.done @!p1 $0x0  }
0x26b: {  	p0 =	sne.s32 s30, $0x1;
	[sflag:s12] =	ssyncadd.s32 @!p1 $0xFFFF8000  }
0x26c: {  	v0 =	vld @!p0 [tilespmem:$0x160];
	_ =	sdelay $0x4  }
0x26d: {  	v1 =	vshll.u32 @!p0 v0, $0x3  }
0x26e: {  	v2 =	vlaneseq.u32 @!p0;
	v0 =	vand.u32 @!p0 $0x7, v0;
	v1 =	vand.u32 @!p0 $0xFFFFFFC0, v1  }
0x26f: {  	v3 =	vshrl.u32 @!p0 v2, $0x3;
	v0 =	vor.u32 @!p0 v0, v1;
	v1 =	vand.u32 @!p0 $0x7, v2  }
0x270: {  	v3 =	vmul.u32 @!p0 $0x8, v3;
	v4 =	vperm.xlane @!p0 v0, v1;
	_ =	sdelay $0x1  }
0x271: {  	v4 =	vadd.s32 @!p0 v3, v4;
	_ =	sdelay $0x3  }
0x272: {  	s10 =	simm.s32 @!p0 $0x0;
	vm0 =	vmmov @!p0 $0xffff;
	s12 =	simm.s32 @!p0 $0x8280  }
0x273: {  	v2 =	vor.u32 @!p0 $0x8, v2;
	[tilespmem:s12], [sflag:$0x1] =	stream.indirect_vreg.gather @!p0 [hbm4b:s2+s10], $0x80, v4, vm0, $0xb8;
	[tilespmem:$0x10280] =	vst v63  }
0x274: {  	s14 =	simm.s32 @!p0 $0x8A80;
	v0 =	vperm.xlane @!p0 v0, v2  }
0x275: {  	[tilespmem:s14], [sflag:$0x1] =	stream.indirect_vreg.gather @!p0 [hbm4b:s4+s10], $0x80, v4, vm0, $0xb8;
	[tilespmem:$0x10280] =	vst v63  }
0x276: {  	v0 =	vadd.s32 @!p0 v3, v0;
	s14 =	simm.s32 @!p0 $0x9280  }
0x277: {  	[tilespmem:s14], [sflag:$0x1] =	stream.indirect_vreg.gather @!p0 [hbm4b:s5+s10], $0x80, v4, vm0, $0xb8;
	[tilespmem:$0x10280] =	vst v63  }
0x278: {  	s14 =	simm.s32 @!p0 $0x9A80  }
0x279: {  	[tilespmem:s14], [sflag:$0x1] =	stream.indirect_vreg.gather @!p0 [hbm4b:s6+s10], $0x80, v4, vm0, $0xb8;
	[tilespmem:$0x10280] =	vst v63  }
0x27a: {  	s14 =	simm.s32 @!p0 $0xA280  }
0x27b: {  	[tilespmem:s14], [sflag:$0x1] =	stream.indirect_vreg.gather @!p0 [hbm4b:s2+s10], $0x80, v0, vm0, $0xb8;
	[tilespmem:$0x10280] =	vst v63  }
0x27c: {  	s14 =	simm.s32 @!p0 $0xAA80  }
0x27d: {  	[tilespmem:s14], [sflag:$0x1] =	stream.indirect_vreg.gather @!p0 [hbm4b:s4+s10], $0x80, v0, vm0, $0xb8;
	[tilespmem:$0x10280] =	vst v63  }
0x27e: {  	s14 =	simm.s32 @!p0 $0xB280  }
0x27f: {  	[tilespmem:s14], [sflag:$0x1] =	stream.indirect_vreg.gather @!p0 [hbm4b:s5+s10], $0x80, v0, vm0, $0xb8;
	[tilespmem:$0x10280] =	vst v63  }
0x280: {  	s14 =	simm.s32 @!p0 $0xBA80  }
0x281: {  	[tilespmem:s14], [sflag:$0x1] =	stream.indirect_vreg.gather @!p0 [hbm4b:s6+s10], $0x80, v0, vm0, $0xb8;
	[tilespmem:$0x10280] =	vst v63  }
0x282: {  	v0 =	vld @!p0 [tilespmem:$0x170];
	_ =	sdelay $0x4  }
0x283: {  	v4 =	vshll.u32 @!p0 v0, $0x3  }
0x284: {  	v0 =	vand.u32 @!p0 $0x7, v0;
	v4 =	vand.u32 @!p0 $0xFFFFFFC0, v4  }
0x285: {  	v0 =	vor.u32 @!p0 v0, v4  }
0x286: {  	v1 =	vperm.xlane @!p0 v0, v1;
	_ =	sdelay $0x1  }
0x287: {  	v1 =	vadd.s32 @!p0 v3, v1;
	_ =	sdelay $0x3  }
0x288: {  	s14 =	simm.s32 @!p0 $0xC280  }
0x289: {  	[tilespmem:s14], [sflag:$0x1] =	stream.indirect_vreg.gather @!p0 [hbm4b:s2+s10], $0x80, v1, vm0, $0xb8;
	[tilespmem:$0x10280] =	vst v63  }
0x28a: {  	v0 =	vperm.xlane @!p0 v0, v2;
	s14 =	simm.s32 @!p0 $0xCA80  }
0x28b: {  	[tilespmem:s14], [sflag:$0x1] =	stream.indirect_vreg.gather @!p0 [hbm4b:s4+s10], $0x80, v1, vm0, $0xb8;
	[tilespmem:$0x10280] =	vst v63  }
0x28c: {  	v0 =	vadd.s32 @!p0 v3, v0;
	s14 =	simm.s32 @!p0 $0xD280  }
0x28d: {  	[tilespmem:s14], [sflag:$0x1] =	stream.indirect_vreg.gather @!p0 [hbm4b:s5+s10], $0x80, v1, vm0, $0xb8;
	[tilespmem:$0x10280] =	vst v63  }
0x28e: {  	s14 =	simm.s32 @!p0 $0xDA80  }
0x28f: {  	[tilespmem:s14], [sflag:$0x1] =	stream.indirect_vreg.gather @!p0 [hbm4b:s6+s10], $0x80, v1, vm0, $0xb8;
	[tilespmem:$0x10280] =	vst v63  }
0x290: {  	s14 =	simm.s32 @!p0 $0xE280  }
0x291: {  	[tilespmem:s14], [sflag:$0x1] =	stream.indirect_vreg.gather @!p0 [hbm4b:s2+s10], $0x80, v0, vm0, $0xb8;
	[tilespmem:$0x10280] =	vst v63  }
0x292: {  	s14 =	simm.s32 @!p0 $0xEA80  }
0x293: {  	[tilespmem:s14], [sflag:$0x1] =	stream.indirect_vreg.gather @!p0 [hbm4b:s4+s10], $0x80, v0, vm0, $0xb8;
	[tilespmem:$0x10280] =	vst v63  }
0x294: {  	s14 =	simm.s32 @!p0 $0xF280  }
0x295: {  	[tilespmem:s14], [sflag:$0x1] =	stream.indirect_vreg.gather @!p0 [hbm4b:s5+s10], $0x80, v0, vm0, $0xb8;
	[tilespmem:$0x10280] =	vst v63  }
0x296: {  	s14 =	simm.s32 @!p0 $0xFA80  }
0x297: {  	[tilespmem:s14], [sflag:$0x1] =	stream.indirect_vreg.gather @!p0 [hbm4b:s6+s10], $0x80, v0, vm0, $0xb8;
	[tilespmem:$0x10280] =	vst v63  }
0x298: {  	s15 =	rddreg [dreg:$0xf]  }
0x299: {  	[hbm4b:s15+s11] =	stream.linear.scatter @!p2 [tilespmem:s13], [sflag:$0x2], $0x8000, $0x38;
	[tilespmem:$0x10280] =	vst v63  }
0x29a: {  	s11 =	simm.s32 @!p0 $0x1  }
0x29b: {  	_ =	swait.ge @!p0 [sflag:s11], $0x8000  }
0x29c: {  	[sflag:s11] =	ssyncset.done @!p0 $0x0  }
0x29d: {  	[sflag:s11] =	ssyncadd.s32 @!p0 $0xFFFF8000;
	s11 =	simm.s32 @!p2 $0x2  }
0x29e: {  	_ =	swait.ge @!p2 [sflag:s11], $0x8000  }
0x29f: {  	[sflag:s11] =	ssyncset.done @!p2 $0x0  }
0x2a0: {  	p1 =	sne.s32 s31, $0x1;
	[sflag:s11] =	ssyncadd.s32 @!p2 $0xFFFF8000  }
0x2a1: {  	v0 =	vld @!p1 [tilespmem:$0x180];
	_ =	sdelay $0x4  }
0x2a2: {  	v1 =	vshll.u32 @!p1 v0, $0x3  }
0x2a3: {  	v2 =	vlaneseq.u32 @!p1;
	v0 =	vand.u32 @!p1 $0x7, v0;
	v1 =	vand.u32 @!p1 $0xFFFFFFC0, v1  }
0x2a4: {  	v3 =	vshrl.u32 @!p1 v2, $0x3;
	v0 =	vor.u32 @!p1 v0, v1;
	v1 =	vand.u32 @!p1 $0x7, v2  }
0x2a5: {  	v3 =	vmul.u32 @!p1 $0x8, v3;
	v4 =	vperm.xlane @!p1 v0, v1;
	_ =	sdelay $0x1  }
0x2a6: {  	v4 =	vadd.s32 @!p1 v3, v4;
	_ =	sdelay $0x3  }
0x2a7: {  	s9 =	simm.s32 @!p1 $0x0;
	vm0 =	vmmov @!p1 $0xffff;
	s11 =	simm.s32 @!p1 $0x280  }
0x2a8: {  	v2 =	vor.u32 @!p1 $0x8, v2;
	[tilespmem:s11], [sflag:$0x1] =	stream.indirect_vreg.gather @!p1 [hbm4b:s2+s9], $0x80, v4, vm0, $0xb8;
	[tilespmem:$0x10280] =	vst v63  }
0x2a9: {  	s13 =	simm.s32 @!p1 $0xA80;
	v0 =	vperm.xlane @!p1 v0, v2  }
0x2aa: {  	[tilespmem:s13], [sflag:$0x1] =	stream.indirect_vreg.gather @!p1 [hbm4b:s4+s9], $0x80, v4, vm0, $0xb8;
	[tilespmem:$0x10280] =	vst v63  }
0x2ab: {  	v0 =	vadd.s32 @!p1 v3, v0;
	s13 =	simm.s32 @!p1 $0x1280  }
0x2ac: {  	[tilespmem:s13], [sflag:$0x1] =	stream.indirect_vreg.gather @!p1 [hbm4b:s5+s9], $0x80, v4, vm0, $0xb8;
	[tilespmem:$0x10280] =	vst v63  }
0x2ad: {  	s13 =	simm.s32 @!p1 $0x1A80  }
0x2ae: {  	[tilespmem:s13], [sflag:$0x1] =	stream.indirect_vreg.gather @!p1 [hbm4b:s6+s9], $0x80, v4, vm0, $0xb8;
	[tilespmem:$0x10280] =	vst v63  }
0x2af: {  	s13 =	simm.s32 @!p1 $0x2280  }
0x2b0: {  	[tilespmem:s13], [sflag:$0x1] =	stream.indirect_vreg.gather @!p1 [hbm4b:s2+s9], $0x80, v0, vm0, $0xb8;
	[tilespmem:$0x10280] =	vst v63  }
0x2b1: {  	s13 =	simm.s32 @!p1 $0x2A80  }
0x2b2: {  	[tilespmem:s13], [sflag:$0x1] =	stream.indirect_vreg.gather @!p1 [hbm4b:s4+s9], $0x80, v0, vm0, $0xb8;
	[tilespmem:$0x10280] =	vst v63  }
0x2b3: {  	s13 =	simm.s32 @!p1 $0x3280  }
0x2b4: {  	[tilespmem:s13], [sflag:$0x1] =	stream.indirect_vreg.gather @!p1 [hbm4b:s5+s9], $0x80, v0, vm0, $0xb8;
	[tilespmem:$0x10280] =	vst v63  }
0x2b5: {  	s13 =	simm.s32 @!p1 $0x3A80  }
0x2b6: {  	[tilespmem:s13], [sflag:$0x1] =	stream.indirect_vreg.gather @!p1 [hbm4b:s6+s9], $0x80, v0, vm0, $0xb8;
	[tilespmem:$0x10280] =	vst v63  }
0x2b7: {  	v0 =	vld @!p1 [tilespmem:$0x190];
	_ =	sdelay $0x4  }
0x2b8: {  	v4 =	vshll.u32 @!p1 v0, $0x3  }
0x2b9: {  	v0 =	vand.u32 @!p1 $0x7, v0;
	v4 =	vand.u32 @!p1 $0xFFFFFFC0, v4  }
0x2ba: {  	v0 =	vor.u32 @!p1 v0, v4  }
0x2bb: {  	v1 =	vperm.xlane @!p1 v0, v1;
	_ =	sdelay $0x1  }
0x2bc: {  	v1 =	vadd.s32 @!p1 v3, v1;
	_ =	sdelay $0x3  }
0x2bd: {  	s13 =	simm.s32 @!p1 $0x4280  }
0x2be: {  	[tilespmem:s13], [sflag:$0x1] =	stream.indirect_vreg.gather @!p1 [hbm4b:s2+s9], $0x80, v1, vm0, $0xb8;
	[tilespmem:$0x10280] =	vst v63  }
0x2bf: {  	v0 =	vperm.xlane @!p1 v0, v2;
	s13 =	simm.s32 @!p1 $0x4A80  }
0x2c0: {  	[tilespmem:s13], [sflag:$0x1] =	stream.indirect_vreg.gather @!p1 [hbm4b:s4+s9], $0x80, v1, vm0, $0xb8;
	[tilespmem:$0x10280] =	vst v63  }
0x2c1: {  	v0 =	vadd.s32 @!p1 v3, v0;
	s13 =	simm.s32 @!p1 $0x5280  }
0x2c2: {  	[tilespmem:s13], [sflag:$0x1] =	stream.indirect_vreg.gather @!p1 [hbm4b:s5+s9], $0x80, v1, vm0, $0xb8;
	[tilespmem:$0x10280] =	vst v63  }
0x2c3: {  	s13 =	simm.s32 @!p1 $0x5A80  }
0x2c4: {  	[tilespmem:s13], [sflag:$0x1] =	stream.indirect_vreg.gather @!p1 [hbm4b:s6+s9], $0x80, v1, vm0, $0xb8;
	[tilespmem:$0x10280] =	vst v63  }
0x2c5: {  	s13 =	simm.s32 @!p1 $0x6280  }
0x2c6: {  	[tilespmem:s13], [sflag:$0x1] =	stream.indirect_vreg.gather @!p1 [hbm4b:s2+s9], $0x80, v0, vm0, $0xb8;
	[tilespmem:$0x10280] =	vst v63  }
0x2c7: {  	s13 =	simm.s32 @!p1 $0x6A80  }
0x2c8: {  	[tilespmem:s13], [sflag:$0x1] =	stream.indirect_vreg.gather @!p1 [hbm4b:s4+s9], $0x80, v0, vm0, $0xb8;
	[tilespmem:$0x10280] =	vst v63  }
0x2c9: {  	s13 =	simm.s32 @!p1 $0x7280  }
0x2ca: {  	[tilespmem:s13], [sflag:$0x1] =	stream.indirect_vreg.gather @!p1 [hbm4b:s5+s9], $0x80, v0, vm0, $0xb8;
	[tilespmem:$0x10280] =	vst v63  }
0x2cb: {  	s13 =	simm.s32 @!p1 $0x7A80  }
0x2cc: {  	[tilespmem:s13], [sflag:$0x1] =	stream.indirect_vreg.gather @!p1 [hbm4b:s6+s9], $0x80, v0, vm0, $0xb8;
	[tilespmem:$0x10280] =	vst v63  }
0x2cd: {  	s14 =	rddreg [dreg:$0x10]  }
0x2ce: {  	[hbm4b:s14+s10] =	stream.linear.scatter @!p0 [tilespmem:s12], [sflag:$0x2], $0x8000, $0x38;
	[tilespmem:$0x10280] =	vst v63  }
0x2cf: {  	s10 =	simm.s32 @!p1 $0x1  }
0x2d0: {  	_ =	swait.ge @!p1 [sflag:s10], $0x8000  }
0x2d1: {  	[sflag:s10] =	ssyncset.done @!p1 $0x0  }
0x2d2: {  	[sflag:s10] =	ssyncadd.s32 @!p1 $0xFFFF8000;
	s10 =	simm.s32 @!p0 $0x2  }
0x2d3: {  	_ =	swait.ge @!p0 [sflag:s10], $0x8000  }
0x2d4: {  	s7 =	sadd.s32 $0xFFFFFFFF, s7;
	[sflag:s10] =	ssyncset.done @!p0 $0x0  }
0x2d5: {  	s12 =	rddreg [dreg:$0x11];
	[sflag:s10] =	ssyncadd.s32 @!p0 $0xFFFF8000;
	p0 =	sne.s32 s7, $0x0  }
0x2d6: {  	[hbm4b:s12+s9] =	stream.linear.scatter @!p1 [tilespmem:s11], [sflag:$0x2], $0x8000, $0x38;
	[tilespmem:$0x10280] =	vst v63  }
.Ltmp0:
0x2d7: {  	_ = 	snop;
	(pc) =	sbr.rel @p0 .LBB2_1-.Ltmp0, $4  }
0x2d8: {  	s9 =	simm.s32 @!p1 $0x2  }
0x2d9: {  	_ =	swait.ge @!p1 [sflag:s9], $0x8000  }
0x2da: {  	[sflag:s9] =	ssyncset.done @!p1 $0x0  }
0x2db: {  	[sflag:s9] =	ssyncadd.s32 @!p1 $0xFFFF8000  }
0x2dc: {  	_ =	sfence.sel $0x180000  }
0x2dd: {  	[bflag:$0x0] =	sbarrier.arrive $0xFFFF  }
0x2de: {  	p0 =	sne.s32 s0, $0x0;
	_ =	strace $0x9000004D  }
0x2df: {  	s0 =	sadd.s32 @!p0 $0x100000, s1;
	[bflag:$0x2] =	sbarrier.arrive $0xFFFF  }
0x2e0: {  	[sflag:s0] =	ssyncadd.tile.s32 @!p0 $0x1;
	_ =	shalt  }
.Lfunc_end2:
_tile_overlayer_lowered:
.L_overlay_start_2:
0x2e1: {  	(tag) =	ssettag $0x2  }
0x2e2: {  	s0 =	rddreg [dreg:$0x0];
	s2 =	stileid.u32  }
0x2e3: {  	s1 =	rddreg [dreg:$0x1];
	p0 =	sne.s32 s2, $0x0  }
0x2e4: {  	s3 =	rddreg [dreg:$0x2];
	[bflag:$0x3] =	sbarrier.arrive $0xFFFF;
	s2 =	simm.s32 @!p0 $0x1C03  }
0x2e5: {  	[timem:s3], [sflag:s2] =	dma.local @!p0 [hbm:s0], s1  }
0x2e6: {  	s0 =	simm.s32 @!p0 $0x3  }
0x2e7: {  	_ =	swait.ge @!p0 [sflag:s0], s1  }
0x2e8: {  	s1 =	ssub.s32 @!p0 $0x0, s1;
	[sflag:s0] =	ssyncset.done @!p0 $0x0  }
0x2e9: {  	[sflag:s0] =	ssyncadd.s32 @!p0 s1  }
0x2ea: {  	[bflag:$0x3] =	sbarrier.arrive $0xFFFF  }
0x2eb: {  	_ =	shalt  }

</sc_bundles>
